<compile_context>
chip_gen: v7x
topology: tpu7x:2x2x1
jax: 0.10.2.dev20260603
libtpu: 0.0.44.dev20260713+nightly
codegen_flags: <defaults>
</compile_context>

<pallas_src>
import functools

import jax
import jax.numpy as jnp
from jax import lax
from jax.experimental import pallas as pl
from jax.experimental.pallas import tpu as pltpu
from jax.experimental.pallas import tpu_sc as plsc

NUM_CORES = 2
NUM_SUBCORES = 16
NW = NUM_CORES * NUM_SUBCORES
LANES = 16
B = 16384
D = 64
TW = 2 * D
BPW = B // NW
CHUNK = 128
NCHUNK = BPW // CHUNK
PASS_CHUNKS = 2
ROWS_PER_PASS = PASS_CHUNKS * CHUNK
NPASS = NCHUNK // PASS_CHUNKS
BLK_PER_PASS = ROWS_PER_PASS // LANES
GRP_PER_PASS = ROWS_PER_PASS // LANES


def _mf_body(users_hbm, items_hbm, tab_u_hbm, tab_i_hbm, drain_hbm, out_hbm,
             idx_u, idx_i, rows_u, rows_i, out_v, sem):
    wid = lax.axis_index("c") * NUM_SUBCORES + lax.axis_index("s")
    base = wid * BPW

    pltpu.sync_copy(users_hbm.at[wid], idx_u)
    pltpu.sync_copy(items_hbm.at[wid], idx_i)

    iota = lax.iota(jnp.int32, LANES)
    kpg = CHUNK // LANES
    for p in range(NPASS):
        def row_dmas(v, carry, p=p):
            c = p * PASS_CHUNKS + v // kpg
            s = pl.ds((v % kpg) * LANES, LANES)
            iv_u = idx_u[c, s]
            iv_i = idx_i[c, s]
            for l in range(LANES):
                r = v * (LANES // 2) + (l >> 1)
                dst = pl.ds((l & 1) * D, D)
                pltpu.async_copy(tab_u_hbm.at[iv_u[l]], rows_u.at[r, dst], sem)
                pltpu.async_copy(tab_i_hbm.at[iv_i[l]], rows_i.at[r, dst], sem)
            return carry

        lax.fori_loop(0, GRP_PER_PASS, row_dmas, 0)
        pltpu.make_async_copy(drain_hbm, rows_u, sem).wait()
        pltpu.make_async_copy(drain_hbm, rows_i, sem).wait()

        cb = lax.shift_left(iota & 1, 6)
        half_ids = lax.shift_right_logical(iota, 1)

        def dot_blk(blk, carry, p=p):
            g = p * ROWS_PER_PASS + blk * LANES
            row_ids = blk * (LANES // 2) + half_ids
            acc = jnp.zeros((LANES,), jnp.float32)
            for d in range(D):
                col = cb + d
                u = plsc.load_gather(rows_u, [row_ids, col])
                v = plsc.load_gather(rows_i, [row_ids, col])
                acc = acc + u * v
            out_v[pl.ds(g, LANES)] = 1.0 / (1.0 + jnp.exp(-acc))
            return carry

        lax.fori_loop(0, BLK_PER_PASS, dot_blk, 0)

    pltpu.sync_copy(out_v, out_hbm.at[pl.ds(base, BPW)])


@jax.jit
def _mf_call(users_r, items_r, tab_u, tab_i, drain_src):
    mesh = plsc.VectorSubcoreMesh(core_axis_name="c", subcore_axis_name="s")
    run = functools.partial(
        pl.kernel,
        mesh=mesh,
        out_type=jax.ShapeDtypeStruct((B,), jnp.float32),
        scratch_types=[
            pltpu.VMEM((NCHUNK, CHUNK), jnp.int32),
            pltpu.VMEM((NCHUNK, CHUNK), jnp.int32),
            pltpu.VMEM((ROWS_PER_PASS // 2, TW), jnp.float32),
            pltpu.VMEM((ROWS_PER_PASS // 2, TW), jnp.float32),
            pltpu.VMEM((BPW,), jnp.float32),
            pltpu.SemaphoreType.DMA,
        ],
        compiler_params=pltpu.CompilerParams(needs_layout_passes=False),
    )(_mf_body)
    return run(users_r, items_r, tab_u, tab_i, drain_src)


def kernel(users, items, embedding_user, embedding_item):
    users_r = users.reshape(NW, NCHUNK, CHUNK)
    items_r = items.reshape(NW, NCHUNK, CHUNK)
    drain_src = lax.bitcast_convert_type(users, jnp.float32).reshape(
        ROWS_PER_PASS // 2, TW)
    return _mf_call(users_r, items_r, embedding_user, embedding_item,
                    drain_src)

# --- scband reference (transcript-rebuilt; emitter-appended) ---
"""Pipeline reference for scband-pure-mf-36979668418563 (READ-ONLY COPY).

The authoritative reference and input builder live on the scoring server;
editing this copy changes nothing except your own understanding.
"""

import jax, jax.numpy as jnp
import numpy as np

NUM_USERS = 1000000
NUM_ITEMS = 1000000
LATENT_DIM = 64
BATCH = 16384


def setup_inputs(seed: int = 0) -> dict:
    key = jax.random.key(seed)
    k1, k2, k3, k4 = jax.random.split(key, 4)
    users = jax.random.randint(k1, (BATCH,), 0, NUM_USERS, dtype=jnp.int64 if jax.config.jax_enable_x64 else jnp.int32).astype(jnp.int32)
    items = jax.random.randint(k2, (BATCH,), 0, NUM_ITEMS, dtype=jnp.int32)
    # Learned parameters: embedding tables, Normal(0,1) init as in PureMF
    embedding_user = jax.random.normal(k3, (NUM_USERS, LATENT_DIM), dtype=jnp.float32)
    embedding_item = jax.random.normal(k4, (NUM_ITEMS, LATENT_DIM), dtype=jnp.float32)
    return {
        "users": users,
        "items": items,
        "embedding_user": embedding_user,
        "embedding_item": embedding_item,
    }


def reference(users, items, embedding_user, embedding_item):
    # Faithful translation of PureMF.forward
    users_emb = jnp.take(embedding_user, users, axis=0)   # gather [B, D]
    items_emb = jnp.take(embedding_item, items, axis=0)   # gather [B, D]
    scores = jnp.sum(users_emb * items_emb, axis=1)       # [B]
    return jax.nn.sigmoid(scores)

if __name__ == "__main__":
    import jax
    _d = setup_inputs()
    print(jax.jit(kernel)(*tuple(_d.values())))

</pallas_src>

<mosaic_0001>
#map = affine_map<(d0, d1) -> (0, 0, 0)>
#map1 = affine_map<(d0, d1) -> (0, 0)>
#map2 = affine_map<(d0, d1) -> (0)>
module attributes {stable_mosaic.version = 14 : i64} {
  func.func @_mf_body(%arg0: i32, %arg1: i32, %arg2: memref<32x4x128xi32, #tpu.memory_space<hbm>>, %arg3: memref<32x4x128xi32, #tpu.memory_space<hbm>>, %arg4: memref<1000000x64xf32, #tpu.memory_space<hbm>>, %arg5: memref<1000000x64xf32, #tpu.memory_space<hbm>>, %arg6: memref<128x128xf32, #tpu.memory_space<hbm>>, %arg7: memref<16384xf32, #tpu.memory_space<hbm>>, %arg8: memref<4x128xi32, #tpu.memory_space<vmem>>, %arg9: memref<4x128xi32, #tpu.memory_space<vmem>>, %arg10: memref<128x128xf32, #tpu.memory_space<vmem>>, %arg11: memref<128x128xf32, #tpu.memory_space<vmem>>, %arg12: memref<512xf32, #tpu.memory_space<vmem>>, %arg13: memref<!tpu.dma_semaphore, #tpu.memory_space<semaphore_mem>>) attributes {dimension_semantics = [#tpu.dimension_semantics<core_parallel>, #tpu.dimension_semantics<subcore_parallel>], iteration_bounds = array<i64: 2, 16>, scalar_prefetch = 0 : i64, scratch_operands = 6 : i64, tpu.core_type = #tpu.core_type<sc_vector_subcore>, window_params = [{transform_indices = #map}, {transform_indices = #map}, {transform_indices = #map1}, {transform_indices = #map1}, {transform_indices = #map1}, {transform_indices = #map2}]} {
    %mul3A = arith.constant 16 : i32
    %mul3A_0 = arith.muli %arg0, %mul3A : i32
    %add3A = arith.addi %mul3A_0, %arg1 : i32
    %mul3A_1 = arith.constant 512 : i32
    %mul3A_2 = arith.muli %add3A, %mul3A_1 : i32
    "tpu.region"() ({
      %run_scoped3A = tpu.sem_alloc : memref<!tpu.dma_semaphore, #tpu.memory_space<semaphore_mem>>
      %dma_start3A = arith.constant 0 : i32
      %dma_start3A_41 = arith.constant 0 : i32
      %dma_start3A_42 = tpu.memref_slice %arg2[%add3A, %dma_start3A, %dma_start3A_41] : memref<32x4x128xi32, #tpu.memory_space<hbm>> -> memref<1x4x128xi32, #tpu.memory_space<hbm>>
      %dma_start3A_43 = tpu.memref_squeeze %dma_start3A_42 : memref<1x4x128xi32, #tpu.memory_space<hbm>> -> memref<4x128xi32, #tpu.memory_space<hbm>>
      %dma_start3A_44 = arith.constant 0 : i32
      %dma_start3A_45 = arith.constant 0 : i32
      %dma_start3A_46 = tpu.memref_slice %arg2[%add3A, %dma_start3A_44, %dma_start3A_45] : memref<32x4x128xi32, #tpu.memory_space<hbm>> -> memref<1x4x128xi32, #tpu.memory_space<hbm>>
      %dma_start3A_47 = tpu.memref_squeeze %dma_start3A_46 : memref<1x4x128xi32, #tpu.memory_space<hbm>> -> memref<4x128xi32, #tpu.memory_space<hbm>>
      tpu.enqueue_dma source(%dma_start3A_47 : memref<4x128xi32, #tpu.memory_space<hbm>>) target(%arg8 : memref<4x128xi32, #tpu.memory_space<vmem>>) target_semaphore(%run_scoped3A : memref<!tpu.dma_semaphore, #tpu.memory_space<semaphore_mem>>)
      %dma_wait3A = arith.constant 0 : i32
      %dma_wait3A_48 = arith.constant 0 : i32
      %dma_wait3A_49 = tpu.memref_slice %arg2[%add3A, %dma_wait3A, %dma_wait3A_48] : memref<32x4x128xi32, #tpu.memory_space<hbm>> -> memref<1x4x128xi32, #tpu.memory_space<hbm>>
      %dma_wait3A_50 = tpu.memref_squeeze %dma_wait3A_49 : memref<1x4x128xi32, #tpu.memory_space<hbm>> -> memref<4x128xi32, #tpu.memory_space<hbm>>
      %dma_wait3A_51 = arith.constant 0 : i32
      %dma_wait3A_52 = arith.constant 0 : i32
      %dma_wait3A_53 = tpu.memref_slice %arg2[%add3A, %dma_wait3A_51, %dma_wait3A_52] : memref<32x4x128xi32, #tpu.memory_space<hbm>> -> memref<1x4x128xi32, #tpu.memory_space<hbm>>
      %dma_wait3A_54 = tpu.memref_squeeze %dma_wait3A_53 : memref<1x4x128xi32, #tpu.memory_space<hbm>> -> memref<4x128xi32, #tpu.memory_space<hbm>>
      tpu.wait_dma2 semaphore(%run_scoped3A : memref<!tpu.dma_semaphore, #tpu.memory_space<semaphore_mem>>) src(%dma_wait3A_54 : memref<4x128xi32, #tpu.memory_space<hbm>>) dst(%arg8 : memref<4x128xi32, #tpu.memory_space<vmem>>)
      tpu.yield
    }) : () -> ()
    "tpu.region"() ({
      %run_scoped3A = tpu.sem_alloc : memref<!tpu.dma_semaphore, #tpu.memory_space<semaphore_mem>>
      %dma_start3A = arith.constant 0 : i32
      %dma_start3A_41 = arith.constant 0 : i32
      %dma_start3A_42 = tpu.memref_slice %arg3[%add3A, %dma_start3A, %dma_start3A_41] : memref<32x4x128xi32, #tpu.memory_space<hbm>> -> memref<1x4x128xi32, #tpu.memory_space<hbm>>
      %dma_start3A_43 = tpu.memref_squeeze %dma_start3A_42 : memref<1x4x128xi32, #tpu.memory_space<hbm>> -> memref<4x128xi32, #tpu.memory_space<hbm>>
      %dma_start3A_44 = arith.constant 0 : i32
      %dma_start3A_45 = arith.constant 0 : i32
      %dma_start3A_46 = tpu.memref_slice %arg3[%add3A, %dma_start3A_44, %dma_start3A_45] : memref<32x4x128xi32, #tpu.memory_space<hbm>> -> memref<1x4x128xi32, #tpu.memory_space<hbm>>
      %dma_start3A_47 = tpu.memref_squeeze %dma_start3A_46 : memref<1x4x128xi32, #tpu.memory_space<hbm>> -> memref<4x128xi32, #tpu.memory_space<hbm>>
      tpu.enqueue_dma source(%dma_start3A_47 : memref<4x128xi32, #tpu.memory_space<hbm>>) target(%arg9 : memref<4x128xi32, #tpu.memory_space<vmem>>) target_semaphore(%run_scoped3A : memref<!tpu.dma_semaphore, #tpu.memory_space<semaphore_mem>>)
      %dma_wait3A = arith.constant 0 : i32
      %dma_wait3A_48 = arith.constant 0 : i32
      %dma_wait3A_49 = tpu.memref_slice %arg3[%add3A, %dma_wait3A, %dma_wait3A_48] : memref<32x4x128xi32, #tpu.memory_space<hbm>> -> memref<1x4x128xi32, #tpu.memory_space<hbm>>
      %dma_wait3A_50 = tpu.memref_squeeze %dma_wait3A_49 : memref<1x4x128xi32, #tpu.memory_space<hbm>> -> memref<4x128xi32, #tpu.memory_space<hbm>>
      %dma_wait3A_51 = arith.constant 0 : i32
      %dma_wait3A_52 = arith.constant 0 : i32
      %dma_wait3A_53 = tpu.memref_slice %arg3[%add3A, %dma_wait3A_51, %dma_wait3A_52] : memref<32x4x128xi32, #tpu.memory_space<hbm>> -> memref<1x4x128xi32, #tpu.memory_space<hbm>>
      %dma_wait3A_54 = tpu.memref_squeeze %dma_wait3A_53 : memref<1x4x128xi32, #tpu.memory_space<hbm>> -> memref<4x128xi32, #tpu.memory_space<hbm>>
      tpu.wait_dma2 semaphore(%run_scoped3A : memref<!tpu.dma_semaphore, #tpu.memory_space<semaphore_mem>>) src(%dma_wait3A_54 : memref<4x128xi32, #tpu.memory_space<hbm>>) dst(%arg9 : memref<4x128xi32, #tpu.memory_space<vmem>>)
      tpu.yield
    }) : () -> ()
    %iota3A = tpu.iota {dimensions = array<i32: 0>} : vector<16xi32>
    %scan3A = arith.constant 0 : i32
    %scan3A_3 = arith.constant 0 : i32
    %scan3A_4 = arith.constant 16 : i32
    %scan3A_5 = arith.addi %scan3A_3, %scan3A_4 : i32
    %scan3A_6 = arith.constant 1 : i32
    scf.for %scan3A_41 = %scan3A_3 to %scan3A_5 step %scan3A_6  : i32 {
      %jit3A = arith.constant 8 : i32
      %div3A = arith.divsi %scan3A_41, %jit3A : i32
      %sign3A = arith.constant 0 : i32
      %sign3A_42 = arith.cmpi sgt, %scan3A_41, %sign3A : i32
      %sign3A_43 = arith.extui %sign3A_42 : i1 to i32
      %sign3A_44 = arith.constant 0 : i32
      %sign3A_45 = arith.cmpi slt, %scan3A_41, %sign3A_44 : i32
      %sign3A_46 = arith.extui %sign3A_45 : i1 to i32
      %sign3A_47 = arith.subi %sign3A_43, %sign3A_46 : i32
      %sign3A_48 = arith.constant 0 : i32
      %sign3A_49 = arith.cmpi sgt, %jit3A, %sign3A_48 : i32
      %sign3A_50 = arith.extui %sign3A_49 : i1 to i32
      %sign3A_51 = arith.constant 0 : i32
      %sign3A_52 = arith.cmpi slt, %jit3A, %sign3A_51 : i32
      %sign3A_53 = arith.extui %sign3A_52 : i1 to i32
      %sign3A_54 = arith.subi %sign3A_50, %sign3A_53 : i32
      %ne3A = arith.cmpi ne, %sign3A_47, %sign3A_54 : i32
      %rem3A = arith.remsi %scan3A_41, %jit3A : i32
      %ne3A_55 = arith.constant 0 : i32
      %ne3A_56 = arith.cmpi ne, %rem3A, %ne3A_55 : i32
      %and3A_57 = arith.andi %ne3A, %ne3A_56 : i1
      %sub3A = arith.constant 1 : i32
      %sub3A_58 = arith.subi %div3A, %sub3A : i32
      %select_n3A = arith.select %and3A_57, %sub3A_58, %div3A : i32
      %add3A_59 = arith.constant 0 : i32
      %add3A_60 = arith.addi %add3A_59, %select_n3A : i32
      %jit3A_61 = arith.constant 8 : i32
      %eq3A = arith.constant 0 : i32
      %eq3A_62 = arith.cmpi eq, %jit3A_61, %eq3A : i32
      %jit3A_63 = arith.constant 1 : i32
      %select_n3A_64 = arith.select %eq3A_62, %jit3A_63, %jit3A_61 : i32
      %rem3A_65 = arith.remsi %scan3A_41, %select_n3A_64 : i32
      %ne3A_66 = arith.constant 0 : i32
      %ne3A_67 = arith.cmpi ne, %rem3A_65, %ne3A_66 : i32
      %lt3A = arith.constant 0 : i32
      %lt3A_68 = arith.cmpi slt, %rem3A_65, %lt3A : i32
      %lt3A_69 = arith.constant 0 : i32
      %lt3A_70 = arith.cmpi slt, %select_n3A_64, %lt3A_69 : i32
      %ne3A_71 = arith.xori %lt3A_68, %lt3A_70 : i1
      %and3A_72 = arith.andi %ne3A_71, %ne3A_67 : i1
      %add3A_73 = arith.addi %rem3A_65, %select_n3A_64 : i32
      %select_n3A_74 = arith.select %and3A_72, %add3A_73, %rem3A_65 : i32
      %mul3A_75 = arith.constant 16 : i32
      %mul3A_76 = arith.muli %select_n3A_74, %mul3A_75 : i32
      %get3A = arith.index_cast %add3A_60 : i32 to index
      %get3A_77 = arith.index_cast %mul3A_76 : i32 to index
      %get3A_78 = tpu.vector_load %arg8[%get3A, %get3A_77] {strides = array<i32>} : memref<4x128xi32, #tpu.memory_space<vmem>>, vector<16xi32>,
      %get3A_79 = arith.index_cast %add3A_60 : i32 to index
      %get3A_80 = arith.index_cast %mul3A_76 : i32 to index
      %get3A_81 = tpu.vector_load %arg9[%get3A_79, %get3A_80] {strides = array<i32>} : memref<4x128xi32, #tpu.memory_space<vmem>>, vector<16xi32>,
      %mul3A_82 = arith.constant 8 : i32
      %mul3A_83 = arith.muli %scan3A_41, %mul3A_82 : i32
      %add3A_84 = arith.constant 0 : i32
      %add3A_85 = arith.addi %mul3A_83, %add3A_84 : i32
      %slice3A = vector.extract_strided_slice %get3A_78 {offsets = [0], sizes = [1], strides = [1]} : vector<16xi32> to vector<1xi32>
      %squeeze3A = vector.extract %slice3A[0] : i32 from vector<1xi32>
      %dma_start3A = arith.constant 0 : i32
      %dma_start3A_86 = tpu.memref_slice %arg10[%add3A_85, %dma_start3A] : memref<128x128xf32, #tpu.memory_space<vmem>> -> memref<1x64xf32, #tpu.memory_space<vmem>>
      %dma_start3A_87 = tpu.memref_squeeze %dma_start3A_86 : memref<1x64xf32, #tpu.memory_space<vmem>> -> memref<64xf32, #tpu.memory_space<vmem>>
      %dma_start3A_88 = arith.constant 0 : i32
      %dma_start3A_89 = tpu.memref_slice %arg4[%squeeze3A, %dma_start3A_88] : memref<1000000x64xf32, #tpu.memory_space<hbm>> -> memref<1x64xf32, #tpu.memory_space<hbm>>
      %dma_start3A_90 = tpu.memref_squeeze %dma_start3A_89 : memref<1x64xf32, #tpu.memory_space<hbm>> -> memref<64xf32, #tpu.memory_space<hbm>>
      %dma_start3A_91 = arith.constant 0 : i32
      %dma_start3A_92 = tpu.memref_slice %arg10[%add3A_85, %dma_start3A_91] : memref<128x128xf32, #tpu.memory_space<vmem>> -> memref<1x64xf32, #tpu.memory_space<vmem>>
      %dma_start3A_93 = tpu.memref_squeeze %dma_start3A_92 : memref<1x64xf32, #tpu.memory_space<vmem>> -> memref<64xf32, #tpu.memory_space<vmem>>
      %dma_start3A_94 = arith.constant 0 : i32
      %dma_start3A_95 = tpu.memref_slice %arg4[%squeeze3A, %dma_start3A_94] : memref<1000000x64xf32, #tpu.memory_space<hbm>> -> memref<1x64xf32, #tpu.memory_space<hbm>>
      %dma_start3A_96 = tpu.memref_squeeze %dma_start3A_95 : memref<1x64xf32, #tpu.memory_space<hbm>> -> memref<64xf32, #tpu.memory_space<hbm>>
      tpu.enqueue_dma source(%dma_start3A_96 : memref<64xf32, #tpu.memory_space<hbm>>) target(%dma_start3A_93 : memref<64xf32, #tpu.memory_space<vmem>>) target_semaphore(%arg13 : memref<!tpu.dma_semaphore, #tpu.memory_space<semaphore_mem>>)
      %slice3A_97 = vector.extract_strided_slice %get3A_81 {offsets = [0], sizes = [1], strides = [1]} : vector<16xi32> to vector<1xi32>
      %squeeze3A_98 = vector.extract %slice3A_97[0] : i32 from vector<1xi32>
      %dma_start3A_99 = arith.constant 0 : i32
      %dma_start3A_100 = tpu.memref_slice %arg11[%add3A_85, %dma_start3A_99] : memref<128x128xf32, #tpu.memory_space<vmem>> -> memref<1x64xf32, #tpu.memory_space<vmem>>
      %dma_start3A_101 = tpu.memref_squeeze %dma_start3A_100 : memref<1x64xf32, #tpu.memory_space<vmem>> -> memref<64xf32, #tpu.memory_space<vmem>>
      %dma_start3A_102 = arith.constant 0 : i32
      %dma_start3A_103 = tpu.memref_slice %arg5[%squeeze3A_98, %dma_start3A_102] : memref<1000000x64xf32, #tpu.memory_space<hbm>> -> memref<1x64xf32, #tpu.memory_space<hbm>>
      %dma_start3A_104 = tpu.memref_squeeze %dma_start3A_103 : memref<1x64xf32, #tpu.memory_space<hbm>> -> memref<64xf32, #tpu.memory_space<hbm>>
      %dma_start3A_105 = arith.constant 0 : i32
      %dma_start3A_106 = tpu.memref_slice %arg11[%add3A_85, %dma_start3A_105] : memref<128x128xf32, #tpu.memory_space<vmem>> -> memref<1x64xf32, #tpu.memory_space<vmem>>
      %dma_start3A_107 = tpu.memref_squeeze %dma_start3A_106 : memref<1x64xf32, #tpu.memory_space<vmem>> -> memref<64xf32, #tpu.memory_space<vmem>>
      %dma_start3A_108 = arith.constant 0 : i32
      %dma_start3A_109 = tpu.memref_slice %arg5[%squeeze3A_98, %dma_start3A_108] : memref<1000000x64xf32, #tpu.memory_space<hbm>> -> memref<1x64xf32, #tpu.memory_space<hbm>>
      %dma_start3A_110 = tpu.memref_squeeze %dma_start3A_109 : memref<1x64xf32, #tpu.memory_space<hbm>> -> memref<64xf32, #tpu.memory_space<hbm>>
      tpu.enqueue_dma source(%dma_start3A_110 : memref<64xf32, #tpu.memory_space<hbm>>) target(%dma_start3A_107 : memref<64xf32, #tpu.memory_space<vmem>>) target_semaphore(%arg13 : memref<!tpu.dma_semaphore, #tpu.memory_space<semaphore_mem>>)
      %mul3A_111 = arith.constant 8 : i32
      %mul3A_112 = arith.muli %scan3A_41, %mul3A_111 : i32
      %add3A_113 = arith.constant 0 : i32
      %add3A_114 = arith.addi %mul3A_112, %add3A_113 : i32
      %slice3A_115 = vector.extract_strided_slice %get3A_78 {offsets = [1], sizes = [1], strides = [1]} : vector<16xi32> to vector<1xi32>
      %squeeze3A_116 = vector.extract %slice3A_115[0] : i32 from vector<1xi32>
      %dma_start3A_117 = arith.constant 64 : i32
      %dma_start3A_118 = tpu.memref_slice %arg10[%add3A_114, %dma_start3A_117] : memref<128x128xf32, #tpu.memory_space<vmem>> -> memref<1x64xf32, #tpu.memory_space<vmem>>
      %dma_start3A_119 = tpu.memref_squeeze %dma_start3A_118 : memref<1x64xf32, #tpu.memory_space<vmem>> -> memref<64xf32, #tpu.memory_space<vmem>>
      %dma_start3A_120 = arith.constant 0 : i32
      %dma_start3A_121 = tpu.memref_slice %arg4[%squeeze3A_116, %dma_start3A_120] : memref<1000000x64xf32, #tpu.memory_space<hbm>> -> memref<1x64xf32, #tpu.memory_space<hbm>>
      %dma_start3A_122 = tpu.memref_squeeze %dma_start3A_121 : memref<1x64xf32, #tpu.memory_space<hbm>> -> memref<64xf32, #tpu.memory_space<hbm>>
      %dma_start3A_123 = arith.constant 64 : i32
      %dma_start3A_124 = tpu.memref_slice %arg10[%add3A_114, %dma_start3A_123] : memref<128x128xf32, #tpu.memory_space<vmem>> -> memref<1x64xf32, #tpu.memory_space<vmem>>
      %dma_start3A_125 = tpu.memref_squeeze %dma_start3A_124 : memref<1x64xf32, #tpu.memory_space<vmem>> -> memref<64xf32, #tpu.memory_space<vmem>>
      %dma_start3A_126 = arith.constant 0 : i32
      %dma_start3A_127 = tpu.memref_slice %arg4[%squeeze3A_116, %dma_start3A_126] : memref<1000000x64xf32, #tpu.memory_space<hbm>> -> memref<1x64xf32, #tpu.memory_space<hbm>>
      %dma_start3A_128 = tpu.memref_squeeze %dma_start3A_127 : memref<1x64xf32, #tpu.memory_space<hbm>> -> memref<64xf32, #tpu.memory_space<hbm>>
      tpu.enqueue_dma source(%dma_start3A_128 : memref<64xf32, #tpu.memory_space<hbm>>) target(%dma_start3A_125 : memref<64xf32, #tpu.memory_space<vmem>>) target_semaphore(%arg13 : memref<!tpu.dma_semaphore, #tpu.memory_space<semaphore_mem>>)
      %slice3A_129 = vector.extract_strided_slice %get3A_81 {offsets = [1], sizes = [1], strides = [1]} : vector<16xi32> to vector<1xi32>
      %squeeze3A_130 = vector.extract %slice3A_129[0] : i32 from vector<1xi32>
      %dma_start3A_131 = arith.constant 64 : i32
      %dma_start3A_132 = tpu.memref_slice %arg11[%add3A_114, %dma_start3A_131] : memref<128x128xf32, #tpu.memory_space<vmem>> -> memref<1x64xf32, #tpu.memory_space<vmem>>
      %dma_start3A_133 = tpu.memref_squeeze %dma_start3A_132 : memref<1x64xf32, #tpu.memory_space<vmem>> -> memref<64xf32, #tpu.memory_space<vmem>>
      %dma_start3A_134 = arith.constant 0 : i32
      %dma_start3A_135 = tpu.memref_slice %arg5[%squeeze3A_130, %dma_start3A_134] : memref<1000000x64xf32, #tpu.memory_space<hbm>> -> memref<1x64xf32, #tpu.memory_space<hbm>>
      %dma_start3A_136 = tpu.memref_squeeze %dma_start3A_135 : memref<1x64xf32, #tpu.memory_space<hbm>> -> memref<64xf32, #tpu.memory_space<hbm>>
      %dma_start3A_137 = arith.constant 64 : i32
      %dma_start3A_138 = tpu.memref_slice %arg11[%add3A_114, %dma_start3A_137] : memref<128x128xf32, #tpu.memory_space<vmem>> -> memref<1x64xf32, #tpu.memory_space<vmem>>
      %dma_start3A_139 = tpu.memref_squeeze %dma_start3A_138 : memref<1x64xf32, #tpu.memory_space<vmem>> -> memref<64xf32, #tpu.memory_space<vmem>>
      %dma_start3A_140 = arith.constant 0 : i32
      %dma_start3A_141 = tpu.memref_slice %arg5[%squeeze3A_130, %dma_start3A_140] : memref<1000000x64xf32, #tpu.memory_space<hbm>> -> memref<1x64xf32, #tpu.memory_space<hbm>>
      %dma_start3A_142 = tpu.memref_squeeze %dma_start3A_141 : memref<1x64xf32, #tpu.memory_space<hbm>> -> memref<64xf32, #tpu.memory_space<hbm>>
      tpu.enqueue_dma source(%dma_start3A_142 : memref<64xf32, #tpu.memory_space<hbm>>) target(%dma_start3A_139 : memref<64xf32, #tpu.memory_space<vmem>>) target_semaphore(%arg13 : memref<!tpu.dma_semaphore, #tpu.memory_space<semaphore_mem>>)
      %mul3A_143 = arith.constant 8 : i32
      %mul3A_144 = arith.muli %scan3A_41, %mul3A_143 : i32
      %add3A_145 = arith.constant 1 : i32
      %add3A_146 = arith.addi %mul3A_144, %add3A_145 : i32
      %slice3A_147 = vector.extract_strided_slice %get3A_78 {offsets = [2], sizes = [1], strides = [1]} : vector<16xi32> to vector<1xi32>
      %squeeze3A_148 = vector.extract %slice3A_147[0] : i32 from vector<1xi32>
      %dma_start3A_149 = arith.constant 0 : i32
      %dma_start3A_150 = tpu.memref_slice %arg10[%add3A_146, %dma_start3A_149] : memref<128x128xf32, #tpu.memory_space<vmem>> -> memref<1x64xf32, #tpu.memory_space<vmem>>
      %dma_start3A_151 = tpu.memref_squeeze %dma_start3A_150 : memref<1x64xf32, #tpu.memory_space<vmem>> -> memref<64xf32, #tpu.memory_space<vmem>>
      %dma_start3A_152 = arith.constant 0 : i32
      %dma_start3A_153 = tpu.memref_slice %arg4[%squeeze3A_148, %dma_start3A_152] : memref<1000000x64xf32, #tpu.memory_space<hbm>> -> memref<1x64xf32, #tpu.memory_space<hbm>>
      %dma_start3A_154 = tpu.memref_squeeze %dma_start3A_153 : memref<1x64xf32, #tpu.memory_space<hbm>> -> memref<64xf32, #tpu.memory_space<hbm>>
      %dma_start3A_155 = arith.constant 0 : i32
      %dma_start3A_156 = tpu.memref_slice %arg10[%add3A_146, %dma_start3A_155] : memref<128x128xf32, #tpu.memory_space<vmem>> -> memref<1x64xf32, #tpu.memory_space<vmem>>
      %dma_start3A_157 = tpu.memref_squeeze %dma_start3A_156 : memref<1x64xf32, #tpu.memory_space<vmem>> -> memref<64xf32, #tpu.memory_space<vmem>>
      %dma_start3A_158 = arith.constant 0 : i32
      %dma_start3A_159 = tpu.memref_slice %arg4[%squeeze3A_148, %dma_start3A_158] : memref<1000000x64xf32, #tpu.memory_space<hbm>> -> memref<1x64xf32, #tpu.memory_space<hbm>>
      %dma_start3A_160 = tpu.memref_squeeze %dma_start3A_159 : memref<1x64xf32, #tpu.memory_space<hbm>> -> memref<64xf32, #tpu.memory_space<hbm>>
      tpu.enqueue_dma source(%dma_start3A_160 : memref<64xf32, #tpu.memory_space<hbm>>) target(%dma_start3A_157 : memref<64xf32, #tpu.memory_space<vmem>>) target_semaphore(%arg13 : memref<!tpu.dma_semaphore, #tpu.memory_space<semaphore_mem>>)
      %slice3A_161 = vector.extract_strided_slice %get3A_81 {offsets = [2], sizes = [1], strides = [1]} : vector<16xi32> to vector<1xi32>
      %squeeze3A_162 = vector.extract %slice3A_161[0] : i32 from vector<1xi32>
      %dma_start3A_163 = arith.constant 0 : i32
      %dma_start3A_164 = tpu.memref_slice %arg11[%add3A_146, %dma_start3A_163] : memref<128x128xf32, #tpu.memory_space<vmem>> -> memref<1x64xf32, #tpu.memory_space<vmem>>
      %dma_start3A_165 = tpu.memref_squeeze %dma_start3A_164 : memref<1x64xf32, #tpu.memory_space<vmem>> -> memref<64xf32, #tpu.memory_space<vmem>>
      %dma_start3A_166 = arith.constant 0 : i32
      %dma_start3A_167 = tpu.memref_slice %arg5[%squeeze3A_162, %dma_start3A_166] : memref<1000000x64xf32, #tpu.memory_space<hbm>> -> memref<1x64xf32, #tpu.memory_space<hbm>>
      %dma_start3A_168 = tpu.memref_squeeze %dma_start3A_167 : memref<1x64xf32, #tpu.memory_space<hbm>> -> memref<64xf32, #tpu.memory_space<hbm>>
      %dma_start3A_169 = arith.constant 0 : i32
      %dma_start3A_170 = tpu.memref_slice %arg11[%add3A_146, %dma_start3A_169] : memref<128x128xf32, #tpu.memory_space<vmem>> -> memref<1x64xf32, #tpu.memory_space<vmem>>
      %dma_start3A_171 = tpu.memref_squeeze %dma_start3A_170 : memref<1x64xf32, #tpu.memory_space<vmem>> -> memref<64xf32, #tpu.memory_space<vmem>>
      %dma_start3A_172 = arith.constant 0 : i32
      %dma_start3A_173 = tpu.memref_slice %arg5[%squeeze3A_162, %dma_start3A_172] : memref<1000000x64xf32, #tpu.memory_space<hbm>> -> memref<1x64xf32, #tpu.memory_space<hbm>>
      %dma_start3A_174 = tpu.memref_squeeze %dma_start3A_173 : memref<1x64xf32, #tpu.memory_space<hbm>> -> memref<64xf32, #tpu.memory_space<hbm>>
      tpu.enqueue_dma source(%dma_start3A_174 : memref<64xf32, #tpu.memory_space<hbm>>) target(%dma_start3A_171 : memref<64xf32, #tpu.memory_space<vmem>>) target_semaphore(%arg13 : memref<!tpu.dma_semaphore, #tpu.memory_space<semaphore_mem>>)
      %mul3A_175 = arith.constant 8 : i32
      %mul3A_176 = arith.muli %scan3A_41, %mul3A_175 : i32
      %add3A_177 = arith.constant 1 : i32
      %add3A_178 = arith.addi %mul3A_176, %add3A_177 : i32
      %slice3A_179 = vector.extract_strided_slice %get3A_78 {offsets = [3], sizes = [1], strides = [1]} : vector<16xi32> to vector<1xi32>
      %squeeze3A_180 = vector.extract %slice3A_179[0] : i32 from vector<1xi32>
      %dma_start3A_181 = arith.constant 64 : i32
      %dma_start3A_182 = tpu.memref_slice %arg10[%add3A_178, %dma_start3A_181] : memref<128x128xf32, #tpu.memory_space<vmem>> -> memref<1x64xf32, #tpu.memory_space<vmem>>
      %dma_start3A_183 = tpu.memref_squeeze %dma_start3A_182 : memref<1x64xf32, #tpu.memory_space<vmem>> -> memref<64xf32, #tpu.memory_space<vmem>>
      %dma_start3A_184 = arith.constant 0 : i32
      %dma_start3A_185 = tpu.memref_slice %arg4[%squeeze3A_180, %dma_start3A_184] : memref<1000000x64xf32, #tpu.memory_space<hbm>> -> memref<1x64xf32, #tpu.memory_space<hbm>>
      %dma_start3A_186 = tpu.memref_squeeze %dma_start3A_185 : memref<1x64xf32, #tpu.memory_space<hbm>> -> memref<64xf32, #tpu.memory_space<hbm>>
      %dma_start3A_187 = arith.constant 64 : i32
      %dma_start3A_188 = tpu.memref_slice %arg10[%add3A_178, %dma_start3A_187] : memref<128x128xf32, #tpu.memory_space<vmem>> -> memref<1x64xf32, #tpu.memory_space<vmem>>
      %dma_start3A_189 = tpu.memref_squeeze %dma_start3A_188 : memref<1x64xf32, #tpu.memory_space<vmem>> -> memref<64xf32, #tpu.memory_space<vmem>>
      %dma_start3A_190 = arith.constant 0 : i32
      %dma_start3A_191 = tpu.memref_slice %arg4[%squeeze3A_180, %dma_start3A_190] : memref<1000000x64xf32, #tpu.memory_space<hbm>> -> memref<1x64xf32, #tpu.memory_space<hbm>>
      %dma_start3A_192 = tpu.memref_squeeze %dma_start3A_191 : memref<1x64xf32, #tpu.memory_space<hbm>> -> memref<64xf32, #tpu.memory_space<hbm>>
      tpu.enqueue_dma source(%dma_start3A_192 : memref<64xf32, #tpu.memory_space<hbm>>) target(%dma_start3A_189 : memref<64xf32, #tpu.memory_space<vmem>>) target_semaphore(%arg13 : memref<!tpu.dma_semaphore, #tpu.memory_space<semaphore_mem>>)
      %slice3A_193 = vector.extract_strided_slice %get3A_81 {offsets = [3], sizes = [1], strides = [1]} : vector<16xi32> to vector<1xi32>
      %squeeze3A_194 = vector.extract %slice3A_193[0] : i32 from vector<1xi32>
      %dma_start3A_195 = arith.constant 64 : i32
      %dma_start3A_196 = tpu.memref_slice %arg11[%add3A_178, %dma_start3A_195] : memref<128x128xf32, #tpu.memory_space<vmem>> -> memref<1x64xf32, #tpu.memory_space<vmem>>
      %dma_start3A_197 = tpu.memref_squeeze %dma_start3A_196 : memref<1x64xf32, #tpu.memory_space<vmem>> -> memref<64xf32, #tpu.memory_space<vmem>>
      %dma_start3A_198 = arith.constant 0 : i32
      %dma_start3A_199 = tpu.memref_slice %arg5[%squeeze3A_194, %dma_start3A_198] : memref<1000000x64xf32, #tpu.memory_space<hbm>> -> memref<1x64xf32, #tpu.memory_space<hbm>>
      %dma_start3A_200 = tpu.memref_squeeze %dma_start3A_199 : memref<1x64xf32, #tpu.memory_space<hbm>> -> memref<64xf32, #tpu.memory_space<hbm>>
      %dma_start3A_201 = arith.constant 64 : i32
      %dma_start3A_202 = tpu.memref_slice %arg11[%add3A_178, %dma_start3A_201] : memref<128x128xf32, #tpu.memory_space<vmem>> -> memref<1x64xf32, #tpu.memory_space<vmem>>
      %dma_start3A_203 = tpu.memref_squeeze %dma_start3A_202 : memref<1x64xf32, #tpu.memory_space<vmem>> -> memref<64xf32, #tpu.memory_space<vmem>>
      %dma_start3A_204 = arith.constant 0 : i32
      %dma_start3A_205 = tpu.memref_slice %arg5[%squeeze3A_194, %dma_start3A_204] : memref<1000000x64xf32, #tpu.memory_space<hbm>> -> memref<1x64xf32, #tpu.memory_space<hbm>>
      %dma_start3A_206 = tpu.memref_squeeze %dma_start3A_205 : memref<1x64xf32, #tpu.memory_space<hbm>> -> memref<64xf32, #tpu.memory_space<hbm>>
      tpu.enqueue_dma source(%dma_start3A_206 : memref<64xf32, #tpu.memory_space<hbm>>) target(%dma_start3A_203 : memref<64xf32, #tpu.memory_space<vmem>>) target_semaphore(%arg13 : memref<!tpu.dma_semaphore, #tpu.memory_space<semaphore_mem>>)
      %mul3A_207 = arith.constant 8 : i32
      %mul3A_208 = arith.muli %scan3A_41, %mul3A_207 : i32
      %add3A_209 = arith.constant 2 : i32
      %add3A_210 = arith.addi %mul3A_208, %add3A_209 : i32
      %slice3A_211 = vector.extract_strided_slice %get3A_78 {offsets = [4], sizes = [1], strides = [1]} : vector<16xi32> to vector<1xi32>
      %squeeze3A_212 = vector.extract %slice3A_211[0] : i32 from vector<1xi32>
      %dma_start3A_213 = arith.constant 0 : i32
      %dma_start3A_214 = tpu.memref_slice %arg10[%add3A_210, %dma_start3A_213] : memref<128x128xf32, #tpu.memory_space<vmem>> -> memref<1x64xf32, #tpu.memory_space<vmem>>
      %dma_start3A_215 = tpu.memref_squeeze %dma_start3A_214 : memref<1x64xf32, #tpu.memory_space<vmem>> -> memref<64xf32, #tpu.memory_space<vmem>>
      %dma_start3A_216 = arith.constant 0 : i32
      %dma_start3A_217 = tpu.memref_slice %arg4[%squeeze3A_212, %dma_start3A_216] : memref<1000000x64xf32, #tpu.memory_space<hbm>> -> memref<1x64xf32, #tpu.memory_space<hbm>>
      %dma_start3A_218 = tpu.memref_squeeze %dma_start3A_217 : memref<1x64xf32, #tpu.memory_space<hbm>> -> memref<64xf32, #tpu.memory_space<hbm>>
      %dma_start3A_219 = arith.constant 0 : i32
      %dma_start3A_220 = tpu.memref_slice %arg10[%add3A_210, %dma_start3A_219] : memref<128x128xf32, #tpu.memory_space<vmem>> -> memref<1x64xf32, #tpu.memory_space<vmem>>
      %dma_start3A_221 = tpu.memref_squeeze %dma_start3A_220 : memref<1x64xf32, #tpu.memory_space<vmem>> -> memref<64xf32, #tpu.memory_space<vmem>>
      %dma_start3A_222 = arith.constant 0 : i32
      %dma_start3A_223 = tpu.memref_slice %arg4[%squeeze3A_212, %dma_start3A_222] : memref<1000000x64xf32, #tpu.memory_space<hbm>> -> memref<1x64xf32, #tpu.memory_space<hbm>>
      %dma_start3A_224 = tpu.memref_squeeze %dma_start3A_223 : memref<1x64xf32, #tpu.memory_space<hbm>> -> memref<64xf32, #tpu.memory_space<hbm>>
      tpu.enqueue_dma source(%dma_start3A_224 : memref<64xf32, #tpu.memory_space<hbm>>) target(%dma_start3A_221 : memref<64xf32, #tpu.memory_space<vmem>>) target_semaphore(%arg13 : memref<!tpu.dma_semaphore, #tpu.memory_space<semaphore_mem>>)
      %slice3A_225 = vector.extract_strided_slice %get3A_81 {offsets = [4], sizes = [1], strides = [1]} : vector<16xi32> to vector<1xi32>
      %squeeze3A_226 = vector.extract %slice3A_225[0] : i32 from vector<1xi32>
      %dma_start3A_227 = arith.constant 0 : i32
      %dma_start3A_228 = tpu.memref_slice %arg11[%add3A_210, %dma_start3A_227] : memref<128x128xf32, #tpu.memory_space<vmem>> -> memref<1x64xf32, #tpu.memory_space<vmem>>
      %dma_start3A_229 = tpu.memref_squeeze %dma_start3A_228 : memref<1x64xf32, #tpu.memory_space<vmem>> -> memref<64xf32, #tpu.memory_space<vmem>>
      %dma_start3A_230 = arith.constant 0 : i32
      %dma_start3A_231 = tpu.memref_slice %arg5[%squeeze3A_226, %dma_start3A_230] : memref<1000000x64xf32, #tpu.memory_space<hbm>> -> memref<1x64xf32, #tpu.memory_space<hbm>>
      %dma_start3A_232 = tpu.memref_squeeze %dma_start3A_231 : memref<1x64xf32, #tpu.memory_space<hbm>> -> memref<64xf32, #tpu.memory_space<hbm>>
      %dma_start3A_233 = arith.constant 0 : i32
      %dma_start3A_234 = tpu.memref_slice %arg11[%add3A_210, %dma_start3A_233] : memref<128x128xf32, #tpu.memory_space<vmem>> -> memref<1x64xf32, #tpu.memory_space<vmem>>
      %dma_start3A_235 = tpu.memref_squeeze %dma_start3A_234 : memref<1x64xf32, #tpu.memory_space<vmem>> -> memref<64xf32, #tpu.memory_space<vmem>>
      %dma_start3A_236 = arith.constant 0 : i32
      %dma_start3A_237 = tpu.memref_slice %arg5[%squeeze3A_226, %dma_start3A_236] : memref<1000000x64xf32, #tpu.memory_space<hbm>> -> memref<1x64xf32, #tpu.memory_space<hbm>>
      %dma_start3A_238 = tpu.memref_squeeze %dma_start3A_237 : memref<1x64xf32, #tpu.memory_space<hbm>> -> memref<64xf32, #tpu.memory_space<hbm>>
      tpu.enqueue_dma source(%dma_start3A_238 : memref<64xf32, #tpu.memory_space<hbm>>) target(%dma_start3A_235 : memref<64xf32, #tpu.memory_space<vmem>>) target_semaphore(%arg13 : memref<!tpu.dma_semaphore, #tpu.memory_space<semaphore_mem>>)
      %mul3A_239 = arith.constant 8 : i32
      %mul3A_240 = arith.muli %scan3A_41, %mul3A_239 : i32
      %add3A_241 = arith.constant 2 : i32
      %add3A_242 = arith.addi %mul3A_240, %add3A_241 : i32
      %slice3A_243 = vector.extract_strided_slice %get3A_78 {offsets = [5], sizes = [1], strides = [1]} : vector<16xi32> to vector<1xi32>
      %squeeze3A_244 = vector.extract %slice3A_243[0] : i32 from vector<1xi32>
      %dma_start3A_245 = arith.constant 64 : i32
      %dma_start3A_246 = tpu.memref_slice %arg10[%add3A_242, %dma_start3A_245] : memref<128x128xf32, #tpu.memory_space<vmem>> -> memref<1x64xf32, #tpu.memory_space<vmem>>
      %dma_start3A_247 = tpu.memref_squeeze %dma_start3A_246 : memref<1x64xf32, #tpu.memory_space<vmem>> -> memref<64xf32, #tpu.memory_space<vmem>>
      %dma_start3A_248 = arith.constant 0 : i32
      %dma_start3A_249 = tpu.memref_slice %arg4[%squeeze3A_244, %dma_start3A_248] : memref<1000000x64xf32, #tpu.memory_space<hbm>> -> memref<1x64xf32, #tpu.memory_space<hbm>>
      %dma_start3A_250 = tpu.memref_squeeze %dma_start3A_249 : memref<1x64xf32, #tpu.memory_space<hbm>> -> memref<64xf32, #tpu.memory_space<hbm>>
      %dma_start3A_251 = arith.constant 64 : i32
      %dma_start3A_252 = tpu.memref_slice %arg10[%add3A_242, %dma_start3A_251] : memref<128x128xf32, #tpu.memory_space<vmem>> -> memref<1x64xf32, #tpu.memory_space<vmem>>
      %dma_start3A_253 = tpu.memref_squeeze %dma_start3A_252 : memref<1x64xf32, #tpu.memory_space<vmem>> -> memref<64xf32, #tpu.memory_space<vmem>>
      %dma_start3A_254 = arith.constant 0 : i32
      %dma_start3A_255 = tpu.memref_slice %arg4[%squeeze3A_244, %dma_start3A_254] : memref<1000000x64xf32, #tpu.memory_space<hbm>> -> memref<1x64xf32, #tpu.memory_space<hbm>>
      %dma_start3A_256 = tpu.memref_squeeze %dma_start3A_255 : memref<1x64xf32, #tpu.memory_space<hbm>> -> memref<64xf32, #tpu.memory_space<hbm>>
      tpu.enqueue_dma source(%dma_start3A_256 : memref<64xf32, #tpu.memory_space<hbm>>) target(%dma_start3A_253 : memref<64xf32, #tpu.memory_space<vmem>>) target_semaphore(%arg13 : memref<!tpu.dma_semaphore, #tpu.memory_space<semaphore_mem>>)
      %slice3A_257 = vector.extract_strided_slice %get3A_81 {offsets = [5], sizes = [1], strides = [1]} : vector<16xi32> to vector<1xi32>
      %squeeze3A_258 = vector.extract %slice3A_257[0] : i32 from vector<1xi32>
      %dma_start3A_259 = arith.constant 64 : i32
      %dma_start3A_260 = tpu.memref_slice %arg11[%add3A_242, %dma_start3A_259] : memref<128x128xf32, #tpu.memory_space<vmem>> -> memref<1x64xf32, #tpu.memory_space<vmem>>
      %dma_start3A_261 = tpu.memref_squeeze %dma_start3A_260 : memref<1x64xf32, #tpu.memory_space<vmem>> -> memref<64xf32, #tpu.memory_space<vmem>>
      %dma_start3A_262 = arith.constant 0 : i32
      %dma_start3A_263 = tpu.memref_slice %arg5[%squeeze3A_258, %dma_start3A_262] : memref<1000000x64xf32, #tpu.memory_space<hbm>> -> memref<1x64xf32, #tpu.memory_space<hbm>>
      %dma_start3A_264 = tpu.memref_squeeze %dma_start3A_263 : memref<1x64xf32, #tpu.memory_space<hbm>> -> memref<64xf32, #tpu.memory_space<hbm>>
      %dma_start3A_265 = arith.constant 64 : i32
      %dma_start3A_266 = tpu.memref_slice %arg11[%add3A_242, %dma_start3A_265] : memref<128x128xf32, #tpu.memory_space<vmem>> -> memref<1x64xf32, #tpu.memory_space<vmem>>
      %dma_start3A_267 = tpu.memref_squeeze %dma_start3A_266 : memref<1x64xf32, #tpu.memory_space<vmem>> -> memref<64xf32, #tpu.memory_space<vmem>>
      %dma_start3A_268 = arith.constant 0 : i32
      %dma_start3A_269 = tpu.memref_slice %arg5[%squeeze3A_258, %dma_start3A_268] : memref<1000000x64xf32, #tpu.memory_space<hbm>> -> memref<1x64xf32, #tpu.memory_space<hbm>>
      %dma_start3A_270 = tpu.memref_squeeze %dma_start3A_269 : memref<1x64xf32, #tpu.memory_space<hbm>> -> memref<64xf32, #tpu.memory_space<hbm>>
      tpu.enqueue_dma source(%dma_start3A_270 : memref<64xf32, #tpu.memory_space<hbm>>) target(%dma_start3A_267 : memref<64xf32, #tpu.memory_space<vmem>>) target_semaphore(%arg13 : memref<!tpu.dma_semaphore, #tpu.memory_space<semaphore_mem>>)
      %mul3A_271 = arith.constant 8 : i32
      %mul3A_272 = arith.muli %scan3A_41, %mul3A_271 : i32
      %add3A_273 = arith.constant 3 : i32
      %add3A_274 = arith.addi %mul3A_272, %add3A_273 : i32
      %slice3A_275 = vector.extract_strided_slice %get3A_78 {offsets = [6], sizes = [1], strides = [1]} : vector<16xi32> to vector<1xi32>
      %squeeze3A_276 = vector.extract %slice3A_275[0] : i32 from vector<1xi32>
      %dma_start3A_277 = arith.constant 0 : i32
      %dma_start3A_278 = tpu.memref_slice %arg10[%add3A_274, %dma_start3A_277] : memref<128x128xf32, #tpu.memory_space<vmem>> -> memref<1x64xf32, #tpu.memory_space<vmem>>
      %dma_start3A_279 = tpu.memref_squeeze %dma_start3A_278 : memref<1x64xf32, #tpu.memory_space<vmem>> -> memref<64xf32, #tpu.memory_space<vmem>>
      %dma_start3A_280 = arith.constant 0 : i32
      %dma_start3A_281 = tpu.memref_slice %arg4[%squeeze3A_276, %dma_start3A_280] : memref<1000000x64xf32, #tpu.memory_space<hbm>> -> memref<1x64xf32, #tpu.memory_space<hbm>>
      %dma_start3A_282 = tpu.memref_squeeze %dma_start3A_281 : memref<1x64xf32, #tpu.memory_space<hbm>> -> memref<64xf32, #tpu.memory_space<hbm>>
      %dma_start3A_283 = arith.constant 0 : i32
      %dma_start3A_284 = tpu.memref_slice %arg10[%add3A_274, %dma_start3A_283] : memref<128x128xf32, #tpu.memory_space<vmem>> -> memref<1x64xf32, #tpu.memory_space<vmem>>
      %dma_start3A_285 = tpu.memref_squeeze %dma_start3A_284 : memref<1x64xf32, #tpu.memory_space<vmem>> -> memref<64xf32, #tpu.memory_space<vmem>>
      %dma_start3A_286 = arith.constant 0 : i32
      %dma_start3A_287 = tpu.memref_slice %arg4[%squeeze3A_276, %dma_start3A_286] : memref<1000000x64xf32, #tpu.memory_space<hbm>> -> memref<1x64xf32, #tpu.memory_space<hbm>>
      %dma_start3A_288 = tpu.memref_squeeze %dma_start3A_287 : memref<1x64xf32, #tpu.memory_space<hbm>> -> memref<64xf32, #tpu.memory_space<hbm>>
      tpu.enqueue_dma source(%dma_start3A_288 : memref<64xf32, #tpu.memory_space<hbm>>) target(%dma_start3A_285 : memref<64xf32, #tpu.memory_space<vmem>>) target_semaphore(%arg13 : memref<!tpu.dma_semaphore, #tpu.memory_space<semaphore_mem>>)
      %slice3A_289 = vector.extract_strided_slice %get3A_81 {offsets = [6], sizes = [1], strides = [1]} : vector<16xi32> to vector<1xi32>
      %squeeze3A_290 = vector.extract %slice3A_289[0] : i32 from vector<1xi32>
      %dma_start3A_291 = arith.constant 0 : i32
      %dma_start3A_292 = tpu.memref_slice %arg11[%add3A_274, %dma_start3A_291] : memref<128x128xf32, #tpu.memory_space<vmem>> -> memref<1x64xf32, #tpu.memory_space<vmem>>
      %dma_start3A_293 = tpu.memref_squeeze %dma_start3A_292 : memref<1x64xf32, #tpu.memory_space<vmem>> -> memref<64xf32, #tpu.memory_space<vmem>>
      %dma_start3A_294 = arith.constant 0 : i32
      %dma_start3A_295 = tpu.memref_slice %arg5[%squeeze3A_290, %dma_start3A_294] : memref<1000000x64xf32, #tpu.memory_space<hbm>> -> memref<1x64xf32, #tpu.memory_space<hbm>>
      %dma_start3A_296 = tpu.memref_squeeze %dma_start3A_295 : memref<1x64xf32, #tpu.memory_space<hbm>> -> memref<64xf32, #tpu.memory_space<hbm>>
      %dma_start3A_297 = arith.constant 0 : i32
      %dma_start3A_298 = tpu.memref_slice %arg11[%add3A_274, %dma_start3A_297] : memref<128x128xf32, #tpu.memory_space<vmem>> -> memref<1x64xf32, #tpu.memory_space<vmem>>
      %dma_start3A_299 = tpu.memref_squeeze %dma_start3A_298 : memref<1x64xf32, #tpu.memory_space<vmem>> -> memref<64xf32, #tpu.memory_space<vmem>>
      %dma_start3A_300 = arith.constant 0 : i32
      %dma_start3A_301 = tpu.memref_slice %arg5[%squeeze3A_290, %dma_start3A_300] : memref<1000000x64xf32, #tpu.memory_space<hbm>> -> memref<1x64xf32, #tpu.memory_space<hbm>>
      %dma_start3A_302 = tpu.memref_squeeze %dma_start3A_301 : memref<1x64xf32, #tpu.memory_space<hbm>> -> memref<64xf32, #tpu.memory_space<hbm>>
      tpu.enqueue_dma source(%dma_start3A_302 : memref<64xf32, #tpu.memory_space<hbm>>) target(%dma_start3A_299 : memref<64xf32, #tpu.memory_space<vmem>>) target_semaphore(%arg13 : memref<!tpu.dma_semaphore, #tpu.memory_space<semaphore_mem>>)
      %mul3A_303 = arith.constant 8 : i32
      %mul3A_304 = arith.muli %scan3A_41, %mul3A_303 : i32
      %add3A_305 = arith.constant 3 : i32
      %add3A_306 = arith.addi %mul3A_304, %add3A_305 : i32
      %slice3A_307 = vector.extract_strided_slice %get3A_78 {offsets = [7], sizes = [1], strides = [1]} : vector<16xi32> to vector<1xi32>
      %squeeze3A_308 = vector.extract %slice3A_307[0] : i32 from vector<1xi32>
      %dma_start3A_309 = arith.constant 64 : i32
      %dma_start3A_310 = tpu.memref_slice %arg10[%add3A_306, %dma_start3A_309] : memref<128x128xf32, #tpu.memory_space<vmem>> -> memref<1x64xf32, #tpu.memory_space<vmem>>
      %dma_start3A_311 = tpu.memref_squeeze %dma_start3A_310 : memref<1x64xf32, #tpu.memory_space<vmem>> -> memref<64xf32, #tpu.memory_space<vmem>>
      %dma_start3A_312 = arith.constant 0 : i32
      %dma_start3A_313 = tpu.memref_slice %arg4[%squeeze3A_308, %dma_start3A_312] : memref<1000000x64xf32, #tpu.memory_space<hbm>> -> memref<1x64xf32, #tpu.memory_space<hbm>>
      %dma_start3A_314 = tpu.memref_squeeze %dma_start3A_313 : memref<1x64xf32, #tpu.memory_space<hbm>> -> memref<64xf32, #tpu.memory_space<hbm>>
      %dma_start3A_315 = arith.constant 64 : i32
      %dma_start3A_316 = tpu.memref_slice %arg10[%add3A_306, %dma_start3A_315] : memref<128x128xf32, #tpu.memory_space<vmem>> -> memref<1x64xf32, #tpu.memory_space<vmem>>
      %dma_start3A_317 = tpu.memref_squeeze %dma_start3A_316 : memref<1x64xf32, #tpu.memory_space<vmem>> -> memref<64xf32, #tpu.memory_space<vmem>>
      %dma_start3A_318 = arith.constant 0 : i32
      %dma_start3A_319 = tpu.memref_slice %arg4[%squeeze3A_308, %dma_start3A_318] : memref<1000000x64xf32, #tpu.memory_space<hbm>> -> memref<1x64xf32, #tpu.memory_space<hbm>>
      %dma_start3A_320 = tpu.memref_squeeze %dma_start3A_319 : memref<1x64xf32, #tpu.memory_space<hbm>> -> memref<64xf32, #tpu.memory_space<hbm>>
      tpu.enqueue_dma source(%dma_start3A_320 : memref<64xf32, #tpu.memory_space<hbm>>) target(%dma_start3A_317 : memref<64xf32, #tpu.memory_space<vmem>>) target_semaphore(%arg13 : memref<!tpu.dma_semaphore, #tpu.memory_space<semaphore_mem>>)
      %slice3A_321 = vector.extract_strided_slice %get3A_81 {offsets = [7], sizes = [1], strides = [1]} : vector<16xi32> to vector<1xi32>
      %squeeze3A_322 = vector.extract %slice3A_321[0] : i32 from vector<1xi32>
      %dma_start3A_323 = arith.constant 64 : i32
      %dma_start3A_324 = tpu.memref_slice %arg11[%add3A_306, %dma_start3A_323] : memref<128x128xf32, #tpu.memory_space<vmem>> -> memref<1x64xf32, #tpu.memory_space<vmem>>
      %dma_start3A_325 = tpu.memref_squeeze %dma_start3A_324 : memref<1x64xf32, #tpu.memory_space<vmem>> -> memref<64xf32, #tpu.memory_space<vmem>>
      %dma_start3A_326 = arith.constant 0 : i32
      %dma_start3A_327 = tpu.memref_slice %arg5[%squeeze3A_322, %dma_start3A_326] : memref<1000000x64xf32, #tpu.memory_space<hbm>> -> memref<1x64xf32, #tpu.memory_space<hbm>>
      %dma_start3A_328 = tpu.memref_squeeze %dma_start3A_327 : memref<1x64xf32, #tpu.memory_space<hbm>> -> memref<64xf32, #tpu.memory_space<hbm>>
      %dma_start3A_329 = arith.constant 64 : i32
      %dma_start3A_330 = tpu.memref_slice %arg11[%add3A_306, %dma_start3A_329] : memref<128x128xf32, #tpu.memory_space<vmem>> -> memref<1x64xf32, #tpu.memory_space<vmem>>
      %dma_start3A_331 = tpu.memref_squeeze %dma_start3A_330 : memref<1x64xf32, #tpu.memory_space<vmem>> -> memref<64xf32, #tpu.memory_space<vmem>>
      %dma_start3A_332 = arith.constant 0 : i32
      %dma_start3A_333 = tpu.memref_slice %arg5[%squeeze3A_322, %dma_start3A_332] : memref<1000000x64xf32, #tpu.memory_space<hbm>> -> memref<1x64xf32, #tpu.memory_space<hbm>>
      %dma_start3A_334 = tpu.memref_squeeze %dma_start3A_333 : memref<1x64xf32, #tpu.memory_space<hbm>> -> memref<64xf32, #tpu.memory_space<hbm>>
      tpu.enqueue_dma source(%dma_start3A_334 : memref<64xf32, #tpu.memory_space<hbm>>) target(%dma_start3A_331 : memref<64xf32, #tpu.memory_space<vmem>>) target_semaphore(%arg13 : memref<!tpu.dma_semaphore, #tpu.memory_space<semaphore_mem>>)
      %mul3A_335 = arith.constant 8 : i32
      %mul3A_336 = arith.muli %scan3A_41, %mul3A_335 : i32
      %add3A_337 = arith.constant 4 : i32
      %add3A_338 = arith.addi %mul3A_336, %add3A_337 : i32
      %slice3A_339 = vector.extract_strided_slice %get3A_78 {offsets = [8], sizes = [1], strides = [1]} : vector<16xi32> to vector<1xi32>
      %squeeze3A_340 = vector.extract %slice3A_339[0] : i32 from vector<1xi32>
      %dma_start3A_341 = arith.constant 0 : i32
      %dma_start3A_342 = tpu.memref_slice %arg10[%add3A_338, %dma_start3A_341] : memref<128x128xf32, #tpu.memory_space<vmem>> -> memref<1x64xf32, #tpu.memory_space<vmem>>
      %dma_start3A_343 = tpu.memref_squeeze %dma_start3A_342 : memref<1x64xf32, #tpu.memory_space<vmem>> -> memref<64xf32, #tpu.memory_space<vmem>>
      %dma_start3A_344 = arith.constant 0 : i32
      %dma_start3A_345 = tpu.memref_slice %arg4[%squeeze3A_340, %dma_start3A_344] : memref<1000000x64xf32, #tpu.memory_space<hbm>> -> memref<1x64xf32, #tpu.memory_space<hbm>>
      %dma_start3A_346 = tpu.memref_squeeze %dma_start3A_345 : memref<1x64xf32, #tpu.memory_space<hbm>> -> memref<64xf32, #tpu.memory_space<hbm>>
      %dma_start3A_347 = arith.constant 0 : i32
      %dma_start3A_348 = tpu.memref_slice %arg10[%add3A_338, %dma_start3A_347] : memref<128x128xf32, #tpu.memory_space<vmem>> -> memref<1x64xf32, #tpu.memory_space<vmem>>
      %dma_start3A_349 = tpu.memref_squeeze %dma_start3A_348 : memref<1x64xf32, #tpu.memory_space<vmem>> -> memref<64xf32, #tpu.memory_space<vmem>>
      %dma_start3A_350 = arith.constant 0 : i32
      %dma_start3A_351 = tpu.memref_slice %arg4[%squeeze3A_340, %dma_start3A_350] : memref<1000000x64xf32, #tpu.memory_space<hbm>> -> memref<1x64xf32, #tpu.memory_space<hbm>>
      %dma_start3A_352 = tpu.memref_squeeze %dma_start3A_351 : memref<1x64xf32, #tpu.memory_space<hbm>> -> memref<64xf32, #tpu.memory_space<hbm>>
      tpu.enqueue_dma source(%dma_start3A_352 : memref<64xf32, #tpu.memory_space<hbm>>) target(%dma_start3A_349 : memref<64xf32, #tpu.memory_space<vmem>>) target_semaphore(%arg13 : memref<!tpu.dma_semaphore, #tpu.memory_space<semaphore_mem>>)
      %slice3A_353 = vector.extract_strided_slice %get3A_81 {offsets = [8], sizes = [1], strides = [1]} : vector<16xi32> to vector<1xi32>
      %squeeze3A_354 = vector.extract %slice3A_353[0] : i32 from vector<1xi32>
      %dma_start3A_355 = arith.constant 0 : i32
      %dma_start3A_356 = tpu.memref_slice %arg11[%add3A_338, %dma_start3A_355] : memref<128x128xf32, #tpu.memory_space<vmem>> -> memref<1x64xf32, #tpu.memory_space<vmem>>
      %dma_start3A_357 = tpu.memref_squeeze %dma_start3A_356 : memref<1x64xf32, #tpu.memory_space<vmem>> -> memref<64xf32, #tpu.memory_space<vmem>>
      %dma_start3A_358 = arith.constant 0 : i32
      %dma_start3A_359 = tpu.memref_slice %arg5[%squeeze3A_354, %dma_start3A_358] : memref<1000000x64xf32, #tpu.memory_space<hbm>> -> memref<1x64xf32, #tpu.memory_space<hbm>>
      %dma_start3A_360 = tpu.memref_squeeze %dma_start3A_359 : memref<1x64xf32, #tpu.memory_space<hbm>> -> memref<64xf32, #tpu.memory_space<hbm>>
      %dma_start3A_361 = arith.constant 0 : i32
      %dma_start3A_362 = tpu.memref_slice %arg11[%add3A_338, %dma_start3A_361] : memref<128x128xf32, #tpu.memory_space<vmem>> -> memref<1x64xf32, #tpu.memory_space<vmem>>
      %dma_start3A_363 = tpu.memref_squeeze %dma_start3A_362 : memref<1x64xf32, #tpu.memory_space<vmem>> -> memref<64xf32, #tpu.memory_space<vmem>>
      %dma_start3A_364 = arith.constant 0 : i32
      %dma_start3A_365 = tpu.memref_slice %arg5[%squeeze3A_354, %dma_start3A_364] : memref<1000000x64xf32, #tpu.memory_space<hbm>> -> memref<1x64xf32, #tpu.memory_space<hbm>>
      %dma_start3A_366 = tpu.memref_squeeze %dma_start3A_365 : memref<1x64xf32, #tpu.memory_space<hbm>> -> memref<64xf32, #tpu.memory_space<hbm>>
      tpu.enqueue_dma source(%dma_start3A_366 : memref<64xf32, #tpu.memory_space<hbm>>) target(%dma_start3A_363 : memref<64xf32, #tpu.memory_space<vmem>>) target_semaphore(%arg13 : memref<!tpu.dma_semaphore, #tpu.memory_space<semaphore_mem>>)
      %mul3A_367 = arith.constant 8 : i32
      %mul3A_368 = arith.muli %scan3A_41, %mul3A_367 : i32
      %add3A_369 = arith.constant 4 : i32
      %add3A_370 = arith.addi %mul3A_368, %add3A_369 : i32
      %slice3A_371 = vector.extract_strided_slice %get3A_78 {offsets = [9], sizes = [1], strides = [1]} : vector<16xi32> to vector<1xi32>
      %squeeze3A_372 = vector.extract %slice3A_371[0] : i32 from vector<1xi32>
      %dma_start3A_373 = arith.constant 64 : i32
      %dma_start3A_374 = tpu.memref_slice %arg10[%add3A_370, %dma_start3A_373] : memref<128x128xf32, #tpu.memory_space<vmem>> -> memref<1x64xf32, #tpu.memory_space<vmem>>
      %dma_start3A_375 = tpu.memref_squeeze %dma_start3A_374 : memref<1x64xf32, #tpu.memory_space<vmem>> -> memref<64xf32, #tpu.memory_space<vmem>>
      %dma_start3A_376 = arith.constant 0 : i32
      %dma_start3A_377 = tpu.memref_slice %arg4[%squeeze3A_372, %dma_start3A_376] : memref<1000000x64xf32, #tpu.memory_space<hbm>> -> memref<1x64xf32, #tpu.memory_space<hbm>>
      %dma_start3A_378 = tpu.memref_squeeze %dma_start3A_377 : memref<1x64xf32, #tpu.memory_space<hbm>> -> memref<64xf32, #tpu.memory_space<hbm>>
      %dma_start3A_379 = arith.constant 64 : i32
      %dma_start3A_380 = tpu.memref_slice %arg10[%add3A_370, %dma_start3A_379] : memref<128x128xf32, #tpu.memory_space<vmem>> -> memref<1x64xf32, #tpu.memory_space<vmem>>
      %dma_start3A_381 = tpu.memref_squeeze %dma_start3A_380 : memref<1x64xf32, #tpu.memory_space<vmem>> -> memref<64xf32, #tpu.memory_space<vmem>>
      %dma_start3A_382 = arith.constant 0 : i32
      %dma_start3A_383 = tpu.memref_slice %arg4[%squeeze3A_372, %dma_start3A_382] : memref<1000000x64xf32, #tpu.memory_space<hbm>> -> memref<1x64xf32, #tpu.memory_space<hbm>>
      %dma_start3A_384 = tpu.memref_squeeze %dma_start3A_383 : memref<1x64xf32, #tpu.memory_space<hbm>> -> memref<64xf32, #tpu.memory_space<hbm>>
      tpu.enqueue_dma source(%dma_start3A_384 : memref<64xf32, #tpu.memory_space<hbm>>) target(%dma_start3A_381 : memref<64xf32, #tpu.memory_space<vmem>>) target_semaphore(%arg13 : memref<!tpu.dma_semaphore, #tpu.memory_space<semaphore_mem>>)
      %slice3A_385 = vector.extract_strided_slice %get3A_81 {offsets = [9], sizes = [1], strides = [1]} : vector<16xi32> to vector<1xi32>
      %squeeze3A_386 = vector.extract %slice3A_385[0] : i32 from vector<1xi32>
      %dma_start3A_387 = arith.constant 64 : i32
      %dma_start3A_388 = tpu.memref_slice %arg11[%add3A_370, %dma_start3A_387] : memref<128x128xf32, #tpu.memory_space<vmem>> -> memref<1x64xf32, #tpu.memory_space<vmem>>
      %dma_start3A_389 = tpu.memref_squeeze %dma_start3A_388 : memref<1x64xf32, #tpu.memory_space<vmem>> -> memref<64xf32, #tpu.memory_space<vmem>>
      %dma_start3A_390 = arith.constant 0 : i32
      %dma_start3A_391 = tpu.memref_slice %arg5[%squeeze3A_386, %dma_start3A_390] : memref<1000000x64xf32, #tpu.memory_space<hbm>> -> memref<1x64xf32, #tpu.memory_space<hbm>>
      %dma_start3A_392 = tpu.memref_squeeze %dma_start3A_391 : memref<1x64xf32, #tpu.memory_space<hbm>> -> memref<64xf32, #tpu.memory_space<hbm>>
      %dma_start3A_393 = arith.constant 64 : i32
      %dma_start3A_394 = tpu.memref_slice %arg11[%add3A_370, %dma_start3A_393] : memref<128x128xf32, #tpu.memory_space<vmem>> -> memref<1x64xf32, #tpu.memory_space<vmem>>
      %dma_start3A_395 = tpu.memref_squeeze %dma_start3A_394 : memref<1x64xf32, #tpu.memory_space<vmem>> -> memref<64xf32, #tpu.memory_space<vmem>>
      %dma_start3A_396 = arith.constant 0 : i32
      %dma_start3A_397 = tpu.memref_slice %arg5[%squeeze3A_386, %dma_start3A_396] : memref<1000000x64xf32, #tpu.memory_space<hbm>> -> memref<1x64xf32, #tpu.memory_space<hbm>>
      %dma_start3A_398 = tpu.memref_squeeze %dma_start3A_397 : memref<1x64xf32, #tpu.memory_space<hbm>> -> memref<64xf32, #tpu.memory_space<hbm>>
      tpu.enqueue_dma source(%dma_start3A_398 : memref<64xf32, #tpu.memory_space<hbm>>) target(%dma_start3A_395 : memref<64xf32, #tpu.memory_space<vmem>>) target_semaphore(%arg13 : memref<!tpu.dma_semaphore, #tpu.memory_space<semaphore_mem>>)
      %mul3A_399 = arith.constant 8 : i32
      %mul3A_400 = arith.muli %scan3A_41, %mul3A_399 : i32
      %add3A_401 = arith.constant 5 : i32
      %add3A_402 = arith.addi %mul3A_400, %add3A_401 : i32
      %slice3A_403 = vector.extract_strided_slice %get3A_78 {offsets = [10], sizes = [1], strides = [1]} : vector<16xi32> to vector<1xi32>
      %squeeze3A_404 = vector.extract %slice3A_403[0] : i32 from vector<1xi32>
      %dma_start3A_405 = arith.constant 0 : i32
      %dma_start3A_406 = tpu.memref_slice %arg10[%add3A_402, %dma_start3A_405] : memref<128x128xf32, #tpu.memory_space<vmem>> -> memref<1x64xf32, #tpu.memory_space<vmem>>
      %dma_start3A_407 = tpu.memref_squeeze %dma_start3A_406 : memref<1x64xf32, #tpu.memory_space<vmem>> -> memref<64xf32, #tpu.memory_space<vmem>>
      %dma_start3A_408 = arith.constant 0 : i32
      %dma_start3A_409 = tpu.memref_slice %arg4[%squeeze3A_404, %dma_start3A_408] : memref<1000000x64xf32, #tpu.memory_space<hbm>> -> memref<1x64xf32, #tpu.memory_space<hbm>>
      %dma_start3A_410 = tpu.memref_squeeze %dma_start3A_409 : memref<1x64xf32, #tpu.memory_space<hbm>> -> memref<64xf32, #tpu.memory_space<hbm>>
      %dma_start3A_411 = arith.constant 0 : i32
      %dma_start3A_412 = tpu.memref_slice %arg10[%add3A_402, %dma_start3A_411] : memref<128x128xf32, #tpu.memory_space<vmem>> -> memref<1x64xf32, #tpu.memory_space<vmem>>
      %dma_start3A_413 = tpu.memref_squeeze %dma_start3A_412 : memref<1x64xf32, #tpu.memory_space<vmem>> -> memref<64xf32, #tpu.memory_space<vmem>>
      %dma_start3A_414 = arith.constant 0 : i32
      %dma_start3A_415 = tpu.memref_slice %arg4[%squeeze3A_404, %dma_start3A_414] : memref<1000000x64xf32, #tpu.memory_space<hbm>> -> memref<1x64xf32, #tpu.memory_space<hbm>>
      %dma_start3A_416 = tpu.memref_squeeze %dma_start3A_415 : memref<1x64xf32, #tpu.memory_space<hbm>> -> memref<64xf32, #tpu.memory_space<hbm>>
      tpu.enqueue_dma source(%dma_start3A_416 : memref<64xf32, #tpu.memory_space<hbm>>) target(%dma_start3A_413 : memref<64xf32, #tpu.memory_space<vmem>>) target_semaphore(%arg13 : memref<!tpu.dma_semaphore, #tpu.memory_space<semaphore_mem>>)
      %slice3A_417 = vector.extract_strided_slice %get3A_81 {offsets = [10], sizes = [1], strides = [1]} : vector<16xi32> to vector<1xi32>
      %squeeze3A_418 = vector.extract %slice3A_417[0] : i32 from vector<1xi32>
      %dma_start3A_419 = arith.constant 0 : i32
      %dma_start3A_420 = tpu.memref_slice %arg11[%add3A_402, %dma_start3A_419] : memref<128x128xf32, #tpu.memory_space<vmem>> -> memref<1x64xf32, #tpu.memory_space<vmem>>
      %dma_start3A_421 = tpu.memref_squeeze %dma_start3A_420 : memref<1x64xf32, #tpu.memory_space<vmem>> -> memref<64xf32, #tpu.memory_space<vmem>>
      %dma_start3A_422 = arith.constant 0 : i32
      %dma_start3A_423 = tpu.memref_slice %arg5[%squeeze3A_418, %dma_start3A_422] : memref<1000000x64xf32, #tpu.memory_space<hbm>> -> memref<1x64xf32, #tpu.memory_space<hbm>>
      %dma_start3A_424 = tpu.memref_squeeze %dma_start3A_423 : memref<1x64xf32, #tpu.memory_space<hbm>> -> memref<64xf32, #tpu.memory_space<hbm>>
      %dma_start3A_425 = arith.constant 0 : i32
      %dma_start3A_426 = tpu.memref_slice %arg11[%add3A_402, %dma_start3A_425] : memref<128x128xf32, #tpu.memory_space<vmem>> -> memref<1x64xf32, #tpu.memory_space<vmem>>
      %dma_start3A_427 = tpu.memref_squeeze %dma_start3A_426 : memref<1x64xf32, #tpu.memory_space<vmem>> -> memref<64xf32, #tpu.memory_space<vmem>>
      %dma_start3A_428 = arith.constant 0 : i32
      %dma_start3A_429 = tpu.memref_slice %arg5[%squeeze3A_418, %dma_start3A_428] : memref<1000000x64xf32, #tpu.memory_space<hbm>> -> memref<1x64xf32, #tpu.memory_space<hbm>>
      %dma_start3A_430 = tpu.memref_squeeze %dma_start3A_429 : memref<1x64xf32, #tpu.memory_space<hbm>> -> memref<64xf32, #tpu.memory_space<hbm>>
      tpu.enqueue_dma source(%dma_start3A_430 : memref<64xf32, #tpu.memory_space<hbm>>) target(%dma_start3A_427 : memref<64xf32, #tpu.memory_space<vmem>>) target_semaphore(%arg13 : memref<!tpu.dma_semaphore, #tpu.memory_space<semaphore_mem>>)
      %mul3A_431 = arith.constant 8 : i32
      %mul3A_432 = arith.muli %scan3A_41, %mul3A_431 : i32
      %add3A_433 = arith.constant 5 : i32
      %add3A_434 = arith.addi %mul3A_432, %add3A_433 : i32
      %slice3A_435 = vector.extract_strided_slice %get3A_78 {offsets = [11], sizes = [1], strides = [1]} : vector<16xi32> to vector<1xi32>
      %squeeze3A_436 = vector.extract %slice3A_435[0] : i32 from vector<1xi32>
      %dma_start3A_437 = arith.constant 64 : i32
      %dma_start3A_438 = tpu.memref_slice %arg10[%add3A_434, %dma_start3A_437] : memref<128x128xf32, #tpu.memory_space<vmem>> -> memref<1x64xf32, #tpu.memory_space<vmem>>
      %dma_start3A_439 = tpu.memref_squeeze %dma_start3A_438 : memref<1x64xf32, #tpu.memory_space<vmem>> -> memref<64xf32, #tpu.memory_space<vmem>>
      %dma_start3A_440 = arith.constant 0 : i32
      %dma_start3A_441 = tpu.memref_slice %arg4[%squeeze3A_436, %dma_start3A_440] : memref<1000000x64xf32, #tpu.memory_space<hbm>> -> memref<1x64xf32, #tpu.memory_space<hbm>>
      %dma_start3A_442 = tpu.memref_squeeze %dma_start3A_441 : memref<1x64xf32, #tpu.memory_space<hbm>> -> memref<64xf32, #tpu.memory_space<hbm>>
      %dma_start3A_443 = arith.constant 64 : i32
      %dma_start3A_444 = tpu.memref_slice %arg10[%add3A_434, %dma_start3A_443] : memref<128x128xf32, #tpu.memory_space<vmem>> -> memref<1x64xf32, #tpu.memory_space<vmem>>
      %dma_start3A_445 = tpu.memref_squeeze %dma_start3A_444 : memref<1x64xf32, #tpu.memory_space<vmem>> -> memref<64xf32, #tpu.memory_space<vmem>>
      %dma_start3A_446 = arith.constant 0 : i32
      %dma_start3A_447 = tpu.memref_slice %arg4[%squeeze3A_436, %dma_start3A_446] : memref<1000000x64xf32, #tpu.memory_space<hbm>> -> memref<1x64xf32, #tpu.memory_space<hbm>>
      %dma_start3A_448 = tpu.memref_squeeze %dma_start3A_447 : memref<1x64xf32, #tpu.memory_space<hbm>> -> memref<64xf32, #tpu.memory_space<hbm>>
      tpu.enqueue_dma source(%dma_start3A_448 : memref<64xf32, #tpu.memory_space<hbm>>) target(%dma_start3A_445 : memref<64xf32, #tpu.memory_space<vmem>>) target_semaphore(%arg13 : memref<!tpu.dma_semaphore, #tpu.memory_space<semaphore_mem>>)
      %slice3A_449 = vector.extract_strided_slice %get3A_81 {offsets = [11], sizes = [1], strides = [1]} : vector<16xi32> to vector<1xi32>
      %squeeze3A_450 = vector.extract %slice3A_449[0] : i32 from vector<1xi32>
      %dma_start3A_451 = arith.constant 64 : i32
      %dma_start3A_452 = tpu.memref_slice %arg11[%add3A_434, %dma_start3A_451] : memref<128x128xf32, #tpu.memory_space<vmem>> -> memref<1x64xf32, #tpu.memory_space<vmem>>
      %dma_start3A_453 = tpu.memref_squeeze %dma_start3A_452 : memref<1x64xf32, #tpu.memory_space<vmem>> -> memref<64xf32, #tpu.memory_space<vmem>>
      %dma_start3A_454 = arith.constant 0 : i32
      %dma_start3A_455 = tpu.memref_slice %arg5[%squeeze3A_450, %dma_start3A_454] : memref<1000000x64xf32, #tpu.memory_space<hbm>> -> memref<1x64xf32, #tpu.memory_space<hbm>>
      %dma_start3A_456 = tpu.memref_squeeze %dma_start3A_455 : memref<1x64xf32, #tpu.memory_space<hbm>> -> memref<64xf32, #tpu.memory_space<hbm>>
      %dma_start3A_457 = arith.constant 64 : i32
      %dma_start3A_458 = tpu.memref_slice %arg11[%add3A_434, %dma_start3A_457] : memref<128x128xf32, #tpu.memory_space<vmem>> -> memref<1x64xf32, #tpu.memory_space<vmem>>
      %dma_start3A_459 = tpu.memref_squeeze %dma_start3A_458 : memref<1x64xf32, #tpu.memory_space<vmem>> -> memref<64xf32, #tpu.memory_space<vmem>>
      %dma_start3A_460 = arith.constant 0 : i32
      %dma_start3A_461 = tpu.memref_slice %arg5[%squeeze3A_450, %dma_start3A_460] : memref<1000000x64xf32, #tpu.memory_space<hbm>> -> memref<1x64xf32, #tpu.memory_space<hbm>>
      %dma_start3A_462 = tpu.memref_squeeze %dma_start3A_461 : memref<1x64xf32, #tpu.memory_space<hbm>> -> memref<64xf32, #tpu.memory_space<hbm>>
      tpu.enqueue_dma source(%dma_start3A_462 : memref<64xf32, #tpu.memory_space<hbm>>) target(%dma_start3A_459 : memref<64xf32, #tpu.memory_space<vmem>>) target_semaphore(%arg13 : memref<!tpu.dma_semaphore, #tpu.memory_space<semaphore_mem>>)
      %mul3A_463 = arith.constant 8 : i32
      %mul3A_464 = arith.muli %scan3A_41, %mul3A_463 : i32
      %add3A_465 = arith.constant 6 : i32
      %add3A_466 = arith.addi %mul3A_464, %add3A_465 : i32
      %slice3A_467 = vector.extract_strided_slice %get3A_78 {offsets = [12], sizes = [1], strides = [1]} : vector<16xi32> to vector<1xi32>
      %squeeze3A_468 = vector.extract %slice3A_467[0] : i32 from vector<1xi32>
      %dma_start3A_469 = arith.constant 0 : i32
      %dma_start3A_470 = tpu.memref_slice %arg10[%add3A_466, %dma_start3A_469] : memref<128x128xf32, #tpu.memory_space<vmem>> -> memref<1x64xf32, #tpu.memory_space<vmem>>
      %dma_start3A_471 = tpu.memref_squeeze %dma_start3A_470 : memref<1x64xf32, #tpu.memory_space<vmem>> -> memref<64xf32, #tpu.memory_space<vmem>>
      %dma_start3A_472 = arith.constant 0 : i32
      %dma_start3A_473 = tpu.memref_slice %arg4[%squeeze3A_468, %dma_start3A_472] : memref<1000000x64xf32, #tpu.memory_space<hbm>> -> memref<1x64xf32, #tpu.memory_space<hbm>>
      %dma_start3A_474 = tpu.memref_squeeze %dma_start3A_473 : memref<1x64xf32, #tpu.memory_space<hbm>> -> memref<64xf32, #tpu.memory_space<hbm>>
      %dma_start3A_475 = arith.constant 0 : i32
      %dma_start3A_476 = tpu.memref_slice %arg10[%add3A_466, %dma_start3A_475] : memref<128x128xf32, #tpu.memory_space<vmem>> -> memref<1x64xf32, #tpu.memory_space<vmem>>
      %dma_start3A_477 = tpu.memref_squeeze %dma_start3A_476 : memref<1x64xf32, #tpu.memory_space<vmem>> -> memref<64xf32, #tpu.memory_space<vmem>>
      %dma_start3A_478 = arith.constant 0 : i32
      %dma_start3A_479 = tpu.memref_slice %arg4[%squeeze3A_468, %dma_start3A_478] : memref<1000000x64xf32, #tpu.memory_space<hbm>> -> memref<1x64xf32, #tpu.memory_space<hbm>>
      %dma_start3A_480 = tpu.memref_squeeze %dma_start3A_479 : memref<1x64xf32, #tpu.memory_space<hbm>> -> memref<64xf32, #tpu.memory_space<hbm>>
      tpu.enqueue_dma source(%dma_start3A_480 : memref<64xf32, #tpu.memory_space<hbm>>) target(%dma_start3A_477 : memref<64xf32, #tpu.memory_space<vmem>>) target_semaphore(%arg13 : memref<!tpu.dma_semaphore, #tpu.memory_space<semaphore_mem>>)
      %slice3A_481 = vector.extract_strided_slice %get3A_81 {offsets = [12], sizes = [1], strides = [1]} : vector<16xi32> to vector<1xi32>
      %squeeze3A_482 = vector.extract %slice3A_481[0] : i32 from vector<1xi32>
      %dma_start3A_483 = arith.constant 0 : i32
      %dma_start3A_484 = tpu.memref_slice %arg11[%add3A_466, %dma_start3A_483] : memref<128x128xf32, #tpu.memory_space<vmem>> -> memref<1x64xf32, #tpu.memory_space<vmem>>
      %dma_start3A_485 = tpu.memref_squeeze %dma_start3A_484 : memref<1x64xf32, #tpu.memory_space<vmem>> -> memref<64xf32, #tpu.memory_space<vmem>>
      %dma_start3A_486 = arith.constant 0 : i32
      %dma_start3A_487 = tpu.memref_slice %arg5[%squeeze3A_482, %dma_start3A_486] : memref<1000000x64xf32, #tpu.memory_space<hbm>> -> memref<1x64xf32, #tpu.memory_space<hbm>>
      %dma_start3A_488 = tpu.memref_squeeze %dma_start3A_487 : memref<1x64xf32, #tpu.memory_space<hbm>> -> memref<64xf32, #tpu.memory_space<hbm>>
      %dma_start3A_489 = arith.constant 0 : i32
      %dma_start3A_490 = tpu.memref_slice %arg11[%add3A_466, %dma_start3A_489] : memref<128x128xf32, #tpu.memory_space<vmem>> -> memref<1x64xf32, #tpu.memory_space<vmem>>
      %dma_start3A_491 = tpu.memref_squeeze %dma_start3A_490 : memref<1x64xf32, #tpu.memory_space<vmem>> -> memref<64xf32, #tpu.memory_space<vmem>>
      %dma_start3A_492 = arith.constant 0 : i32
      %dma_start3A_493 = tpu.memref_slice %arg5[%squeeze3A_482, %dma_start3A_492] : memref<1000000x64xf32, #tpu.memory_space<hbm>> -> memref<1x64xf32, #tpu.memory_space<hbm>>
      %dma_start3A_494 = tpu.memref_squeeze %dma_start3A_493 : memref<1x64xf32, #tpu.memory_space<hbm>> -> memref<64xf32, #tpu.memory_space<hbm>>
      tpu.enqueue_dma source(%dma_start3A_494 : memref<64xf32, #tpu.memory_space<hbm>>) target(%dma_start3A_491 : memref<64xf32, #tpu.memory_space<vmem>>) target_semaphore(%arg13 : memref<!tpu.dma_semaphore, #tpu.memory_space<semaphore_mem>>)
      %mul3A_495 = arith.constant 8 : i32
      %mul3A_496 = arith.muli %scan3A_41, %mul3A_495 : i32
      %add3A_497 = arith.constant 6 : i32
      %add3A_498 = arith.addi %mul3A_496, %add3A_497 : i32
      %slice3A_499 = vector.extract_strided_slice %get3A_78 {offsets = [13], sizes = [1], strides = [1]} : vector<16xi32> to vector<1xi32>
      %squeeze3A_500 = vector.extract %slice3A_499[0] : i32 from vector<1xi32>
      %dma_start3A_501 = arith.constant 64 : i32
      %dma_start3A_502 = tpu.memref_slice %arg10[%add3A_498, %dma_start3A_501] : memref<128x128xf32, #tpu.memory_space<vmem>> -> memref<1x64xf32, #tpu.memory_space<vmem>>
      %dma_start3A_503 = tpu.memref_squeeze %dma_start3A_502 : memref<1x64xf32, #tpu.memory_space<vmem>> -> memref<64xf32, #tpu.memory_space<vmem>>
      %dma_start3A_504 = arith.constant 0 : i32
      %dma_start3A_505 = tpu.memref_slice %arg4[%squeeze3A_500, %dma_start3A_504] : memref<1000000x64xf32, #tpu.memory_space<hbm>> -> memref<1x64xf32, #tpu.memory_space<hbm>>
      %dma_start3A_506 = tpu.memref_squeeze %dma_start3A_505 : memref<1x64xf32, #tpu.memory_space<hbm>> -> memref<64xf32, #tpu.memory_space<hbm>>
      %dma_start3A_507 = arith.constant 64 : i32
      %dma_start3A_508 = tpu.memref_slice %arg10[%add3A_498, %dma_start3A_507] : memref<128x128xf32, #tpu.memory_space<vmem>> -> memref<1x64xf32, #tpu.memory_space<vmem>>
      %dma_start3A_509 = tpu.memref_squeeze %dma_start3A_508 : memref<1x64xf32, #tpu.memory_space<vmem>> -> memref<64xf32, #tpu.memory_space<vmem>>
      %dma_start3A_510 = arith.constant 0 : i32
      %dma_start3A_511 = tpu.memref_slice %arg4[%squeeze3A_500, %dma_start3A_510] : memref<1000000x64xf32, #tpu.memory_space<hbm>> -> memref<1x64xf32, #tpu.memory_space<hbm>>
      %dma_start3A_512 = tpu.memref_squeeze %dma_start3A_511 : memref<1x64xf32, #tpu.memory_space<hbm>> -> memref<64xf32, #tpu.memory_space<hbm>>
      tpu.enqueue_dma source(%dma_start3A_512 : memref<64xf32, #tpu.memory_space<hbm>>) target(%dma_start3A_509 : memref<64xf32, #tpu.memory_space<vmem>>) target_semaphore(%arg13 : memref<!tpu.dma_semaphore, #tpu.memory_space<semaphore_mem>>)
      %slice3A_513 = vector.extract_strided_slice %get3A_81 {offsets = [13], sizes = [1], strides = [1]} : vector<16xi32> to vector<1xi32>
      %squeeze3A_514 = vector.extract %slice3A_513[0] : i32 from vector<1xi32>
      %dma_start3A_515 = arith.constant 64 : i32
      %dma_start3A_516 = tpu.memref_slice %arg11[%add3A_498, %dma_start3A_515] : memref<128x128xf32, #tpu.memory_space<vmem>> -> memref<1x64xf32, #tpu.memory_space<vmem>>
      %dma_start3A_517 = tpu.memref_squeeze %dma_start3A_516 : memref<1x64xf32, #tpu.memory_space<vmem>> -> memref<64xf32, #tpu.memory_space<vmem>>
      %dma_start3A_518 = arith.constant 0 : i32
      %dma_start3A_519 = tpu.memref_slice %arg5[%squeeze3A_514, %dma_start3A_518] : memref<1000000x64xf32, #tpu.memory_space<hbm>> -> memref<1x64xf32, #tpu.memory_space<hbm>>
      %dma_start3A_520 = tpu.memref_squeeze %dma_start3A_519 : memref<1x64xf32, #tpu.memory_space<hbm>> -> memref<64xf32, #tpu.memory_space<hbm>>
      %dma_start3A_521 = arith.constant 64 : i32
      %dma_start3A_522 = tpu.memref_slice %arg11[%add3A_498, %dma_start3A_521] : memref<128x128xf32, #tpu.memory_space<vmem>> -> memref<1x64xf32, #tpu.memory_space<vmem>>
      %dma_start3A_523 = tpu.memref_squeeze %dma_start3A_522 : memref<1x64xf32, #tpu.memory_space<vmem>> -> memref<64xf32, #tpu.memory_space<vmem>>
      %dma_start3A_524 = arith.constant 0 : i32
      %dma_start3A_525 = tpu.memref_slice %arg5[%squeeze3A_514, %dma_start3A_524] : memref<1000000x64xf32, #tpu.memory_space<hbm>> -> memref<1x64xf32, #tpu.memory_space<hbm>>
      %dma_start3A_526 = tpu.memref_squeeze %dma_start3A_525 : memref<1x64xf32, #tpu.memory_space<hbm>> -> memref<64xf32, #tpu.memory_space<hbm>>
      tpu.enqueue_dma source(%dma_start3A_526 : memref<64xf32, #tpu.memory_space<hbm>>) target(%dma_start3A_523 : memref<64xf32, #tpu.memory_space<vmem>>) target_semaphore(%arg13 : memref<!tpu.dma_semaphore, #tpu.memory_space<semaphore_mem>>)
      %mul3A_527 = arith.constant 8 : i32
      %mul3A_528 = arith.muli %scan3A_41, %mul3A_527 : i32
      %add3A_529 = arith.constant 7 : i32
      %add3A_530 = arith.addi %mul3A_528, %add3A_529 : i32
      %slice3A_531 = vector.extract_strided_slice %get3A_78 {offsets = [14], sizes = [1], strides = [1]} : vector<16xi32> to vector<1xi32>
      %squeeze3A_532 = vector.extract %slice3A_531[0] : i32 from vector<1xi32>
      %dma_start3A_533 = arith.constant 0 : i32
      %dma_start3A_534 = tpu.memref_slice %arg10[%add3A_530, %dma_start3A_533] : memref<128x128xf32, #tpu.memory_space<vmem>> -> memref<1x64xf32, #tpu.memory_space<vmem>>
      %dma_start3A_535 = tpu.memref_squeeze %dma_start3A_534 : memref<1x64xf32, #tpu.memory_space<vmem>> -> memref<64xf32, #tpu.memory_space<vmem>>
      %dma_start3A_536 = arith.constant 0 : i32
      %dma_start3A_537 = tpu.memref_slice %arg4[%squeeze3A_532, %dma_start3A_536] : memref<1000000x64xf32, #tpu.memory_space<hbm>> -> memref<1x64xf32, #tpu.memory_space<hbm>>
      %dma_start3A_538 = tpu.memref_squeeze %dma_start3A_537 : memref<1x64xf32, #tpu.memory_space<hbm>> -> memref<64xf32, #tpu.memory_space<hbm>>
      %dma_start3A_539 = arith.constant 0 : i32
      %dma_start3A_540 = tpu.memref_slice %arg10[%add3A_530, %dma_start3A_539] : memref<128x128xf32, #tpu.memory_space<vmem>> -> memref<1x64xf32, #tpu.memory_space<vmem>>
      %dma_start3A_541 = tpu.memref_squeeze %dma_start3A_540 : memref<1x64xf32, #tpu.memory_space<vmem>> -> memref<64xf32, #tpu.memory_space<vmem>>
      %dma_start3A_542 = arith.constant 0 : i32
      %dma_start3A_543 = tpu.memref_slice %arg4[%squeeze3A_532, %dma_start3A_542] : memref<1000000x64xf32, #tpu.memory_space<hbm>> -> memref<1x64xf32, #tpu.memory_space<hbm>>
      %dma_start3A_544 = tpu.memref_squeeze %dma_start3A_543 : memref<1x64xf32, #tpu.memory_space<hbm>> -> memref<64xf32, #tpu.memory_space<hbm>>
      tpu.enqueue_dma source(%dma_start3A_544 : memref<64xf32, #tpu.memory_space<hbm>>) target(%dma_start3A_541 : memref<64xf32, #tpu.memory_space<vmem>>) target_semaphore(%arg13 : memref<!tpu.dma_semaphore, #tpu.memory_space<semaphore_mem>>)
      %slice3A_545 = vector.extract_strided_slice %get3A_81 {offsets = [14], sizes = [1], strides = [1]} : vector<16xi32> to vector<1xi32>
      %squeeze3A_546 = vector.extract %slice3A_545[0] : i32 from vector<1xi32>
      %dma_start3A_547 = arith.constant 0 : i32
      %dma_start3A_548 = tpu.memref_slice %arg11[%add3A_530, %dma_start3A_547] : memref<128x128xf32, #tpu.memory_space<vmem>> -> memref<1x64xf32, #tpu.memory_space<vmem>>
      %dma_start3A_549 = tpu.memref_squeeze %dma_start3A_548 : memref<1x64xf32, #tpu.memory_space<vmem>> -> memref<64xf32, #tpu.memory_space<vmem>>
      %dma_start3A_550 = arith.constant 0 : i32
      %dma_start3A_551 = tpu.memref_slice %arg5[%squeeze3A_546, %dma_start3A_550] : memref<1000000x64xf32, #tpu.memory_space<hbm>> -> memref<1x64xf32, #tpu.memory_space<hbm>>
      %dma_start3A_552 = tpu.memref_squeeze %dma_start3A_551 : memref<1x64xf32, #tpu.memory_space<hbm>> -> memref<64xf32, #tpu.memory_space<hbm>>
      %dma_start3A_553 = arith.constant 0 : i32
      %dma_start3A_554 = tpu.memref_slice %arg11[%add3A_530, %dma_start3A_553] : memref<128x128xf32, #tpu.memory_space<vmem>> -> memref<1x64xf32, #tpu.memory_space<vmem>>
      %dma_start3A_555 = tpu.memref_squeeze %dma_start3A_554 : memref<1x64xf32, #tpu.memory_space<vmem>> -> memref<64xf32, #tpu.memory_space<vmem>>
      %dma_start3A_556 = arith.constant 0 : i32
      %dma_start3A_557 = tpu.memref_slice %arg5[%squeeze3A_546, %dma_start3A_556] : memref<1000000x64xf32, #tpu.memory_space<hbm>> -> memref<1x64xf32, #tpu.memory_space<hbm>>
      %dma_start3A_558 = tpu.memref_squeeze %dma_start3A_557 : memref<1x64xf32, #tpu.memory_space<hbm>> -> memref<64xf32, #tpu.memory_space<hbm>>
      tpu.enqueue_dma source(%dma_start3A_558 : memref<64xf32, #tpu.memory_space<hbm>>) target(%dma_start3A_555 : memref<64xf32, #tpu.memory_space<vmem>>) target_semaphore(%arg13 : memref<!tpu.dma_semaphore, #tpu.memory_space<semaphore_mem>>)
      %mul3A_559 = arith.constant 8 : i32
      %mul3A_560 = arith.muli %scan3A_41, %mul3A_559 : i32
      %add3A_561 = arith.constant 7 : i32
      %add3A_562 = arith.addi %mul3A_560, %add3A_561 : i32
      %slice3A_563 = vector.extract_strided_slice %get3A_78 {offsets = [15], sizes = [1], strides = [1]} : vector<16xi32> to vector<1xi32>
      %squeeze3A_564 = vector.extract %slice3A_563[0] : i32 from vector<1xi32>
      %dma_start3A_565 = arith.constant 64 : i32
      %dma_start3A_566 = tpu.memref_slice %arg10[%add3A_562, %dma_start3A_565] : memref<128x128xf32, #tpu.memory_space<vmem>> -> memref<1x64xf32, #tpu.memory_space<vmem>>
      %dma_start3A_567 = tpu.memref_squeeze %dma_start3A_566 : memref<1x64xf32, #tpu.memory_space<vmem>> -> memref<64xf32, #tpu.memory_space<vmem>>
      %dma_start3A_568 = arith.constant 0 : i32
      %dma_start3A_569 = tpu.memref_slice %arg4[%squeeze3A_564, %dma_start3A_568] : memref<1000000x64xf32, #tpu.memory_space<hbm>> -> memref<1x64xf32, #tpu.memory_space<hbm>>
      %dma_start3A_570 = tpu.memref_squeeze %dma_start3A_569 : memref<1x64xf32, #tpu.memory_space<hbm>> -> memref<64xf32, #tpu.memory_space<hbm>>
      %dma_start3A_571 = arith.constant 64 : i32
      %dma_start3A_572 = tpu.memref_slice %arg10[%add3A_562, %dma_start3A_571] : memref<128x128xf32, #tpu.memory_space<vmem>> -> memref<1x64xf32, #tpu.memory_space<vmem>>
      %dma_start3A_573 = tpu.memref_squeeze %dma_start3A_572 : memref<1x64xf32, #tpu.memory_space<vmem>> -> memref<64xf32, #tpu.memory_space<vmem>>
      %dma_start3A_574 = arith.constant 0 : i32
      %dma_start3A_575 = tpu.memref_slice %arg4[%squeeze3A_564, %dma_start3A_574] : memref<1000000x64xf32, #tpu.memory_space<hbm>> -> memref<1x64xf32, #tpu.memory_space<hbm>>
      %dma_start3A_576 = tpu.memref_squeeze %dma_start3A_575 : memref<1x64xf32, #tpu.memory_space<hbm>> -> memref<64xf32, #tpu.memory_space<hbm>>
      tpu.enqueue_dma source(%dma_start3A_576 : memref<64xf32, #tpu.memory_space<hbm>>) target(%dma_start3A_573 : memref<64xf32, #tpu.memory_space<vmem>>) target_semaphore(%arg13 : memref<!tpu.dma_semaphore, #tpu.memory_space<semaphore_mem>>)
      %slice3A_577 = vector.extract_strided_slice %get3A_81 {offsets = [15], sizes = [1], strides = [1]} : vector<16xi32> to vector<1xi32>
      %squeeze3A_578 = vector.extract %slice3A_577[0] : i32 from vector<1xi32>
      %dma_start3A_579 = arith.constant 64 : i32
      %dma_start3A_580 = tpu.memref_slice %arg11[%add3A_562, %dma_start3A_579] : memref<128x128xf32, #tpu.memory_space<vmem>> -> memref<1x64xf32, #tpu.memory_space<vmem>>
      %dma_start3A_581 = tpu.memref_squeeze %dma_start3A_580 : memref<1x64xf32, #tpu.memory_space<vmem>> -> memref<64xf32, #tpu.memory_space<vmem>>
      %dma_start3A_582 = arith.constant 0 : i32
      %dma_start3A_583 = tpu.memref_slice %arg5[%squeeze3A_578, %dma_start3A_582] : memref<1000000x64xf32, #tpu.memory_space<hbm>> -> memref<1x64xf32, #tpu.memory_space<hbm>>
      %dma_start3A_584 = tpu.memref_squeeze %dma_start3A_583 : memref<1x64xf32, #tpu.memory_space<hbm>> -> memref<64xf32, #tpu.memory_space<hbm>>
      %dma_start3A_585 = arith.constant 64 : i32
      %dma_start3A_586 = tpu.memref_slice %arg11[%add3A_562, %dma_start3A_585] : memref<128x128xf32, #tpu.memory_space<vmem>> -> memref<1x64xf32, #tpu.memory_space<vmem>>
      %dma_start3A_587 = tpu.memref_squeeze %dma_start3A_586 : memref<1x64xf32, #tpu.memory_space<vmem>> -> memref<64xf32, #tpu.memory_space<vmem>>
      %dma_start3A_588 = arith.constant 0 : i32
      %dma_start3A_589 = tpu.memref_slice %arg5[%squeeze3A_578, %dma_start3A_588] : memref<1000000x64xf32, #tpu.memory_space<hbm>> -> memref<1x64xf32, #tpu.memory_space<hbm>>
      %dma_start3A_590 = tpu.memref_squeeze %dma_start3A_589 : memref<1x64xf32, #tpu.memory_space<hbm>> -> memref<64xf32, #tpu.memory_space<hbm>>
      tpu.enqueue_dma source(%dma_start3A_590 : memref<64xf32, #tpu.memory_space<hbm>>) target(%dma_start3A_587 : memref<64xf32, #tpu.memory_space<vmem>>) target_semaphore(%arg13 : memref<!tpu.dma_semaphore, #tpu.memory_space<semaphore_mem>>)
    }
    %scan3A_7 = arith.constant 16 : i32
    tpu.wait_dma2 semaphore(%arg13 : memref<!tpu.dma_semaphore, #tpu.memory_space<semaphore_mem>>) src(%arg6 : memref<128x128xf32, #tpu.memory_space<hbm>>) dst(%arg10 : memref<128x128xf32, #tpu.memory_space<vmem>>)
    tpu.wait_dma2 semaphore(%arg13 : memref<!tpu.dma_semaphore, #tpu.memory_space<semaphore_mem>>) src(%arg6 : memref<128x128xf32, #tpu.memory_space<hbm>>) dst(%arg11 : memref<128x128xf32, #tpu.memory_space<vmem>>)
    %and3A = arith.constant 1 : i32
    %and3A_8 = vector.broadcast %and3A : i32 to vector<16xi32>
    %and3A_9 = arith.andi %iota3A, %and3A_8 : vector<16xi32>
    %shift_left3A = arith.constant 6 : i32
    %shift_left3A_10 = vector.broadcast %shift_left3A : i32 to vector<16xi32>
    %shift_left3A_11 = arith.shli %and3A_9, %shift_left3A_10 : vector<16xi32>
    %shift_right_logical3A = arith.constant 1 : i32
    %shift_right_logical3A_12 = vector.broadcast %shift_right_logical3A : i32 to vector<16xi32>
    %shift_right_logical3A_13 = arith.shrui %iota3A, %shift_right_logical3A_12 : vector<16xi32>
    %scan3A_14 = arith.constant 0 : i32
    %scan3A_15 = arith.constant 0 : i32
    %scan3A_16 = arith.constant 16 : i32
    %scan3A_17 = arith.addi %scan3A_15, %scan3A_16 : i32
    %scan3A_18 = arith.constant 1 : i32
    scf.for %scan3A_41 = %scan3A_15 to %scan3A_17 step %scan3A_18  : i32 {
      %mul3A_42 = arith.constant 16 : i32
      %mul3A_43 = arith.muli %scan3A_41, %mul3A_42 : i32
      %add3A_44 = arith.constant 0 : i32
      %add3A_45 = arith.addi %add3A_44, %mul3A_43 : i32
      %mul3A_46 = arith.constant 8 : i32
      %mul3A_47 = arith.muli %scan3A_41, %mul3A_46 : i32
      %add3A_48 = vector.broadcast %mul3A_47 : i32 to vector<16xi32>
      %add3A_49 = arith.addi %add3A_48, %shift_right_logical3A_13 : vector<16xi32>
      %broadcast_in_dim3A = arith.constant 0.000000e+00 : f32
      %broadcast_in_dim3A_50 = vector.broadcast %broadcast_in_dim3A : f32 to vector<16xf32>
      %add3A_51 = arith.constant 0 : i32
      %add3A_52 = vector.broadcast %add3A_51 : i32 to vector<16xi32>
      %add3A_53 = arith.addi %shift_left3A_11, %add3A_52 : vector<16xi32>
      %gather3A = tpu.vector_load_idx %arg10[%add3A_49, %add3A_53] : memref<128x128xf32, #tpu.memory_space<vmem>>[vector<16xi32>, vector<16xi32>], vector<16xf32>,
      %gather3A_54 = tpu.vector_load_idx %arg11[%add3A_49, %add3A_53] : memref<128x128xf32, #tpu.memory_space<vmem>>[vector<16xi32>, vector<16xi32>], vector<16xf32>,
      %mul3A_55 = arith.mulf %gather3A, %gather3A_54 : vector<16xf32>
      %add3A_56 = arith.addf %broadcast_in_dim3A_50, %mul3A_55 : vector<16xf32>
      %add3A_57 = arith.constant 1 : i32
      %add3A_58 = vector.broadcast %add3A_57 : i32 to vector<16xi32>
      %add3A_59 = arith.addi %shift_left3A_11, %add3A_58 : vector<16xi32>
      %gather3A_60 = tpu.vector_load_idx %arg10[%add3A_49, %add3A_59] : memref<128x128xf32, #tpu.memory_space<vmem>>[vector<16xi32>, vector<16xi32>], vector<16xf32>,
      %gather3A_61 = tpu.vector_load_idx %arg11[%add3A_49, %add3A_59] : memref<128x128xf32, #tpu.memory_space<vmem>>[vector<16xi32>, vector<16xi32>], vector<16xf32>,
      %mul3A_62 = arith.mulf %gather3A_60, %gather3A_61 : vector<16xf32>
      %add3A_63 = arith.addf %add3A_56, %mul3A_62 : vector<16xf32>
      %add3A_64 = arith.constant 2 : i32
      %add3A_65 = vector.broadcast %add3A_64 : i32 to vector<16xi32>
      %add3A_66 = arith.addi %shift_left3A_11, %add3A_65 : vector<16xi32>
      %gather3A_67 = tpu.vector_load_idx %arg10[%add3A_49, %add3A_66] : memref<128x128xf32, #tpu.memory_space<vmem>>[vector<16xi32>, vector<16xi32>], vector<16xf32>,
      %gather3A_68 = tpu.vector_load_idx %arg11[%add3A_49, %add3A_66] : memref<128x128xf32, #tpu.memory_space<vmem>>[vector<16xi32>, vector<16xi32>], vector<16xf32>,
      %mul3A_69 = arith.mulf %gather3A_67, %gather3A_68 : vector<16xf32>
      %add3A_70 = arith.addf %add3A_63, %mul3A_69 : vector<16xf32>
      %add3A_71 = arith.constant 3 : i32
      %add3A_72 = vector.broadcast %add3A_71 : i32 to vector<16xi32>
      %add3A_73 = arith.addi %shift_left3A_11, %add3A_72 : vector<16xi32>
      %gather3A_74 = tpu.vector_load_idx %arg10[%add3A_49, %add3A_73] : memref<128x128xf32, #tpu.memory_space<vmem>>[vector<16xi32>, vector<16xi32>], vector<16xf32>,
      %gather3A_75 = tpu.vector_load_idx %arg11[%add3A_49, %add3A_73] : memref<128x128xf32, #tpu.memory_space<vmem>>[vector<16xi32>, vector<16xi32>], vector<16xf32>,
      %mul3A_76 = arith.mulf %gather3A_74, %gather3A_75 : vector<16xf32>
      %add3A_77 = arith.addf %add3A_70, %mul3A_76 : vector<16xf32>
      %add3A_78 = arith.constant 4 : i32
      %add3A_79 = vector.broadcast %add3A_78 : i32 to vector<16xi32>
      %add3A_80 = arith.addi %shift_left3A_11, %add3A_79 : vector<16xi32>
      %gather3A_81 = tpu.vector_load_idx %arg10[%add3A_49, %add3A_80] : memref<128x128xf32, #tpu.memory_space<vmem>>[vector<16xi32>, vector<16xi32>], vector<16xf32>,
      %gather3A_82 = tpu.vector_load_idx %arg11[%add3A_49, %add3A_80] : memref<128x128xf32, #tpu.memory_space<vmem>>[vector<16xi32>, vector<16xi32>], vector<16xf32>,
      %mul3A_83 = arith.mulf %gather3A_81, %gather3A_82 : vector<16xf32>
      %add3A_84 = arith.addf %add3A_77, %mul3A_83 : vector<16xf32>
      %add3A_85 = arith.constant 5 : i32
      %add3A_86 = vector.broadcast %add3A_85 : i32 to vector<16xi32>
      %add3A_87 = arith.addi %shift_left3A_11, %add3A_86 : vector<16xi32>
      %gather3A_88 = tpu.vector_load_idx %arg10[%add3A_49, %add3A_87] : memref<128x128xf32, #tpu.memory_space<vmem>>[vector<16xi32>, vector<16xi32>], vector<16xf32>,
      %gather3A_89 = tpu.vector_load_idx %arg11[%add3A_49, %add3A_87] : memref<128x128xf32, #tpu.memory_space<vmem>>[vector<16xi32>, vector<16xi32>], vector<16xf32>,
      %mul3A_90 = arith.mulf %gather3A_88, %gather3A_89 : vector<16xf32>
      %add3A_91 = arith.addf %add3A_84, %mul3A_90 : vector<16xf32>
      %add3A_92 = arith.constant 6 : i32
      %add3A_93 = vector.broadcast %add3A_92 : i32 to vector<16xi32>
      %add3A_94 = arith.addi %shift_left3A_11, %add3A_93 : vector<16xi32>
      %gather3A_95 = tpu.vector_load_idx %arg10[%add3A_49, %add3A_94] : memref<128x128xf32, #tpu.memory_space<vmem>>[vector<16xi32>, vector<16xi32>], vector<16xf32>,
      %gather3A_96 = tpu.vector_load_idx %arg11[%add3A_49, %add3A_94] : memref<128x128xf32, #tpu.memory_space<vmem>>[vector<16xi32>, vector<16xi32>], vector<16xf32>,
      %mul3A_97 = arith.mulf %gather3A_95, %gather3A_96 : vector<16xf32>
      %add3A_98 = arith.addf %add3A_91, %mul3A_97 : vector<16xf32>
      %add3A_99 = arith.constant 7 : i32
      %add3A_100 = vector.broadcast %add3A_99 : i32 to vector<16xi32>
      %add3A_101 = arith.addi %shift_left3A_11, %add3A_100 : vector<16xi32>
      %gather3A_102 = tpu.vector_load_idx %arg10[%add3A_49, %add3A_101] : memref<128x128xf32, #tpu.memory_space<vmem>>[vector<16xi32>, vector<16xi32>], vector<16xf32>,
      %gather3A_103 = tpu.vector_load_idx %arg11[%add3A_49, %add3A_101] : memref<128x128xf32, #tpu.memory_space<vmem>>[vector<16xi32>, vector<16xi32>], vector<16xf32>,
      %mul3A_104 = arith.mulf %gather3A_102, %gather3A_103 : vector<16xf32>
      %add3A_105 = arith.addf %add3A_98, %mul3A_104 : vector<16xf32>
      %add3A_106 = arith.constant 8 : i32
      %add3A_107 = vector.broadcast %add3A_106 : i32 to vector<16xi32>
      %add3A_108 = arith.addi %shift_left3A_11, %add3A_107 : vector<16xi32>
      %gather3A_109 = tpu.vector_load_idx %arg10[%add3A_49, %add3A_108] : memref<128x128xf32, #tpu.memory_space<vmem>>[vector<16xi32>, vector<16xi32>], vector<16xf32>,
      %gather3A_110 = tpu.vector_load_idx %arg11[%add3A_49, %add3A_108] : memref<128x128xf32, #tpu.memory_space<vmem>>[vector<16xi32>, vector<16xi32>], vector<16xf32>,
      %mul3A_111 = arith.mulf %gather3A_109, %gather3A_110 : vector<16xf32>
      %add3A_112 = arith.addf %add3A_105, %mul3A_111 : vector<16xf32>
      %add3A_113 = arith.constant 9 : i32
      %add3A_114 = vector.broadcast %add3A_113 : i32 to vector<16xi32>
      %add3A_115 = arith.addi %shift_left3A_11, %add3A_114 : vector<16xi32>
      %gather3A_116 = tpu.vector_load_idx %arg10[%add3A_49, %add3A_115] : memref<128x128xf32, #tpu.memory_space<vmem>>[vector<16xi32>, vector<16xi32>], vector<16xf32>,
      %gather3A_117 = tpu.vector_load_idx %arg11[%add3A_49, %add3A_115] : memref<128x128xf32, #tpu.memory_space<vmem>>[vector<16xi32>, vector<16xi32>], vector<16xf32>,
      %mul3A_118 = arith.mulf %gather3A_116, %gather3A_117 : vector<16xf32>
      %add3A_119 = arith.addf %add3A_112, %mul3A_118 : vector<16xf32>
      %add3A_120 = arith.constant 10 : i32
      %add3A_121 = vector.broadcast %add3A_120 : i32 to vector<16xi32>
      %add3A_122 = arith.addi %shift_left3A_11, %add3A_121 : vector<16xi32>
      %gather3A_123 = tpu.vector_load_idx %arg10[%add3A_49, %add3A_122] : memref<128x128xf32, #tpu.memory_space<vmem>>[vector<16xi32>, vector<16xi32>], vector<16xf32>,
      %gather3A_124 = tpu.vector_load_idx %arg11[%add3A_49, %add3A_122] : memref<128x128xf32, #tpu.memory_space<vmem>>[vector<16xi32>, vector<16xi32>], vector<16xf32>,
      %mul3A_125 = arith.mulf %gather3A_123, %gather3A_124 : vector<16xf32>
      %add3A_126 = arith.addf %add3A_119, %mul3A_125 : vector<16xf32>
      %add3A_127 = arith.constant 11 : i32
      %add3A_128 = vector.broadcast %add3A_127 : i32 to vector<16xi32>
      %add3A_129 = arith.addi %shift_left3A_11, %add3A_128 : vector<16xi32>
      %gather3A_130 = tpu.vector_load_idx %arg10[%add3A_49, %add3A_129] : memref<128x128xf32, #tpu.memory_space<vmem>>[vector<16xi32>, vector<16xi32>], vector<16xf32>,
      %gather3A_131 = tpu.vector_load_idx %arg11[%add3A_49, %add3A_129] : memref<128x128xf32, #tpu.memory_space<vmem>>[vector<16xi32>, vector<16xi32>], vector<16xf32>,
      %mul3A_132 = arith.mulf %gather3A_130, %gather3A_131 : vector<16xf32>
      %add3A_133 = arith.addf %add3A_126, %mul3A_132 : vector<16xf32>
      %add3A_134 = arith.constant 12 : i32
      %add3A_135 = vector.broadcast %add3A_134 : i32 to vector<16xi32>
      %add3A_136 = arith.addi %shift_left3A_11, %add3A_135 : vector<16xi32>
      %gather3A_137 = tpu.vector_load_idx %arg10[%add3A_49, %add3A_136] : memref<128x128xf32, #tpu.memory_space<vmem>>[vector<16xi32>, vector<16xi32>], vector<16xf32>,
      %gather3A_138 = tpu.vector_load_idx %arg11[%add3A_49, %add3A_136] : memref<128x128xf32, #tpu.memory_space<vmem>>[vector<16xi32>, vector<16xi32>], vector<16xf32>,
      %mul3A_139 = arith.mulf %gather3A_137, %gather3A_138 : vector<16xf32>
      %add3A_140 = arith.addf %add3A_133, %mul3A_139 : vector<16xf32>
      %add3A_141 = arith.constant 13 : i32
      %add3A_142 = vector.broadcast %add3A_141 : i32 to vector<16xi32>
      %add3A_143 = arith.addi %shift_left3A_11, %add3A_142 : vector<16xi32>
      %gather3A_144 = tpu.vector_load_idx %arg10[%add3A_49, %add3A_143] : memref<128x128xf32, #tpu.memory_space<vmem>>[vector<16xi32>, vector<16xi32>], vector<16xf32>,
      %gather3A_145 = tpu.vector_load_idx %arg11[%add3A_49, %add3A_143] : memref<128x128xf32, #tpu.memory_space<vmem>>[vector<16xi32>, vector<16xi32>], vector<16xf32>,
      %mul3A_146 = arith.mulf %gather3A_144, %gather3A_145 : vector<16xf32>
      %add3A_147 = arith.addf %add3A_140, %mul3A_146 : vector<16xf32>
      %add3A_148 = arith.constant 14 : i32
      %add3A_149 = vector.broadcast %add3A_148 : i32 to vector<16xi32>
      %add3A_150 = arith.addi %shift_left3A_11, %add3A_149 : vector<16xi32>
      %gather3A_151 = tpu.vector_load_idx %arg10[%add3A_49, %add3A_150] : memref<128x128xf32, #tpu.memory_space<vmem>>[vector<16xi32>, vector<16xi32>], vector<16xf32>,
      %gather3A_152 = tpu.vector_load_idx %arg11[%add3A_49, %add3A_150] : memref<128x128xf32, #tpu.memory_space<vmem>>[vector<16xi32>, vector<16xi32>], vector<16xf32>,
      %mul3A_153 = arith.mulf %gather3A_151, %gather3A_152 : vector<16xf32>
      %add3A_154 = arith.addf %add3A_147, %mul3A_153 : vector<16xf32>
      %add3A_155 = arith.constant 15 : i32
      %add3A_156 = vector.broadcast %add3A_155 : i32 to vector<16xi32>
      %add3A_157 = arith.addi %shift_left3A_11, %add3A_156 : vector<16xi32>
      %gather3A_158 = tpu.vector_load_idx %arg10[%add3A_49, %add3A_157] : memref<128x128xf32, #tpu.memory_space<vmem>>[vector<16xi32>, vector<16xi32>], vector<16xf32>,
      %gather3A_159 = tpu.vector_load_idx %arg11[%add3A_49, %add3A_157] : memref<128x128xf32, #tpu.memory_space<vmem>>[vector<16xi32>, vector<16xi32>], vector<16xf32>,
      %mul3A_160 = arith.mulf %gather3A_158, %gather3A_159 : vector<16xf32>
      %add3A_161 = arith.addf %add3A_154, %mul3A_160 : vector<16xf32>
      %add3A_162 = arith.constant 16 : i32
      %add3A_163 = vector.broadcast %add3A_162 : i32 to vector<16xi32>
      %add3A_164 = arith.addi %shift_left3A_11, %add3A_163 : vector<16xi32>
      %gather3A_165 = tpu.vector_load_idx %arg10[%add3A_49, %add3A_164] : memref<128x128xf32, #tpu.memory_space<vmem>>[vector<16xi32>, vector<16xi32>], vector<16xf32>,
      %gather3A_166 = tpu.vector_load_idx %arg11[%add3A_49, %add3A_164] : memref<128x128xf32, #tpu.memory_space<vmem>>[vector<16xi32>, vector<16xi32>], vector<16xf32>,
      %mul3A_167 = arith.mulf %gather3A_165, %gather3A_166 : vector<16xf32>
      %add3A_168 = arith.addf %add3A_161, %mul3A_167 : vector<16xf32>
      %add3A_169 = arith.constant 17 : i32
      %add3A_170 = vector.broadcast %add3A_169 : i32 to vector<16xi32>
      %add3A_171 = arith.addi %shift_left3A_11, %add3A_170 : vector<16xi32>
      %gather3A_172 = tpu.vector_load_idx %arg10[%add3A_49, %add3A_171] : memref<128x128xf32, #tpu.memory_space<vmem>>[vector<16xi32>, vector<16xi32>], vector<16xf32>,
      %gather3A_173 = tpu.vector_load_idx %arg11[%add3A_49, %add3A_171] : memref<128x128xf32, #tpu.memory_space<vmem>>[vector<16xi32>, vector<16xi32>], vector<16xf32>,
      %mul3A_174 = arith.mulf %gather3A_172, %gather3A_173 : vector<16xf32>
      %add3A_175 = arith.addf %add3A_168, %mul3A_174 : vector<16xf32>
      %add3A_176 = arith.constant 18 : i32
      %add3A_177 = vector.broadcast %add3A_176 : i32 to vector<16xi32>
      %add3A_178 = arith.addi %shift_left3A_11, %add3A_177 : vector<16xi32>
      %gather3A_179 = tpu.vector_load_idx %arg10[%add3A_49, %add3A_178] : memref<128x128xf32, #tpu.memory_space<vmem>>[vector<16xi32>, vector<16xi32>], vector<16xf32>,
      %gather3A_180 = tpu.vector_load_idx %arg11[%add3A_49, %add3A_178] : memref<128x128xf32, #tpu.memory_space<vmem>>[vector<16xi32>, vector<16xi32>], vector<16xf32>,
      %mul3A_181 = arith.mulf %gather3A_179, %gather3A_180 : vector<16xf32>
      %add3A_182 = arith.addf %add3A_175, %mul3A_181 : vector<16xf32>
      %add3A_183 = arith.constant 19 : i32
      %add3A_184 = vector.broadcast %add3A_183 : i32 to vector<16xi32>
      %add3A_185 = arith.addi %shift_left3A_11, %add3A_184 : vector<16xi32>
      %gather3A_186 = tpu.vector_load_idx %arg10[%add3A_49, %add3A_185] : memref<128x128xf32, #tpu.memory_space<vmem>>[vector<16xi32>, vector<16xi32>], vector<16xf32>,
      %gather3A_187 = tpu.vector_load_idx %arg11[%add3A_49, %add3A_185] : memref<128x128xf32, #tpu.memory_space<vmem>>[vector<16xi32>, vector<16xi32>], vector<16xf32>,
      %mul3A_188 = arith.mulf %gather3A_186, %gather3A_187 : vector<16xf32>
      %add3A_189 = arith.addf %add3A_182, %mul3A_188 : vector<16xf32>
      %add3A_190 = arith.constant 20 : i32
      %add3A_191 = vector.broadcast %add3A_190 : i32 to vector<16xi32>
      %add3A_192 = arith.addi %shift_left3A_11, %add3A_191 : vector<16xi32>
      %gather3A_193 = tpu.vector_load_idx %arg10[%add3A_49, %add3A_192] : memref<128x128xf32, #tpu.memory_space<vmem>>[vector<16xi32>, vector<16xi32>], vector<16xf32>,
      %gather3A_194 = tpu.vector_load_idx %arg11[%add3A_49, %add3A_192] : memref<128x128xf32, #tpu.memory_space<vmem>>[vector<16xi32>, vector<16xi32>], vector<16xf32>,
      %mul3A_195 = arith.mulf %gather3A_193, %gather3A_194 : vector<16xf32>
      %add3A_196 = arith.addf %add3A_189, %mul3A_195 : vector<16xf32>
      %add3A_197 = arith.constant 21 : i32
      %add3A_198 = vector.broadcast %add3A_197 : i32 to vector<16xi32>
      %add3A_199 = arith.addi %shift_left3A_11, %add3A_198 : vector<16xi32>
      %gather3A_200 = tpu.vector_load_idx %arg10[%add3A_49, %add3A_199] : memref<128x128xf32, #tpu.memory_space<vmem>>[vector<16xi32>, vector<16xi32>], vector<16xf32>,
      %gather3A_201 = tpu.vector_load_idx %arg11[%add3A_49, %add3A_199] : memref<128x128xf32, #tpu.memory_space<vmem>>[vector<16xi32>, vector<16xi32>], vector<16xf32>,
      %mul3A_202 = arith.mulf %gather3A_200, %gather3A_201 : vector<16xf32>
      %add3A_203 = arith.addf %add3A_196, %mul3A_202 : vector<16xf32>
      %add3A_204 = arith.constant 22 : i32
      %add3A_205 = vector.broadcast %add3A_204 : i32 to vector<16xi32>
      %add3A_206 = arith.addi %shift_left3A_11, %add3A_205 : vector<16xi32>
      %gather3A_207 = tpu.vector_load_idx %arg10[%add3A_49, %add3A_206] : memref<128x128xf32, #tpu.memory_space<vmem>>[vector<16xi32>, vector<16xi32>], vector<16xf32>,
      %gather3A_208 = tpu.vector_load_idx %arg11[%add3A_49, %add3A_206] : memref<128x128xf32, #tpu.memory_space<vmem>>[vector<16xi32>, vector<16xi32>], vector<16xf32>,
      %mul3A_209 = arith.mulf %gather3A_207, %gather3A_208 : vector<16xf32>
      %add3A_210 = arith.addf %add3A_203, %mul3A_209 : vector<16xf32>
      %add3A_211 = arith.constant 23 : i32
      %add3A_212 = vector.broadcast %add3A_211 : i32 to vector<16xi32>
      %add3A_213 = arith.addi %shift_left3A_11, %add3A_212 : vector<16xi32>
      %gather3A_214 = tpu.vector_load_idx %arg10[%add3A_49, %add3A_213] : memref<128x128xf32, #tpu.memory_space<vmem>>[vector<16xi32>, vector<16xi32>], vector<16xf32>,
      %gather3A_215 = tpu.vector_load_idx %arg11[%add3A_49, %add3A_213] : memref<128x128xf32, #tpu.memory_space<vmem>>[vector<16xi32>, vector<16xi32>], vector<16xf32>,
      %mul3A_216 = arith.mulf %gather3A_214, %gather3A_215 : vector<16xf32>
      %add3A_217 = arith.addf %add3A_210, %mul3A_216 : vector<16xf32>
      %add3A_218 = arith.constant 24 : i32
      %add3A_219 = vector.broadcast %add3A_218 : i32 to vector<16xi32>
      %add3A_220 = arith.addi %shift_left3A_11, %add3A_219 : vector<16xi32>
      %gather3A_221 = tpu.vector_load_idx %arg10[%add3A_49, %add3A_220] : memref<128x128xf32, #tpu.memory_space<vmem>>[vector<16xi32>, vector<16xi32>], vector<16xf32>,
      %gather3A_222 = tpu.vector_load_idx %arg11[%add3A_49, %add3A_220] : memref<128x128xf32, #tpu.memory_space<vmem>>[vector<16xi32>, vector<16xi32>], vector<16xf32>,
      %mul3A_223 = arith.mulf %gather3A_221, %gather3A_222 : vector<16xf32>
      %add3A_224 = arith.addf %add3A_217, %mul3A_223 : vector<16xf32>
      %add3A_225 = arith.constant 25 : i32
      %add3A_226 = vector.broadcast %add3A_225 : i32 to vector<16xi32>
      %add3A_227 = arith.addi %shift_left3A_11, %add3A_226 : vector<16xi32>
      %gather3A_228 = tpu.vector_load_idx %arg10[%add3A_49, %add3A_227] : memref<128x128xf32, #tpu.memory_space<vmem>>[vector<16xi32>, vector<16xi32>], vector<16xf32>,
      %gather3A_229 = tpu.vector_load_idx %arg11[%add3A_49, %add3A_227] : memref<128x128xf32, #tpu.memory_space<vmem>>[vector<16xi32>, vector<16xi32>], vector<16xf32>,
      %mul3A_230 = arith.mulf %gather3A_228, %gather3A_229 : vector<16xf32>
      %add3A_231 = arith.addf %add3A_224, %mul3A_230 : vector<16xf32>
      %add3A_232 = arith.constant 26 : i32
      %add3A_233 = vector.broadcast %add3A_232 : i32 to vector<16xi32>
      %add3A_234 = arith.addi %shift_left3A_11, %add3A_233 : vector<16xi32>
      %gather3A_235 = tpu.vector_load_idx %arg10[%add3A_49, %add3A_234] : memref<128x128xf32, #tpu.memory_space<vmem>>[vector<16xi32>, vector<16xi32>], vector<16xf32>,
      %gather3A_236 = tpu.vector_load_idx %arg11[%add3A_49, %add3A_234] : memref<128x128xf32, #tpu.memory_space<vmem>>[vector<16xi32>, vector<16xi32>], vector<16xf32>,
      %mul3A_237 = arith.mulf %gather3A_235, %gather3A_236 : vector<16xf32>
      %add3A_238 = arith.addf %add3A_231, %mul3A_237 : vector<16xf32>
      %add3A_239 = arith.constant 27 : i32
      %add3A_240 = vector.broadcast %add3A_239 : i32 to vector<16xi32>
      %add3A_241 = arith.addi %shift_left3A_11, %add3A_240 : vector<16xi32>
      %gather3A_242 = tpu.vector_load_idx %arg10[%add3A_49, %add3A_241] : memref<128x128xf32, #tpu.memory_space<vmem>>[vector<16xi32>, vector<16xi32>], vector<16xf32>,
      %gather3A_243 = tpu.vector_load_idx %arg11[%add3A_49, %add3A_241] : memref<128x128xf32, #tpu.memory_space<vmem>>[vector<16xi32>, vector<16xi32>], vector<16xf32>,
      %mul3A_244 = arith.mulf %gather3A_242, %gather3A_243 : vector<16xf32>
      %add3A_245 = arith.addf %add3A_238, %mul3A_244 : vector<16xf32>
      %add3A_246 = arith.constant 28 : i32
      %add3A_247 = vector.broadcast %add3A_246 : i32 to vector<16xi32>
      %add3A_248 = arith.addi %shift_left3A_11, %add3A_247 : vector<16xi32>
      %gather3A_249 = tpu.vector_load_idx %arg10[%add3A_49, %add3A_248] : memref<128x128xf32, #tpu.memory_space<vmem>>[vector<16xi32>, vector<16xi32>], vector<16xf32>,
      %gather3A_250 = tpu.vector_load_idx %arg11[%add3A_49, %add3A_248] : memref<128x128xf32, #tpu.memory_space<vmem>>[vector<16xi32>, vector<16xi32>], vector<16xf32>,
      %mul3A_251 = arith.mulf %gather3A_249, %gather3A_250 : vector<16xf32>
      %add3A_252 = arith.addf %add3A_245, %mul3A_251 : vector<16xf32>
      %add3A_253 = arith.constant 29 : i32
      %add3A_254 = vector.broadcast %add3A_253 : i32 to vector<16xi32>
      %add3A_255 = arith.addi %shift_left3A_11, %add3A_254 : vector<16xi32>
      %gather3A_256 = tpu.vector_load_idx %arg10[%add3A_49, %add3A_255] : memref<128x128xf32, #tpu.memory_space<vmem>>[vector<16xi32>, vector<16xi32>], vector<16xf32>,
      %gather3A_257 = tpu.vector_load_idx %arg11[%add3A_49, %add3A_255] : memref<128x128xf32, #tpu.memory_space<vmem>>[vector<16xi32>, vector<16xi32>], vector<16xf32>,
      %mul3A_258 = arith.mulf %gather3A_256, %gather3A_257 : vector<16xf32>
      %add3A_259 = arith.addf %add3A_252, %mul3A_258 : vector<16xf32>
      %add3A_260 = arith.constant 30 : i32
      %add3A_261 = vector.broadcast %add3A_260 : i32 to vector<16xi32>
      %add3A_262 = arith.addi %shift_left3A_11, %add3A_261 : vector<16xi32>
      %gather3A_263 = tpu.vector_load_idx %arg10[%add3A_49, %add3A_262] : memref<128x128xf32, #tpu.memory_space<vmem>>[vector<16xi32>, vector<16xi32>], vector<16xf32>,
      %gather3A_264 = tpu.vector_load_idx %arg11[%add3A_49, %add3A_262] : memref<128x128xf32, #tpu.memory_space<vmem>>[vector<16xi32>, vector<16xi32>], vector<16xf32>,
      %mul3A_265 = arith.mulf %gather3A_263, %gather3A_264 : vector<16xf32>
      %add3A_266 = arith.addf %add3A_259, %mul3A_265 : vector<16xf32>
      %add3A_267 = arith.constant 31 : i32
      %add3A_268 = vector.broadcast %add3A_267 : i32 to vector<16xi32>
      %add3A_269 = arith.addi %shift_left3A_11, %add3A_268 : vector<16xi32>
      %gather3A_270 = tpu.vector_load_idx %arg10[%add3A_49, %add3A_269] : memref<128x128xf32, #tpu.memory_space<vmem>>[vector<16xi32>, vector<16xi32>], vector<16xf32>,
      %gather3A_271 = tpu.vector_load_idx %arg11[%add3A_49, %add3A_269] : memref<128x128xf32, #tpu.memory_space<vmem>>[vector<16xi32>, vector<16xi32>], vector<16xf32>,
      %mul3A_272 = arith.mulf %gather3A_270, %gather3A_271 : vector<16xf32>
      %add3A_273 = arith.addf %add3A_266, %mul3A_272 : vector<16xf32>
      %add3A_274 = arith.constant 32 : i32
      %add3A_275 = vector.broadcast %add3A_274 : i32 to vector<16xi32>
      %add3A_276 = arith.addi %shift_left3A_11, %add3A_275 : vector<16xi32>
      %gather3A_277 = tpu.vector_load_idx %arg10[%add3A_49, %add3A_276] : memref<128x128xf32, #tpu.memory_space<vmem>>[vector<16xi32>, vector<16xi32>], vector<16xf32>,
      %gather3A_278 = tpu.vector_load_idx %arg11[%add3A_49, %add3A_276] : memref<128x128xf32, #tpu.memory_space<vmem>>[vector<16xi32>, vector<16xi32>], vector<16xf32>,
      %mul3A_279 = arith.mulf %gather3A_277, %gather3A_278 : vector<16xf32>
      %add3A_280 = arith.addf %add3A_273, %mul3A_279 : vector<16xf32>
      %add3A_281 = arith.constant 33 : i32
      %add3A_282 = vector.broadcast %add3A_281 : i32 to vector<16xi32>
      %add3A_283 = arith.addi %shift_left3A_11, %add3A_282 : vector<16xi32>
      %gather3A_284 = tpu.vector_load_idx %arg10[%add3A_49, %add3A_283] : memref<128x128xf32, #tpu.memory_space<vmem>>[vector<16xi32>, vector<16xi32>], vector<16xf32>,
      %gather3A_285 = tpu.vector_load_idx %arg11[%add3A_49, %add3A_283] : memref<128x128xf32, #tpu.memory_space<vmem>>[vector<16xi32>, vector<16xi32>], vector<16xf32>,
      %mul3A_286 = arith.mulf %gather3A_284, %gather3A_285 : vector<16xf32>
      %add3A_287 = arith.addf %add3A_280, %mul3A_286 : vector<16xf32>
      %add3A_288 = arith.constant 34 : i32
      %add3A_289 = vector.broadcast %add3A_288 : i32 to vector<16xi32>
      %add3A_290 = arith.addi %shift_left3A_11, %add3A_289 : vector<16xi32>
      %gather3A_291 = tpu.vector_load_idx %arg10[%add3A_49, %add3A_290] : memref<128x128xf32, #tpu.memory_space<vmem>>[vector<16xi32>, vector<16xi32>], vector<16xf32>,
      %gather3A_292 = tpu.vector_load_idx %arg11[%add3A_49, %add3A_290] : memref<128x128xf32, #tpu.memory_space<vmem>>[vector<16xi32>, vector<16xi32>], vector<16xf32>,
      %mul3A_293 = arith.mulf %gather3A_291, %gather3A_292 : vector<16xf32>
      %add3A_294 = arith.addf %add3A_287, %mul3A_293 : vector<16xf32>
      %add3A_295 = arith.constant 35 : i32
      %add3A_296 = vector.broadcast %add3A_295 : i32 to vector<16xi32>
      %add3A_297 = arith.addi %shift_left3A_11, %add3A_296 : vector<16xi32>
      %gather3A_298 = tpu.vector_load_idx %arg10[%add3A_49, %add3A_297] : memref<128x128xf32, #tpu.memory_space<vmem>>[vector<16xi32>, vector<16xi32>], vector<16xf32>,
      %gather3A_299 = tpu.vector_load_idx %arg11[%add3A_49, %add3A_297] : memref<128x128xf32, #tpu.memory_space<vmem>>[vector<16xi32>, vector<16xi32>], vector<16xf32>,
      %mul3A_300 = arith.mulf %gather3A_298, %gather3A_299 : vector<16xf32>
      %add3A_301 = arith.addf %add3A_294, %mul3A_300 : vector<16xf32>
      %add3A_302 = arith.constant 36 : i32
      %add3A_303 = vector.broadcast %add3A_302 : i32 to vector<16xi32>
      %add3A_304 = arith.addi %shift_left3A_11, %add3A_303 : vector<16xi32>
      %gather3A_305 = tpu.vector_load_idx %arg10[%add3A_49, %add3A_304] : memref<128x128xf32, #tpu.memory_space<vmem>>[vector<16xi32>, vector<16xi32>], vector<16xf32>,
      %gather3A_306 = tpu.vector_load_idx %arg11[%add3A_49, %add3A_304] : memref<128x128xf32, #tpu.memory_space<vmem>>[vector<16xi32>, vector<16xi32>], vector<16xf32>,
      %mul3A_307 = arith.mulf %gather3A_305, %gather3A_306 : vector<16xf32>
      %add3A_308 = arith.addf %add3A_301, %mul3A_307 : vector<16xf32>
      %add3A_309 = arith.constant 37 : i32
      %add3A_310 = vector.broadcast %add3A_309 : i32 to vector<16xi32>
      %add3A_311 = arith.addi %shift_left3A_11, %add3A_310 : vector<16xi32>
      %gather3A_312 = tpu.vector_load_idx %arg10[%add3A_49, %add3A_311] : memref<128x128xf32, #tpu.memory_space<vmem>>[vector<16xi32>, vector<16xi32>], vector<16xf32>,
      %gather3A_313 = tpu.vector_load_idx %arg11[%add3A_49, %add3A_311] : memref<128x128xf32, #tpu.memory_space<vmem>>[vector<16xi32>, vector<16xi32>], vector<16xf32>,
      %mul3A_314 = arith.mulf %gather3A_312, %gather3A_313 : vector<16xf32>
      %add3A_315 = arith.addf %add3A_308, %mul3A_314 : vector<16xf32>
      %add3A_316 = arith.constant 38 : i32
      %add3A_317 = vector.broadcast %add3A_316 : i32 to vector<16xi32>
      %add3A_318 = arith.addi %shift_left3A_11, %add3A_317 : vector<16xi32>
      %gather3A_319 = tpu.vector_load_idx %arg10[%add3A_49, %add3A_318] : memref<128x128xf32, #tpu.memory_space<vmem>>[vector<16xi32>, vector<16xi32>], vector<16xf32>,
      %gather3A_320 = tpu.vector_load_idx %arg11[%add3A_49, %add3A_318] : memref<128x128xf32, #tpu.memory_space<vmem>>[vector<16xi32>, vector<16xi32>], vector<16xf32>,
      %mul3A_321 = arith.mulf %gather3A_319, %gather3A_320 : vector<16xf32>
      %add3A_322 = arith.addf %add3A_315, %mul3A_321 : vector<16xf32>
      %add3A_323 = arith.constant 39 : i32
      %add3A_324 = vector.broadcast %add3A_323 : i32 to vector<16xi32>
      %add3A_325 = arith.addi %shift_left3A_11, %add3A_324 : vector<16xi32>
      %gather3A_326 = tpu.vector_load_idx %arg10[%add3A_49, %add3A_325] : memref<128x128xf32, #tpu.memory_space<vmem>>[vector<16xi32>, vector<16xi32>], vector<16xf32>,
      %gather3A_327 = tpu.vector_load_idx %arg11[%add3A_49, %add3A_325] : memref<128x128xf32, #tpu.memory_space<vmem>>[vector<16xi32>, vector<16xi32>], vector<16xf32>,
      %mul3A_328 = arith.mulf %gather3A_326, %gather3A_327 : vector<16xf32>
      %add3A_329 = arith.addf %add3A_322, %mul3A_328 : vector<16xf32>
      %add3A_330 = arith.constant 40 : i32
      %add3A_331 = vector.broadcast %add3A_330 : i32 to vector<16xi32>
      %add3A_332 = arith.addi %shift_left3A_11, %add3A_331 : vector<16xi32>
      %gather3A_333 = tpu.vector_load_idx %arg10[%add3A_49, %add3A_332] : memref<128x128xf32, #tpu.memory_space<vmem>>[vector<16xi32>, vector<16xi32>], vector<16xf32>,
      %gather3A_334 = tpu.vector_load_idx %arg11[%add3A_49, %add3A_332] : memref<128x128xf32, #tpu.memory_space<vmem>>[vector<16xi32>, vector<16xi32>], vector<16xf32>,
      %mul3A_335 = arith.mulf %gather3A_333, %gather3A_334 : vector<16xf32>
      %add3A_336 = arith.addf %add3A_329, %mul3A_335 : vector<16xf32>
      %add3A_337 = arith.constant 41 : i32
      %add3A_338 = vector.broadcast %add3A_337 : i32 to vector<16xi32>
      %add3A_339 = arith.addi %shift_left3A_11, %add3A_338 : vector<16xi32>
      %gather3A_340 = tpu.vector_load_idx %arg10[%add3A_49, %add3A_339] : memref<128x128xf32, #tpu.memory_space<vmem>>[vector<16xi32>, vector<16xi32>], vector<16xf32>,
      %gather3A_341 = tpu.vector_load_idx %arg11[%add3A_49, %add3A_339] : memref<128x128xf32, #tpu.memory_space<vmem>>[vector<16xi32>, vector<16xi32>], vector<16xf32>,
      %mul3A_342 = arith.mulf %gather3A_340, %gather3A_341 : vector<16xf32>
      %add3A_343 = arith.addf %add3A_336, %mul3A_342 : vector<16xf32>
      %add3A_344 = arith.constant 42 : i32
      %add3A_345 = vector.broadcast %add3A_344 : i32 to vector<16xi32>
      %add3A_346 = arith.addi %shift_left3A_11, %add3A_345 : vector<16xi32>
      %gather3A_347 = tpu.vector_load_idx %arg10[%add3A_49, %add3A_346] : memref<128x128xf32, #tpu.memory_space<vmem>>[vector<16xi32>, vector<16xi32>], vector<16xf32>,
      %gather3A_348 = tpu.vector_load_idx %arg11[%add3A_49, %add3A_346] : memref<128x128xf32, #tpu.memory_space<vmem>>[vector<16xi32>, vector<16xi32>], vector<16xf32>,
      %mul3A_349 = arith.mulf %gather3A_347, %gather3A_348 : vector<16xf32>
      %add3A_350 = arith.addf %add3A_343, %mul3A_349 : vector<16xf32>
      %add3A_351 = arith.constant 43 : i32
      %add3A_352 = vector.broadcast %add3A_351 : i32 to vector<16xi32>
      %add3A_353 = arith.addi %shift_left3A_11, %add3A_352 : vector<16xi32>
      %gather3A_354 = tpu.vector_load_idx %arg10[%add3A_49, %add3A_353] : memref<128x128xf32, #tpu.memory_space<vmem>>[vector<16xi32>, vector<16xi32>], vector<16xf32>,
      %gather3A_355 = tpu.vector_load_idx %arg11[%add3A_49, %add3A_353] : memref<128x128xf32, #tpu.memory_space<vmem>>[vector<16xi32>, vector<16xi32>], vector<16xf32>,
      %mul3A_356 = arith.mulf %gather3A_354, %gather3A_355 : vector<16xf32>
      %add3A_357 = arith.addf %add3A_350, %mul3A_356 : vector<16xf32>
      %add3A_358 = arith.constant 44 : i32
      %add3A_359 = vector.broadcast %add3A_358 : i32 to vector<16xi32>
      %add3A_360 = arith.addi %shift_left3A_11, %add3A_359 : vector<16xi32>
      %gather3A_361 = tpu.vector_load_idx %arg10[%add3A_49, %add3A_360] : memref<128x128xf32, #tpu.memory_space<vmem>>[vector<16xi32>, vector<16xi32>], vector<16xf32>,
      %gather3A_362 = tpu.vector_load_idx %arg11[%add3A_49, %add3A_360] : memref<128x128xf32, #tpu.memory_space<vmem>>[vector<16xi32>, vector<16xi32>], vector<16xf32>,
      %mul3A_363 = arith.mulf %gather3A_361, %gather3A_362 : vector<16xf32>
      %add3A_364 = arith.addf %add3A_357, %mul3A_363 : vector<16xf32>
      %add3A_365 = arith.constant 45 : i32
      %add3A_366 = vector.broadcast %add3A_365 : i32 to vector<16xi32>
      %add3A_367 = arith.addi %shift_left3A_11, %add3A_366 : vector<16xi32>
      %gather3A_368 = tpu.vector_load_idx %arg10[%add3A_49, %add3A_367] : memref<128x128xf32, #tpu.memory_space<vmem>>[vector<16xi32>, vector<16xi32>], vector<16xf32>,
      %gather3A_369 = tpu.vector_load_idx %arg11[%add3A_49, %add3A_367] : memref<128x128xf32, #tpu.memory_space<vmem>>[vector<16xi32>, vector<16xi32>], vector<16xf32>,
      %mul3A_370 = arith.mulf %gather3A_368, %gather3A_369 : vector<16xf32>
      %add3A_371 = arith.addf %add3A_364, %mul3A_370 : vector<16xf32>
      %add3A_372 = arith.constant 46 : i32
      %add3A_373 = vector.broadcast %add3A_372 : i32 to vector<16xi32>
      %add3A_374 = arith.addi %shift_left3A_11, %add3A_373 : vector<16xi32>
      %gather3A_375 = tpu.vector_load_idx %arg10[%add3A_49, %add3A_374] : memref<128x128xf32, #tpu.memory_space<vmem>>[vector<16xi32>, vector<16xi32>], vector<16xf32>,
      %gather3A_376 = tpu.vector_load_idx %arg11[%add3A_49, %add3A_374] : memref<128x128xf32, #tpu.memory_space<vmem>>[vector<16xi32>, vector<16xi32>], vector<16xf32>,
      %mul3A_377 = arith.mulf %gather3A_375, %gather3A_376 : vector<16xf32>
      %add3A_378 = arith.addf %add3A_371, %mul3A_377 : vector<16xf32>
      %add3A_379 = arith.constant 47 : i32
      %add3A_380 = vector.broadcast %add3A_379 : i32 to vector<16xi32>
      %add3A_381 = arith.addi %shift_left3A_11, %add3A_380 : vector<16xi32>
      %gather3A_382 = tpu.vector_load_idx %arg10[%add3A_49, %add3A_381] : memref<128x128xf32, #tpu.memory_space<vmem>>[vector<16xi32>, vector<16xi32>], vector<16xf32>,
      %gather3A_383 = tpu.vector_load_idx %arg11[%add3A_49, %add3A_381] : memref<128x128xf32, #tpu.memory_space<vmem>>[vector<16xi32>, vector<16xi32>], vector<16xf32>,
      %mul3A_384 = arith.mulf %gather3A_382, %gather3A_383 : vector<16xf32>
      %add3A_385 = arith.addf %add3A_378, %mul3A_384 : vector<16xf32>
      %add3A_386 = arith.constant 48 : i32
      %add3A_387 = vector.broadcast %add3A_386 : i32 to vector<16xi32>
      %add3A_388 = arith.addi %shift_left3A_11, %add3A_387 : vector<16xi32>
      %gather3A_389 = tpu.vector_load_idx %arg10[%add3A_49, %add3A_388] : memref<128x128xf32, #tpu.memory_space<vmem>>[vector<16xi32>, vector<16xi32>], vector<16xf32>,
      %gather3A_390 = tpu.vector_load_idx %arg11[%add3A_49, %add3A_388] : memref<128x128xf32, #tpu.memory_space<vmem>>[vector<16xi32>, vector<16xi32>], vector<16xf32>,
      %mul3A_391 = arith.mulf %gather3A_389, %gather3A_390 : vector<16xf32>
      %add3A_392 = arith.addf %add3A_385, %mul3A_391 : vector<16xf32>
      %add3A_393 = arith.constant 49 : i32
      %add3A_394 = vector.broadcast %add3A_393 : i32 to vector<16xi32>
      %add3A_395 = arith.addi %shift_left3A_11, %add3A_394 : vector<16xi32>
      %gather3A_396 = tpu.vector_load_idx %arg10[%add3A_49, %add3A_395] : memref<128x128xf32, #tpu.memory_space<vmem>>[vector<16xi32>, vector<16xi32>], vector<16xf32>,
      %gather3A_397 = tpu.vector_load_idx %arg11[%add3A_49, %add3A_395] : memref<128x128xf32, #tpu.memory_space<vmem>>[vector<16xi32>, vector<16xi32>], vector<16xf32>,
      %mul3A_398 = arith.mulf %gather3A_396, %gather3A_397 : vector<16xf32>
      %add3A_399 = arith.addf %add3A_392, %mul3A_398 : vector<16xf32>
      %add3A_400 = arith.constant 50 : i32
      %add3A_401 = vector.broadcast %add3A_400 : i32 to vector<16xi32>
      %add3A_402 = arith.addi %shift_left3A_11, %add3A_401 : vector<16xi32>
      %gather3A_403 = tpu.vector_load_idx %arg10[%add3A_49, %add3A_402] : memref<128x128xf32, #tpu.memory_space<vmem>>[vector<16xi32>, vector<16xi32>], vector<16xf32>,
      %gather3A_404 = tpu.vector_load_idx %arg11[%add3A_49, %add3A_402] : memref<128x128xf32, #tpu.memory_space<vmem>>[vector<16xi32>, vector<16xi32>], vector<16xf32>,
      %mul3A_405 = arith.mulf %gather3A_403, %gather3A_404 : vector<16xf32>
      %add3A_406 = arith.addf %add3A_399, %mul3A_405 : vector<16xf32>
      %add3A_407 = arith.constant 51 : i32
      %add3A_408 = vector.broadcast %add3A_407 : i32 to vector<16xi32>
      %add3A_409 = arith.addi %shift_left3A_11, %add3A_408 : vector<16xi32>
      %gather3A_410 = tpu.vector_load_idx %arg10[%add3A_49, %add3A_409] : memref<128x128xf32, #tpu.memory_space<vmem>>[vector<16xi32>, vector<16xi32>], vector<16xf32>,
      %gather3A_411 = tpu.vector_load_idx %arg11[%add3A_49, %add3A_409] : memref<128x128xf32, #tpu.memory_space<vmem>>[vector<16xi32>, vector<16xi32>], vector<16xf32>,
      %mul3A_412 = arith.mulf %gather3A_410, %gather3A_411 : vector<16xf32>
      %add3A_413 = arith.addf %add3A_406, %mul3A_412 : vector<16xf32>
      %add3A_414 = arith.constant 52 : i32
      %add3A_415 = vector.broadcast %add3A_414 : i32 to vector<16xi32>
      %add3A_416 = arith.addi %shift_left3A_11, %add3A_415 : vector<16xi32>
      %gather3A_417 = tpu.vector_load_idx %arg10[%add3A_49, %add3A_416] : memref<128x128xf32, #tpu.memory_space<vmem>>[vector<16xi32>, vector<16xi32>], vector<16xf32>,
      %gather3A_418 = tpu.vector_load_idx %arg11[%add3A_49, %add3A_416] : memref<128x128xf32, #tpu.memory_space<vmem>>[vector<16xi32>, vector<16xi32>], vector<16xf32>,
      %mul3A_419 = arith.mulf %gather3A_417, %gather3A_418 : vector<16xf32>
      %add3A_420 = arith.addf %add3A_413, %mul3A_419 : vector<16xf32>
      %add3A_421 = arith.constant 53 : i32
      %add3A_422 = vector.broadcast %add3A_421 : i32 to vector<16xi32>
      %add3A_423 = arith.addi %shift_left3A_11, %add3A_422 : vector<16xi32>
      %gather3A_424 = tpu.vector_load_idx %arg10[%add3A_49, %add3A_423] : memref<128x128xf32, #tpu.memory_space<vmem>>[vector<16xi32>, vector<16xi32>], vector<16xf32>,
      %gather3A_425 = tpu.vector_load_idx %arg11[%add3A_49, %add3A_423] : memref<128x128xf32, #tpu.memory_space<vmem>>[vector<16xi32>, vector<16xi32>], vector<16xf32>,
      %mul3A_426 = arith.mulf %gather3A_424, %gather3A_425 : vector<16xf32>
      %add3A_427 = arith.addf %add3A_420, %mul3A_426 : vector<16xf32>
      %add3A_428 = arith.constant 54 : i32
      %add3A_429 = vector.broadcast %add3A_428 : i32 to vector<16xi32>
      %add3A_430 = arith.addi %shift_left3A_11, %add3A_429 : vector<16xi32>
      %gather3A_431 = tpu.vector_load_idx %arg10[%add3A_49, %add3A_430] : memref<128x128xf32, #tpu.memory_space<vmem>>[vector<16xi32>, vector<16xi32>], vector<16xf32>,
      %gather3A_432 = tpu.vector_load_idx %arg11[%add3A_49, %add3A_430] : memref<128x128xf32, #tpu.memory_space<vmem>>[vector<16xi32>, vector<16xi32>], vector<16xf32>,
      %mul3A_433 = arith.mulf %gather3A_431, %gather3A_432 : vector<16xf32>
      %add3A_434 = arith.addf %add3A_427, %mul3A_433 : vector<16xf32>
      %add3A_435 = arith.constant 55 : i32
      %add3A_436 = vector.broadcast %add3A_435 : i32 to vector<16xi32>
      %add3A_437 = arith.addi %shift_left3A_11, %add3A_436 : vector<16xi32>
      %gather3A_438 = tpu.vector_load_idx %arg10[%add3A_49, %add3A_437] : memref<128x128xf32, #tpu.memory_space<vmem>>[vector<16xi32>, vector<16xi32>], vector<16xf32>,
      %gather3A_439 = tpu.vector_load_idx %arg11[%add3A_49, %add3A_437] : memref<128x128xf32, #tpu.memory_space<vmem>>[vector<16xi32>, vector<16xi32>], vector<16xf32>,
      %mul3A_440 = arith.mulf %gather3A_438, %gather3A_439 : vector<16xf32>
      %add3A_441 = arith.addf %add3A_434, %mul3A_440 : vector<16xf32>
      %add3A_442 = arith.constant 56 : i32
      %add3A_443 = vector.broadcast %add3A_442 : i32 to vector<16xi32>
      %add3A_444 = arith.addi %shift_left3A_11, %add3A_443 : vector<16xi32>
      %gather3A_445 = tpu.vector_load_idx %arg10[%add3A_49, %add3A_444] : memref<128x128xf32, #tpu.memory_space<vmem>>[vector<16xi32>, vector<16xi32>], vector<16xf32>,
      %gather3A_446 = tpu.vector_load_idx %arg11[%add3A_49, %add3A_444] : memref<128x128xf32, #tpu.memory_space<vmem>>[vector<16xi32>, vector<16xi32>], vector<16xf32>,
      %mul3A_447 = arith.mulf %gather3A_445, %gather3A_446 : vector<16xf32>
      %add3A_448 = arith.addf %add3A_441, %mul3A_447 : vector<16xf32>
      %add3A_449 = arith.constant 57 : i32
      %add3A_450 = vector.broadcast %add3A_449 : i32 to vector<16xi32>
      %add3A_451 = arith.addi %shift_left3A_11, %add3A_450 : vector<16xi32>
      %gather3A_452 = tpu.vector_load_idx %arg10[%add3A_49, %add3A_451] : memref<128x128xf32, #tpu.memory_space<vmem>>[vector<16xi32>, vector<16xi32>], vector<16xf32>,
      %gather3A_453 = tpu.vector_load_idx %arg11[%add3A_49, %add3A_451] : memref<128x128xf32, #tpu.memory_space<vmem>>[vector<16xi32>, vector<16xi32>], vector<16xf32>,
      %mul3A_454 = arith.mulf %gather3A_452, %gather3A_453 : vector<16xf32>
      %add3A_455 = arith.addf %add3A_448, %mul3A_454 : vector<16xf32>
      %add3A_456 = arith.constant 58 : i32
      %add3A_457 = vector.broadcast %add3A_456 : i32 to vector<16xi32>
      %add3A_458 = arith.addi %shift_left3A_11, %add3A_457 : vector<16xi32>
      %gather3A_459 = tpu.vector_load_idx %arg10[%add3A_49, %add3A_458] : memref<128x128xf32, #tpu.memory_space<vmem>>[vector<16xi32>, vector<16xi32>], vector<16xf32>,
      %gather3A_460 = tpu.vector_load_idx %arg11[%add3A_49, %add3A_458] : memref<128x128xf32, #tpu.memory_space<vmem>>[vector<16xi32>, vector<16xi32>], vector<16xf32>,
      %mul3A_461 = arith.mulf %gather3A_459, %gather3A_460 : vector<16xf32>
      %add3A_462 = arith.addf %add3A_455, %mul3A_461 : vector<16xf32>
      %add3A_463 = arith.constant 59 : i32
      %add3A_464 = vector.broadcast %add3A_463 : i32 to vector<16xi32>
      %add3A_465 = arith.addi %shift_left3A_11, %add3A_464 : vector<16xi32>
      %gather3A_466 = tpu.vector_load_idx %arg10[%add3A_49, %add3A_465] : memref<128x128xf32, #tpu.memory_space<vmem>>[vector<16xi32>, vector<16xi32>], vector<16xf32>,
      %gather3A_467 = tpu.vector_load_idx %arg11[%add3A_49, %add3A_465] : memref<128x128xf32, #tpu.memory_space<vmem>>[vector<16xi32>, vector<16xi32>], vector<16xf32>,
      %mul3A_468 = arith.mulf %gather3A_466, %gather3A_467 : vector<16xf32>
      %add3A_469 = arith.addf %add3A_462, %mul3A_468 : vector<16xf32>
      %add3A_470 = arith.constant 60 : i32
      %add3A_471 = vector.broadcast %add3A_470 : i32 to vector<16xi32>
      %add3A_472 = arith.addi %shift_left3A_11, %add3A_471 : vector<16xi32>
      %gather3A_473 = tpu.vector_load_idx %arg10[%add3A_49, %add3A_472] : memref<128x128xf32, #tpu.memory_space<vmem>>[vector<16xi32>, vector<16xi32>], vector<16xf32>,
      %gather3A_474 = tpu.vector_load_idx %arg11[%add3A_49, %add3A_472] : memref<128x128xf32, #tpu.memory_space<vmem>>[vector<16xi32>, vector<16xi32>], vector<16xf32>,
      %mul3A_475 = arith.mulf %gather3A_473, %gather3A_474 : vector<16xf32>
      %add3A_476 = arith.addf %add3A_469, %mul3A_475 : vector<16xf32>
      %add3A_477 = arith.constant 61 : i32
      %add3A_478 = vector.broadcast %add3A_477 : i32 to vector<16xi32>
      %add3A_479 = arith.addi %shift_left3A_11, %add3A_478 : vector<16xi32>
      %gather3A_480 = tpu.vector_load_idx %arg10[%add3A_49, %add3A_479] : memref<128x128xf32, #tpu.memory_space<vmem>>[vector<16xi32>, vector<16xi32>], vector<16xf32>,
      %gather3A_481 = tpu.vector_load_idx %arg11[%add3A_49, %add3A_479] : memref<128x128xf32, #tpu.memory_space<vmem>>[vector<16xi32>, vector<16xi32>], vector<16xf32>,
      %mul3A_482 = arith.mulf %gather3A_480, %gather3A_481 : vector<16xf32>
      %add3A_483 = arith.addf %add3A_476, %mul3A_482 : vector<16xf32>
      %add3A_484 = arith.constant 62 : i32
      %add3A_485 = vector.broadcast %add3A_484 : i32 to vector<16xi32>
      %add3A_486 = arith.addi %shift_left3A_11, %add3A_485 : vector<16xi32>
      %gather3A_487 = tpu.vector_load_idx %arg10[%add3A_49, %add3A_486] : memref<128x128xf32, #tpu.memory_space<vmem>>[vector<16xi32>, vector<16xi32>], vector<16xf32>,
      %gather3A_488 = tpu.vector_load_idx %arg11[%add3A_49, %add3A_486] : memref<128x128xf32, #tpu.memory_space<vmem>>[vector<16xi32>, vector<16xi32>], vector<16xf32>,
      %mul3A_489 = arith.mulf %gather3A_487, %gather3A_488 : vector<16xf32>
      %add3A_490 = arith.addf %add3A_483, %mul3A_489 : vector<16xf32>
      %add3A_491 = arith.constant 63 : i32
      %add3A_492 = vector.broadcast %add3A_491 : i32 to vector<16xi32>
      %add3A_493 = arith.addi %shift_left3A_11, %add3A_492 : vector<16xi32>
      %gather3A_494 = tpu.vector_load_idx %arg10[%add3A_49, %add3A_493] : memref<128x128xf32, #tpu.memory_space<vmem>>[vector<16xi32>, vector<16xi32>], vector<16xf32>,
      %gather3A_495 = tpu.vector_load_idx %arg11[%add3A_49, %add3A_493] : memref<128x128xf32, #tpu.memory_space<vmem>>[vector<16xi32>, vector<16xi32>], vector<16xf32>,
      %mul3A_496 = arith.mulf %gather3A_494, %gather3A_495 : vector<16xf32>
      %add3A_497 = arith.addf %add3A_490, %mul3A_496 : vector<16xf32>
      %neg3A = arith.constant 0.000000e+00 : f32
      %neg3A_498 = vector.broadcast %neg3A : f32 to vector<16xf32>
      %neg3A_499 = arith.subf %neg3A_498, %add3A_497 : vector<16xf32>
      %exp3A = math.exp %neg3A_499 : vector<16xf32>
      %add3A_500 = arith.constant 1.000000e+00 : f32
      %add3A_501 = vector.broadcast %add3A_500 : f32 to vector<16xf32>
      %add3A_502 = arith.addf %add3A_501, %exp3A : vector<16xf32>
      %div3A = arith.constant 1.000000e+00 : f32
      %div3A_503 = vector.broadcast %div3A : f32 to vector<16xf32>
      %div3A_504 = arith.divf %div3A_503, %add3A_502 : vector<16xf32>
      %swap3A = arith.index_cast %add3A_45 : i32 to index
      %swap3A_505 = tpu.vector_load %arg12[%swap3A] {strides = array<i32>} : memref<512xf32, #tpu.memory_space<vmem>>, vector<16xf32>,
      tpu.vector_store %arg12[%swap3A], %div3A_504 {strides = array<i32>} : memref<512xf32, #tpu.memory_space<vmem>>, vector<16xf32>,
    }
    %scan3A_19 = arith.constant 16 : i32
    %scan3A_20 = arith.constant 0 : i32
    %scan3A_21 = arith.constant 0 : i32
    %scan3A_22 = arith.constant 16 : i32
    %scan3A_23 = arith.addi %scan3A_21, %scan3A_22 : i32
    %scan3A_24 = arith.constant 1 : i32
    scf.for %scan3A_41 = %scan3A_21 to %scan3A_23 step %scan3A_24  : i32 {
      %jit3A = arith.constant 8 : i32
      %div3A = arith.divsi %scan3A_41, %jit3A : i32
      %sign3A = arith.constant 0 : i32
      %sign3A_42 = arith.cmpi sgt, %scan3A_41, %sign3A : i32
      %sign3A_43 = arith.extui %sign3A_42 : i1 to i32
      %sign3A_44 = arith.constant 0 : i32
      %sign3A_45 = arith.cmpi slt, %scan3A_41, %sign3A_44 : i32
      %sign3A_46 = arith.extui %sign3A_45 : i1 to i32
      %sign3A_47 = arith.subi %sign3A_43, %sign3A_46 : i32
      %sign3A_48 = arith.constant 0 : i32
      %sign3A_49 = arith.cmpi sgt, %jit3A, %sign3A_48 : i32
      %sign3A_50 = arith.extui %sign3A_49 : i1 to i32
      %sign3A_51 = arith.constant 0 : i32
      %sign3A_52 = arith.cmpi slt, %jit3A, %sign3A_51 : i32
      %sign3A_53 = arith.extui %sign3A_52 : i1 to i32
      %sign3A_54 = arith.subi %sign3A_50, %sign3A_53 : i32
      %ne3A = arith.cmpi ne, %sign3A_47, %sign3A_54 : i32
      %rem3A = arith.remsi %scan3A_41, %jit3A : i32
      %ne3A_55 = arith.constant 0 : i32
      %ne3A_56 = arith.cmpi ne, %rem3A, %ne3A_55 : i32
      %and3A_57 = arith.andi %ne3A, %ne3A_56 : i1
      %sub3A = arith.constant 1 : i32
      %sub3A_58 = arith.subi %div3A, %sub3A : i32
      %select_n3A = arith.select %and3A_57, %sub3A_58, %div3A : i32
      %add3A_59 = arith.constant 2 : i32
      %add3A_60 = arith.addi %add3A_59, %select_n3A : i32
      %jit3A_61 = arith.constant 8 : i32
      %eq3A = arith.constant 0 : i32
      %eq3A_62 = arith.cmpi eq, %jit3A_61, %eq3A : i32
      %jit3A_63 = arith.constant 1 : i32
      %select_n3A_64 = arith.select %eq3A_62, %jit3A_63, %jit3A_61 : i32
      %rem3A_65 = arith.remsi %scan3A_41, %select_n3A_64 : i32
      %ne3A_66 = arith.constant 0 : i32
      %ne3A_67 = arith.cmpi ne, %rem3A_65, %ne3A_66 : i32
      %lt3A = arith.constant 0 : i32
      %lt3A_68 = arith.cmpi slt, %rem3A_65, %lt3A : i32
      %lt3A_69 = arith.constant 0 : i32
      %lt3A_70 = arith.cmpi slt, %select_n3A_64, %lt3A_69 : i32
      %ne3A_71 = arith.xori %lt3A_68, %lt3A_70 : i1
      %and3A_72 = arith.andi %ne3A_71, %ne3A_67 : i1
      %add3A_73 = arith.addi %rem3A_65, %select_n3A_64 : i32
      %select_n3A_74 = arith.select %and3A_72, %add3A_73, %rem3A_65 : i32
      %mul3A_75 = arith.constant 16 : i32
      %mul3A_76 = arith.muli %select_n3A_74, %mul3A_75 : i32
      %get3A = arith.index_cast %add3A_60 : i32 to index
      %get3A_77 = arith.index_cast %mul3A_76 : i32 to index
      %get3A_78 = tpu.vector_load %arg8[%get3A, %get3A_77] {strides = array<i32>} : memref<4x128xi32, #tpu.memory_space<vmem>>, vector<16xi32>,
      %get3A_79 = arith.index_cast %add3A_60 : i32 to index
      %get3A_80 = arith.index_cast %mul3A_76 : i32 to index
      %get3A_81 = tpu.vector_load %arg9[%get3A_79, %get3A_80] {strides = array<i32>} : memref<4x128xi32, #tpu.memory_space<vmem>>, vector<16xi32>,
      %mul3A_82 = arith.constant 8 : i32
      %mul3A_83 = arith.muli %scan3A_41, %mul3A_82 : i32
      %add3A_84 = arith.constant 0 : i32
      %add3A_85 = arith.addi %mul3A_83, %add3A_84 : i32
      %slice3A = vector.extract_strided_slice %get3A_78 {offsets = [0], sizes = [1], strides = [1]} : vector<16xi32> to vector<1xi32>
      %squeeze3A = vector.extract %slice3A[0] : i32 from vector<1xi32>
      %dma_start3A = arith.constant 0 : i32
      %dma_start3A_86 = tpu.memref_slice %arg10[%add3A_85, %dma_start3A] : memref<128x128xf32, #tpu.memory_space<vmem>> -> memref<1x64xf32, #tpu.memory_space<vmem>>
      %dma_start3A_87 = tpu.memref_squeeze %dma_start3A_86 : memref<1x64xf32, #tpu.memory_space<vmem>> -> memref<64xf32, #tpu.memory_space<vmem>>
      %dma_start3A_88 = arith.constant 0 : i32
      %dma_start3A_89 = tpu.memref_slice %arg4[%squeeze3A, %dma_start3A_88] : memref<1000000x64xf32, #tpu.memory_space<hbm>> -> memref<1x64xf32, #tpu.memory_space<hbm>>
      %dma_start3A_90 = tpu.memref_squeeze %dma_start3A_89 : memref<1x64xf32, #tpu.memory_space<hbm>> -> memref<64xf32, #tpu.memory_space<hbm>>
      %dma_start3A_91 = arith.constant 0 : i32
      %dma_start3A_92 = tpu.memref_slice %arg10[%add3A_85, %dma_start3A_91] : memref<128x128xf32, #tpu.memory_space<vmem>> -> memref<1x64xf32, #tpu.memory_space<vmem>>
      %dma_start3A_93 = tpu.memref_squeeze %dma_start3A_92 : memref<1x64xf32, #tpu.memory_space<vmem>> -> memref<64xf32, #tpu.memory_space<vmem>>
      %dma_start3A_94 = arith.constant 0 : i32
      %dma_start3A_95 = tpu.memref_slice %arg4[%squeeze3A, %dma_start3A_94] : memref<1000000x64xf32, #tpu.memory_space<hbm>> -> memref<1x64xf32, #tpu.memory_space<hbm>>
      %dma_start3A_96 = tpu.memref_squeeze %dma_start3A_95 : memref<1x64xf32, #tpu.memory_space<hbm>> -> memref<64xf32, #tpu.memory_space<hbm>>
      tpu.enqueue_dma source(%dma_start3A_96 : memref<64xf32, #tpu.memory_space<hbm>>) target(%dma_start3A_93 : memref<64xf32, #tpu.memory_space<vmem>>) target_semaphore(%arg13 : memref<!tpu.dma_semaphore, #tpu.memory_space<semaphore_mem>>)
      %slice3A_97 = vector.extract_strided_slice %get3A_81 {offsets = [0], sizes = [1], strides = [1]} : vector<16xi32> to vector<1xi32>
      %squeeze3A_98 = vector.extract %slice3A_97[0] : i32 from vector<1xi32>
      %dma_start3A_99 = arith.constant 0 : i32
      %dma_start3A_100 = tpu.memref_slice %arg11[%add3A_85, %dma_start3A_99] : memref<128x128xf32, #tpu.memory_space<vmem>> -> memref<1x64xf32, #tpu.memory_space<vmem>>
      %dma_start3A_101 = tpu.memref_squeeze %dma_start3A_100 : memref<1x64xf32, #tpu.memory_space<vmem>> -> memref<64xf32, #tpu.memory_space<vmem>>
      %dma_start3A_102 = arith.constant 0 : i32
      %dma_start3A_103 = tpu.memref_slice %arg5[%squeeze3A_98, %dma_start3A_102] : memref<1000000x64xf32, #tpu.memory_space<hbm>> -> memref<1x64xf32, #tpu.memory_space<hbm>>
      %dma_start3A_104 = tpu.memref_squeeze %dma_start3A_103 : memref<1x64xf32, #tpu.memory_space<hbm>> -> memref<64xf32, #tpu.memory_space<hbm>>
      %dma_start3A_105 = arith.constant 0 : i32
      %dma_start3A_106 = tpu.memref_slice %arg11[%add3A_85, %dma_start3A_105] : memref<128x128xf32, #tpu.memory_space<vmem>> -> memref<1x64xf32, #tpu.memory_space<vmem>>
      %dma_start3A_107 = tpu.memref_squeeze %dma_start3A_106 : memref<1x64xf32, #tpu.memory_space<vmem>> -> memref<64xf32, #tpu.memory_space<vmem>>
      %dma_start3A_108 = arith.constant 0 : i32
      %dma_start3A_109 = tpu.memref_slice %arg5[%squeeze3A_98, %dma_start3A_108] : memref<1000000x64xf32, #tpu.memory_space<hbm>> -> memref<1x64xf32, #tpu.memory_space<hbm>>
      %dma_start3A_110 = tpu.memref_squeeze %dma_start3A_109 : memref<1x64xf32, #tpu.memory_space<hbm>> -> memref<64xf32, #tpu.memory_space<hbm>>
      tpu.enqueue_dma source(%dma_start3A_110 : memref<64xf32, #tpu.memory_space<hbm>>) target(%dma_start3A_107 : memref<64xf32, #tpu.memory_space<vmem>>) target_semaphore(%arg13 : memref<!tpu.dma_semaphore, #tpu.memory_space<semaphore_mem>>)
      %mul3A_111 = arith.constant 8 : i32
      %mul3A_112 = arith.muli %scan3A_41, %mul3A_111 : i32
      %add3A_113 = arith.constant 0 : i32
      %add3A_114 = arith.addi %mul3A_112, %add3A_113 : i32
      %slice3A_115 = vector.extract_strided_slice %get3A_78 {offsets = [1], sizes = [1], strides = [1]} : vector<16xi32> to vector<1xi32>
      %squeeze3A_116 = vector.extract %slice3A_115[0] : i32 from vector<1xi32>
      %dma_start3A_117 = arith.constant 64 : i32
      %dma_start3A_118 = tpu.memref_slice %arg10[%add3A_114, %dma_start3A_117] : memref<128x128xf32, #tpu.memory_space<vmem>> -> memref<1x64xf32, #tpu.memory_space<vmem>>
      %dma_start3A_119 = tpu.memref_squeeze %dma_start3A_118 : memref<1x64xf32, #tpu.memory_space<vmem>> -> memref<64xf32, #tpu.memory_space<vmem>>
      %dma_start3A_120 = arith.constant 0 : i32
      %dma_start3A_121 = tpu.memref_slice %arg4[%squeeze3A_116, %dma_start3A_120] : memref<1000000x64xf32, #tpu.memory_space<hbm>> -> memref<1x64xf32, #tpu.memory_space<hbm>>
      %dma_start3A_122 = tpu.memref_squeeze %dma_start3A_121 : memref<1x64xf32, #tpu.memory_space<hbm>> -> memref<64xf32, #tpu.memory_space<hbm>>
      %dma_start3A_123 = arith.constant 64 : i32
      %dma_start3A_124 = tpu.memref_slice %arg10[%add3A_114, %dma_start3A_123] : memref<128x128xf32, #tpu.memory_space<vmem>> -> memref<1x64xf32, #tpu.memory_space<vmem>>
      %dma_start3A_125 = tpu.memref_squeeze %dma_start3A_124 : memref<1x64xf32, #tpu.memory_space<vmem>> -> memref<64xf32, #tpu.memory_space<vmem>>
      %dma_start3A_126 = arith.constant 0 : i32
      %dma_start3A_127 = tpu.memref_slice %arg4[%squeeze3A_116, %dma_start3A_126] : memref<1000000x64xf32, #tpu.memory_space<hbm>> -> memref<1x64xf32, #tpu.memory_space<hbm>>
      %dma_start3A_128 = tpu.memref_squeeze %dma_start3A_127 : memref<1x64xf32, #tpu.memory_space<hbm>> -> memref<64xf32, #tpu.memory_space<hbm>>
      tpu.enqueue_dma source(%dma_start3A_128 : memref<64xf32, #tpu.memory_space<hbm>>) target(%dma_start3A_125 : memref<64xf32, #tpu.memory_space<vmem>>) target_semaphore(%arg13 : memref<!tpu.dma_semaphore, #tpu.memory_space<semaphore_mem>>)
      %slice3A_129 = vector.extract_strided_slice %get3A_81 {offsets = [1], sizes = [1], strides = [1]} : vector<16xi32> to vector<1xi32>
      %squeeze3A_130 = vector.extract %slice3A_129[0] : i32 from vector<1xi32>
      %dma_start3A_131 = arith.constant 64 : i32
      %dma_start3A_132 = tpu.memref_slice %arg11[%add3A_114, %dma_start3A_131] : memref<128x128xf32, #tpu.memory_space<vmem>> -> memref<1x64xf32, #tpu.memory_space<vmem>>
      %dma_start3A_133 = tpu.memref_squeeze %dma_start3A_132 : memref<1x64xf32, #tpu.memory_space<vmem>> -> memref<64xf32, #tpu.memory_space<vmem>>
      %dma_start3A_134 = arith.constant 0 : i32
      %dma_start3A_135 = tpu.memref_slice %arg5[%squeeze3A_130, %dma_start3A_134] : memref<1000000x64xf32, #tpu.memory_space<hbm>> -> memref<1x64xf32, #tpu.memory_space<hbm>>
      %dma_start3A_136 = tpu.memref_squeeze %dma_start3A_135 : memref<1x64xf32, #tpu.memory_space<hbm>> -> memref<64xf32, #tpu.memory_space<hbm>>
      %dma_start3A_137 = arith.constant 64 : i32
      %dma_start3A_138 = tpu.memref_slice %arg11[%add3A_114, %dma_start3A_137] : memref<128x128xf32, #tpu.memory_space<vmem>> -> memref<1x64xf32, #tpu.memory_space<vmem>>
      %dma_start3A_139 = tpu.memref_squeeze %dma_start3A_138 : memref<1x64xf32, #tpu.memory_space<vmem>> -> memref<64xf32, #tpu.memory_space<vmem>>
      %dma_start3A_140 = arith.constant 0 : i32
      %dma_start3A_141 = tpu.memref_slice %arg5[%squeeze3A_130, %dma_start3A_140] : memref<1000000x64xf32, #tpu.memory_space<hbm>> -> memref<1x64xf32, #tpu.memory_space<hbm>>
      %dma_start3A_142 = tpu.memref_squeeze %dma_start3A_141 : memref<1x64xf32, #tpu.memory_space<hbm>> -> memref<64xf32, #tpu.memory_space<hbm>>
      tpu.enqueue_dma source(%dma_start3A_142 : memref<64xf32, #tpu.memory_space<hbm>>) target(%dma_start3A_139 : memref<64xf32, #tpu.memory_space<vmem>>) target_semaphore(%arg13 : memref<!tpu.dma_semaphore, #tpu.memory_space<semaphore_mem>>)
      %mul3A_143 = arith.constant 8 : i32
      %mul3A_144 = arith.muli %scan3A_41, %mul3A_143 : i32
      %add3A_145 = arith.constant 1 : i32
      %add3A_146 = arith.addi %mul3A_144, %add3A_145 : i32
      %slice3A_147 = vector.extract_strided_slice %get3A_78 {offsets = [2], sizes = [1], strides = [1]} : vector<16xi32> to vector<1xi32>
      %squeeze3A_148 = vector.extract %slice3A_147[0] : i32 from vector<1xi32>
      %dma_start3A_149 = arith.constant 0 : i32
      %dma_start3A_150 = tpu.memref_slice %arg10[%add3A_146, %dma_start3A_149] : memref<128x128xf32, #tpu.memory_space<vmem>> -> memref<1x64xf32, #tpu.memory_space<vmem>>
      %dma_start3A_151 = tpu.memref_squeeze %dma_start3A_150 : memref<1x64xf32, #tpu.memory_space<vmem>> -> memref<64xf32, #tpu.memory_space<vmem>>
      %dma_start3A_152 = arith.constant 0 : i32
      %dma_start3A_153 = tpu.memref_slice %arg4[%squeeze3A_148, %dma_start3A_152] : memref<1000000x64xf32, #tpu.memory_space<hbm>> -> memref<1x64xf32, #tpu.memory_space<hbm>>
      %dma_start3A_154 = tpu.memref_squeeze %dma_start3A_153 : memref<1x64xf32, #tpu.memory_space<hbm>> -> memref<64xf32, #tpu.memory_space<hbm>>
      %dma_start3A_155 = arith.constant 0 : i32
      %dma_start3A_156 = tpu.memref_slice %arg10[%add3A_146, %dma_start3A_155] : memref<128x128xf32, #tpu.memory_space<vmem>> -> memref<1x64xf32, #tpu.memory_space<vmem>>
      %dma_start3A_157 = tpu.memref_squeeze %dma_start3A_156 : memref<1x64xf32, #tpu.memory_space<vmem>> -> memref<64xf32, #tpu.memory_space<vmem>>
      %dma_start3A_158 = arith.constant 0 : i32
      %dma_start3A_159 = tpu.memref_slice %arg4[%squeeze3A_148, %dma_start3A_158] : memref<1000000x64xf32, #tpu.memory_space<hbm>> -> memref<1x64xf32, #tpu.memory_space<hbm>>
      %dma_start3A_160 = tpu.memref_squeeze %dma_start3A_159 : memref<1x64xf32, #tpu.memory_space<hbm>> -> memref<64xf32, #tpu.memory_space<hbm>>
      tpu.enqueue_dma source(%dma_start3A_160 : memref<64xf32, #tpu.memory_space<hbm>>) target(%dma_start3A_157 : memref<64xf32, #tpu.memory_space<vmem>>) target_semaphore(%arg13 : memref<!tpu.dma_semaphore, #tpu.memory_space<semaphore_mem>>)
      %slice3A_161 = vector.extract_strided_slice %get3A_81 {offsets = [2], sizes = [1], strides = [1]} : vector<16xi32> to vector<1xi32>
      %squeeze3A_162 = vector.extract %slice3A_161[0] : i32 from vector<1xi32>
      %dma_start3A_163 = arith.constant 0 : i32
      %dma_start3A_164 = tpu.memref_slice %arg11[%add3A_146, %dma_start3A_163] : memref<128x128xf32, #tpu.memory_space<vmem>> -> memref<1x64xf32, #tpu.memory_space<vmem>>
      %dma_start3A_165 = tpu.memref_squeeze %dma_start3A_164 : memref<1x64xf32, #tpu.memory_space<vmem>> -> memref<64xf32, #tpu.memory_space<vmem>>
      %dma_start3A_166 = arith.constant 0 : i32
      %dma_start3A_167 = tpu.memref_slice %arg5[%squeeze3A_162, %dma_start3A_166] : memref<1000000x64xf32, #tpu.memory_space<hbm>> -> memref<1x64xf32, #tpu.memory_space<hbm>>
      %dma_start3A_168 = tpu.memref_squeeze %dma_start3A_167 : memref<1x64xf32, #tpu.memory_space<hbm>> -> memref<64xf32, #tpu.memory_space<hbm>>
      %dma_start3A_169 = arith.constant 0 : i32
      %dma_start3A_170 = tpu.memref_slice %arg11[%add3A_146, %dma_start3A_169] : memref<128x128xf32, #tpu.memory_space<vmem>> -> memref<1x64xf32, #tpu.memory_space<vmem>>
      %dma_start3A_171 = tpu.memref_squeeze %dma_start3A_170 : memref<1x64xf32, #tpu.memory_space<vmem>> -> memref<64xf32, #tpu.memory_space<vmem>>
      %dma_start3A_172 = arith.constant 0 : i32
      %dma_start3A_173 = tpu.memref_slice %arg5[%squeeze3A_162, %dma_start3A_172] : memref<1000000x64xf32, #tpu.memory_space<hbm>> -> memref<1x64xf32, #tpu.memory_space<hbm>>
      %dma_start3A_174 = tpu.memref_squeeze %dma_start3A_173 : memref<1x64xf32, #tpu.memory_space<hbm>> -> memref<64xf32, #tpu.memory_space<hbm>>
      tpu.enqueue_dma source(%dma_start3A_174 : memref<64xf32, #tpu.memory_space<hbm>>) target(%dma_start3A_171 : memref<64xf32, #tpu.memory_space<vmem>>) target_semaphore(%arg13 : memref<!tpu.dma_semaphore, #tpu.memory_space<semaphore_mem>>)
      %mul3A_175 = arith.constant 8 : i32
      %mul3A_176 = arith.muli %scan3A_41, %mul3A_175 : i32
      %add3A_177 = arith.constant 1 : i32
      %add3A_178 = arith.addi %mul3A_176, %add3A_177 : i32
      %slice3A_179 = vector.extract_strided_slice %get3A_78 {offsets = [3], sizes = [1], strides = [1]} : vector<16xi32> to vector<1xi32>
      %squeeze3A_180 = vector.extract %slice3A_179[0] : i32 from vector<1xi32>
      %dma_start3A_181 = arith.constant 64 : i32
      %dma_start3A_182 = tpu.memref_slice %arg10[%add3A_178, %dma_start3A_181] : memref<128x128xf32, #tpu.memory_space<vmem>> -> memref<1x64xf32, #tpu.memory_space<vmem>>
      %dma_start3A_183 = tpu.memref_squeeze %dma_start3A_182 : memref<1x64xf32, #tpu.memory_space<vmem>> -> memref<64xf32, #tpu.memory_space<vmem>>
      %dma_start3A_184 = arith.constant 0 : i32
      %dma_start3A_185 = tpu.memref_slice %arg4[%squeeze3A_180, %dma_start3A_184] : memref<1000000x64xf32, #tpu.memory_space<hbm>> -> memref<1x64xf32, #tpu.memory_space<hbm>>
      %dma_start3A_186 = tpu.memref_squeeze %dma_start3A_185 : memref<1x64xf32, #tpu.memory_space<hbm>> -> memref<64xf32, #tpu.memory_space<hbm>>
      %dma_start3A_187 = arith.constant 64 : i32
      %dma_start3A_188 = tpu.memref_slice %arg10[%add3A_178, %dma_start3A_187] : memref<128x128xf32, #tpu.memory_space<vmem>> -> memref<1x64xf32, #tpu.memory_space<vmem>>
      %dma_start3A_189 = tpu.memref_squeeze %dma_start3A_188 : memref<1x64xf32, #tpu.memory_space<vmem>> -> memref<64xf32, #tpu.memory_space<vmem>>
      %dma_start3A_190 = arith.constant 0 : i32
      %dma_start3A_191 = tpu.memref_slice %arg4[%squeeze3A_180, %dma_start3A_190] : memref<1000000x64xf32, #tpu.memory_space<hbm>> -> memref<1x64xf32, #tpu.memory_space<hbm>>
      %dma_start3A_192 = tpu.memref_squeeze %dma_start3A_191 : memref<1x64xf32, #tpu.memory_space<hbm>> -> memref<64xf32, #tpu.memory_space<hbm>>
      tpu.enqueue_dma source(%dma_start3A_192 : memref<64xf32, #tpu.memory_space<hbm>>) target(%dma_start3A_189 : memref<64xf32, #tpu.memory_space<vmem>>) target_semaphore(%arg13 : memref<!tpu.dma_semaphore, #tpu.memory_space<semaphore_mem>>)
      %slice3A_193 = vector.extract_strided_slice %get3A_81 {offsets = [3], sizes = [1], strides = [1]} : vector<16xi32> to vector<1xi32>
      %squeeze3A_194 = vector.extract %slice3A_193[0] : i32 from vector<1xi32>
      %dma_start3A_195 = arith.constant 64 : i32
      %dma_start3A_196 = tpu.memref_slice %arg11[%add3A_178, %dma_start3A_195] : memref<128x128xf32, #tpu.memory_space<vmem>> -> memref<1x64xf32, #tpu.memory_space<vmem>>
      %dma_start3A_197 = tpu.memref_squeeze %dma_start3A_196 : memref<1x64xf32, #tpu.memory_space<vmem>> -> memref<64xf32, #tpu.memory_space<vmem>>
      %dma_start3A_198 = arith.constant 0 : i32
      %dma_start3A_199 = tpu.memref_slice %arg5[%squeeze3A_194, %dma_start3A_198] : memref<1000000x64xf32, #tpu.memory_space<hbm>> -> memref<1x64xf32, #tpu.memory_space<hbm>>
      %dma_start3A_200 = tpu.memref_squeeze %dma_start3A_199 : memref<1x64xf32, #tpu.memory_space<hbm>> -> memref<64xf32, #tpu.memory_space<hbm>>
      %dma_start3A_201 = arith.constant 64 : i32
      %dma_start3A_202 = tpu.memref_slice %arg11[%add3A_178, %dma_start3A_201] : memref<128x128xf32, #tpu.memory_space<vmem>> -> memref<1x64xf32, #tpu.memory_space<vmem>>
      %dma_start3A_203 = tpu.memref_squeeze %dma_start3A_202 : memref<1x64xf32, #tpu.memory_space<vmem>> -> memref<64xf32, #tpu.memory_space<vmem>>
      %dma_start3A_204 = arith.constant 0 : i32
      %dma_start3A_205 = tpu.memref_slice %arg5[%squeeze3A_194, %dma_start3A_204] : memref<1000000x64xf32, #tpu.memory_space<hbm>> -> memref<1x64xf32, #tpu.memory_space<hbm>>
      %dma_start3A_206 = tpu.memref_squeeze %dma_start3A_205 : memref<1x64xf32, #tpu.memory_space<hbm>> -> memref<64xf32, #tpu.memory_space<hbm>>
      tpu.enqueue_dma source(%dma_start3A_206 : memref<64xf32, #tpu.memory_space<hbm>>) target(%dma_start3A_203 : memref<64xf32, #tpu.memory_space<vmem>>) target_semaphore(%arg13 : memref<!tpu.dma_semaphore, #tpu.memory_space<semaphore_mem>>)
      %mul3A_207 = arith.constant 8 : i32
      %mul3A_208 = arith.muli %scan3A_41, %mul3A_207 : i32
      %add3A_209 = arith.constant 2 : i32
      %add3A_210 = arith.addi %mul3A_208, %add3A_209 : i32
      %slice3A_211 = vector.extract_strided_slice %get3A_78 {offsets = [4], sizes = [1], strides = [1]} : vector<16xi32> to vector<1xi32>
      %squeeze3A_212 = vector.extract %slice3A_211[0] : i32 from vector<1xi32>
      %dma_start3A_213 = arith.constant 0 : i32
      %dma_start3A_214 = tpu.memref_slice %arg10[%add3A_210, %dma_start3A_213] : memref<128x128xf32, #tpu.memory_space<vmem>> -> memref<1x64xf32, #tpu.memory_space<vmem>>
      %dma_start3A_215 = tpu.memref_squeeze %dma_start3A_214 : memref<1x64xf32, #tpu.memory_space<vmem>> -> memref<64xf32, #tpu.memory_space<vmem>>
      %dma_start3A_216 = arith.constant 0 : i32
      %dma_start3A_217 = tpu.memref_slice %arg4[%squeeze3A_212, %dma_start3A_216] : memref<1000000x64xf32, #tpu.memory_space<hbm>> -> memref<1x64xf32, #tpu.memory_space<hbm>>
      %dma_start3A_218 = tpu.memref_squeeze %dma_start3A_217 : memref<1x64xf32, #tpu.memory_space<hbm>> -> memref<64xf32, #tpu.memory_space<hbm>>
      %dma_start3A_219 = arith.constant 0 : i32
      %dma_start3A_220 = tpu.memref_slice %arg10[%add3A_210, %dma_start3A_219] : memref<128x128xf32, #tpu.memory_space<vmem>> -> memref<1x64xf32, #tpu.memory_space<vmem>>
      %dma_start3A_221 = tpu.memref_squeeze %dma_start3A_220 : memref<1x64xf32, #tpu.memory_space<vmem>> -> memref<64xf32, #tpu.memory_space<vmem>>
      %dma_start3A_222 = arith.constant 0 : i32
      %dma_start3A_223 = tpu.memref_slice %arg4[%squeeze3A_212, %dma_start3A_222] : memref<1000000x64xf32, #tpu.memory_space<hbm>> -> memref<1x64xf32, #tpu.memory_space<hbm>>
      %dma_start3A_224 = tpu.memref_squeeze %dma_start3A_223 : memref<1x64xf32, #tpu.memory_space<hbm>> -> memref<64xf32, #tpu.memory_space<hbm>>
      tpu.enqueue_dma source(%dma_start3A_224 : memref<64xf32, #tpu.memory_space<hbm>>) target(%dma_start3A_221 : memref<64xf32, #tpu.memory_space<vmem>>) target_semaphore(%arg13 : memref<!tpu.dma_semaphore, #tpu.memory_space<semaphore_mem>>)
      %slice3A_225 = vector.extract_strided_slice %get3A_81 {offsets = [4], sizes = [1], strides = [1]} : vector<16xi32> to vector<1xi32>
      %squeeze3A_226 = vector.extract %slice3A_225[0] : i32 from vector<1xi32>
      %dma_start3A_227 = arith.constant 0 : i32
      %dma_start3A_228 = tpu.memref_slice %arg11[%add3A_210, %dma_start3A_227] : memref<128x128xf32, #tpu.memory_space<vmem>> -> memref<1x64xf32, #tpu.memory_space<vmem>>
      %dma_start3A_229 = tpu.memref_squeeze %dma_start3A_228 : memref<1x64xf32, #tpu.memory_space<vmem>> -> memref<64xf32, #tpu.memory_space<vmem>>
      %dma_start3A_230 = arith.constant 0 : i32
      %dma_start3A_231 = tpu.memref_slice %arg5[%squeeze3A_226, %dma_start3A_230] : memref<1000000x64xf32, #tpu.memory_space<hbm>> -> memref<1x64xf32, #tpu.memory_space<hbm>>
      %dma_start3A_232 = tpu.memref_squeeze %dma_start3A_231 : memref<1x64xf32, #tpu.memory_space<hbm>> -> memref<64xf32, #tpu.memory_space<hbm>>
      %dma_start3A_233 = arith.constant 0 : i32
      %dma_start3A_234 = tpu.memref_slice %arg11[%add3A_210, %dma_start3A_233] : memref<128x128xf32, #tpu.memory_space<vmem>> -> memref<1x64xf32, #tpu.memory_space<vmem>>
      %dma_start3A_235 = tpu.memref_squeeze %dma_start3A_234 : memref<1x64xf32, #tpu.memory_space<vmem>> -> memref<64xf32, #tpu.memory_space<vmem>>
      %dma_start3A_236 = arith.constant 0 : i32
      %dma_start3A_237 = tpu.memref_slice %arg5[%squeeze3A_226, %dma_start3A_236] : memref<1000000x64xf32, #tpu.memory_space<hbm>> -> memref<1x64xf32, #tpu.memory_space<hbm>>
      %dma_start3A_238 = tpu.memref_squeeze %dma_start3A_237 : memref<1x64xf32, #tpu.memory_space<hbm>> -> memref<64xf32, #tpu.memory_space<hbm>>
      tpu.enqueue_dma source(%dma_start3A_238 : memref<64xf32, #tpu.memory_space<hbm>>) target(%dma_start3A_235 : memref<64xf32, #tpu.memory_space<vmem>>) target_semaphore(%arg13 : memref<!tpu.dma_semaphore, #tpu.memory_space<semaphore_mem>>)
      %mul3A_239 = arith.constant 8 : i32
      %mul3A_240 = arith.muli %scan3A_41, %mul3A_239 : i32
      %add3A_241 = arith.constant 2 : i32
      %add3A_242 = arith.addi %mul3A_240, %add3A_241 : i32
      %slice3A_243 = vector.extract_strided_slice %get3A_78 {offsets = [5], sizes = [1], strides = [1]} : vector<16xi32> to vector<1xi32>
      %squeeze3A_244 = vector.extract %slice3A_243[0] : i32 from vector<1xi32>
      %dma_start3A_245 = arith.constant 64 : i32
      %dma_start3A_246 = tpu.memref_slice %arg10[%add3A_242, %dma_start3A_245] : memref<128x128xf32, #tpu.memory_space<vmem>> -> memref<1x64xf32, #tpu.memory_space<vmem>>
      %dma_start3A_247 = tpu.memref_squeeze %dma_start3A_246 : memref<1x64xf32, #tpu.memory_space<vmem>> -> memref<64xf32, #tpu.memory_space<vmem>>
      %dma_start3A_248 = arith.constant 0 : i32
      %dma_start3A_249 = tpu.memref_slice %arg4[%squeeze3A_244, %dma_start3A_248] : memref<1000000x64xf32, #tpu.memory_space<hbm>> -> memref<1x64xf32, #tpu.memory_space<hbm>>
      %dma_start3A_250 = tpu.memref_squeeze %dma_start3A_249 : memref<1x64xf32, #tpu.memory_space<hbm>> -> memref<64xf32, #tpu.memory_space<hbm>>
      %dma_start3A_251 = arith.constant 64 : i32
      %dma_start3A_252 = tpu.memref_slice %arg10[%add3A_242, %dma_start3A_251] : memref<128x128xf32, #tpu.memory_space<vmem>> -> memref<1x64xf32, #tpu.memory_space<vmem>>
      %dma_start3A_253 = tpu.memref_squeeze %dma_start3A_252 : memref<1x64xf32, #tpu.memory_space<vmem>> -> memref<64xf32, #tpu.memory_space<vmem>>
      %dma_start3A_254 = arith.constant 0 : i32
      %dma_start3A_255 = tpu.memref_slice %arg4[%squeeze3A_244, %dma_start3A_254] : memref<1000000x64xf32, #tpu.memory_space<hbm>> -> memref<1x64xf32, #tpu.memory_space<hbm>>
      %dma_start3A_256 = tpu.memref_squeeze %dma_start3A_255 : memref<1x64xf32, #tpu.memory_space<hbm>> -> memref<64xf32, #tpu.memory_space<hbm>>
      tpu.enqueue_dma source(%dma_start3A_256 : memref<64xf32, #tpu.memory_space<hbm>>) target(%dma_start3A_253 : memref<64xf32, #tpu.memory_space<vmem>>) target_semaphore(%arg13 : memref<!tpu.dma_semaphore, #tpu.memory_space<semaphore_mem>>)
      %slice3A_257 = vector.extract_strided_slice %get3A_81 {offsets = [5], sizes = [1], strides = [1]} : vector<16xi32> to vector<1xi32>
      %squeeze3A_258 = vector.extract %slice3A_257[0] : i32 from vector<1xi32>
      %dma_start3A_259 = arith.constant 64 : i32
      %dma_start3A_260 = tpu.memref_slice %arg11[%add3A_242, %dma_start3A_259] : memref<128x128xf32, #tpu.memory_space<vmem>> -> memref<1x64xf32, #tpu.memory_space<vmem>>
      %dma_start3A_261 = tpu.memref_squeeze %dma_start3A_260 : memref<1x64xf32, #tpu.memory_space<vmem>> -> memref<64xf32, #tpu.memory_space<vmem>>
      %dma_start3A_262 = arith.constant 0 : i32
      %dma_start3A_263 = tpu.memref_slice %arg5[%squeeze3A_258, %dma_start3A_262] : memref<1000000x64xf32, #tpu.memory_space<hbm>> -> memref<1x64xf32, #tpu.memory_space<hbm>>
      %dma_start3A_264 = tpu.memref_squeeze %dma_start3A_263 : memref<1x64xf32, #tpu.memory_space<hbm>> -> memref<64xf32, #tpu.memory_space<hbm>>
      %dma_start3A_265 = arith.constant 64 : i32
      %dma_start3A_266 = tpu.memref_slice %arg11[%add3A_242, %dma_start3A_265] : memref<128x128xf32, #tpu.memory_space<vmem>> -> memref<1x64xf32, #tpu.memory_space<vmem>>
      %dma_start3A_267 = tpu.memref_squeeze %dma_start3A_266 : memref<1x64xf32, #tpu.memory_space<vmem>> -> memref<64xf32, #tpu.memory_space<vmem>>
      %dma_start3A_268 = arith.constant 0 : i32
      %dma_start3A_269 = tpu.memref_slice %arg5[%squeeze3A_258, %dma_start3A_268] : memref<1000000x64xf32, #tpu.memory_space<hbm>> -> memref<1x64xf32, #tpu.memory_space<hbm>>
      %dma_start3A_270 = tpu.memref_squeeze %dma_start3A_269 : memref<1x64xf32, #tpu.memory_space<hbm>> -> memref<64xf32, #tpu.memory_space<hbm>>
      tpu.enqueue_dma source(%dma_start3A_270 : memref<64xf32, #tpu.memory_space<hbm>>) target(%dma_start3A_267 : memref<64xf32, #tpu.memory_space<vmem>>) target_semaphore(%arg13 : memref<!tpu.dma_semaphore, #tpu.memory_space<semaphore_mem>>)
      %mul3A_271 = arith.constant 8 : i32
      %mul3A_272 = arith.muli %scan3A_41, %mul3A_271 : i32
      %add3A_273 = arith.constant 3 : i32
      %add3A_274 = arith.addi %mul3A_272, %add3A_273 : i32
      %slice3A_275 = vector.extract_strided_slice %get3A_78 {offsets = [6], sizes = [1], strides = [1]} : vector<16xi32> to vector<1xi32>
      %squeeze3A_276 = vector.extract %slice3A_275[0] : i32 from vector<1xi32>
      %dma_start3A_277 = arith.constant 0 : i32
      %dma_start3A_278 = tpu.memref_slice %arg10[%add3A_274, %dma_start3A_277] : memref<128x128xf32, #tpu.memory_space<vmem>> -> memref<1x64xf32, #tpu.memory_space<vmem>>
      %dma_start3A_279 = tpu.memref_squeeze %dma_start3A_278 : memref<1x64xf32, #tpu.memory_space<vmem>> -> memref<64xf32, #tpu.memory_space<vmem>>
      %dma_start3A_280 = arith.constant 0 : i32
      %dma_start3A_281 = tpu.memref_slice %arg4[%squeeze3A_276, %dma_start3A_280] : memref<1000000x64xf32, #tpu.memory_space<hbm>> -> memref<1x64xf32, #tpu.memory_space<hbm>>
      %dma_start3A_282 = tpu.memref_squeeze %dma_start3A_281 : memref<1x64xf32, #tpu.memory_space<hbm>> -> memref<64xf32, #tpu.memory_space<hbm>>
      %dma_start3A_283 = arith.constant 0 : i32
      %dma_start3A_284 = tpu.memref_slice %arg10[%add3A_274, %dma_start3A_283] : memref<128x128xf32, #tpu.memory_space<vmem>> -> memref<1x64xf32, #tpu.memory_space<vmem>>
      %dma_start3A_285 = tpu.memref_squeeze %dma_start3A_284 : memref<1x64xf32, #tpu.memory_space<vmem>> -> memref<64xf32, #tpu.memory_space<vmem>>
      %dma_start3A_286 = arith.constant 0 : i32
      %dma_start3A_287 = tpu.memref_slice %arg4[%squeeze3A_276, %dma_start3A_286] : memref<1000000x64xf32, #tpu.memory_space<hbm>> -> memref<1x64xf32, #tpu.memory_space<hbm>>
      %dma_start3A_288 = tpu.memref_squeeze %dma_start3A_287 : memref<1x64xf32, #tpu.memory_space<hbm>> -> memref<64xf32, #tpu.memory_space<hbm>>
      tpu.enqueue_dma source(%dma_start3A_288 : memref<64xf32, #tpu.memory_space<hbm>>) target(%dma_start3A_285 : memref<64xf32, #tpu.memory_space<vmem>>) target_semaphore(%arg13 : memref<!tpu.dma_semaphore, #tpu.memory_space<semaphore_mem>>)
      %slice3A_289 = vector.extract_strided_slice %get3A_81 {offsets = [6], sizes = [1], strides = [1]} : vector<16xi32> to vector<1xi32>
      %squeeze3A_290 = vector.extract %slice3A_289[0] : i32 from vector<1xi32>
      %dma_start3A_291 = arith.constant 0 : i32
      %dma_start3A_292 = tpu.memref_slice %arg11[%add3A_274, %dma_start3A_291] : memref<128x128xf32, #tpu.memory_space<vmem>> -> memref<1x64xf32, #tpu.memory_space<vmem>>
      %dma_start3A_293 = tpu.memref_squeeze %dma_start3A_292 : memref<1x64xf32, #tpu.memory_space<vmem>> -> memref<64xf32, #tpu.memory_space<vmem>>
      %dma_start3A_294 = arith.constant 0 : i32
      %dma_start3A_295 = tpu.memref_slice %arg5[%squeeze3A_290, %dma_start3A_294] : memref<1000000x64xf32, #tpu.memory_space<hbm>> -> memref<1x64xf32, #tpu.memory_space<hbm>>
      %dma_start3A_296 = tpu.memref_squeeze %dma_start3A_295 : memref<1x64xf32, #tpu.memory_space<hbm>> -> memref<64xf32, #tpu.memory_space<hbm>>
      %dma_start3A_297 = arith.constant 0 : i32
      %dma_start3A_298 = tpu.memref_slice %arg11[%add3A_274, %dma_start3A_297] : memref<128x128xf32, #tpu.memory_space<vmem>> -> memref<1x64xf32, #tpu.memory_space<vmem>>
      %dma_start3A_299 = tpu.memref_squeeze %dma_start3A_298 : memref<1x64xf32, #tpu.memory_space<vmem>> -> memref<64xf32, #tpu.memory_space<vmem>>
      %dma_start3A_300 = arith.constant 0 : i32
      %dma_start3A_301 = tpu.memref_slice %arg5[%squeeze3A_290, %dma_start3A_300] : memref<1000000x64xf32, #tpu.memory_space<hbm>> -> memref<1x64xf32, #tpu.memory_space<hbm>>
      %dma_start3A_302 = tpu.memref_squeeze %dma_start3A_301 : memref<1x64xf32, #tpu.memory_space<hbm>> -> memref<64xf32, #tpu.memory_space<hbm>>
      tpu.enqueue_dma source(%dma_start3A_302 : memref<64xf32, #tpu.memory_space<hbm>>) target(%dma_start3A_299 : memref<64xf32, #tpu.memory_space<vmem>>) target_semaphore(%arg13 : memref<!tpu.dma_semaphore, #tpu.memory_space<semaphore_mem>>)
      %mul3A_303 = arith.constant 8 : i32
      %mul3A_304 = arith.muli %scan3A_41, %mul3A_303 : i32
      %add3A_305 = arith.constant 3 : i32
      %add3A_306 = arith.addi %mul3A_304, %add3A_305 : i32
      %slice3A_307 = vector.extract_strided_slice %get3A_78 {offsets = [7], sizes = [1], strides = [1]} : vector<16xi32> to vector<1xi32>
      %squeeze3A_308 = vector.extract %slice3A_307[0] : i32 from vector<1xi32>
      %dma_start3A_309 = arith.constant 64 : i32
      %dma_start3A_310 = tpu.memref_slice %arg10[%add3A_306, %dma_start3A_309] : memref<128x128xf32, #tpu.memory_space<vmem>> -> memref<1x64xf32, #tpu.memory_space<vmem>>
      %dma_start3A_311 = tpu.memref_squeeze %dma_start3A_310 : memref<1x64xf32, #tpu.memory_space<vmem>> -> memref<64xf32, #tpu.memory_space<vmem>>
      %dma_start3A_312 = arith.constant 0 : i32
      %dma_start3A_313 = tpu.memref_slice %arg4[%squeeze3A_308, %dma_start3A_312] : memref<1000000x64xf32, #tpu.memory_space<hbm>> -> memref<1x64xf32, #tpu.memory_space<hbm>>
      %dma_start3A_314 = tpu.memref_squeeze %dma_start3A_313 : memref<1x64xf32, #tpu.memory_space<hbm>> -> memref<64xf32, #tpu.memory_space<hbm>>
      %dma_start3A_315 = arith.constant 64 : i32
      %dma_start3A_316 = tpu.memref_slice %arg10[%add3A_306, %dma_start3A_315] : memref<128x128xf32, #tpu.memory_space<vmem>> -> memref<1x64xf32, #tpu.memory_space<vmem>>
      %dma_start3A_317 = tpu.memref_squeeze %dma_start3A_316 : memref<1x64xf32, #tpu.memory_space<vmem>> -> memref<64xf32, #tpu.memory_space<vmem>>
      %dma_start3A_318 = arith.constant 0 : i32
      %dma_start3A_319 = tpu.memref_slice %arg4[%squeeze3A_308, %dma_start3A_318] : memref<1000000x64xf32, #tpu.memory_space<hbm>> -> memref<1x64xf32, #tpu.memory_space<hbm>>
      %dma_start3A_320 = tpu.memref_squeeze %dma_start3A_319 : memref<1x64xf32, #tpu.memory_space<hbm>> -> memref<64xf32, #tpu.memory_space<hbm>>
      tpu.enqueue_dma source(%dma_start3A_320 : memref<64xf32, #tpu.memory_space<hbm>>) target(%dma_start3A_317 : memref<64xf32, #tpu.memory_space<vmem>>) target_semaphore(%arg13 : memref<!tpu.dma_semaphore, #tpu.memory_space<semaphore_mem>>)
      %slice3A_321 = vector.extract_strided_slice %get3A_81 {offsets = [7], sizes = [1], strides = [1]} : vector<16xi32> to vector<1xi32>
      %squeeze3A_322 = vector.extract %slice3A_321[0] : i32 from vector<1xi32>
      %dma_start3A_323 = arith.constant 64 : i32
      %dma_start3A_324 = tpu.memref_slice %arg11[%add3A_306, %dma_start3A_323] : memref<128x128xf32, #tpu.memory_space<vmem>> -> memref<1x64xf32, #tpu.memory_space<vmem>>
      %dma_start3A_325 = tpu.memref_squeeze %dma_start3A_324 : memref<1x64xf32, #tpu.memory_space<vmem>> -> memref<64xf32, #tpu.memory_space<vmem>>
      %dma_start3A_326 = arith.constant 0 : i32
      %dma_start3A_327 = tpu.memref_slice %arg5[%squeeze3A_322, %dma_start3A_326] : memref<1000000x64xf32, #tpu.memory_space<hbm>> -> memref<1x64xf32, #tpu.memory_space<hbm>>
      %dma_start3A_328 = tpu.memref_squeeze %dma_start3A_327 : memref<1x64xf32, #tpu.memory_space<hbm>> -> memref<64xf32, #tpu.memory_space<hbm>>
      %dma_start3A_329 = arith.constant 64 : i32
      %dma_start3A_330 = tpu.memref_slice %arg11[%add3A_306, %dma_start3A_329] : memref<128x128xf32, #tpu.memory_space<vmem>> -> memref<1x64xf32, #tpu.memory_space<vmem>>
      %dma_start3A_331 = tpu.memref_squeeze %dma_start3A_330 : memref<1x64xf32, #tpu.memory_space<vmem>> -> memref<64xf32, #tpu.memory_space<vmem>>
      %dma_start3A_332 = arith.constant 0 : i32
      %dma_start3A_333 = tpu.memref_slice %arg5[%squeeze3A_322, %dma_start3A_332] : memref<1000000x64xf32, #tpu.memory_space<hbm>> -> memref<1x64xf32, #tpu.memory_space<hbm>>
      %dma_start3A_334 = tpu.memref_squeeze %dma_start3A_333 : memref<1x64xf32, #tpu.memory_space<hbm>> -> memref<64xf32, #tpu.memory_space<hbm>>
      tpu.enqueue_dma source(%dma_start3A_334 : memref<64xf32, #tpu.memory_space<hbm>>) target(%dma_start3A_331 : memref<64xf32, #tpu.memory_space<vmem>>) target_semaphore(%arg13 : memref<!tpu.dma_semaphore, #tpu.memory_space<semaphore_mem>>)
      %mul3A_335 = arith.constant 8 : i32
      %mul3A_336 = arith.muli %scan3A_41, %mul3A_335 : i32
      %add3A_337 = arith.constant 4 : i32
      %add3A_338 = arith.addi %mul3A_336, %add3A_337 : i32
      %slice3A_339 = vector.extract_strided_slice %get3A_78 {offsets = [8], sizes = [1], strides = [1]} : vector<16xi32> to vector<1xi32>
      %squeeze3A_340 = vector.extract %slice3A_339[0] : i32 from vector<1xi32>
      %dma_start3A_341 = arith.constant 0 : i32
      %dma_start3A_342 = tpu.memref_slice %arg10[%add3A_338, %dma_start3A_341] : memref<128x128xf32, #tpu.memory_space<vmem>> -> memref<1x64xf32, #tpu.memory_space<vmem>>
      %dma_start3A_343 = tpu.memref_squeeze %dma_start3A_342 : memref<1x64xf32, #tpu.memory_space<vmem>> -> memref<64xf32, #tpu.memory_space<vmem>>
      %dma_start3A_344 = arith.constant 0 : i32
      %dma_start3A_345 = tpu.memref_slice %arg4[%squeeze3A_340, %dma_start3A_344] : memref<1000000x64xf32, #tpu.memory_space<hbm>> -> memref<1x64xf32, #tpu.memory_space<hbm>>
      %dma_start3A_346 = tpu.memref_squeeze %dma_start3A_345 : memref<1x64xf32, #tpu.memory_space<hbm>> -> memref<64xf32, #tpu.memory_space<hbm>>
      %dma_start3A_347 = arith.constant 0 : i32
      %dma_start3A_348 = tpu.memref_slice %arg10[%add3A_338, %dma_start3A_347] : memref<128x128xf32, #tpu.memory_space<vmem>> -> memref<1x64xf32, #tpu.memory_space<vmem>>
      %dma_start3A_349 = tpu.memref_squeeze %dma_start3A_348 : memref<1x64xf32, #tpu.memory_space<vmem>> -> memref<64xf32, #tpu.memory_space<vmem>>
      %dma_start3A_350 = arith.constant 0 : i32
      %dma_start3A_351 = tpu.memref_slice %arg4[%squeeze3A_340, %dma_start3A_350] : memref<1000000x64xf32, #tpu.memory_space<hbm>> -> memref<1x64xf32, #tpu.memory_space<hbm>>
      %dma_start3A_352 = tpu.memref_squeeze %dma_start3A_351 : memref<1x64xf32, #tpu.memory_space<hbm>> -> memref<64xf32, #tpu.memory_space<hbm>>
      tpu.enqueue_dma source(%dma_start3A_352 : memref<64xf32, #tpu.memory_space<hbm>>) target(%dma_start3A_349 : memref<64xf32, #tpu.memory_space<vmem>>) target_semaphore(%arg13 : memref<!tpu.dma_semaphore, #tpu.memory_space<semaphore_mem>>)
      %slice3A_353 = vector.extract_strided_slice %get3A_81 {offsets = [8], sizes = [1], strides = [1]} : vector<16xi32> to vector<1xi32>
      %squeeze3A_354 = vector.extract %slice3A_353[0] : i32 from vector<1xi32>
      %dma_start3A_355 = arith.constant 0 : i32
      %dma_start3A_356 = tpu.memref_slice %arg11[%add3A_338, %dma_start3A_355] : memref<128x128xf32, #tpu.memory_space<vmem>> -> memref<1x64xf32, #tpu.memory_space<vmem>>
      %dma_start3A_357 = tpu.memref_squeeze %dma_start3A_356 : memref<1x64xf32, #tpu.memory_space<vmem>> -> memref<64xf32, #tpu.memory_space<vmem>>
      %dma_start3A_358 = arith.constant 0 : i32
      %dma_start3A_359 = tpu.memref_slice %arg5[%squeeze3A_354, %dma_start3A_358] : memref<1000000x64xf32, #tpu.memory_space<hbm>> -> memref<1x64xf32, #tpu.memory_space<hbm>>
      %dma_start3A_360 = tpu.memref_squeeze %dma_start3A_359 : memref<1x64xf32, #tpu.memory_space<hbm>> -> memref<64xf32, #tpu.memory_space<hbm>>
      %dma_start3A_361 = arith.constant 0 : i32
      %dma_start3A_362 = tpu.memref_slice %arg11[%add3A_338, %dma_start3A_361] : memref<128x128xf32, #tpu.memory_space<vmem>> -> memref<1x64xf32, #tpu.memory_space<vmem>>
      %dma_start3A_363 = tpu.memref_squeeze %dma_start3A_362 : memref<1x64xf32, #tpu.memory_space<vmem>> -> memref<64xf32, #tpu.memory_space<vmem>>
      %dma_start3A_364 = arith.constant 0 : i32
      %dma_start3A_365 = tpu.memref_slice %arg5[%squeeze3A_354, %dma_start3A_364] : memref<1000000x64xf32, #tpu.memory_space<hbm>> -> memref<1x64xf32, #tpu.memory_space<hbm>>
      %dma_start3A_366 = tpu.memref_squeeze %dma_start3A_365 : memref<1x64xf32, #tpu.memory_space<hbm>> -> memref<64xf32, #tpu.memory_space<hbm>>
      tpu.enqueue_dma source(%dma_start3A_366 : memref<64xf32, #tpu.memory_space<hbm>>) target(%dma_start3A_363 : memref<64xf32, #tpu.memory_space<vmem>>) target_semaphore(%arg13 : memref<!tpu.dma_semaphore, #tpu.memory_space<semaphore_mem>>)
      %mul3A_367 = arith.constant 8 : i32
      %mul3A_368 = arith.muli %scan3A_41, %mul3A_367 : i32
      %add3A_369 = arith.constant 4 : i32
      %add3A_370 = arith.addi %mul3A_368, %add3A_369 : i32
      %slice3A_371 = vector.extract_strided_slice %get3A_78 {offsets = [9], sizes = [1], strides = [1]} : vector<16xi32> to vector<1xi32>
      %squeeze3A_372 = vector.extract %slice3A_371[0] : i32 from vector<1xi32>
      %dma_start3A_373 = arith.constant 64 : i32
      %dma_start3A_374 = tpu.memref_slice %arg10[%add3A_370, %dma_start3A_373] : memref<128x128xf32, #tpu.memory_space<vmem>> -> memref<1x64xf32, #tpu.memory_space<vmem>>
      %dma_start3A_375 = tpu.memref_squeeze %dma_start3A_374 : memref<1x64xf32, #tpu.memory_space<vmem>> -> memref<64xf32, #tpu.memory_space<vmem>>
      %dma_start3A_376 = arith.constant 0 : i32
      %dma_start3A_377 = tpu.memref_slice %arg4[%squeeze3A_372, %dma_start3A_376] : memref<1000000x64xf32, #tpu.memory_space<hbm>> -> memref<1x64xf32, #tpu.memory_space<hbm>>
      %dma_start3A_378 = tpu.memref_squeeze %dma_start3A_377 : memref<1x64xf32, #tpu.memory_space<hbm>> -> memref<64xf32, #tpu.memory_space<hbm>>
      %dma_start3A_379 = arith.constant 64 : i32
      %dma_start3A_380 = tpu.memref_slice %arg10[%add3A_370, %dma_start3A_379] : memref<128x128xf32, #tpu.memory_space<vmem>> -> memref<1x64xf32, #tpu.memory_space<vmem>>
      %dma_start3A_381 = tpu.memref_squeeze %dma_start3A_380 : memref<1x64xf32, #tpu.memory_space<vmem>> -> memref<64xf32, #tpu.memory_space<vmem>>
      %dma_start3A_382 = arith.constant 0 : i32
      %dma_start3A_383 = tpu.memref_slice %arg4[%squeeze3A_372, %dma_start3A_382] : memref<1000000x64xf32, #tpu.memory_space<hbm>> -> memref<1x64xf32, #tpu.memory_space<hbm>>
      %dma_start3A_384 = tpu.memref_squeeze %dma_start3A_383 : memref<1x64xf32, #tpu.memory_space<hbm>> -> memref<64xf32, #tpu.memory_space<hbm>>
      tpu.enqueue_dma source(%dma_start3A_384 : memref<64xf32, #tpu.memory_space<hbm>>) target(%dma_start3A_381 : memref<64xf32, #tpu.memory_space<vmem>>) target_semaphore(%arg13 : memref<!tpu.dma_semaphore, #tpu.memory_space<semaphore_mem>>)
      %slice3A_385 = vector.extract_strided_slice %get3A_81 {offsets = [9], sizes = [1], strides = [1]} : vector<16xi32> to vector<1xi32>
      %squeeze3A_386 = vector.extract %slice3A_385[0] : i32 from vector<1xi32>
      %dma_start3A_387 = arith.constant 64 : i32
      %dma_start3A_388 = tpu.memref_slice %arg11[%add3A_370, %dma_start3A_387] : memref<128x128xf32, #tpu.memory_space<vmem>> -> memref<1x64xf32, #tpu.memory_space<vmem>>
      %dma_start3A_389 = tpu.memref_squeeze %dma_start3A_388 : memref<1x64xf32, #tpu.memory_space<vmem>> -> memref<64xf32, #tpu.memory_space<vmem>>
      %dma_start3A_390 = arith.constant 0 : i32
      %dma_start3A_391 = tpu.memref_slice %arg5[%squeeze3A_386, %dma_start3A_390] : memref<1000000x64xf32, #tpu.memory_space<hbm>> -> memref<1x64xf32, #tpu.memory_space<hbm>>
      %dma_start3A_392 = tpu.memref_squeeze %dma_start3A_391 : memref<1x64xf32, #tpu.memory_space<hbm>> -> memref<64xf32, #tpu.memory_space<hbm>>
      %dma_start3A_393 = arith.constant 64 : i32
      %dma_start3A_394 = tpu.memref_slice %arg11[%add3A_370, %dma_start3A_393] : memref<128x128xf32, #tpu.memory_space<vmem>> -> memref<1x64xf32, #tpu.memory_space<vmem>>
      %dma_start3A_395 = tpu.memref_squeeze %dma_start3A_394 : memref<1x64xf32, #tpu.memory_space<vmem>> -> memref<64xf32, #tpu.memory_space<vmem>>
      %dma_start3A_396 = arith.constant 0 : i32
      %dma_start3A_397 = tpu.memref_slice %arg5[%squeeze3A_386, %dma_start3A_396] : memref<1000000x64xf32, #tpu.memory_space<hbm>> -> memref<1x64xf32, #tpu.memory_space<hbm>>
      %dma_start3A_398 = tpu.memref_squeeze %dma_start3A_397 : memref<1x64xf32, #tpu.memory_space<hbm>> -> memref<64xf32, #tpu.memory_space<hbm>>
      tpu.enqueue_dma source(%dma_start3A_398 : memref<64xf32, #tpu.memory_space<hbm>>) target(%dma_start3A_395 : memref<64xf32, #tpu.memory_space<vmem>>) target_semaphore(%arg13 : memref<!tpu.dma_semaphore, #tpu.memory_space<semaphore_mem>>)
      %mul3A_399 = arith.constant 8 : i32
      %mul3A_400 = arith.muli %scan3A_41, %mul3A_399 : i32
      %add3A_401 = arith.constant 5 : i32
      %add3A_402 = arith.addi %mul3A_400, %add3A_401 : i32
      %slice3A_403 = vector.extract_strided_slice %get3A_78 {offsets = [10], sizes = [1], strides = [1]} : vector<16xi32> to vector<1xi32>
      %squeeze3A_404 = vector.extract %slice3A_403[0] : i32 from vector<1xi32>
      %dma_start3A_405 = arith.constant 0 : i32
      %dma_start3A_406 = tpu.memref_slice %arg10[%add3A_402, %dma_start3A_405] : memref<128x128xf32, #tpu.memory_space<vmem>> -> memref<1x64xf32, #tpu.memory_space<vmem>>
      %dma_start3A_407 = tpu.memref_squeeze %dma_start3A_406 : memref<1x64xf32, #tpu.memory_space<vmem>> -> memref<64xf32, #tpu.memory_space<vmem>>
      %dma_start3A_408 = arith.constant 0 : i32
      %dma_start3A_409 = tpu.memref_slice %arg4[%squeeze3A_404, %dma_start3A_408] : memref<1000000x64xf32, #tpu.memory_space<hbm>> -> memref<1x64xf32, #tpu.memory_space<hbm>>
      %dma_start3A_410 = tpu.memref_squeeze %dma_start3A_409 : memref<1x64xf32, #tpu.memory_space<hbm>> -> memref<64xf32, #tpu.memory_space<hbm>>
      %dma_start3A_411 = arith.constant 0 : i32
      %dma_start3A_412 = tpu.memref_slice %arg10[%add3A_402, %dma_start3A_411] : memref<128x128xf32, #tpu.memory_space<vmem>> -> memref<1x64xf32, #tpu.memory_space<vmem>>
      %dma_start3A_413 = tpu.memref_squeeze %dma_start3A_412 : memref<1x64xf32, #tpu.memory_space<vmem>> -> memref<64xf32, #tpu.memory_space<vmem>>
      %dma_start3A_414 = arith.constant 0 : i32
      %dma_start3A_415 = tpu.memref_slice %arg4[%squeeze3A_404, %dma_start3A_414] : memref<1000000x64xf32, #tpu.memory_space<hbm>> -> memref<1x64xf32, #tpu.memory_space<hbm>>
      %dma_start3A_416 = tpu.memref_squeeze %dma_start3A_415 : memref<1x64xf32, #tpu.memory_space<hbm>> -> memref<64xf32, #tpu.memory_space<hbm>>
      tpu.enqueue_dma source(%dma_start3A_416 : memref<64xf32, #tpu.memory_space<hbm>>) target(%dma_start3A_413 : memref<64xf32, #tpu.memory_space<vmem>>) target_semaphore(%arg13 : memref<!tpu.dma_semaphore, #tpu.memory_space<semaphore_mem>>)
      %slice3A_417 = vector.extract_strided_slice %get3A_81 {offsets = [10], sizes = [1], strides = [1]} : vector<16xi32> to vector<1xi32>
      %squeeze3A_418 = vector.extract %slice3A_417[0] : i32 from vector<1xi32>
      %dma_start3A_419 = arith.constant 0 : i32
      %dma_start3A_420 = tpu.memref_slice %arg11[%add3A_402, %dma_start3A_419] : memref<128x128xf32, #tpu.memory_space<vmem>> -> memref<1x64xf32, #tpu.memory_space<vmem>>
      %dma_start3A_421 = tpu.memref_squeeze %dma_start3A_420 : memref<1x64xf32, #tpu.memory_space<vmem>> -> memref<64xf32, #tpu.memory_space<vmem>>
      %dma_start3A_422 = arith.constant 0 : i32
      %dma_start3A_423 = tpu.memref_slice %arg5[%squeeze3A_418, %dma_start3A_422] : memref<1000000x64xf32, #tpu.memory_space<hbm>> -> memref<1x64xf32, #tpu.memory_space<hbm>>
      %dma_start3A_424 = tpu.memref_squeeze %dma_start3A_423 : memref<1x64xf32, #tpu.memory_space<hbm>> -> memref<64xf32, #tpu.memory_space<hbm>>
      %dma_start3A_425 = arith.constant 0 : i32
      %dma_start3A_426 = tpu.memref_slice %arg11[%add3A_402, %dma_start3A_425] : memref<128x128xf32, #tpu.memory_space<vmem>> -> memref<1x64xf32, #tpu.memory_space<vmem>>
      %dma_start3A_427 = tpu.memref_squeeze %dma_start3A_426 : memref<1x64xf32, #tpu.memory_space<vmem>> -> memref<64xf32, #tpu.memory_space<vmem>>
      %dma_start3A_428 = arith.constant 0 : i32
      %dma_start3A_429 = tpu.memref_slice %arg5[%squeeze3A_418, %dma_start3A_428] : memref<1000000x64xf32, #tpu.memory_space<hbm>> -> memref<1x64xf32, #tpu.memory_space<hbm>>
      %dma_start3A_430 = tpu.memref_squeeze %dma_start3A_429 : memref<1x64xf32, #tpu.memory_space<hbm>> -> memref<64xf32, #tpu.memory_space<hbm>>
      tpu.enqueue_dma source(%dma_start3A_430 : memref<64xf32, #tpu.memory_space<hbm>>) target(%dma_start3A_427 : memref<64xf32, #tpu.memory_space<vmem>>) target_semaphore(%arg13 : memref<!tpu.dma_semaphore, #tpu.memory_space<semaphore_mem>>)
      %mul3A_431 = arith.constant 8 : i32
      %mul3A_432 = arith.muli %scan3A_41, %mul3A_431 : i32
      %add3A_433 = arith.constant 5 : i32
      %add3A_434 = arith.addi %mul3A_432, %add3A_433 : i32
      %slice3A_435 = vector.extract_strided_slice %get3A_78 {offsets = [11], sizes = [1], strides = [1]} : vector<16xi32> to vector<1xi32>
      %squeeze3A_436 = vector.extract %slice3A_435[0] : i32 from vector<1xi32>
      %dma_start3A_437 = arith.constant 64 : i32
      %dma_start3A_438 = tpu.memref_slice %arg10[%add3A_434, %dma_start3A_437] : memref<128x128xf32, #tpu.memory_space<vmem>> -> memref<1x64xf32, #tpu.memory_space<vmem>>
      %dma_start3A_439 = tpu.memref_squeeze %dma_start3A_438 : memref<1x64xf32, #tpu.memory_space<vmem>> -> memref<64xf32, #tpu.memory_space<vmem>>
      %dma_start3A_440 = arith.constant 0 : i32
      %dma_start3A_441 = tpu.memref_slice %arg4[%squeeze3A_436, %dma_start3A_440] : memref<1000000x64xf32, #tpu.memory_space<hbm>> -> memref<1x64xf32, #tpu.memory_space<hbm>>
      %dma_start3A_442 = tpu.memref_squeeze %dma_start3A_441 : memref<1x64xf32, #tpu.memory_space<hbm>> -> memref<64xf32, #tpu.memory_space<hbm>>
      %dma_start3A_443 = arith.constant 64 : i32
      %dma_start3A_444 = tpu.memref_slice %arg10[%add3A_434, %dma_start3A_443] : memref<128x128xf32, #tpu.memory_space<vmem>> -> memref<1x64xf32, #tpu.memory_space<vmem>>
      %dma_start3A_445 = tpu.memref_squeeze %dma_start3A_444 : memref<1x64xf32, #tpu.memory_space<vmem>> -> memref<64xf32, #tpu.memory_space<vmem>>
      %dma_start3A_446 = arith.constant 0 : i32
      %dma_start3A_447 = tpu.memref_slice %arg4[%squeeze3A_436, %dma_start3A_446] : memref<1000000x64xf32, #tpu.memory_space<hbm>> -> memref<1x64xf32, #tpu.memory_space<hbm>>
      %dma_start3A_448 = tpu.memref_squeeze %dma_start3A_447 : memref<1x64xf32, #tpu.memory_space<hbm>> -> memref<64xf32, #tpu.memory_space<hbm>>
      tpu.enqueue_dma source(%dma_start3A_448 : memref<64xf32, #tpu.memory_space<hbm>>) target(%dma_start3A_445 : memref<64xf32, #tpu.memory_space<vmem>>) target_semaphore(%arg13 : memref<!tpu.dma_semaphore, #tpu.memory_space<semaphore_mem>>)
      %slice3A_449 = vector.extract_strided_slice %get3A_81 {offsets = [11], sizes = [1], strides = [1]} : vector<16xi32> to vector<1xi32>
      %squeeze3A_450 = vector.extract %slice3A_449[0] : i32 from vector<1xi32>
      %dma_start3A_451 = arith.constant 64 : i32
      %dma_start3A_452 = tpu.memref_slice %arg11[%add3A_434, %dma_start3A_451] : memref<128x128xf32, #tpu.memory_space<vmem>> -> memref<1x64xf32, #tpu.memory_space<vmem>>
      %dma_start3A_453 = tpu.memref_squeeze %dma_start3A_452 : memref<1x64xf32, #tpu.memory_space<vmem>> -> memref<64xf32, #tpu.memory_space<vmem>>
      %dma_start3A_454 = arith.constant 0 : i32
      %dma_start3A_455 = tpu.memref_slice %arg5[%squeeze3A_450, %dma_start3A_454] : memref<1000000x64xf32, #tpu.memory_space<hbm>> -> memref<1x64xf32, #tpu.memory_space<hbm>>
      %dma_start3A_456 = tpu.memref_squeeze %dma_start3A_455 : memref<1x64xf32, #tpu.memory_space<hbm>> -> memref<64xf32, #tpu.memory_space<hbm>>
      %dma_start3A_457 = arith.constant 64 : i32
      %dma_start3A_458 = tpu.memref_slice %arg11[%add3A_434, %dma_start3A_457] : memref<128x128xf32, #tpu.memory_space<vmem>> -> memref<1x64xf32, #tpu.memory_space<vmem>>
      %dma_start3A_459 = tpu.memref_squeeze %dma_start3A_458 : memref<1x64xf32, #tpu.memory_space<vmem>> -> memref<64xf32, #tpu.memory_space<vmem>>
      %dma_start3A_460 = arith.constant 0 : i32
      %dma_start3A_461 = tpu.memref_slice %arg5[%squeeze3A_450, %dma_start3A_460] : memref<1000000x64xf32, #tpu.memory_space<hbm>> -> memref<1x64xf32, #tpu.memory_space<hbm>>
      %dma_start3A_462 = tpu.memref_squeeze %dma_start3A_461 : memref<1x64xf32, #tpu.memory_space<hbm>> -> memref<64xf32, #tpu.memory_space<hbm>>
      tpu.enqueue_dma source(%dma_start3A_462 : memref<64xf32, #tpu.memory_space<hbm>>) target(%dma_start3A_459 : memref<64xf32, #tpu.memory_space<vmem>>) target_semaphore(%arg13 : memref<!tpu.dma_semaphore, #tpu.memory_space<semaphore_mem>>)
      %mul3A_463 = arith.constant 8 : i32
      %mul3A_464 = arith.muli %scan3A_41, %mul3A_463 : i32
      %add3A_465 = arith.constant 6 : i32
      %add3A_466 = arith.addi %mul3A_464, %add3A_465 : i32
      %slice3A_467 = vector.extract_strided_slice %get3A_78 {offsets = [12], sizes = [1], strides = [1]} : vector<16xi32> to vector<1xi32>
      %squeeze3A_468 = vector.extract %slice3A_467[0] : i32 from vector<1xi32>
      %dma_start3A_469 = arith.constant 0 : i32
      %dma_start3A_470 = tpu.memref_slice %arg10[%add3A_466, %dma_start3A_469] : memref<128x128xf32, #tpu.memory_space<vmem>> -> memref<1x64xf32, #tpu.memory_space<vmem>>
      %dma_start3A_471 = tpu.memref_squeeze %dma_start3A_470 : memref<1x64xf32, #tpu.memory_space<vmem>> -> memref<64xf32, #tpu.memory_space<vmem>>
      %dma_start3A_472 = arith.constant 0 : i32
      %dma_start3A_473 = tpu.memref_slice %arg4[%squeeze3A_468, %dma_start3A_472] : memref<1000000x64xf32, #tpu.memory_space<hbm>> -> memref<1x64xf32, #tpu.memory_space<hbm>>
      %dma_start3A_474 = tpu.memref_squeeze %dma_start3A_473 : memref<1x64xf32, #tpu.memory_space<hbm>> -> memref<64xf32, #tpu.memory_space<hbm>>
      %dma_start3A_475 = arith.constant 0 : i32
      %dma_start3A_476 = tpu.memref_slice %arg10[%add3A_466, %dma_start3A_475] : memref<128x128xf32, #tpu.memory_space<vmem>> -> memref<1x64xf32, #tpu.memory_space<vmem>>
      %dma_start3A_477 = tpu.memref_squeeze %dma_start3A_476 : memref<1x64xf32, #tpu.memory_space<vmem>> -> memref<64xf32, #tpu.memory_space<vmem>>
      %dma_start3A_478 = arith.constant 0 : i32
      %dma_start3A_479 = tpu.memref_slice %arg4[%squeeze3A_468, %dma_start3A_478] : memref<1000000x64xf32, #tpu.memory_space<hbm>> -> memref<1x64xf32, #tpu.memory_space<hbm>>
      %dma_start3A_480 = tpu.memref_squeeze %dma_start3A_479 : memref<1x64xf32, #tpu.memory_space<hbm>> -> memref<64xf32, #tpu.memory_space<hbm>>
      tpu.enqueue_dma source(%dma_start3A_480 : memref<64xf32, #tpu.memory_space<hbm>>) target(%dma_start3A_477 : memref<64xf32, #tpu.memory_space<vmem>>) target_semaphore(%arg13 : memref<!tpu.dma_semaphore, #tpu.memory_space<semaphore_mem>>)
      %slice3A_481 = vector.extract_strided_slice %get3A_81 {offsets = [12], sizes = [1], strides = [1]} : vector<16xi32> to vector<1xi32>
      %squeeze3A_482 = vector.extract %slice3A_481[0] : i32 from vector<1xi32>
      %dma_start3A_483 = arith.constant 0 : i32
      %dma_start3A_484 = tpu.memref_slice %arg11[%add3A_466, %dma_start3A_483] : memref<128x128xf32, #tpu.memory_space<vmem>> -> memref<1x64xf32, #tpu.memory_space<vmem>>
      %dma_start3A_485 = tpu.memref_squeeze %dma_start3A_484 : memref<1x64xf32, #tpu.memory_space<vmem>> -> memref<64xf32, #tpu.memory_space<vmem>>
      %dma_start3A_486 = arith.constant 0 : i32
      %dma_start3A_487 = tpu.memref_slice %arg5[%squeeze3A_482, %dma_start3A_486] : memref<1000000x64xf32, #tpu.memory_space<hbm>> -> memref<1x64xf32, #tpu.memory_space<hbm>>
      %dma_start3A_488 = tpu.memref_squeeze %dma_start3A_487 : memref<1x64xf32, #tpu.memory_space<hbm>> -> memref<64xf32, #tpu.memory_space<hbm>>
      %dma_start3A_489 = arith.constant 0 : i32
      %dma_start3A_490 = tpu.memref_slice %arg11[%add3A_466, %dma_start3A_489] : memref<128x128xf32, #tpu.memory_space<vmem>> -> memref<1x64xf32, #tpu.memory_space<vmem>>
      %dma_start3A_491 = tpu.memref_squeeze %dma_start3A_490 : memref<1x64xf32, #tpu.memory_space<vmem>> -> memref<64xf32, #tpu.memory_space<vmem>>
      %dma_start3A_492 = arith.constant 0 : i32
      %dma_start3A_493 = tpu.memref_slice %arg5[%squeeze3A_482, %dma_start3A_492] : memref<1000000x64xf32, #tpu.memory_space<hbm>> -> memref<1x64xf32, #tpu.memory_space<hbm>>
      %dma_start3A_494 = tpu.memref_squeeze %dma_start3A_493 : memref<1x64xf32, #tpu.memory_space<hbm>> -> memref<64xf32, #tpu.memory_space<hbm>>
      tpu.enqueue_dma source(%dma_start3A_494 : memref<64xf32, #tpu.memory_space<hbm>>) target(%dma_start3A_491 : memref<64xf32, #tpu.memory_space<vmem>>) target_semaphore(%arg13 : memref<!tpu.dma_semaphore, #tpu.memory_space<semaphore_mem>>)
      %mul3A_495 = arith.constant 8 : i32
      %mul3A_496 = arith.muli %scan3A_41, %mul3A_495 : i32
      %add3A_497 = arith.constant 6 : i32
      %add3A_498 = arith.addi %mul3A_496, %add3A_497 : i32
      %slice3A_499 = vector.extract_strided_slice %get3A_78 {offsets = [13], sizes = [1], strides = [1]} : vector<16xi32> to vector<1xi32>
      %squeeze3A_500 = vector.extract %slice3A_499[0] : i32 from vector<1xi32>
      %dma_start3A_501 = arith.constant 64 : i32
      %dma_start3A_502 = tpu.memref_slice %arg10[%add3A_498, %dma_start3A_501] : memref<128x128xf32, #tpu.memory_space<vmem>> -> memref<1x64xf32, #tpu.memory_space<vmem>>
      %dma_start3A_503 = tpu.memref_squeeze %dma_start3A_502 : memref<1x64xf32, #tpu.memory_space<vmem>> -> memref<64xf32, #tpu.memory_space<vmem>>
      %dma_start3A_504 = arith.constant 0 : i32
      %dma_start3A_505 = tpu.memref_slice %arg4[%squeeze3A_500, %dma_start3A_504] : memref<1000000x64xf32, #tpu.memory_space<hbm>> -> memref<1x64xf32, #tpu.memory_space<hbm>>
      %dma_start3A_506 = tpu.memref_squeeze %dma_start3A_505 : memref<1x64xf32, #tpu.memory_space<hbm>> -> memref<64xf32, #tpu.memory_space<hbm>>
      %dma_start3A_507 = arith.constant 64 : i32
      %dma_start3A_508 = tpu.memref_slice %arg10[%add3A_498, %dma_start3A_507] : memref<128x128xf32, #tpu.memory_space<vmem>> -> memref<1x64xf32, #tpu.memory_space<vmem>>
      %dma_start3A_509 = tpu.memref_squeeze %dma_start3A_508 : memref<1x64xf32, #tpu.memory_space<vmem>> -> memref<64xf32, #tpu.memory_space<vmem>>
      %dma_start3A_510 = arith.constant 0 : i32
      %dma_start3A_511 = tpu.memref_slice %arg4[%squeeze3A_500, %dma_start3A_510] : memref<1000000x64xf32, #tpu.memory_space<hbm>> -> memref<1x64xf32, #tpu.memory_space<hbm>>
      %dma_start3A_512 = tpu.memref_squeeze %dma_start3A_511 : memref<1x64xf32, #tpu.memory_space<hbm>> -> memref<64xf32, #tpu.memory_space<hbm>>
      tpu.enqueue_dma source(%dma_start3A_512 : memref<64xf32, #tpu.memory_space<hbm>>) target(%dma_start3A_509 : memref<64xf32, #tpu.memory_space<vmem>>) target_semaphore(%arg13 : memref<!tpu.dma_semaphore, #tpu.memory_space<semaphore_mem>>)
      %slice3A_513 = vector.extract_strided_slice %get3A_81 {offsets = [13], sizes = [1], strides = [1]} : vector<16xi32> to vector<1xi32>
      %squeeze3A_514 = vector.extract %slice3A_513[0] : i32 from vector<1xi32>
      %dma_start3A_515 = arith.constant 64 : i32
      %dma_start3A_516 = tpu.memref_slice %arg11[%add3A_498, %dma_start3A_515] : memref<128x128xf32, #tpu.memory_space<vmem>> -> memref<1x64xf32, #tpu.memory_space<vmem>>
      %dma_start3A_517 = tpu.memref_squeeze %dma_start3A_516 : memref<1x64xf32, #tpu.memory_space<vmem>> -> memref<64xf32, #tpu.memory_space<vmem>>
      %dma_start3A_518 = arith.constant 0 : i32
      %dma_start3A_519 = tpu.memref_slice %arg5[%squeeze3A_514, %dma_start3A_518] : memref<1000000x64xf32, #tpu.memory_space<hbm>> -> memref<1x64xf32, #tpu.memory_space<hbm>>
      %dma_start3A_520 = tpu.memref_squeeze %dma_start3A_519 : memref<1x64xf32, #tpu.memory_space<hbm>> -> memref<64xf32, #tpu.memory_space<hbm>>
      %dma_start3A_521 = arith.constant 64 : i32
      %dma_start3A_522 = tpu.memref_slice %arg11[%add3A_498, %dma_start3A_521] : memref<128x128xf32, #tpu.memory_space<vmem>> -> memref<1x64xf32, #tpu.memory_space<vmem>>
      %dma_start3A_523 = tpu.memref_squeeze %dma_start3A_522 : memref<1x64xf32, #tpu.memory_space<vmem>> -> memref<64xf32, #tpu.memory_space<vmem>>
      %dma_start3A_524 = arith.constant 0 : i32
      %dma_start3A_525 = tpu.memref_slice %arg5[%squeeze3A_514, %dma_start3A_524] : memref<1000000x64xf32, #tpu.memory_space<hbm>> -> memref<1x64xf32, #tpu.memory_space<hbm>>
      %dma_start3A_526 = tpu.memref_squeeze %dma_start3A_525 : memref<1x64xf32, #tpu.memory_space<hbm>> -> memref<64xf32, #tpu.memory_space<hbm>>
      tpu.enqueue_dma source(%dma_start3A_526 : memref<64xf32, #tpu.memory_space<hbm>>) target(%dma_start3A_523 : memref<64xf32, #tpu.memory_space<vmem>>) target_semaphore(%arg13 : memref<!tpu.dma_semaphore, #tpu.memory_space<semaphore_mem>>)
      %mul3A_527 = arith.constant 8 : i32
      %mul3A_528 = arith.muli %scan3A_41, %mul3A_527 : i32
      %add3A_529 = arith.constant 7 : i32
      %add3A_530 = arith.addi %mul3A_528, %add3A_529 : i32
      %slice3A_531 = vector.extract_strided_slice %get3A_78 {offsets = [14], sizes = [1], strides = [1]} : vector<16xi32> to vector<1xi32>
      %squeeze3A_532 = vector.extract %slice3A_531[0] : i32 from vector<1xi32>
      %dma_start3A_533 = arith.constant 0 : i32
      %dma_start3A_534 = tpu.memref_slice %arg10[%add3A_530, %dma_start3A_533] : memref<128x128xf32, #tpu.memory_space<vmem>> -> memref<1x64xf32, #tpu.memory_space<vmem>>
      %dma_start3A_535 = tpu.memref_squeeze %dma_start3A_534 : memref<1x64xf32, #tpu.memory_space<vmem>> -> memref<64xf32, #tpu.memory_space<vmem>>
      %dma_start3A_536 = arith.constant 0 : i32
      %dma_start3A_537 = tpu.memref_slice %arg4[%squeeze3A_532, %dma_start3A_536] : memref<1000000x64xf32, #tpu.memory_space<hbm>> -> memref<1x64xf32, #tpu.memory_space<hbm>>
      %dma_start3A_538 = tpu.memref_squeeze %dma_start3A_537 : memref<1x64xf32, #tpu.memory_space<hbm>> -> memref<64xf32, #tpu.memory_space<hbm>>
      %dma_start3A_539 = arith.constant 0 : i32
      %dma_start3A_540 = tpu.memref_slice %arg10[%add3A_530, %dma_start3A_539] : memref<128x128xf32, #tpu.memory_space<vmem>> -> memref<1x64xf32, #tpu.memory_space<vmem>>
      %dma_start3A_541 = tpu.memref_squeeze %dma_start3A_540 : memref<1x64xf32, #tpu.memory_space<vmem>> -> memref<64xf32, #tpu.memory_space<vmem>>
      %dma_start3A_542 = arith.constant 0 : i32
      %dma_start3A_543 = tpu.memref_slice %arg4[%squeeze3A_532, %dma_start3A_542] : memref<1000000x64xf32, #tpu.memory_space<hbm>> -> memref<1x64xf32, #tpu.memory_space<hbm>>
      %dma_start3A_544 = tpu.memref_squeeze %dma_start3A_543 : memref<1x64xf32, #tpu.memory_space<hbm>> -> memref<64xf32, #tpu.memory_space<hbm>>
      tpu.enqueue_dma source(%dma_start3A_544 : memref<64xf32, #tpu.memory_space<hbm>>) target(%dma_start3A_541 : memref<64xf32, #tpu.memory_space<vmem>>) target_semaphore(%arg13 : memref<!tpu.dma_semaphore, #tpu.memory_space<semaphore_mem>>)
      %slice3A_545 = vector.extract_strided_slice %get3A_81 {offsets = [14], sizes = [1], strides = [1]} : vector<16xi32> to vector<1xi32>
      %squeeze3A_546 = vector.extract %slice3A_545[0] : i32 from vector<1xi32>
      %dma_start3A_547 = arith.constant 0 : i32
      %dma_start3A_548 = tpu.memref_slice %arg11[%add3A_530, %dma_start3A_547] : memref<128x128xf32, #tpu.memory_space<vmem>> -> memref<1x64xf32, #tpu.memory_space<vmem>>
      %dma_start3A_549 = tpu.memref_squeeze %dma_start3A_548 : memref<1x64xf32, #tpu.memory_space<vmem>> -> memref<64xf32, #tpu.memory_space<vmem>>
      %dma_start3A_550 = arith.constant 0 : i32
      %dma_start3A_551 = tpu.memref_slice %arg5[%squeeze3A_546, %dma_start3A_550] : memref<1000000x64xf32, #tpu.memory_space<hbm>> -> memref<1x64xf32, #tpu.memory_space<hbm>>
      %dma_start3A_552 = tpu.memref_squeeze %dma_start3A_551 : memref<1x64xf32, #tpu.memory_space<hbm>> -> memref<64xf32, #tpu.memory_space<hbm>>
      %dma_start3A_553 = arith.constant 0 : i32
      %dma_start3A_554 = tpu.memref_slice %arg11[%add3A_530, %dma_start3A_553] : memref<128x128xf32, #tpu.memory_space<vmem>> -> memref<1x64xf32, #tpu.memory_space<vmem>>
      %dma_start3A_555 = tpu.memref_squeeze %dma_start3A_554 : memref<1x64xf32, #tpu.memory_space<vmem>> -> memref<64xf32, #tpu.memory_space<vmem>>
      %dma_start3A_556 = arith.constant 0 : i32
      %dma_start3A_557 = tpu.memref_slice %arg5[%squeeze3A_546, %dma_start3A_556] : memref<1000000x64xf32, #tpu.memory_space<hbm>> -> memref<1x64xf32, #tpu.memory_space<hbm>>
      %dma_start3A_558 = tpu.memref_squeeze %dma_start3A_557 : memref<1x64xf32, #tpu.memory_space<hbm>> -> memref<64xf32, #tpu.memory_space<hbm>>
      tpu.enqueue_dma source(%dma_start3A_558 : memref<64xf32, #tpu.memory_space<hbm>>) target(%dma_start3A_555 : memref<64xf32, #tpu.memory_space<vmem>>) target_semaphore(%arg13 : memref<!tpu.dma_semaphore, #tpu.memory_space<semaphore_mem>>)
      %mul3A_559 = arith.constant 8 : i32
      %mul3A_560 = arith.muli %scan3A_41, %mul3A_559 : i32
      %add3A_561 = arith.constant 7 : i32
      %add3A_562 = arith.addi %mul3A_560, %add3A_561 : i32
      %slice3A_563 = vector.extract_strided_slice %get3A_78 {offsets = [15], sizes = [1], strides = [1]} : vector<16xi32> to vector<1xi32>
      %squeeze3A_564 = vector.extract %slice3A_563[0] : i32 from vector<1xi32>
      %dma_start3A_565 = arith.constant 64 : i32
      %dma_start3A_566 = tpu.memref_slice %arg10[%add3A_562, %dma_start3A_565] : memref<128x128xf32, #tpu.memory_space<vmem>> -> memref<1x64xf32, #tpu.memory_space<vmem>>
      %dma_start3A_567 = tpu.memref_squeeze %dma_start3A_566 : memref<1x64xf32, #tpu.memory_space<vmem>> -> memref<64xf32, #tpu.memory_space<vmem>>
      %dma_start3A_568 = arith.constant 0 : i32
      %dma_start3A_569 = tpu.memref_slice %arg4[%squeeze3A_564, %dma_start3A_568] : memref<1000000x64xf32, #tpu.memory_space<hbm>> -> memref<1x64xf32, #tpu.memory_space<hbm>>
      %dma_start3A_570 = tpu.memref_squeeze %dma_start3A_569 : memref<1x64xf32, #tpu.memory_space<hbm>> -> memref<64xf32, #tpu.memory_space<hbm>>
      %dma_start3A_571 = arith.constant 64 : i32
      %dma_start3A_572 = tpu.memref_slice %arg10[%add3A_562, %dma_start3A_571] : memref<128x128xf32, #tpu.memory_space<vmem>> -> memref<1x64xf32, #tpu.memory_space<vmem>>
      %dma_start3A_573 = tpu.memref_squeeze %dma_start3A_572 : memref<1x64xf32, #tpu.memory_space<vmem>> -> memref<64xf32, #tpu.memory_space<vmem>>
      %dma_start3A_574 = arith.constant 0 : i32
      %dma_start3A_575 = tpu.memref_slice %arg4[%squeeze3A_564, %dma_start3A_574] : memref<1000000x64xf32, #tpu.memory_space<hbm>> -> memref<1x64xf32, #tpu.memory_space<hbm>>
      %dma_start3A_576 = tpu.memref_squeeze %dma_start3A_575 : memref<1x64xf32, #tpu.memory_space<hbm>> -> memref<64xf32, #tpu.memory_space<hbm>>
      tpu.enqueue_dma source(%dma_start3A_576 : memref<64xf32, #tpu.memory_space<hbm>>) target(%dma_start3A_573 : memref<64xf32, #tpu.memory_space<vmem>>) target_semaphore(%arg13 : memref<!tpu.dma_semaphore, #tpu.memory_space<semaphore_mem>>)
      %slice3A_577 = vector.extract_strided_slice %get3A_81 {offsets = [15], sizes = [1], strides = [1]} : vector<16xi32> to vector<1xi32>
      %squeeze3A_578 = vector.extract %slice3A_577[0] : i32 from vector<1xi32>
      %dma_start3A_579 = arith.constant 64 : i32
      %dma_start3A_580 = tpu.memref_slice %arg11[%add3A_562, %dma_start3A_579] : memref<128x128xf32, #tpu.memory_space<vmem>> -> memref<1x64xf32, #tpu.memory_space<vmem>>
      %dma_start3A_581 = tpu.memref_squeeze %dma_start3A_580 : memref<1x64xf32, #tpu.memory_space<vmem>> -> memref<64xf32, #tpu.memory_space<vmem>>
      %dma_start3A_582 = arith.constant 0 : i32
      %dma_start3A_583 = tpu.memref_slice %arg5[%squeeze3A_578, %dma_start3A_582] : memref<1000000x64xf32, #tpu.memory_space<hbm>> -> memref<1x64xf32, #tpu.memory_space<hbm>>
      %dma_start3A_584 = tpu.memref_squeeze %dma_start3A_583 : memref<1x64xf32, #tpu.memory_space<hbm>> -> memref<64xf32, #tpu.memory_space<hbm>>
      %dma_start3A_585 = arith.constant 64 : i32
      %dma_start3A_586 = tpu.memref_slice %arg11[%add3A_562, %dma_start3A_585] : memref<128x128xf32, #tpu.memory_space<vmem>> -> memref<1x64xf32, #tpu.memory_space<vmem>>
      %dma_start3A_587 = tpu.memref_squeeze %dma_start3A_586 : memref<1x64xf32, #tpu.memory_space<vmem>> -> memref<64xf32, #tpu.memory_space<vmem>>
      %dma_start3A_588 = arith.constant 0 : i32
      %dma_start3A_589 = tpu.memref_slice %arg5[%squeeze3A_578, %dma_start3A_588] : memref<1000000x64xf32, #tpu.memory_space<hbm>> -> memref<1x64xf32, #tpu.memory_space<hbm>>
      %dma_start3A_590 = tpu.memref_squeeze %dma_start3A_589 : memref<1x64xf32, #tpu.memory_space<hbm>> -> memref<64xf32, #tpu.memory_space<hbm>>
      tpu.enqueue_dma source(%dma_start3A_590 : memref<64xf32, #tpu.memory_space<hbm>>) target(%dma_start3A_587 : memref<64xf32, #tpu.memory_space<vmem>>) target_semaphore(%arg13 : memref<!tpu.dma_semaphore, #tpu.memory_space<semaphore_mem>>)
    }
    %scan3A_25 = arith.constant 16 : i32
    tpu.wait_dma2 semaphore(%arg13 : memref<!tpu.dma_semaphore, #tpu.memory_space<semaphore_mem>>) src(%arg6 : memref<128x128xf32, #tpu.memory_space<hbm>>) dst(%arg10 : memref<128x128xf32, #tpu.memory_space<vmem>>)
    tpu.wait_dma2 semaphore(%arg13 : memref<!tpu.dma_semaphore, #tpu.memory_space<semaphore_mem>>) src(%arg6 : memref<128x128xf32, #tpu.memory_space<hbm>>) dst(%arg11 : memref<128x128xf32, #tpu.memory_space<vmem>>)
    %and3A_26 = arith.constant 1 : i32
    %and3A_27 = vector.broadcast %and3A_26 : i32 to vector<16xi32>
    %and3A_28 = arith.andi %iota3A, %and3A_27 : vector<16xi32>
    %shift_left3A_29 = arith.constant 6 : i32
    %shift_left3A_30 = vector.broadcast %shift_left3A_29 : i32 to vector<16xi32>
    %shift_left3A_31 = arith.shli %and3A_28, %shift_left3A_30 : vector<16xi32>
    %shift_right_logical3A_32 = arith.constant 1 : i32
    %shift_right_logical3A_33 = vector.broadcast %shift_right_logical3A_32 : i32 to vector<16xi32>
    %shift_right_logical3A_34 = arith.shrui %iota3A, %shift_right_logical3A_33 : vector<16xi32>
    %scan3A_35 = arith.constant 0 : i32
    %scan3A_36 = arith.constant 0 : i32
    %scan3A_37 = arith.constant 16 : i32
    %scan3A_38 = arith.addi %scan3A_36, %scan3A_37 : i32
    %scan3A_39 = arith.constant 1 : i32
    scf.for %scan3A_41 = %scan3A_36 to %scan3A_38 step %scan3A_39  : i32 {
      %mul3A_42 = arith.constant 16 : i32
      %mul3A_43 = arith.muli %scan3A_41, %mul3A_42 : i32
      %add3A_44 = arith.constant 256 : i32
      %add3A_45 = arith.addi %add3A_44, %mul3A_43 : i32
      %mul3A_46 = arith.constant 8 : i32
      %mul3A_47 = arith.muli %scan3A_41, %mul3A_46 : i32
      %add3A_48 = vector.broadcast %mul3A_47 : i32 to vector<16xi32>
      %add3A_49 = arith.addi %add3A_48, %shift_right_logical3A_34 : vector<16xi32>
      %broadcast_in_dim3A = arith.constant 0.000000e+00 : f32
      %broadcast_in_dim3A_50 = vector.broadcast %broadcast_in_dim3A : f32 to vector<16xf32>
      %add3A_51 = arith.constant 0 : i32
      %add3A_52 = vector.broadcast %add3A_51 : i32 to vector<16xi32>
      %add3A_53 = arith.addi %shift_left3A_31, %add3A_52 : vector<16xi32>
      %gather3A = tpu.vector_load_idx %arg10[%add3A_49, %add3A_53] : memref<128x128xf32, #tpu.memory_space<vmem>>[vector<16xi32>, vector<16xi32>], vector<16xf32>,
      %gather3A_54 = tpu.vector_load_idx %arg11[%add3A_49, %add3A_53] : memref<128x128xf32, #tpu.memory_space<vmem>>[vector<16xi32>, vector<16xi32>], vector<16xf32>,
      %mul3A_55 = arith.mulf %gather3A, %gather3A_54 : vector<16xf32>
      %add3A_56 = arith.addf %broadcast_in_dim3A_50, %mul3A_55 : vector<16xf32>
      %add3A_57 = arith.constant 1 : i32
      %add3A_58 = vector.broadcast %add3A_57 : i32 to vector<16xi32>
      %add3A_59 = arith.addi %shift_left3A_31, %add3A_58 : vector<16xi32>
      %gather3A_60 = tpu.vector_load_idx %arg10[%add3A_49, %add3A_59] : memref<128x128xf32, #tpu.memory_space<vmem>>[vector<16xi32>, vector<16xi32>], vector<16xf32>,
      %gather3A_61 = tpu.vector_load_idx %arg11[%add3A_49, %add3A_59] : memref<128x128xf32, #tpu.memory_space<vmem>>[vector<16xi32>, vector<16xi32>], vector<16xf32>,
      %mul3A_62 = arith.mulf %gather3A_60, %gather3A_61 : vector<16xf32>
      %add3A_63 = arith.addf %add3A_56, %mul3A_62 : vector<16xf32>
      %add3A_64 = arith.constant 2 : i32
      %add3A_65 = vector.broadcast %add3A_64 : i32 to vector<16xi32>
      %add3A_66 = arith.addi %shift_left3A_31, %add3A_65 : vector<16xi32>
      %gather3A_67 = tpu.vector_load_idx %arg10[%add3A_49, %add3A_66] : memref<128x128xf32, #tpu.memory_space<vmem>>[vector<16xi32>, vector<16xi32>], vector<16xf32>,
      %gather3A_68 = tpu.vector_load_idx %arg11[%add3A_49, %add3A_66] : memref<128x128xf32, #tpu.memory_space<vmem>>[vector<16xi32>, vector<16xi32>], vector<16xf32>,
      %mul3A_69 = arith.mulf %gather3A_67, %gather3A_68 : vector<16xf32>
      %add3A_70 = arith.addf %add3A_63, %mul3A_69 : vector<16xf32>
      %add3A_71 = arith.constant 3 : i32
      %add3A_72 = vector.broadcast %add3A_71 : i32 to vector<16xi32>
      %add3A_73 = arith.addi %shift_left3A_31, %add3A_72 : vector<16xi32>
      %gather3A_74 = tpu.vector_load_idx %arg10[%add3A_49, %add3A_73] : memref<128x128xf32, #tpu.memory_space<vmem>>[vector<16xi32>, vector<16xi32>], vector<16xf32>,
      %gather3A_75 = tpu.vector_load_idx %arg11[%add3A_49, %add3A_73] : memref<128x128xf32, #tpu.memory_space<vmem>>[vector<16xi32>, vector<16xi32>], vector<16xf32>,
      %mul3A_76 = arith.mulf %gather3A_74, %gather3A_75 : vector<16xf32>
      %add3A_77 = arith.addf %add3A_70, %mul3A_76 : vector<16xf32>
      %add3A_78 = arith.constant 4 : i32
      %add3A_79 = vector.broadcast %add3A_78 : i32 to vector<16xi32>
      %add3A_80 = arith.addi %shift_left3A_31, %add3A_79 : vector<16xi32>
      %gather3A_81 = tpu.vector_load_idx %arg10[%add3A_49, %add3A_80] : memref<128x128xf32, #tpu.memory_space<vmem>>[vector<16xi32>, vector<16xi32>], vector<16xf32>,
      %gather3A_82 = tpu.vector_load_idx %arg11[%add3A_49, %add3A_80] : memref<128x128xf32, #tpu.memory_space<vmem>>[vector<16xi32>, vector<16xi32>], vector<16xf32>,
      %mul3A_83 = arith.mulf %gather3A_81, %gather3A_82 : vector<16xf32>
      %add3A_84 = arith.addf %add3A_77, %mul3A_83 : vector<16xf32>
      %add3A_85 = arith.constant 5 : i32
      %add3A_86 = vector.broadcast %add3A_85 : i32 to vector<16xi32>
      %add3A_87 = arith.addi %shift_left3A_31, %add3A_86 : vector<16xi32>
      %gather3A_88 = tpu.vector_load_idx %arg10[%add3A_49, %add3A_87] : memref<128x128xf32, #tpu.memory_space<vmem>>[vector<16xi32>, vector<16xi32>], vector<16xf32>,
      %gather3A_89 = tpu.vector_load_idx %arg11[%add3A_49, %add3A_87] : memref<128x128xf32, #tpu.memory_space<vmem>>[vector<16xi32>, vector<16xi32>], vector<16xf32>,
      %mul3A_90 = arith.mulf %gather3A_88, %gather3A_89 : vector<16xf32>
      %add3A_91 = arith.addf %add3A_84, %mul3A_90 : vector<16xf32>
      %add3A_92 = arith.constant 6 : i32
      %add3A_93 = vector.broadcast %add3A_92 : i32 to vector<16xi32>
      %add3A_94 = arith.addi %shift_left3A_31, %add3A_93 : vector<16xi32>
      %gather3A_95 = tpu.vector_load_idx %arg10[%add3A_49, %add3A_94] : memref<128x128xf32, #tpu.memory_space<vmem>>[vector<16xi32>, vector<16xi32>], vector<16xf32>,
      %gather3A_96 = tpu.vector_load_idx %arg11[%add3A_49, %add3A_94] : memref<128x128xf32, #tpu.memory_space<vmem>>[vector<16xi32>, vector<16xi32>], vector<16xf32>,
      %mul3A_97 = arith.mulf %gather3A_95, %gather3A_96 : vector<16xf32>
      %add3A_98 = arith.addf %add3A_91, %mul3A_97 : vector<16xf32>
      %add3A_99 = arith.constant 7 : i32
      %add3A_100 = vector.broadcast %add3A_99 : i32 to vector<16xi32>
      %add3A_101 = arith.addi %shift_left3A_31, %add3A_100 : vector<16xi32>
      %gather3A_102 = tpu.vector_load_idx %arg10[%add3A_49, %add3A_101] : memref<128x128xf32, #tpu.memory_space<vmem>>[vector<16xi32>, vector<16xi32>], vector<16xf32>,
      %gather3A_103 = tpu.vector_load_idx %arg11[%add3A_49, %add3A_101] : memref<128x128xf32, #tpu.memory_space<vmem>>[vector<16xi32>, vector<16xi32>], vector<16xf32>,
      %mul3A_104 = arith.mulf %gather3A_102, %gather3A_103 : vector<16xf32>
      %add3A_105 = arith.addf %add3A_98, %mul3A_104 : vector<16xf32>
      %add3A_106 = arith.constant 8 : i32
      %add3A_107 = vector.broadcast %add3A_106 : i32 to vector<16xi32>
      %add3A_108 = arith.addi %shift_left3A_31, %add3A_107 : vector<16xi32>
      %gather3A_109 = tpu.vector_load_idx %arg10[%add3A_49, %add3A_108] : memref<128x128xf32, #tpu.memory_space<vmem>>[vector<16xi32>, vector<16xi32>], vector<16xf32>,
      %gather3A_110 = tpu.vector_load_idx %arg11[%add3A_49, %add3A_108] : memref<128x128xf32, #tpu.memory_space<vmem>>[vector<16xi32>, vector<16xi32>], vector<16xf32>,
      %mul3A_111 = arith.mulf %gather3A_109, %gather3A_110 : vector<16xf32>
      %add3A_112 = arith.addf %add3A_105, %mul3A_111 : vector<16xf32>
      %add3A_113 = arith.constant 9 : i32
      %add3A_114 = vector.broadcast %add3A_113 : i32 to vector<16xi32>
      %add3A_115 = arith.addi %shift_left3A_31, %add3A_114 : vector<16xi32>
      %gather3A_116 = tpu.vector_load_idx %arg10[%add3A_49, %add3A_115] : memref<128x128xf32, #tpu.memory_space<vmem>>[vector<16xi32>, vector<16xi32>], vector<16xf32>,
      %gather3A_117 = tpu.vector_load_idx %arg11[%add3A_49, %add3A_115] : memref<128x128xf32, #tpu.memory_space<vmem>>[vector<16xi32>, vector<16xi32>], vector<16xf32>,
      %mul3A_118 = arith.mulf %gather3A_116, %gather3A_117 : vector<16xf32>
      %add3A_119 = arith.addf %add3A_112, %mul3A_118 : vector<16xf32>
      %add3A_120 = arith.constant 10 : i32
      %add3A_121 = vector.broadcast %add3A_120 : i32 to vector<16xi32>
      %add3A_122 = arith.addi %shift_left3A_31, %add3A_121 : vector<16xi32>
      %gather3A_123 = tpu.vector_load_idx %arg10[%add3A_49, %add3A_122] : memref<128x128xf32, #tpu.memory_space<vmem>>[vector<16xi32>, vector<16xi32>], vector<16xf32>,
      %gather3A_124 = tpu.vector_load_idx %arg11[%add3A_49, %add3A_122] : memref<128x128xf32, #tpu.memory_space<vmem>>[vector<16xi32>, vector<16xi32>], vector<16xf32>,
      %mul3A_125 = arith.mulf %gather3A_123, %gather3A_124 : vector<16xf32>
      %add3A_126 = arith.addf %add3A_119, %mul3A_125 : vector<16xf32>
      %add3A_127 = arith.constant 11 : i32
      %add3A_128 = vector.broadcast %add3A_127 : i32 to vector<16xi32>
      %add3A_129 = arith.addi %shift_left3A_31, %add3A_128 : vector<16xi32>
      %gather3A_130 = tpu.vector_load_idx %arg10[%add3A_49, %add3A_129] : memref<128x128xf32, #tpu.memory_space<vmem>>[vector<16xi32>, vector<16xi32>], vector<16xf32>,
      %gather3A_131 = tpu.vector_load_idx %arg11[%add3A_49, %add3A_129] : memref<128x128xf32, #tpu.memory_space<vmem>>[vector<16xi32>, vector<16xi32>], vector<16xf32>,
      %mul3A_132 = arith.mulf %gather3A_130, %gather3A_131 : vector<16xf32>
      %add3A_133 = arith.addf %add3A_126, %mul3A_132 : vector<16xf32>
      %add3A_134 = arith.constant 12 : i32
      %add3A_135 = vector.broadcast %add3A_134 : i32 to vector<16xi32>
      %add3A_136 = arith.addi %shift_left3A_31, %add3A_135 : vector<16xi32>
      %gather3A_137 = tpu.vector_load_idx %arg10[%add3A_49, %add3A_136] : memref<128x128xf32, #tpu.memory_space<vmem>>[vector<16xi32>, vector<16xi32>], vector<16xf32>,
      %gather3A_138 = tpu.vector_load_idx %arg11[%add3A_49, %add3A_136] : memref<128x128xf32, #tpu.memory_space<vmem>>[vector<16xi32>, vector<16xi32>], vector<16xf32>,
      %mul3A_139 = arith.mulf %gather3A_137, %gather3A_138 : vector<16xf32>
      %add3A_140 = arith.addf %add3A_133, %mul3A_139 : vector<16xf32>
      %add3A_141 = arith.constant 13 : i32
      %add3A_142 = vector.broadcast %add3A_141 : i32 to vector<16xi32>
      %add3A_143 = arith.addi %shift_left3A_31, %add3A_142 : vector<16xi32>
      %gather3A_144 = tpu.vector_load_idx %arg10[%add3A_49, %add3A_143] : memref<128x128xf32, #tpu.memory_space<vmem>>[vector<16xi32>, vector<16xi32>], vector<16xf32>,
      %gather3A_145 = tpu.vector_load_idx %arg11[%add3A_49, %add3A_143] : memref<128x128xf32, #tpu.memory_space<vmem>>[vector<16xi32>, vector<16xi32>], vector<16xf32>,
      %mul3A_146 = arith.mulf %gather3A_144, %gather3A_145 : vector<16xf32>
      %add3A_147 = arith.addf %add3A_140, %mul3A_146 : vector<16xf32>
      %add3A_148 = arith.constant 14 : i32
      %add3A_149 = vector.broadcast %add3A_148 : i32 to vector<16xi32>
      %add3A_150 = arith.addi %shift_left3A_31, %add3A_149 : vector<16xi32>
      %gather3A_151 = tpu.vector_load_idx %arg10[%add3A_49, %add3A_150] : memref<128x128xf32, #tpu.memory_space<vmem>>[vector<16xi32>, vector<16xi32>], vector<16xf32>,
      %gather3A_152 = tpu.vector_load_idx %arg11[%add3A_49, %add3A_150] : memref<128x128xf32, #tpu.memory_space<vmem>>[vector<16xi32>, vector<16xi32>], vector<16xf32>,
      %mul3A_153 = arith.mulf %gather3A_151, %gather3A_152 : vector<16xf32>
      %add3A_154 = arith.addf %add3A_147, %mul3A_153 : vector<16xf32>
      %add3A_155 = arith.constant 15 : i32
      %add3A_156 = vector.broadcast %add3A_155 : i32 to vector<16xi32>
      %add3A_157 = arith.addi %shift_left3A_31, %add3A_156 : vector<16xi32>
      %gather3A_158 = tpu.vector_load_idx %arg10[%add3A_49, %add3A_157] : memref<128x128xf32, #tpu.memory_space<vmem>>[vector<16xi32>, vector<16xi32>], vector<16xf32>,
      %gather3A_159 = tpu.vector_load_idx %arg11[%add3A_49, %add3A_157] : memref<128x128xf32, #tpu.memory_space<vmem>>[vector<16xi32>, vector<16xi32>], vector<16xf32>,
      %mul3A_160 = arith.mulf %gather3A_158, %gather3A_159 : vector<16xf32>
      %add3A_161 = arith.addf %add3A_154, %mul3A_160 : vector<16xf32>
      %add3A_162 = arith.constant 16 : i32
      %add3A_163 = vector.broadcast %add3A_162 : i32 to vector<16xi32>
      %add3A_164 = arith.addi %shift_left3A_31, %add3A_163 : vector<16xi32>
      %gather3A_165 = tpu.vector_load_idx %arg10[%add3A_49, %add3A_164] : memref<128x128xf32, #tpu.memory_space<vmem>>[vector<16xi32>, vector<16xi32>], vector<16xf32>,
      %gather3A_166 = tpu.vector_load_idx %arg11[%add3A_49, %add3A_164] : memref<128x128xf32, #tpu.memory_space<vmem>>[vector<16xi32>, vector<16xi32>], vector<16xf32>,
      %mul3A_167 = arith.mulf %gather3A_165, %gather3A_166 : vector<16xf32>
      %add3A_168 = arith.addf %add3A_161, %mul3A_167 : vector<16xf32>
      %add3A_169 = arith.constant 17 : i32
      %add3A_170 = vector.broadcast %add3A_169 : i32 to vector<16xi32>
      %add3A_171 = arith.addi %shift_left3A_31, %add3A_170 : vector<16xi32>
      %gather3A_172 = tpu.vector_load_idx %arg10[%add3A_49, %add3A_171] : memref<128x128xf32, #tpu.memory_space<vmem>>[vector<16xi32>, vector<16xi32>], vector<16xf32>,
      %gather3A_173 = tpu.vector_load_idx %arg11[%add3A_49, %add3A_171] : memref<128x128xf32, #tpu.memory_space<vmem>>[vector<16xi32>, vector<16xi32>], vector<16xf32>,
      %mul3A_174 = arith.mulf %gather3A_172, %gather3A_173 : vector<16xf32>
      %add3A_175 = arith.addf %add3A_168, %mul3A_174 : vector<16xf32>
      %add3A_176 = arith.constant 18 : i32
      %add3A_177 = vector.broadcast %add3A_176 : i32 to vector<16xi32>
      %add3A_178 = arith.addi %shift_left3A_31, %add3A_177 : vector<16xi32>
      %gather3A_179 = tpu.vector_load_idx %arg10[%add3A_49, %add3A_178] : memref<128x128xf32, #tpu.memory_space<vmem>>[vector<16xi32>, vector<16xi32>], vector<16xf32>,
      %gather3A_180 = tpu.vector_load_idx %arg11[%add3A_49, %add3A_178] : memref<128x128xf32, #tpu.memory_space<vmem>>[vector<16xi32>, vector<16xi32>], vector<16xf32>,
      %mul3A_181 = arith.mulf %gather3A_179, %gather3A_180 : vector<16xf32>
      %add3A_182 = arith.addf %add3A_175, %mul3A_181 : vector<16xf32>
      %add3A_183 = arith.constant 19 : i32
      %add3A_184 = vector.broadcast %add3A_183 : i32 to vector<16xi32>
      %add3A_185 = arith.addi %shift_left3A_31, %add3A_184 : vector<16xi32>
      %gather3A_186 = tpu.vector_load_idx %arg10[%add3A_49, %add3A_185] : memref<128x128xf32, #tpu.memory_space<vmem>>[vector<16xi32>, vector<16xi32>], vector<16xf32>,
      %gather3A_187 = tpu.vector_load_idx %arg11[%add3A_49, %add3A_185] : memref<128x128xf32, #tpu.memory_space<vmem>>[vector<16xi32>, vector<16xi32>], vector<16xf32>,
      %mul3A_188 = arith.mulf %gather3A_186, %gather3A_187 : vector<16xf32>
      %add3A_189 = arith.addf %add3A_182, %mul3A_188 : vector<16xf32>
      %add3A_190 = arith.constant 20 : i32
      %add3A_191 = vector.broadcast %add3A_190 : i32 to vector<16xi32>
      %add3A_192 = arith.addi %shift_left3A_31, %add3A_191 : vector<16xi32>
      %gather3A_193 = tpu.vector_load_idx %arg10[%add3A_49, %add3A_192] : memref<128x128xf32, #tpu.memory_space<vmem>>[vector<16xi32>, vector<16xi32>], vector<16xf32>,
      %gather3A_194 = tpu.vector_load_idx %arg11[%add3A_49, %add3A_192] : memref<128x128xf32, #tpu.memory_space<vmem>>[vector<16xi32>, vector<16xi32>], vector<16xf32>,
      %mul3A_195 = arith.mulf %gather3A_193, %gather3A_194 : vector<16xf32>
      %add3A_196 = arith.addf %add3A_189, %mul3A_195 : vector<16xf32>
      %add3A_197 = arith.constant 21 : i32
      %add3A_198 = vector.broadcast %add3A_197 : i32 to vector<16xi32>
      %add3A_199 = arith.addi %shift_left3A_31, %add3A_198 : vector<16xi32>
      %gather3A_200 = tpu.vector_load_idx %arg10[%add3A_49, %add3A_199] : memref<128x128xf32, #tpu.memory_space<vmem>>[vector<16xi32>, vector<16xi32>], vector<16xf32>,
      %gather3A_201 = tpu.vector_load_idx %arg11[%add3A_49, %add3A_199] : memref<128x128xf32, #tpu.memory_space<vmem>>[vector<16xi32>, vector<16xi32>], vector<16xf32>,
      %mul3A_202 = arith.mulf %gather3A_200, %gather3A_201 : vector<16xf32>
      %add3A_203 = arith.addf %add3A_196, %mul3A_202 : vector<16xf32>
      %add3A_204 = arith.constant 22 : i32
      %add3A_205 = vector.broadcast %add3A_204 : i32 to vector<16xi32>
      %add3A_206 = arith.addi %shift_left3A_31, %add3A_205 : vector<16xi32>
      %gather3A_207 = tpu.vector_load_idx %arg10[%add3A_49, %add3A_206] : memref<128x128xf32, #tpu.memory_space<vmem>>[vector<16xi32>, vector<16xi32>], vector<16xf32>,
      %gather3A_208 = tpu.vector_load_idx %arg11[%add3A_49, %add3A_206] : memref<128x128xf32, #tpu.memory_space<vmem>>[vector<16xi32>, vector<16xi32>], vector<16xf32>,
      %mul3A_209 = arith.mulf %gather3A_207, %gather3A_208 : vector<16xf32>
      %add3A_210 = arith.addf %add3A_203, %mul3A_209 : vector<16xf32>
      %add3A_211 = arith.constant 23 : i32
      %add3A_212 = vector.broadcast %add3A_211 : i32 to vector<16xi32>
      %add3A_213 = arith.addi %shift_left3A_31, %add3A_212 : vector<16xi32>
      %gather3A_214 = tpu.vector_load_idx %arg10[%add3A_49, %add3A_213] : memref<128x128xf32, #tpu.memory_space<vmem>>[vector<16xi32>, vector<16xi32>], vector<16xf32>,
      %gather3A_215 = tpu.vector_load_idx %arg11[%add3A_49, %add3A_213] : memref<128x128xf32, #tpu.memory_space<vmem>>[vector<16xi32>, vector<16xi32>], vector<16xf32>,
      %mul3A_216 = arith.mulf %gather3A_214, %gather3A_215 : vector<16xf32>
      %add3A_217 = arith.addf %add3A_210, %mul3A_216 : vector<16xf32>
      %add3A_218 = arith.constant 24 : i32
      %add3A_219 = vector.broadcast %add3A_218 : i32 to vector<16xi32>
      %add3A_220 = arith.addi %shift_left3A_31, %add3A_219 : vector<16xi32>
      %gather3A_221 = tpu.vector_load_idx %arg10[%add3A_49, %add3A_220] : memref<128x128xf32, #tpu.memory_space<vmem>>[vector<16xi32>, vector<16xi32>], vector<16xf32>,
      %gather3A_222 = tpu.vector_load_idx %arg11[%add3A_49, %add3A_220] : memref<128x128xf32, #tpu.memory_space<vmem>>[vector<16xi32>, vector<16xi32>], vector<16xf32>,
      %mul3A_223 = arith.mulf %gather3A_221, %gather3A_222 : vector<16xf32>
      %add3A_224 = arith.addf %add3A_217, %mul3A_223 : vector<16xf32>
      %add3A_225 = arith.constant 25 : i32
      %add3A_226 = vector.broadcast %add3A_225 : i32 to vector<16xi32>
      %add3A_227 = arith.addi %shift_left3A_31, %add3A_226 : vector<16xi32>
      %gather3A_228 = tpu.vector_load_idx %arg10[%add3A_49, %add3A_227] : memref<128x128xf32, #tpu.memory_space<vmem>>[vector<16xi32>, vector<16xi32>], vector<16xf32>,
      %gather3A_229 = tpu.vector_load_idx %arg11[%add3A_49, %add3A_227] : memref<128x128xf32, #tpu.memory_space<vmem>>[vector<16xi32>, vector<16xi32>], vector<16xf32>,
      %mul3A_230 = arith.mulf %gather3A_228, %gather3A_229 : vector<16xf32>
      %add3A_231 = arith.addf %add3A_224, %mul3A_230 : vector<16xf32>
      %add3A_232 = arith.constant 26 : i32
      %add3A_233 = vector.broadcast %add3A_232 : i32 to vector<16xi32>
      %add3A_234 = arith.addi %shift_left3A_31, %add3A_233 : vector<16xi32>
      %gather3A_235 = tpu.vector_load_idx %arg10[%add3A_49, %add3A_234] : memref<128x128xf32, #tpu.memory_space<vmem>>[vector<16xi32>, vector<16xi32>], vector<16xf32>,
      %gather3A_236 = tpu.vector_load_idx %arg11[%add3A_49, %add3A_234] : memref<128x128xf32, #tpu.memory_space<vmem>>[vector<16xi32>, vector<16xi32>], vector<16xf32>,
      %mul3A_237 = arith.mulf %gather3A_235, %gather3A_236 : vector<16xf32>
      %add3A_238 = arith.addf %add3A_231, %mul3A_237 : vector<16xf32>
      %add3A_239 = arith.constant 27 : i32
      %add3A_240 = vector.broadcast %add3A_239 : i32 to vector<16xi32>
      %add3A_241 = arith.addi %shift_left3A_31, %add3A_240 : vector<16xi32>
      %gather3A_242 = tpu.vector_load_idx %arg10[%add3A_49, %add3A_241] : memref<128x128xf32, #tpu.memory_space<vmem>>[vector<16xi32>, vector<16xi32>], vector<16xf32>,
      %gather3A_243 = tpu.vector_load_idx %arg11[%add3A_49, %add3A_241] : memref<128x128xf32, #tpu.memory_space<vmem>>[vector<16xi32>, vector<16xi32>], vector<16xf32>,
      %mul3A_244 = arith.mulf %gather3A_242, %gather3A_243 : vector<16xf32>
      %add3A_245 = arith.addf %add3A_238, %mul3A_244 : vector<16xf32>
      %add3A_246 = arith.constant 28 : i32
      %add3A_247 = vector.broadcast %add3A_246 : i32 to vector<16xi32>
      %add3A_248 = arith.addi %shift_left3A_31, %add3A_247 : vector<16xi32>
      %gather3A_249 = tpu.vector_load_idx %arg10[%add3A_49, %add3A_248] : memref<128x128xf32, #tpu.memory_space<vmem>>[vector<16xi32>, vector<16xi32>], vector<16xf32>,
      %gather3A_250 = tpu.vector_load_idx %arg11[%add3A_49, %add3A_248] : memref<128x128xf32, #tpu.memory_space<vmem>>[vector<16xi32>, vector<16xi32>], vector<16xf32>,
      %mul3A_251 = arith.mulf %gather3A_249, %gather3A_250 : vector<16xf32>
      %add3A_252 = arith.addf %add3A_245, %mul3A_251 : vector<16xf32>
      %add3A_253 = arith.constant 29 : i32
      %add3A_254 = vector.broadcast %add3A_253 : i32 to vector<16xi32>
      %add3A_255 = arith.addi %shift_left3A_31, %add3A_254 : vector<16xi32>
      %gather3A_256 = tpu.vector_load_idx %arg10[%add3A_49, %add3A_255] : memref<128x128xf32, #tpu.memory_space<vmem>>[vector<16xi32>, vector<16xi32>], vector<16xf32>,
      %gather3A_257 = tpu.vector_load_idx %arg11[%add3A_49, %add3A_255] : memref<128x128xf32, #tpu.memory_space<vmem>>[vector<16xi32>, vector<16xi32>], vector<16xf32>,
      %mul3A_258 = arith.mulf %gather3A_256, %gather3A_257 : vector<16xf32>
      %add3A_259 = arith.addf %add3A_252, %mul3A_258 : vector<16xf32>
      %add3A_260 = arith.constant 30 : i32
      %add3A_261 = vector.broadcast %add3A_260 : i32 to vector<16xi32>
      %add3A_262 = arith.addi %shift_left3A_31, %add3A_261 : vector<16xi32>
      %gather3A_263 = tpu.vector_load_idx %arg10[%add3A_49, %add3A_262] : memref<128x128xf32, #tpu.memory_space<vmem>>[vector<16xi32>, vector<16xi32>], vector<16xf32>,
      %gather3A_264 = tpu.vector_load_idx %arg11[%add3A_49, %add3A_262] : memref<128x128xf32, #tpu.memory_space<vmem>>[vector<16xi32>, vector<16xi32>], vector<16xf32>,
      %mul3A_265 = arith.mulf %gather3A_263, %gather3A_264 : vector<16xf32>
      %add3A_266 = arith.addf %add3A_259, %mul3A_265 : vector<16xf32>
      %add3A_267 = arith.constant 31 : i32
      %add3A_268 = vector.broadcast %add3A_267 : i32 to vector<16xi32>
      %add3A_269 = arith.addi %shift_left3A_31, %add3A_268 : vector<16xi32>
      %gather3A_270 = tpu.vector_load_idx %arg10[%add3A_49, %add3A_269] : memref<128x128xf32, #tpu.memory_space<vmem>>[vector<16xi32>, vector<16xi32>], vector<16xf32>,
      %gather3A_271 = tpu.vector_load_idx %arg11[%add3A_49, %add3A_269] : memref<128x128xf32, #tpu.memory_space<vmem>>[vector<16xi32>, vector<16xi32>], vector<16xf32>,
      %mul3A_272 = arith.mulf %gather3A_270, %gather3A_271 : vector<16xf32>
      %add3A_273 = arith.addf %add3A_266, %mul3A_272 : vector<16xf32>
      %add3A_274 = arith.constant 32 : i32
      %add3A_275 = vector.broadcast %add3A_274 : i32 to vector<16xi32>
      %add3A_276 = arith.addi %shift_left3A_31, %add3A_275 : vector<16xi32>
      %gather3A_277 = tpu.vector_load_idx %arg10[%add3A_49, %add3A_276] : memref<128x128xf32, #tpu.memory_space<vmem>>[vector<16xi32>, vector<16xi32>], vector<16xf32>,
      %gather3A_278 = tpu.vector_load_idx %arg11[%add3A_49, %add3A_276] : memref<128x128xf32, #tpu.memory_space<vmem>>[vector<16xi32>, vector<16xi32>], vector<16xf32>,
      %mul3A_279 = arith.mulf %gather3A_277, %gather3A_278 : vector<16xf32>
      %add3A_280 = arith.addf %add3A_273, %mul3A_279 : vector<16xf32>
      %add3A_281 = arith.constant 33 : i32
      %add3A_282 = vector.broadcast %add3A_281 : i32 to vector<16xi32>
      %add3A_283 = arith.addi %shift_left3A_31, %add3A_282 : vector<16xi32>
      %gather3A_284 = tpu.vector_load_idx %arg10[%add3A_49, %add3A_283] : memref<128x128xf32, #tpu.memory_space<vmem>>[vector<16xi32>, vector<16xi32>], vector<16xf32>,
      %gather3A_285 = tpu.vector_load_idx %arg11[%add3A_49, %add3A_283] : memref<128x128xf32, #tpu.memory_space<vmem>>[vector<16xi32>, vector<16xi32>], vector<16xf32>,
      %mul3A_286 = arith.mulf %gather3A_284, %gather3A_285 : vector<16xf32>
      %add3A_287 = arith.addf %add3A_280, %mul3A_286 : vector<16xf32>
      %add3A_288 = arith.constant 34 : i32
      %add3A_289 = vector.broadcast %add3A_288 : i32 to vector<16xi32>
      %add3A_290 = arith.addi %shift_left3A_31, %add3A_289 : vector<16xi32>
      %gather3A_291 = tpu.vector_load_idx %arg10[%add3A_49, %add3A_290] : memref<128x128xf32, #tpu.memory_space<vmem>>[vector<16xi32>, vector<16xi32>], vector<16xf32>,
      %gather3A_292 = tpu.vector_load_idx %arg11[%add3A_49, %add3A_290] : memref<128x128xf32, #tpu.memory_space<vmem>>[vector<16xi32>, vector<16xi32>], vector<16xf32>,
      %mul3A_293 = arith.mulf %gather3A_291, %gather3A_292 : vector<16xf32>
      %add3A_294 = arith.addf %add3A_287, %mul3A_293 : vector<16xf32>
      %add3A_295 = arith.constant 35 : i32
      %add3A_296 = vector.broadcast %add3A_295 : i32 to vector<16xi32>
      %add3A_297 = arith.addi %shift_left3A_31, %add3A_296 : vector<16xi32>
      %gather3A_298 = tpu.vector_load_idx %arg10[%add3A_49, %add3A_297] : memref<128x128xf32, #tpu.memory_space<vmem>>[vector<16xi32>, vector<16xi32>], vector<16xf32>,
      %gather3A_299 = tpu.vector_load_idx %arg11[%add3A_49, %add3A_297] : memref<128x128xf32, #tpu.memory_space<vmem>>[vector<16xi32>, vector<16xi32>], vector<16xf32>,
      %mul3A_300 = arith.mulf %gather3A_298, %gather3A_299 : vector<16xf32>
      %add3A_301 = arith.addf %add3A_294, %mul3A_300 : vector<16xf32>
      %add3A_302 = arith.constant 36 : i32
      %add3A_303 = vector.broadcast %add3A_302 : i32 to vector<16xi32>
      %add3A_304 = arith.addi %shift_left3A_31, %add3A_303 : vector<16xi32>
      %gather3A_305 = tpu.vector_load_idx %arg10[%add3A_49, %add3A_304] : memref<128x128xf32, #tpu.memory_space<vmem>>[vector<16xi32>, vector<16xi32>], vector<16xf32>,
      %gather3A_306 = tpu.vector_load_idx %arg11[%add3A_49, %add3A_304] : memref<128x128xf32, #tpu.memory_space<vmem>>[vector<16xi32>, vector<16xi32>], vector<16xf32>,
      %mul3A_307 = arith.mulf %gather3A_305, %gather3A_306 : vector<16xf32>
      %add3A_308 = arith.addf %add3A_301, %mul3A_307 : vector<16xf32>
      %add3A_309 = arith.constant 37 : i32
      %add3A_310 = vector.broadcast %add3A_309 : i32 to vector<16xi32>
      %add3A_311 = arith.addi %shift_left3A_31, %add3A_310 : vector<16xi32>
      %gather3A_312 = tpu.vector_load_idx %arg10[%add3A_49, %add3A_311] : memref<128x128xf32, #tpu.memory_space<vmem>>[vector<16xi32>, vector<16xi32>], vector<16xf32>,
      %gather3A_313 = tpu.vector_load_idx %arg11[%add3A_49, %add3A_311] : memref<128x128xf32, #tpu.memory_space<vmem>>[vector<16xi32>, vector<16xi32>], vector<16xf32>,
      %mul3A_314 = arith.mulf %gather3A_312, %gather3A_313 : vector<16xf32>
      %add3A_315 = arith.addf %add3A_308, %mul3A_314 : vector<16xf32>
      %add3A_316 = arith.constant 38 : i32
      %add3A_317 = vector.broadcast %add3A_316 : i32 to vector<16xi32>
      %add3A_318 = arith.addi %shift_left3A_31, %add3A_317 : vector<16xi32>
      %gather3A_319 = tpu.vector_load_idx %arg10[%add3A_49, %add3A_318] : memref<128x128xf32, #tpu.memory_space<vmem>>[vector<16xi32>, vector<16xi32>], vector<16xf32>,
      %gather3A_320 = tpu.vector_load_idx %arg11[%add3A_49, %add3A_318] : memref<128x128xf32, #tpu.memory_space<vmem>>[vector<16xi32>, vector<16xi32>], vector<16xf32>,
      %mul3A_321 = arith.mulf %gather3A_319, %gather3A_320 : vector<16xf32>
      %add3A_322 = arith.addf %add3A_315, %mul3A_321 : vector<16xf32>
      %add3A_323 = arith.constant 39 : i32
      %add3A_324 = vector.broadcast %add3A_323 : i32 to vector<16xi32>
      %add3A_325 = arith.addi %shift_left3A_31, %add3A_324 : vector<16xi32>
      %gather3A_326 = tpu.vector_load_idx %arg10[%add3A_49, %add3A_325] : memref<128x128xf32, #tpu.memory_space<vmem>>[vector<16xi32>, vector<16xi32>], vector<16xf32>,
      %gather3A_327 = tpu.vector_load_idx %arg11[%add3A_49, %add3A_325] : memref<128x128xf32, #tpu.memory_space<vmem>>[vector<16xi32>, vector<16xi32>], vector<16xf32>,
      %mul3A_328 = arith.mulf %gather3A_326, %gather3A_327 : vector<16xf32>
      %add3A_329 = arith.addf %add3A_322, %mul3A_328 : vector<16xf32>
      %add3A_330 = arith.constant 40 : i32
      %add3A_331 = vector.broadcast %add3A_330 : i32 to vector<16xi32>
      %add3A_332 = arith.addi %shift_left3A_31, %add3A_331 : vector<16xi32>
      %gather3A_333 = tpu.vector_load_idx %arg10[%add3A_49, %add3A_332] : memref<128x128xf32, #tpu.memory_space<vmem>>[vector<16xi32>, vector<16xi32>], vector<16xf32>,
      %gather3A_334 = tpu.vector_load_idx %arg11[%add3A_49, %add3A_332] : memref<128x128xf32, #tpu.memory_space<vmem>>[vector<16xi32>, vector<16xi32>], vector<16xf32>,
      %mul3A_335 = arith.mulf %gather3A_333, %gather3A_334 : vector<16xf32>
      %add3A_336 = arith.addf %add3A_329, %mul3A_335 : vector<16xf32>
      %add3A_337 = arith.constant 41 : i32
      %add3A_338 = vector.broadcast %add3A_337 : i32 to vector<16xi32>
      %add3A_339 = arith.addi %shift_left3A_31, %add3A_338 : vector<16xi32>
      %gather3A_340 = tpu.vector_load_idx %arg10[%add3A_49, %add3A_339] : memref<128x128xf32, #tpu.memory_space<vmem>>[vector<16xi32>, vector<16xi32>], vector<16xf32>,
      %gather3A_341 = tpu.vector_load_idx %arg11[%add3A_49, %add3A_339] : memref<128x128xf32, #tpu.memory_space<vmem>>[vector<16xi32>, vector<16xi32>], vector<16xf32>,
      %mul3A_342 = arith.mulf %gather3A_340, %gather3A_341 : vector<16xf32>
      %add3A_343 = arith.addf %add3A_336, %mul3A_342 : vector<16xf32>
      %add3A_344 = arith.constant 42 : i32
      %add3A_345 = vector.broadcast %add3A_344 : i32 to vector<16xi32>
      %add3A_346 = arith.addi %shift_left3A_31, %add3A_345 : vector<16xi32>
      %gather3A_347 = tpu.vector_load_idx %arg10[%add3A_49, %add3A_346] : memref<128x128xf32, #tpu.memory_space<vmem>>[vector<16xi32>, vector<16xi32>], vector<16xf32>,
      %gather3A_348 = tpu.vector_load_idx %arg11[%add3A_49, %add3A_346] : memref<128x128xf32, #tpu.memory_space<vmem>>[vector<16xi32>, vector<16xi32>], vector<16xf32>,
      %mul3A_349 = arith.mulf %gather3A_347, %gather3A_348 : vector<16xf32>
      %add3A_350 = arith.addf %add3A_343, %mul3A_349 : vector<16xf32>
      %add3A_351 = arith.constant 43 : i32
      %add3A_352 = vector.broadcast %add3A_351 : i32 to vector<16xi32>
      %add3A_353 = arith.addi %shift_left3A_31, %add3A_352 : vector<16xi32>
      %gather3A_354 = tpu.vector_load_idx %arg10[%add3A_49, %add3A_353] : memref<128x128xf32, #tpu.memory_space<vmem>>[vector<16xi32>, vector<16xi32>], vector<16xf32>,
      %gather3A_355 = tpu.vector_load_idx %arg11[%add3A_49, %add3A_353] : memref<128x128xf32, #tpu.memory_space<vmem>>[vector<16xi32>, vector<16xi32>], vector<16xf32>,
      %mul3A_356 = arith.mulf %gather3A_354, %gather3A_355 : vector<16xf32>
      %add3A_357 = arith.addf %add3A_350, %mul3A_356 : vector<16xf32>
      %add3A_358 = arith.constant 44 : i32
      %add3A_359 = vector.broadcast %add3A_358 : i32 to vector<16xi32>
      %add3A_360 = arith.addi %shift_left3A_31, %add3A_359 : vector<16xi32>
      %gather3A_361 = tpu.vector_load_idx %arg10[%add3A_49, %add3A_360] : memref<128x128xf32, #tpu.memory_space<vmem>>[vector<16xi32>, vector<16xi32>], vector<16xf32>,
      %gather3A_362 = tpu.vector_load_idx %arg11[%add3A_49, %add3A_360] : memref<128x128xf32, #tpu.memory_space<vmem>>[vector<16xi32>, vector<16xi32>], vector<16xf32>,
      %mul3A_363 = arith.mulf %gather3A_361, %gather3A_362 : vector<16xf32>
      %add3A_364 = arith.addf %add3A_357, %mul3A_363 : vector<16xf32>
      %add3A_365 = arith.constant 45 : i32
      %add3A_366 = vector.broadcast %add3A_365 : i32 to vector<16xi32>
      %add3A_367 = arith.addi %shift_left3A_31, %add3A_366 : vector<16xi32>
      %gather3A_368 = tpu.vector_load_idx %arg10[%add3A_49, %add3A_367] : memref<128x128xf32, #tpu.memory_space<vmem>>[vector<16xi32>, vector<16xi32>], vector<16xf32>,
      %gather3A_369 = tpu.vector_load_idx %arg11[%add3A_49, %add3A_367] : memref<128x128xf32, #tpu.memory_space<vmem>>[vector<16xi32>, vector<16xi32>], vector<16xf32>,
      %mul3A_370 = arith.mulf %gather3A_368, %gather3A_369 : vector<16xf32>
      %add3A_371 = arith.addf %add3A_364, %mul3A_370 : vector<16xf32>
      %add3A_372 = arith.constant 46 : i32
      %add3A_373 = vector.broadcast %add3A_372 : i32 to vector<16xi32>
      %add3A_374 = arith.addi %shift_left3A_31, %add3A_373 : vector<16xi32>
      %gather3A_375 = tpu.vector_load_idx %arg10[%add3A_49, %add3A_374] : memref<128x128xf32, #tpu.memory_space<vmem>>[vector<16xi32>, vector<16xi32>], vector<16xf32>,
      %gather3A_376 = tpu.vector_load_idx %arg11[%add3A_49, %add3A_374] : memref<128x128xf32, #tpu.memory_space<vmem>>[vector<16xi32>, vector<16xi32>], vector<16xf32>,
      %mul3A_377 = arith.mulf %gather3A_375, %gather3A_376 : vector<16xf32>
      %add3A_378 = arith.addf %add3A_371, %mul3A_377 : vector<16xf32>
      %add3A_379 = arith.constant 47 : i32
      %add3A_380 = vector.broadcast %add3A_379 : i32 to vector<16xi32>
      %add3A_381 = arith.addi %shift_left3A_31, %add3A_380 : vector<16xi32>
      %gather3A_382 = tpu.vector_load_idx %arg10[%add3A_49, %add3A_381] : memref<128x128xf32, #tpu.memory_space<vmem>>[vector<16xi32>, vector<16xi32>], vector<16xf32>,
      %gather3A_383 = tpu.vector_load_idx %arg11[%add3A_49, %add3A_381] : memref<128x128xf32, #tpu.memory_space<vmem>>[vector<16xi32>, vector<16xi32>], vector<16xf32>,
      %mul3A_384 = arith.mulf %gather3A_382, %gather3A_383 : vector<16xf32>
      %add3A_385 = arith.addf %add3A_378, %mul3A_384 : vector<16xf32>
      %add3A_386 = arith.constant 48 : i32
      %add3A_387 = vector.broadcast %add3A_386 : i32 to vector<16xi32>
      %add3A_388 = arith.addi %shift_left3A_31, %add3A_387 : vector<16xi32>
      %gather3A_389 = tpu.vector_load_idx %arg10[%add3A_49, %add3A_388] : memref<128x128xf32, #tpu.memory_space<vmem>>[vector<16xi32>, vector<16xi32>], vector<16xf32>,
      %gather3A_390 = tpu.vector_load_idx %arg11[%add3A_49, %add3A_388] : memref<128x128xf32, #tpu.memory_space<vmem>>[vector<16xi32>, vector<16xi32>], vector<16xf32>,
      %mul3A_391 = arith.mulf %gather3A_389, %gather3A_390 : vector<16xf32>
      %add3A_392 = arith.addf %add3A_385, %mul3A_391 : vector<16xf32>
      %add3A_393 = arith.constant 49 : i32
      %add3A_394 = vector.broadcast %add3A_393 : i32 to vector<16xi32>
      %add3A_395 = arith.addi %shift_left3A_31, %add3A_394 : vector<16xi32>
      %gather3A_396 = tpu.vector_load_idx %arg10[%add3A_49, %add3A_395] : memref<128x128xf32, #tpu.memory_space<vmem>>[vector<16xi32>, vector<16xi32>], vector<16xf32>,
      %gather3A_397 = tpu.vector_load_idx %arg11[%add3A_49, %add3A_395] : memref<128x128xf32, #tpu.memory_space<vmem>>[vector<16xi32>, vector<16xi32>], vector<16xf32>,
      %mul3A_398 = arith.mulf %gather3A_396, %gather3A_397 : vector<16xf32>
      %add3A_399 = arith.addf %add3A_392, %mul3A_398 : vector<16xf32>
      %add3A_400 = arith.constant 50 : i32
      %add3A_401 = vector.broadcast %add3A_400 : i32 to vector<16xi32>
      %add3A_402 = arith.addi %shift_left3A_31, %add3A_401 : vector<16xi32>
      %gather3A_403 = tpu.vector_load_idx %arg10[%add3A_49, %add3A_402] : memref<128x128xf32, #tpu.memory_space<vmem>>[vector<16xi32>, vector<16xi32>], vector<16xf32>,
      %gather3A_404 = tpu.vector_load_idx %arg11[%add3A_49, %add3A_402] : memref<128x128xf32, #tpu.memory_space<vmem>>[vector<16xi32>, vector<16xi32>], vector<16xf32>,
      %mul3A_405 = arith.mulf %gather3A_403, %gather3A_404 : vector<16xf32>
      %add3A_406 = arith.addf %add3A_399, %mul3A_405 : vector<16xf32>
      %add3A_407 = arith.constant 51 : i32
      %add3A_408 = vector.broadcast %add3A_407 : i32 to vector<16xi32>
      %add3A_409 = arith.addi %shift_left3A_31, %add3A_408 : vector<16xi32>
      %gather3A_410 = tpu.vector_load_idx %arg10[%add3A_49, %add3A_409] : memref<128x128xf32, #tpu.memory_space<vmem>>[vector<16xi32>, vector<16xi32>], vector<16xf32>,
      %gather3A_411 = tpu.vector_load_idx %arg11[%add3A_49, %add3A_409] : memref<128x128xf32, #tpu.memory_space<vmem>>[vector<16xi32>, vector<16xi32>], vector<16xf32>,
      %mul3A_412 = arith.mulf %gather3A_410, %gather3A_411 : vector<16xf32>
      %add3A_413 = arith.addf %add3A_406, %mul3A_412 : vector<16xf32>
      %add3A_414 = arith.constant 52 : i32
      %add3A_415 = vector.broadcast %add3A_414 : i32 to vector<16xi32>
      %add3A_416 = arith.addi %shift_left3A_31, %add3A_415 : vector<16xi32>
      %gather3A_417 = tpu.vector_load_idx %arg10[%add3A_49, %add3A_416] : memref<128x128xf32, #tpu.memory_space<vmem>>[vector<16xi32>, vector<16xi32>], vector<16xf32>,
      %gather3A_418 = tpu.vector_load_idx %arg11[%add3A_49, %add3A_416] : memref<128x128xf32, #tpu.memory_space<vmem>>[vector<16xi32>, vector<16xi32>], vector<16xf32>,
      %mul3A_419 = arith.mulf %gather3A_417, %gather3A_418 : vector<16xf32>
      %add3A_420 = arith.addf %add3A_413, %mul3A_419 : vector<16xf32>
      %add3A_421 = arith.constant 53 : i32
      %add3A_422 = vector.broadcast %add3A_421 : i32 to vector<16xi32>
      %add3A_423 = arith.addi %shift_left3A_31, %add3A_422 : vector<16xi32>
      %gather3A_424 = tpu.vector_load_idx %arg10[%add3A_49, %add3A_423] : memref<128x128xf32, #tpu.memory_space<vmem>>[vector<16xi32>, vector<16xi32>], vector<16xf32>,
      %gather3A_425 = tpu.vector_load_idx %arg11[%add3A_49, %add3A_423] : memref<128x128xf32, #tpu.memory_space<vmem>>[vector<16xi32>, vector<16xi32>], vector<16xf32>,
      %mul3A_426 = arith.mulf %gather3A_424, %gather3A_425 : vector<16xf32>
      %add3A_427 = arith.addf %add3A_420, %mul3A_426 : vector<16xf32>
      %add3A_428 = arith.constant 54 : i32
      %add3A_429 = vector.broadcast %add3A_428 : i32 to vector<16xi32>
      %add3A_430 = arith.addi %shift_left3A_31, %add3A_429 : vector<16xi32>
      %gather3A_431 = tpu.vector_load_idx %arg10[%add3A_49, %add3A_430] : memref<128x128xf32, #tpu.memory_space<vmem>>[vector<16xi32>, vector<16xi32>], vector<16xf32>,
      %gather3A_432 = tpu.vector_load_idx %arg11[%add3A_49, %add3A_430] : memref<128x128xf32, #tpu.memory_space<vmem>>[vector<16xi32>, vector<16xi32>], vector<16xf32>,
      %mul3A_433 = arith.mulf %gather3A_431, %gather3A_432 : vector<16xf32>
      %add3A_434 = arith.addf %add3A_427, %mul3A_433 : vector<16xf32>
      %add3A_435 = arith.constant 55 : i32
      %add3A_436 = vector.broadcast %add3A_435 : i32 to vector<16xi32>
      %add3A_437 = arith.addi %shift_left3A_31, %add3A_436 : vector<16xi32>
      %gather3A_438 = tpu.vector_load_idx %arg10[%add3A_49, %add3A_437] : memref<128x128xf32, #tpu.memory_space<vmem>>[vector<16xi32>, vector<16xi32>], vector<16xf32>,
      %gather3A_439 = tpu.vector_load_idx %arg11[%add3A_49, %add3A_437] : memref<128x128xf32, #tpu.memory_space<vmem>>[vector<16xi32>, vector<16xi32>], vector<16xf32>,
      %mul3A_440 = arith.mulf %gather3A_438, %gather3A_439 : vector<16xf32>
      %add3A_441 = arith.addf %add3A_434, %mul3A_440 : vector<16xf32>
      %add3A_442 = arith.constant 56 : i32
      %add3A_443 = vector.broadcast %add3A_442 : i32 to vector<16xi32>
      %add3A_444 = arith.addi %shift_left3A_31, %add3A_443 : vector<16xi32>
      %gather3A_445 = tpu.vector_load_idx %arg10[%add3A_49, %add3A_444] : memref<128x128xf32, #tpu.memory_space<vmem>>[vector<16xi32>, vector<16xi32>], vector<16xf32>,
      %gather3A_446 = tpu.vector_load_idx %arg11[%add3A_49, %add3A_444] : memref<128x128xf32, #tpu.memory_space<vmem>>[vector<16xi32>, vector<16xi32>], vector<16xf32>,
      %mul3A_447 = arith.mulf %gather3A_445, %gather3A_446 : vector<16xf32>
      %add3A_448 = arith.addf %add3A_441, %mul3A_447 : vector<16xf32>
      %add3A_449 = arith.constant 57 : i32
      %add3A_450 = vector.broadcast %add3A_449 : i32 to vector<16xi32>
      %add3A_451 = arith.addi %shift_left3A_31, %add3A_450 : vector<16xi32>
      %gather3A_452 = tpu.vector_load_idx %arg10[%add3A_49, %add3A_451] : memref<128x128xf32, #tpu.memory_space<vmem>>[vector<16xi32>, vector<16xi32>], vector<16xf32>,
      %gather3A_453 = tpu.vector_load_idx %arg11[%add3A_49, %add3A_451] : memref<128x128xf32, #tpu.memory_space<vmem>>[vector<16xi32>, vector<16xi32>], vector<16xf32>,
      %mul3A_454 = arith.mulf %gather3A_452, %gather3A_453 : vector<16xf32>
      %add3A_455 = arith.addf %add3A_448, %mul3A_454 : vector<16xf32>
      %add3A_456 = arith.constant 58 : i32
      %add3A_457 = vector.broadcast %add3A_456 : i32 to vector<16xi32>
      %add3A_458 = arith.addi %shift_left3A_31, %add3A_457 : vector<16xi32>
      %gather3A_459 = tpu.vector_load_idx %arg10[%add3A_49, %add3A_458] : memref<128x128xf32, #tpu.memory_space<vmem>>[vector<16xi32>, vector<16xi32>], vector<16xf32>,
      %gather3A_460 = tpu.vector_load_idx %arg11[%add3A_49, %add3A_458] : memref<128x128xf32, #tpu.memory_space<vmem>>[vector<16xi32>, vector<16xi32>], vector<16xf32>,
      %mul3A_461 = arith.mulf %gather3A_459, %gather3A_460 : vector<16xf32>
      %add3A_462 = arith.addf %add3A_455, %mul3A_461 : vector<16xf32>
      %add3A_463 = arith.constant 59 : i32
      %add3A_464 = vector.broadcast %add3A_463 : i32 to vector<16xi32>
      %add3A_465 = arith.addi %shift_left3A_31, %add3A_464 : vector<16xi32>
      %gather3A_466 = tpu.vector_load_idx %arg10[%add3A_49, %add3A_465] : memref<128x128xf32, #tpu.memory_space<vmem>>[vector<16xi32>, vector<16xi32>], vector<16xf32>,
      %gather3A_467 = tpu.vector_load_idx %arg11[%add3A_49, %add3A_465] : memref<128x128xf32, #tpu.memory_space<vmem>>[vector<16xi32>, vector<16xi32>], vector<16xf32>,
      %mul3A_468 = arith.mulf %gather3A_466, %gather3A_467 : vector<16xf32>
      %add3A_469 = arith.addf %add3A_462, %mul3A_468 : vector<16xf32>
      %add3A_470 = arith.constant 60 : i32
      %add3A_471 = vector.broadcast %add3A_470 : i32 to vector<16xi32>
      %add3A_472 = arith.addi %shift_left3A_31, %add3A_471 : vector<16xi32>
      %gather3A_473 = tpu.vector_load_idx %arg10[%add3A_49, %add3A_472] : memref<128x128xf32, #tpu.memory_space<vmem>>[vector<16xi32>, vector<16xi32>], vector<16xf32>,
      %gather3A_474 = tpu.vector_load_idx %arg11[%add3A_49, %add3A_472] : memref<128x128xf32, #tpu.memory_space<vmem>>[vector<16xi32>, vector<16xi32>], vector<16xf32>,
      %mul3A_475 = arith.mulf %gather3A_473, %gather3A_474 : vector<16xf32>
      %add3A_476 = arith.addf %add3A_469, %mul3A_475 : vector<16xf32>
      %add3A_477 = arith.constant 61 : i32
      %add3A_478 = vector.broadcast %add3A_477 : i32 to vector<16xi32>
      %add3A_479 = arith.addi %shift_left3A_31, %add3A_478 : vector<16xi32>
      %gather3A_480 = tpu.vector_load_idx %arg10[%add3A_49, %add3A_479] : memref<128x128xf32, #tpu.memory_space<vmem>>[vector<16xi32>, vector<16xi32>], vector<16xf32>,
      %gather3A_481 = tpu.vector_load_idx %arg11[%add3A_49, %add3A_479] : memref<128x128xf32, #tpu.memory_space<vmem>>[vector<16xi32>, vector<16xi32>], vector<16xf32>,
      %mul3A_482 = arith.mulf %gather3A_480, %gather3A_481 : vector<16xf32>
      %add3A_483 = arith.addf %add3A_476, %mul3A_482 : vector<16xf32>
      %add3A_484 = arith.constant 62 : i32
      %add3A_485 = vector.broadcast %add3A_484 : i32 to vector<16xi32>
      %add3A_486 = arith.addi %shift_left3A_31, %add3A_485 : vector<16xi32>
      %gather3A_487 = tpu.vector_load_idx %arg10[%add3A_49, %add3A_486] : memref<128x128xf32, #tpu.memory_space<vmem>>[vector<16xi32>, vector<16xi32>], vector<16xf32>,
      %gather3A_488 = tpu.vector_load_idx %arg11[%add3A_49, %add3A_486] : memref<128x128xf32, #tpu.memory_space<vmem>>[vector<16xi32>, vector<16xi32>], vector<16xf32>,
      %mul3A_489 = arith.mulf %gather3A_487, %gather3A_488 : vector<16xf32>
      %add3A_490 = arith.addf %add3A_483, %mul3A_489 : vector<16xf32>
      %add3A_491 = arith.constant 63 : i32
      %add3A_492 = vector.broadcast %add3A_491 : i32 to vector<16xi32>
      %add3A_493 = arith.addi %shift_left3A_31, %add3A_492 : vector<16xi32>
      %gather3A_494 = tpu.vector_load_idx %arg10[%add3A_49, %add3A_493] : memref<128x128xf32, #tpu.memory_space<vmem>>[vector<16xi32>, vector<16xi32>], vector<16xf32>,
      %gather3A_495 = tpu.vector_load_idx %arg11[%add3A_49, %add3A_493] : memref<128x128xf32, #tpu.memory_space<vmem>>[vector<16xi32>, vector<16xi32>], vector<16xf32>,
      %mul3A_496 = arith.mulf %gather3A_494, %gather3A_495 : vector<16xf32>
      %add3A_497 = arith.addf %add3A_490, %mul3A_496 : vector<16xf32>
      %neg3A = arith.constant 0.000000e+00 : f32
      %neg3A_498 = vector.broadcast %neg3A : f32 to vector<16xf32>
      %neg3A_499 = arith.subf %neg3A_498, %add3A_497 : vector<16xf32>
      %exp3A = math.exp %neg3A_499 : vector<16xf32>
      %add3A_500 = arith.constant 1.000000e+00 : f32
      %add3A_501 = vector.broadcast %add3A_500 : f32 to vector<16xf32>
      %add3A_502 = arith.addf %add3A_501, %exp3A : vector<16xf32>
      %div3A = arith.constant 1.000000e+00 : f32
      %div3A_503 = vector.broadcast %div3A : f32 to vector<16xf32>
      %div3A_504 = arith.divf %div3A_503, %add3A_502 : vector<16xf32>
      %swap3A = arith.index_cast %add3A_45 : i32 to index
      %swap3A_505 = tpu.vector_load %arg12[%swap3A] {strides = array<i32>} : memref<512xf32, #tpu.memory_space<vmem>>, vector<16xf32>,
      tpu.vector_store %arg12[%swap3A], %div3A_504 {strides = array<i32>} : memref<512xf32, #tpu.memory_space<vmem>>, vector<16xf32>,
    }
    %scan3A_40 = arith.constant 16 : i32
    "tpu.region"() ({
      %run_scoped3A = tpu.sem_alloc : memref<!tpu.dma_semaphore, #tpu.memory_space<semaphore_mem>>
      %dma_start3A = tpu.memref_slice %arg7[%mul3A_2] : memref<16384xf32, #tpu.memory_space<hbm>> -> memref<512xf32, #tpu.memory_space<hbm>>
      %dma_start3A_41 = tpu.memref_slice %arg7[%mul3A_2] : memref<16384xf32, #tpu.memory_space<hbm>> -> memref<512xf32, #tpu.memory_space<hbm>>
      tpu.enqueue_dma source(%arg12 : memref<512xf32, #tpu.memory_space<vmem>>) target(%dma_start3A_41 : memref<512xf32, #tpu.memory_space<hbm>>) target_semaphore(%run_scoped3A : memref<!tpu.dma_semaphore, #tpu.memory_space<semaphore_mem>>)
      %dma_wait3A = tpu.memref_slice %arg7[%mul3A_2] : memref<16384xf32, #tpu.memory_space<hbm>> -> memref<512xf32, #tpu.memory_space<hbm>>
      %dma_wait3A_42 = tpu.memref_slice %arg7[%mul3A_2] : memref<16384xf32, #tpu.memory_space<hbm>> -> memref<512xf32, #tpu.memory_space<hbm>>
      tpu.wait_dma2 semaphore(%run_scoped3A : memref<!tpu.dma_semaphore, #tpu.memory_space<semaphore_mem>>) src(%arg12 : memref<512xf32, #tpu.memory_space<vmem>>) dst(%dma_wait3A_42 : memref<512xf32, #tpu.memory_space<hbm>>)
      tpu.yield
    }) : () -> ()
    return
  }
}

</mosaic_0001>

<sc_bundles>
// kernel: _mf_call.3.cloned.1.call-start
scs
__scs_entry_jumppad:
0x0: {  	(pc) =	sbr.rel $0x88, $3  }
0x1: {  	(tag) =	ssettag $0x0;
	lr =	simm.s32 $0x1  }
0x2: {  	[smem:$0x3F9C] =	sst lr;
	_ =	strace $0xD0000000  }
0x3: {  	_ = 	snop  }
0x4: {  	_ = 	snop  }
0x5: {  	_ = 	snop  }
0x6: {  	_ = 	snop  }
0x7: {  	_ = 	snop  }
__scs_overlays_trampoline_lowered:
0x8: {  	[smem:$0x3FAB] =	sst s0  }
0x9: {  	[smem:$0x3FAC] =	sst s1  }
0xa: {  	[smem:$0x3FAD] =	sst s2  }
0xb: {  	[smem:$0x3FAE] =	sst s3  }
0xc: {  	[smem:$0x3FAF] =	sst s4  }
0xd: {  	[smem:$0x3FB0] =	sst s5  }
0xe: {  	[smem:$0x3FB1] =	sst s6  }
0xf: {  	[smem:$0x3FB2] =	sst s7  }
0x10: {  	[smem:$0x3FB3] =	sst s8  }
0x11: {  	[smem:$0x3FB4] =	sst s9;
	s0 =	simm.s32 @!p0 $0x0  }
0x12: {  	s1 =	sld [smem:$0x3F9A];
	s0 =	simm.s32 @p0 $0x1  }
0x13: {  	[smem:$0x3FB5] =	sst s0;
	s0 =	simm.s32 @!p1 $0x0  }
0x14: {  	s2 =	sld [smem:$0x3F99];
	s0 =	simm.s32 @p1 $0x1  }
0x15: {  	[smem:$0x3FB6] =	sst s0;
	s0 =	simm.s32 @!p2 $0x0  }
0x16: {  	s3 =	sld [smem:$0x3FDB];
	s0 =	simm.s32 @p2 $0x1  }
0x17: {  	s4 =	simm.s32 $0x1BF5;
	[smem:$0x3FB8] =	sst s0  }
0x18: {  	s0 =	sld [smem:$0x3F9B];
	_ =	swait.ge [sflag:s4], $0x0  }
0x19: {  	s7 =	sld [smem:$0x3F9C]  }
0x1a: {  	s8 =	sadd.s32 $0xFFFFE003, lr  }
0x1b: {  	s9 =	sadd.s32 $0xFFFFFEF7, lr;
	s5 =	simm.s32 $0xFFFFFFFF;
	p2 =	slt.u32 s8, $0xFFFFF086  }
0x1c: {  	p1 =	slt.u32 s9, $0xF7A;
	s5 =	simm.s32 @!p2 $0x0  }
0x1d: {  	s5 =	simm.s32 @p1 $0x1;
	p0 =	seq.s32 s7, s2  }
0x1e: {  	s7 =	smul.u32 @!p0 $0xF7A, s2;
	p2 =	seq.s32 @!p0 s5, $0x0  }
0x1f: {  	s9 =	smul.u32 $0xF7A, s1;
	s8 =	simm.s32 @!p0 $0x1BF5;
	p2 =	por !p2, p0  }
0x20: {  	[sflag:s8] =	ssyncset.s32 @!p0 $0xFFFFF086;
	s6 =	sadd.s32 @!p0 s3, s7;
	s7 =	simm.s32 @!p0 $0x108  }
0x21: {  	s3 =	sadd.s32 s3, s9;
	s6 =	sadd.s32 @!p0 $0x88, s6;
	s7 =	simm.s32 @p2 $0x1082  }
0x22: {  	[simem:s7], [sflag:s8] =	dma.local @!p0 [hbm:s6], $0xF7A  }
0x23: {  	s9 =	sor.u32 $0xD0000000, s2;
	s6 =	simm.s32 $0x108;
	_ =	swait.ge @!p0 [sflag:s8], $0x0  }
0x24: {  	s3 =	sadd.s32 $0x88, s3;
	s6 =	simm.s32 @!p1 $0x1082;
	[sflag:s4] =	ssyncset.s32 $0xFFFFF086  }
0x25: {  	[simem:s6], [sflag:s4] =	dma.local [hbm:s3], $0xF7A  }
0x26: {  	[smem:$0x3F9C] =	sst s1;
	(tag) =	ssettag s2;
	_ =	strace s9  }
0x27: {  	s1 =	sld [smem:$0x3FAC]  }
0x28: {  	s2 =	sld [smem:$0x3FAD]  }
0x29: {  	s4 =	sld [smem:$0x3FAF]  }
0x2a: {  	p0 =	seq.s32 s5, $0x0;
	s5 =	sld [smem:$0x3FB0]  }
0x2b: {  	s6 =	sld [smem:$0x3FB1]  }
0x2c: {  	s7 =	sld [smem:$0x3FB2]  }
0x2d: {  	s3 =	simm.s32 $0x108;
	s8 =	sld [smem:$0x3FB3]  }
0x2e: {  	s3 =	simm.s32 @!p0 $0x1082;
	s9 =	sld [smem:$0x3FB4]  }
0x2f: {  	lr =	sadd.s32 s0, s3;
	s0 =	sld [smem:$0x3FAB]  }
0x30: {  	s3 =	sld [smem:$0x3FAE]  }
0x31: {  	[smem:$0x3FB7] =	sst s10  }
0x32: {  	s10 =	sld [smem:$0x3FB5];
	_ =	sdelay $0x3  }
0x33: {  	p0 =	seq.s32 s10, $0x1;
	s10 =	sld [smem:$0x3FB7];
	_ =	sdelay $0x3  }
0x34: {  	[smem:$0x3FB7] =	sst s10  }
0x35: {  	s10 =	sld [smem:$0x3FB6];
	_ =	sdelay $0x3  }
0x36: {  	p1 =	seq.s32 s10, $0x1;
	s10 =	sld [smem:$0x3FB7];
	_ =	sdelay $0x3  }
0x37: {  	[smem:$0x3FB7] =	sst s10  }
0x38: {  	s10 =	sld [smem:$0x3FB8]  }
0x39: {  	_ = 	snop;
	(pc) =	sbr.ind lr, $3  }
0x3a: {  	_ = 	snop  }
0x3b: {  	_ = 	snop  }
0x3c: {  	p2 =	seq.s32 s10, $0x1;
	s10 =	sld [smem:$0x3FB7]  }
0x3d: {  	_ =	shalt  }
0x3e: {  	_ =	shalt  }
0x3f: {  	_ =	shalt  }
0x40: {  	_ =	shalt  }
0x41: {  	_ =	shalt  }
0x42: {  	_ =	shalt  }
0x43: {  	_ =	shalt  }
0x44: {  	_ =	shalt  }
0x45: {  	_ =	shalt  }
0x46: {  	_ =	shalt  }
0x47: {  	_ =	shalt  }
0x48: {  	_ =	shalt  }
0x49: {  	_ =	shalt  }
0x4a: {  	_ =	shalt  }
0x4b: {  	_ =	shalt  }
0x4c: {  	_ =	shalt  }
0x4d: {  	_ =	shalt  }
0x4e: {  	_ =	shalt  }
0x4f: {  	_ =	shalt  }
0x50: {  	_ =	shalt  }
0x51: {  	_ =	shalt  }
0x52: {  	_ =	shalt  }
0x53: {  	_ =	shalt  }
0x54: {  	_ =	shalt  }
0x55: {  	_ =	shalt  }
0x56: {  	_ =	shalt  }
0x57: {  	_ =	shalt  }
0x58: {  	_ =	shalt  }
0x59: {  	_ =	shalt  }
0x5a: {  	_ =	shalt  }
0x5b: {  	_ =	shalt  }
0x5c: {  	_ =	shalt  }
0x5d: {  	_ =	shalt  }
0x5e: {  	_ =	shalt  }
0x5f: {  	_ =	shalt  }
0x60: {  	_ =	shalt  }
0x61: {  	_ =	shalt  }
0x62: {  	_ =	shalt  }
0x63: {  	_ =	shalt  }
0x64: {  	_ =	shalt  }
0x65: {  	_ =	shalt  }
0x66: {  	_ =	shalt  }
0x67: {  	_ =	shalt  }
0x68: {  	_ =	shalt  }
0x69: {  	_ =	shalt  }
0x6a: {  	_ =	shalt  }
0x6b: {  	_ =	shalt  }
0x6c: {  	_ =	shalt  }
0x6d: {  	_ =	shalt  }
0x6e: {  	_ =	shalt  }
0x6f: {  	_ =	shalt  }
0x70: {  	_ =	shalt  }
0x71: {  	_ =	shalt  }
0x72: {  	_ =	shalt  }
0x73: {  	_ =	shalt  }
0x74: {  	_ =	shalt  }
0x75: {  	_ =	shalt  }
0x76: {  	_ =	shalt  }
0x77: {  	_ =	shalt  }
0x78: {  	_ =	shalt  }
0x79: {  	_ =	shalt  }
0x7a: {  	_ =	shalt  }
0x7b: {  	_ =	shalt  }
0x7c: {  	_ =	shalt  }
0x7d: {  	_ =	shalt  }
0x7e: {  	_ =	shalt  }
0x7f: {  	_ =	shalt  }
0x80: {  	_ =	shalt  }
0x81: {  	_ =	shalt  }
0x82: {  	_ =	shalt  }
0x83: {  	_ =	shalt  }
0x84: {  	_ =	shalt  }
0x85: {  	_ =	shalt  }
0x86: {  	_ =	shalt  }
0x87: {  	_ =	shalt  }
.Lfunc_end0:
.L_simem_size_0:
called_computation_lowered:
.L_overlay_start_0:
0x88: {  	s2 =	sld [smem:$0x3FD9]  }
0x89: {  	s3 =	sld [smem:$0x3FFE];
	_ =	sdelay $0x1  }
0x8a: {  	s1 =	srdreg.scid  }
0x8b: {  	s0 =	sand.u32 $0x1, s1  }
0x8c: {  	s17 =	sshll.u32 s0, $0xA;
	s2 =	sadd.s32 s3, s2  }
0x8d: {  	s2 =	sadd.s32 s2, s17  }
0x8e: {  	[smem:$0x3FC3] =	sst s2  }
0x8f: {  	_ = 	snop  }
0x90: {  	s2 =	sld [smem:$0x3FC9]  }
0x91: {  	s18 =	sld [smem:$0x3FC8]  }
0x92: {  	s4 =	sld [smem:$0x3FD0];
	(tm) =	ssettm $0x1  }
0x93: {  	s5 =	sld [smem:$0x3FFB];
	_ =	sdelay $0x3  }
0x94: {  	_ =	strace s5  }
0x95: {  	s5 =	sld [smem:$0x3FFC];
	_ =	sdelay $0x3  }
0x96: {  	_ =	strace s5  }
0x97: {  	s5 =	sld [smem:$0x3FFD];
	_ =	sdelay $0x3  }
0x98: {  	_ =	strace s5  }
0x99: {  	_ =	strace $0x8FFFFFFF  }
0x9a: {  	s19 =	sld [smem:$0x3FDB];
	_ =	sdelay $0x1  }
0x9b: {  	s6 =	simm.s32 $_scs_section_size  }
0x9c: {  	s7 =	simm.s32 $_size__tile_overlayer_lowered;
	s8 =	simm.s32 $_tile_overlayer_lowered  }
0x9d: {  	s22 =	simm.s32 $0x1BFF;
	s21 =	sshll.u32 s8, $0x1;
	s5 =	sadd.s32 s6, s19  }
0x9e: {  	s9 =	simm.s32 $0x0;
	s20 =	sshll.u32 s7, $0x1;
	s7 =	sadd.s32 s21, s5  }
0x9f: {  	[timem:s9], [sflag:s22] =	dma.local [hbm:s7], s20  }
0xa0: {  	_ =	swait.ge [sflag:s22], s20  }
0xa1: {  	s6 =	ssub.s32 $0x0, s20;
	[sflag:s22] =	ssyncset.done $0x0  }
0xa2: {  	[sflag:s22] =	ssyncadd.s32 s6;
	_ =	sdelay $0x1  }
0xa3: {  	s23 =	simm.s32 $0x1B8B  }
0xa4: {  	_ =	swait.ge [sflag:s23], $0x1  }
0xa5: {  	[sflag:s23] =	ssyncset.done $0x0  }
0xa6: {  	s25 =	simm.s32 $0x1B8E;
	s24 =	sld [smem:$0x3FFE];
	[sflag:s23] =	ssyncadd.s32 $0xFFFFFFFF  }
0xa7: {  	s26 =	simm.s32 $execute0_lowered;
	[smem:$0x3FD2] =	sst s25  }
0xa8: {  	s7 =	sshll.u32 s26, $0x1;
	_ =	strace $0x80000046;
	[dreg:$0x1] =	wrdreg $0xFFFFFFFF  }
0xa9: {  	s28 =	simm.s32 $_size_execute0_lowered;
	s5 =	sadd.s32 s5, s7;
	[dreg:$0x0] =	wrdreg $0x0  }
0xaa: {  	s7 =	sshll.u32 s28, $0x1;
	[dreg:$0x2] =	wrdreg s5  }
0xab: {  	[dreg:$0x3] =	wrdreg s7  }
0xac: {  	[dreg:$0x4] =	wrdreg $0xC0  }
0xad: {  	_ =	task [dreg:s9], $0x5FFFF  }
0xae: {  	[dreg:$0x1] =	wrdreg $0xFFFFFFFF  }
0xaf: {  	[dreg:$0x0] =	wrdreg $0x60  }
0xb0: {  	[dreg:$0x2] =	wrdreg s2  }
0xb1: {  	[dreg:$0x3] =	wrdreg s18  }
0xb2: {  	[dreg:$0x4] =	wrdreg s24  }
0xb3: {  	[dreg:$0x5] =	wrdreg s4  }
0xb4: {  	[dreg:$0x6] =	wrdreg $0x9  }
0xb5: {  	_ =	task.clear_ibuf [dreg:s9], $0x7FFFF;
	_ =	strace $0x90000046  }
0xb6: {  	s29 =	simm.s32 $0x9;
	_ =	strace $0x80000048  }
0xb7: {  	_ =	swait.ge [sflag:s29], $0x1  }
0xb8: {  	[sflag:s29] =	ssyncadd.s32 $0xFFFFFFFF  }
0xb9: {  	_ =	strace $0x90000048  }
0xba: {  	_ =	sfence  }
0xbb: {  	s30 =	sld [smem:$0x0];
	_ =	sdelay $0x2  }
0xbc: {  	s31 =	sshll.u32 s1, $0xD;
	s1 =	sshrl.u32 s1, $0x2  }
0xbd: {  	s3 =	sand.u32 $0x4000, s31;
	s1 =	sadd.s32 s1, s30  }
0xbe: {  	s0 =	sor.u32 s3, s0;
	s1 =	sshll.u32 s1, $0x11  }
0xbf: {  	s0 =	sor.u32 s1, s0  }
0xc0: {  	s0 =	sadd.s32 $0x8F2B, s0  }
0xc1: {  	[sflag:s0] =	ssyncadd.remote.s32 $0x1  }
0xc2: {  	_ =	sfence.sel $0xFFFF  }
0xc3: {  	[dreg:$0x0] =	wrdreg $0xFFFFFFFF;
	(pc) =	sbr.abs _section_cstart, $3  }
0xc4: {  	[dreg:$0x1] =	wrdreg $0xFFFFFFFF  }
0xc5: {  	_ =	task.clear_ibuf [dreg:s9], $0x2FFFF;
	_ =	strace $0x9FFFFFFF  }
0xc6: {  	(tm) =	ssettm $0x7FFFFFFF  }
0xc7: {  	_ =	shalt  }
tec
execute0_lowered:
.L_overlay_start_1:
0x0: {  	(tag) =	ssettag $0x1  }
0x1: {  	v1 =	vlaneseq.u32  }
0x2: {  	v0 =	vand.u32 $0x1, v1  }
0x3: {  	s0 =	rddreg [dreg:$0x0];
	v13 =	vmul.u32 $0x40, v0  }
0x4: {  	s2 =	rddreg [dreg:$0x1];
	v1 =	vshrl.u32 v1, $0x1  }
0x5: {  	s4 =	rddreg [dreg:$0x2];
	s1 =	simm.s32 $0x0;
	v0 =	vmul.u32 $0x80, v1;
	v1 =	vor.u32 $0xB, v13  }
0x6: {  	[smem:$0x7FF] =	sst s1;
	[tilespmem:$0x1FC40] =	vst v1;
	v1 =	vor.u32 $0x30, v13  }
0x7: {  	s5 =	rddreg [dreg:$0x3];
	_ =	strace $0x80000047;
	[tilespmem:$0x1FC50] =	vst v1  }
0x8: {  	v3 =	vor.u32 $0x1, v13;
	[tilespmem:$0x1FC70] =	vst v0  }
0x9: {  	v4 =	vor.u32 $0x2, v13;
	[tilespmem:$0x1FC80] =	vst v3  }
0xa: {  	v7 =	vor.u32 $0x3, v13;
	[tilespmem:$0x1FC90] =	vst v4  }
0xb: {  	v8 =	vor.u32 $0x4, v13;
	[tilespmem:$0x1FCA0] =	vst v7  }
0xc: {  	v9 =	vor.u32 $0x5, v13;
	[tilespmem:$0x1FCB0] =	vst v8  }
0xd: {  	v10 =	vor.u32 $0x6, v13;
	[tilespmem:$0x1FCC0] =	vst v9  }
0xe: {  	v11 =	vor.u32 $0x7, v13;
	[tilespmem:$0x1FCD0] =	vst v10  }
0xf: {  	v12 =	vor.u32 $0x8, v13;
	[tilespmem:$0x1FCE0] =	vst v11  }
0x10: {  	v5 =	vor.u32 $0x9, v13;
	[tilespmem:$0x1FCF0] =	vst v12  }
0x11: {  	v6 =	vor.u32 $0xA, v13;
	[tilespmem:$0x1FD00] =	vst v5  }
0x12: {  	v27 =	vor.u32 $0xC, v13;
	[tilespmem:$0x1FD10] =	vst v6  }
0x13: {  	v26 =	vor.u32 $0xD, v13;
	[tilespmem:$0x1FD20] =	vst v27  }
0x14: {  	v14 =	vor.u32 $0xE, v13;
	[tilespmem:$0x1FD30] =	vst v26  }
0x15: {  	v30 =	vor.u32 $0xF, v13;
	[tilespmem:$0x1FD40] =	vst v14  }
0x16: {  	v31 =	vor.u32 $0x10, v13;
	[tilespmem:$0x1FD50] =	vst v30  }
0x17: {  	v32 =	vor.u32 $0x11, v13;
	[tilespmem:$0x1FD60] =	vst v31  }
0x18: {  	v33 =	vor.u32 $0x12, v13;
	[tilespmem:$0x1FD70] =	vst v32  }
0x19: {  	v34 =	vor.u32 $0x13, v13;
	[tilespmem:$0x1FD80] =	vst v33  }
0x1a: {  	v35 =	vor.u32 $0x14, v13;
	[tilespmem:$0x1FD90] =	vst v34  }
0x1b: {  	v36 =	vor.u32 $0x15, v13;
	[tilespmem:$0x1FDA0] =	vst v35  }
0x1c: {  	v37 =	vor.u32 $0x16, v13;
	[tilespmem:$0x1FDB0] =	vst v36  }
0x1d: {  	v38 =	vor.u32 $0x17, v13;
	[tilespmem:$0x1FDC0] =	vst v37  }
0x1e: {  	v39 =	vor.u32 $0x18, v13;
	[tilespmem:$0x1FDD0] =	vst v38  }
0x1f: {  	v40 =	vor.u32 $0x19, v13;
	[tilespmem:$0x1FDE0] =	vst v39  }
0x20: {  	v41 =	vor.u32 $0x1A, v13;
	[tilespmem:$0x1FDF0] =	vst v40  }
0x21: {  	v42 =	vor.u32 $0x1B, v13;
	[tilespmem:$0x1FE00] =	vst v41  }
0x22: {  	v43 =	vor.u32 $0x1C, v13;
	[tilespmem:$0x1FE10] =	vst v42  }
0x23: {  	v44 =	vor.u32 $0x1D, v13;
	[tilespmem:$0x1FE20] =	vst v43  }
0x24: {  	v45 =	vor.u32 $0x1E, v13;
	[tilespmem:$0x1FE30] =	vst v44  }
0x25: {  	v46 =	vor.u32 $0x1F, v13;
	[tilespmem:$0x1FE40] =	vst v45  }
0x26: {  	v47 =	vor.u32 $0x20, v13;
	[tilespmem:$0x1FE50] =	vst v46  }
0x27: {  	v48 =	vor.u32 $0x21, v13;
	[tilespmem:$0x1FE60] =	vst v47  }
0x28: {  	v49 =	vor.u32 $0x22, v13;
	[tilespmem:$0x1FE70] =	vst v48  }
0x29: {  	v50 =	vor.u32 $0x23, v13;
	[tilespmem:$0x1FE80] =	vst v49  }
0x2a: {  	v51 =	vor.u32 $0x24, v13;
	[tilespmem:$0x1FE90] =	vst v50  }
0x2b: {  	v52 =	vor.u32 $0x25, v13;
	[tilespmem:$0x1FEA0] =	vst v51  }
0x2c: {  	v53 =	vor.u32 $0x26, v13;
	[tilespmem:$0x1FEB0] =	vst v52  }
0x2d: {  	v54 =	vor.u32 $0x27, v13;
	[tilespmem:$0x1FEC0] =	vst v53  }
0x2e: {  	v55 =	vor.u32 $0x28, v13;
	[tilespmem:$0x1FED0] =	vst v54  }
0x2f: {  	v56 =	vor.u32 $0x29, v13;
	[tilespmem:$0x1FEE0] =	vst v55  }
0x30: {  	v57 =	vor.u32 $0x2A, v13;
	[tilespmem:$0x1FEF0] =	vst v56  }
0x31: {  	v58 =	vor.u32 $0x2B, v13;
	[tilespmem:$0x1FF00] =	vst v57  }
0x32: {  	v59 =	vor.u32 $0x2C, v13;
	[tilespmem:$0x1FF10] =	vst v58  }
0x33: {  	v60 =	vor.u32 $0x2D, v13;
	[tilespmem:$0x1FF20] =	vst v59  }
0x34: {  	v61 =	vor.u32 $0x2E, v13;
	[tilespmem:$0x1FF30] =	vst v60  }
0x35: {  	v63 =	vor.u32 $0x2F, v13;
	[tilespmem:$0x1FF40] =	vst v61  }
0x36: {  	v15 =	vor.u32 $0x32, v13;
	[tilespmem:$0x1FF50] =	vst v63  }
0x37: {  	v16 =	vor.u32 $0x33, v13;
	[tilespmem:$0x1FF60] =	vst v15  }
0x38: {  	v17 =	vor.u32 $0x34, v13;
	[tilespmem:$0x1FF70] =	vst v16  }
0x39: {  	s6 =	srdreg.scid;
	v18 =	vor.u32 $0x35, v13;
	[tilespmem:$0x1FF80] =	vst v17  }
0x3a: {  	s8 =	stileid.u32;
	s10 =	simm.s32 $0x80;
	s6 =	sand.u32 $0x1, s6;
	v19 =	vor.u32 $0x36, v13;
	[tilespmem:$0x1FF90] =	vst v18  }
0x3b: {  	s8 =	sshll.u32 s8, $0x6;
	s7 =	ssub.s32 $0x2, s6;
	s6 =	sshll.u32 s6, $0xA;
	v20 =	vor.u32 $0x37, v13;
	[tilespmem:$0x1FFA0] =	vst v19  }
0x3c: {  	s11 =	simm.s32 $0x400;
	s12 =	simm.s32 $0x1;
	s8 =	sor.u32 s8, s6;
	v21 =	vor.u32 $0x38, v13;
	[tilespmem:$0x1FFB0] =	vst v20  }
0x3d: {  	s13 =	simm.s32 $0x4400;
	s15 =	simm.s32 $0x0;
	s0 =	sadd.s32 s0, s8;
	v22 =	vor.u32 $0x39, v13;
	[tilespmem:$0x1FFC0] =	vst v21  }
0x3e: {  	s9 =	sshrl.u32 s7, $0x1;
	s29 =	sadd.s32 s2, s8;
	v23 =	vor.u32 $0x3A, v13;
	[dreg:$0x5] =	wrdreg s0;
	[tilespmem:$0x1FFD0] =	vst v22  }
0x3f: {  	s9 =	ssub.s32 s7, s9;
	s30 =	sadd.s32 s5, s8;
	v24 =	vor.u32 $0x3B, v13;
	[dreg:$0x6] =	wrdreg s29;
	[tilespmem:$0x1FFE0] =	vst v23  }
0x40: {  	s3 =	sadd.s32 $0x400, s4;
	s31 =	smax.u32 s9, $0x1;
	v1 =	vor.u32 $0x31, v13;
	[dreg:$0x7] =	wrdreg s30;
	[tilespmem:$0x1FFF0] =	vst v24  }
0x41: {  	s4 =	sadd.s32 $0xF42800, s4;
	s9 =	simm.s32 $0x2;
	[dreg:$0x8] =	wrdreg s31;
	[tilespmem:$0x1FC60] =	vst v1  }
.LBB2_1:
0x42: {  	s0 =	rddreg [dreg:$0x5]  }
0x43: {  	[tilespmem:s1], [sflag:$0x2] =	stream.linear.gather [hbm4b:s0+s1], $0x200, $0x38;
	[tilespmem:$0x8600] =	vst v63  }
0x44: {  	_ =	swait.ge [sflag:s9], $0x200  }
0x45: {  	[sflag:s9] =	ssyncset.done $0x0  }
0x46: {  	s16 =	simm.s32 $0x200;
	s23 =	rddreg [dreg:$0x6];
	[sflag:s9] =	ssyncadd.s32 $0xFFFFFE00  }
0x47: {  	[tilespmem:s16], [sflag:$0x2] =	stream.linear.gather [hbm4b:s23+s1], $0x200, $0x38;
	[tilespmem:$0x8600] =	vst v63  }
0x48: {  	_ =	swait.ge [sflag:s9], $0x200  }
0x49: {  	[sflag:s9] =	ssyncset.done $0x0  }
0x4a: {  	[sflag:s9] =	ssyncadd.s32 $0xFFFFFE00  }
0x4b: {  	v1 =	vld [tilespmem:s1+$0x0];
	_ =	sdelay $0x4  }
0x4c: {  	v2 =	vshll.u32 v1, $0x4  }
0x4d: {  	v1 =	vld [tilespmem:s16+$0x0];
	(v2sf) =	vpush v2, $0x0;
	_ =	sdelay $0x1  }
0x4e: {  	(v2sf) =	vpush v2, $0x1;
	_ =	sdelay $0x1  }
0x4f: {  	(v2sf) =	vpush v2, $0x2  }
0x50: {  	v1 =	vshll.u32 v1, $0x4  }
0x51: {  	(v2sf) =	vpush v1, $0x0;
	_ =	sdelay $0x5  }
0x52: {  	(v2sf) =	vpush v1, $0x1;
	_ =	sdelay $0x2  }
0x53: {  	s24 =	spop (v2sf)  }
0x54: {  	s0 =	sand.u32 $0x1FFFFFF0, s24  }
0x55: {  	s5 =	simm.s32 $0x400;
	s2 =	spop (v2sf);
	s0 =	sadd.s32 s3, s0  }
0x56: {  	[tilespmem:s5], [sflag:$0x1] =	stream.strided.gather [hbm4b:s0+s10], $0x0, s11, s10, $0x38;
	[tilespmem:$0x8600] =	vst v63  }
0x57: {  	s14 =	spop (v2sf)  }
0x58: {  	(v2sf) =	vpush v1, $0x2;
	[tilespmem:s5], [sflag:$0x1] =	stream.linear.gather [hbm4b:s0+s1], $0x40, $0x38;
	[tilespmem:$0x8600] =	vst v63  }
0x59: {  	s25 =	spop (v2sf)  }
0x5a: {  	s0 =	sand.u32 $0x1FFFFFF0, s25  }
0x5b: {  	s26 =	simm.s32 $0x4400;
	s0 =	sadd.s32 s4, s0  }
0x5c: {  	(v2sf) =	vpush v2, $0x3;
	[tilespmem:s26], [sflag:$0x1] =	stream.strided.gather [hbm4b:s0+s10], $0x0, s11, s10, $0x38;
	[tilespmem:$0x8600] =	vst v63  }
0x5d: {  	s2 =	sand.u32 $0x1FFFFFF0, s2  }
0x5e: {  	[tilespmem:s26], [sflag:$0x1] =	stream.linear.gather [hbm4b:s0+s1], $0x40, $0x38;
	[tilespmem:$0x8600] =	vst v63  }
0x5f: {  	s29 =	simm.s32 $0x440;
	s2 =	sadd.s32 s3, s2;
	s28 =	spop (v2sf)  }
0x60: {  	(v2sf) =	vpush v1, $0x3;
	[tilespmem:s29], [sflag:$0x1] =	stream.strided.gather [hbm4b:s2+s10], $0x0, s11, s10, $0x38;
	[tilespmem:$0x8600] =	vst v63  }
0x61: {  	s0 =	sand.u32 $0x1FFFFFF0, s28  }
0x62: {  	[tilespmem:s29], [sflag:$0x1] =	stream.linear.gather [hbm4b:s2+s1], $0x40, $0x38;
	[tilespmem:$0x8600] =	vst v63  }
0x63: {  	s30 =	simm.s32 $0x4440;
	s0 =	sadd.s32 s4, s0  }
0x64: {  	(v2sf) =	vpush v2, $0x4;
	[tilespmem:s30], [sflag:$0x1] =	stream.strided.gather [hbm4b:s0+s10], $0x0, s11, s10, $0x38;
	[tilespmem:$0x8600] =	vst v63  }
0x65: {  	s31 =	sand.u32 $0x1FFFFFF0, s14  }
0x66: {  	[tilespmem:s30], [sflag:$0x1] =	stream.linear.gather [hbm4b:s0+s1], $0x40, $0x38;
	[tilespmem:$0x8600] =	vst v63  }
0x67: {  	s7 =	simm.s32 $0x480;
	s5 =	sadd.s32 s3, s31;
	s6 =	spop (v2sf)  }
0x68: {  	(v2sf) =	vpush v1, $0x4;
	[tilespmem:s7], [sflag:$0x1] =	stream.strided.gather [hbm4b:s5+s10], $0x0, s11, s10, $0x38;
	[tilespmem:$0x8600] =	vst v63  }
0x69: {  	s0 =	sand.u32 $0x1FFFFFF0, s6  }
0x6a: {  	[tilespmem:s7], [sflag:$0x1] =	stream.linear.gather [hbm4b:s5+s1], $0x40, $0x38;
	[tilespmem:$0x8600] =	vst v63  }
0x6b: {  	s14 =	simm.s32 $0x4480;
	s8 =	spop (v2sf);
	s0 =	sadd.s32 s4, s0  }
0x6c: {  	(v2sf) =	vpush v2, $0x5;
	[tilespmem:s14], [sflag:$0x1] =	stream.strided.gather [hbm4b:s0+s10], $0x0, s11, s10, $0x38;
	[tilespmem:$0x8600] =	vst v63  }
0x6d: {  	s2 =	sand.u32 $0x1FFFFFF0, s8  }
0x6e: {  	[tilespmem:s14], [sflag:$0x1] =	stream.linear.gather [hbm4b:s0+s1], $0x40, $0x38;
	[tilespmem:$0x8600] =	vst v63  }
0x6f: {  	s18 =	simm.s32 $0x4C0;
	s17 =	spop (v2sf);
	s2 =	sadd.s32 s3, s2  }
0x70: {  	(v2sf) =	vpush v1, $0x5;
	[tilespmem:s18], [sflag:$0x1] =	stream.strided.gather [hbm4b:s2+s10], $0x0, s11, s10, $0x38;
	[tilespmem:$0x8600] =	vst v63  }
0x71: {  	s0 =	sand.u32 $0x1FFFFFF0, s17  }
0x72: {  	[tilespmem:s18], [sflag:$0x1] =	stream.linear.gather [hbm4b:s2+s1], $0x40, $0x38;
	[tilespmem:$0x8600] =	vst v63  }
0x73: {  	s20 =	simm.s32 $0x44C0;
	s19 =	spop (v2sf);
	s0 =	sadd.s32 s4, s0  }
0x74: {  	(v2sf) =	vpush v2, $0x6;
	[tilespmem:s20], [sflag:$0x1] =	stream.strided.gather [hbm4b:s0+s10], $0x0, s11, s10, $0x38;
	[tilespmem:$0x8600] =	vst v63  }
0x75: {  	s2 =	sand.u32 $0x1FFFFFF0, s19  }
0x76: {  	[tilespmem:s20], [sflag:$0x1] =	stream.linear.gather [hbm4b:s0+s1], $0x40, $0x38;
	[tilespmem:$0x8600] =	vst v63  }
0x77: {  	s22 =	simm.s32 $0x500;
	s21 =	spop (v2sf);
	s2 =	sadd.s32 s3, s2  }
0x78: {  	(v2sf) =	vpush v1, $0x6;
	[tilespmem:s22], [sflag:$0x1] =	stream.strided.gather [hbm4b:s2+s10], $0x0, s11, s10, $0x38;
	[tilespmem:$0x8600] =	vst v63  }
0x79: {  	s0 =	sand.u32 $0x1FFFFFF0, s21  }
0x7a: {  	[tilespmem:s22], [sflag:$0x1] =	stream.linear.gather [hbm4b:s2+s1], $0x40, $0x38;
	[tilespmem:$0x8600] =	vst v63  }
0x7b: {  	s24 =	simm.s32 $0x4500;
	s23 =	spop (v2sf);
	s0 =	sadd.s32 s4, s0  }
0x7c: {  	(v2sf) =	vpush v2, $0x7;
	[tilespmem:s24], [sflag:$0x1] =	stream.strided.gather [hbm4b:s0+s10], $0x0, s11, s10, $0x38;
	[tilespmem:$0x8600] =	vst v63  }
0x7d: {  	s2 =	sand.u32 $0x1FFFFFF0, s23  }
0x7e: {  	[tilespmem:s24], [sflag:$0x1] =	stream.linear.gather [hbm4b:s0+s1], $0x40, $0x38;
	[tilespmem:$0x8600] =	vst v63  }
0x7f: {  	s26 =	simm.s32 $0x540;
	s25 =	spop (v2sf);
	s2 =	sadd.s32 s3, s2  }
0x80: {  	(v2sf) =	vpush v1, $0x7;
	[tilespmem:s26], [sflag:$0x1] =	stream.strided.gather [hbm4b:s2+s10], $0x0, s11, s10, $0x38;
	[tilespmem:$0x8600] =	vst v63  }
0x81: {  	s0 =	sand.u32 $0x1FFFFFF0, s25  }
0x82: {  	[tilespmem:s26], [sflag:$0x1] =	stream.linear.gather [hbm4b:s2+s1], $0x40, $0x38;
	[tilespmem:$0x8600] =	vst v63  }
0x83: {  	s29 =	simm.s32 $0x4540;
	s28 =	spop (v2sf);
	s0 =	sadd.s32 s4, s0  }
0x84: {  	(v2sf) =	vpush v2, $0x8;
	[tilespmem:s29], [sflag:$0x1] =	stream.strided.gather [hbm4b:s0+s10], $0x0, s11, s10, $0x38;
	[tilespmem:$0x8600] =	vst v63  }
0x85: {  	s2 =	sand.u32 $0x1FFFFFF0, s28  }
0x86: {  	[tilespmem:s29], [sflag:$0x1] =	stream.linear.gather [hbm4b:s0+s1], $0x40, $0x38;
	[tilespmem:$0x8600] =	vst v63  }
0x87: {  	s31 =	simm.s32 $0x580;
	s30 =	spop (v2sf);
	s2 =	sadd.s32 s3, s2  }
0x88: {  	(v2sf) =	vpush v1, $0x8;
	[tilespmem:s31], [sflag:$0x1] =	stream.strided.gather [hbm4b:s2+s10], $0x0, s11, s10, $0x38;
	[tilespmem:$0x8600] =	vst v63  }
0x89: {  	s0 =	sand.u32 $0x1FFFFFF0, s30  }
0x8a: {  	[tilespmem:s31], [sflag:$0x1] =	stream.linear.gather [hbm4b:s2+s1], $0x40, $0x38;
	[tilespmem:$0x8600] =	vst v63  }
0x8b: {  	s7 =	simm.s32 $0x4580;
	s6 =	spop (v2sf);
	s0 =	sadd.s32 s4, s0  }
0x8c: {  	(v2sf) =	vpush v2, $0x9;
	[tilespmem:s7], [sflag:$0x1] =	stream.strided.gather [hbm4b:s0+s10], $0x0, s11, s10, $0x38;
	[tilespmem:$0x8600] =	vst v63  }
0x8d: {  	s2 =	sand.u32 $0x1FFFFFF0, s6  }
0x8e: {  	[tilespmem:s7], [sflag:$0x1] =	stream.linear.gather [hbm4b:s0+s1], $0x40, $0x38;
	[tilespmem:$0x8600] =	vst v63  }
0x8f: {  	s14 =	simm.s32 $0x5C0;
	s8 =	spop (v2sf);
	s2 =	sadd.s32 s3, s2  }
0x90: {  	(v2sf) =	vpush v1, $0x9;
	[tilespmem:s14], [sflag:$0x1] =	stream.strided.gather [hbm4b:s2+s10], $0x0, s11, s10, $0x38;
	[tilespmem:$0x8600] =	vst v63  }
0x91: {  	s0 =	sand.u32 $0x1FFFFFF0, s8  }
0x92: {  	[tilespmem:s14], [sflag:$0x1] =	stream.linear.gather [hbm4b:s2+s1], $0x40, $0x38;
	[tilespmem:$0x8600] =	vst v63  }
0x93: {  	s18 =	simm.s32 $0x45C0;
	s17 =	spop (v2sf);
	s0 =	sadd.s32 s4, s0  }
0x94: {  	(v2sf) =	vpush v2, $0xA;
	[tilespmem:s18], [sflag:$0x1] =	stream.strided.gather [hbm4b:s0+s10], $0x0, s11, s10, $0x38;
	[tilespmem:$0x8600] =	vst v63  }
0x95: {  	s2 =	sand.u32 $0x1FFFFFF0, s17  }
0x96: {  	[tilespmem:s18], [sflag:$0x1] =	stream.linear.gather [hbm4b:s0+s1], $0x40, $0x38;
	[tilespmem:$0x8600] =	vst v63  }
0x97: {  	s20 =	simm.s32 $0x600;
	s19 =	spop (v2sf);
	s2 =	sadd.s32 s3, s2  }
0x98: {  	(v2sf) =	vpush v1, $0xA;
	[tilespmem:s20], [sflag:$0x1] =	stream.strided.gather [hbm4b:s2+s10], $0x0, s11, s10, $0x38;
	[tilespmem:$0x8600] =	vst v63  }
0x99: {  	s0 =	sand.u32 $0x1FFFFFF0, s19  }
0x9a: {  	[tilespmem:s20], [sflag:$0x1] =	stream.linear.gather [hbm4b:s2+s1], $0x40, $0x38;
	[tilespmem:$0x8600] =	vst v63  }
0x9b: {  	s22 =	simm.s32 $0x4600;
	s21 =	spop (v2sf);
	s0 =	sadd.s32 s4, s0  }
0x9c: {  	(v2sf) =	vpush v2, $0xB;
	[tilespmem:s22], [sflag:$0x1] =	stream.strided.gather [hbm4b:s0+s10], $0x0, s11, s10, $0x38;
	[tilespmem:$0x8600] =	vst v63  }
0x9d: {  	s2 =	sand.u32 $0x1FFFFFF0, s21  }
0x9e: {  	[tilespmem:s22], [sflag:$0x1] =	stream.linear.gather [hbm4b:s0+s1], $0x40, $0x38;
	[tilespmem:$0x8600] =	vst v63  }
0x9f: {  	s24 =	simm.s32 $0x640;
	s23 =	spop (v2sf);
	s2 =	sadd.s32 s3, s2  }
0xa0: {  	(v2sf) =	vpush v1, $0xB;
	[tilespmem:s24], [sflag:$0x1] =	stream.strided.gather [hbm4b:s2+s10], $0x0, s11, s10, $0x38;
	[tilespmem:$0x8600] =	vst v63  }
0xa1: {  	s0 =	sand.u32 $0x1FFFFFF0, s23  }
0xa2: {  	[tilespmem:s24], [sflag:$0x1] =	stream.linear.gather [hbm4b:s2+s1], $0x40, $0x38;
	[tilespmem:$0x8600] =	vst v63  }
0xa3: {  	s26 =	simm.s32 $0x4640;
	s25 =	spop (v2sf);
	s0 =	sadd.s32 s4, s0  }
0xa4: {  	(v2sf) =	vpush v2, $0xC;
	[tilespmem:s26], [sflag:$0x1] =	stream.strided.gather [hbm4b:s0+s10], $0x0, s11, s10, $0x38;
	[tilespmem:$0x8600] =	vst v63  }
0xa5: {  	s2 =	sand.u32 $0x1FFFFFF0, s25  }
0xa6: {  	[tilespmem:s26], [sflag:$0x1] =	stream.linear.gather [hbm4b:s0+s1], $0x40, $0x38;
	[tilespmem:$0x8600] =	vst v63  }
0xa7: {  	s29 =	simm.s32 $0x680;
	s28 =	spop (v2sf);
	s2 =	sadd.s32 s3, s2  }
0xa8: {  	(v2sf) =	vpush v1, $0xC;
	[tilespmem:s29], [sflag:$0x1] =	stream.strided.gather [hbm4b:s2+s10], $0x0, s11, s10, $0x38;
	[tilespmem:$0x8600] =	vst v63  }
0xa9: {  	s0 =	sand.u32 $0x1FFFFFF0, s28  }
0xaa: {  	[tilespmem:s29], [sflag:$0x1] =	stream.linear.gather [hbm4b:s2+s1], $0x40, $0x38;
	[tilespmem:$0x8600] =	vst v63  }
0xab: {  	s31 =	simm.s32 $0x4680;
	s30 =	spop (v2sf);
	s0 =	sadd.s32 s4, s0  }
0xac: {  	(v2sf) =	vpush v2, $0xD;
	[tilespmem:s31], [sflag:$0x1] =	stream.strided.gather [hbm4b:s0+s10], $0x0, s11, s10, $0x38;
	[tilespmem:$0x8600] =	vst v63  }
0xad: {  	s2 =	sand.u32 $0x1FFFFFF0, s30  }
0xae: {  	[tilespmem:s31], [sflag:$0x1] =	stream.linear.gather [hbm4b:s0+s1], $0x40, $0x38;
	[tilespmem:$0x8600] =	vst v63  }
0xaf: {  	s6 =	simm.s32 $0x6C0;
	s5 =	spop (v2sf);
	s2 =	sadd.s32 s3, s2  }
0xb0: {  	(v2sf) =	vpush v1, $0xD;
	[tilespmem:s6], [sflag:$0x1] =	stream.strided.gather [hbm4b:s2+s10], $0x0, s11, s10, $0x38;
	[tilespmem:$0x8600] =	vst v63  }
0xb1: {  	s0 =	sand.u32 $0x1FFFFFF0, s5  }
0xb2: {  	[tilespmem:s6], [sflag:$0x1] =	stream.linear.gather [hbm4b:s2+s1], $0x40, $0x38;
	[tilespmem:$0x8600] =	vst v63  }
0xb3: {  	s8 =	simm.s32 $0x46C0;
	s7 =	spop (v2sf);
	s0 =	sadd.s32 s4, s0  }
0xb4: {  	(v2sf) =	vpush v2, $0xE;
	[tilespmem:s8], [sflag:$0x1] =	stream.strided.gather [hbm4b:s0+s10], $0x0, s11, s10, $0x38;
	[tilespmem:$0x8600] =	vst v63  }
0xb5: {  	s2 =	sand.u32 $0x1FFFFFF0, s7  }
0xb6: {  	[tilespmem:s8], [sflag:$0x1] =	stream.linear.gather [hbm4b:s0+s1], $0x40, $0x38;
	[tilespmem:$0x8600] =	vst v63  }
0xb7: {  	s17 =	simm.s32 $0x700;
	s14 =	spop (v2sf);
	s2 =	sadd.s32 s3, s2  }
0xb8: {  	(v2sf) =	vpush v1, $0xE;
	[tilespmem:s17], [sflag:$0x1] =	stream.strided.gather [hbm4b:s2+s10], $0x0, s11, s10, $0x38;
	[tilespmem:$0x8600] =	vst v63  }
0xb9: {  	s0 =	sand.u32 $0x1FFFFFF0, s14  }
0xba: {  	[tilespmem:s17], [sflag:$0x1] =	stream.linear.gather [hbm4b:s2+s1], $0x40, $0x38;
	[tilespmem:$0x8600] =	vst v63  }
0xbb: {  	s19 =	simm.s32 $0x4700;
	s18 =	spop (v2sf);
	s0 =	sadd.s32 s4, s0  }
0xbc: {  	(v2sf) =	vpush v2, $0xF;
	[tilespmem:s19], [sflag:$0x1] =	stream.strided.gather [hbm4b:s0+s10], $0x0, s11, s10, $0x38;
	[tilespmem:$0x8600] =	vst v63  }
0xbd: {  	s2 =	sand.u32 $0x1FFFFFF0, s18  }
0xbe: {  	[tilespmem:s19], [sflag:$0x1] =	stream.linear.gather [hbm4b:s0+s1], $0x40, $0x38;
	[tilespmem:$0x8600] =	vst v63  }
0xbf: {  	s21 =	simm.s32 $0x740;
	s20 =	spop (v2sf);
	s2 =	sadd.s32 s3, s2  }
0xc0: {  	(v2sf) =	vpush v1, $0xF;
	[tilespmem:s21], [sflag:$0x1] =	stream.strided.gather [hbm4b:s2+s10], $0x0, s11, s10, $0x38;
	[tilespmem:$0x8600] =	vst v63  }
0xc1: {  	s0 =	sand.u32 $0x1FFFFFF0, s20  }
0xc2: {  	[tilespmem:s21], [sflag:$0x1] =	stream.linear.gather [hbm4b:s2+s1], $0x40, $0x38;
	[tilespmem:$0x8600] =	vst v63  }
0xc3: {  	s23 =	simm.s32 $0x4740;
	s22 =	spop (v2sf);
	s0 =	sadd.s32 s4, s0  }
0xc4: {  	[tilespmem:s23], [sflag:$0x1] =	stream.strided.gather [hbm4b:s0+s10], $0x0, s11, s10, $0x38;
	[tilespmem:$0x8600] =	vst v63  }
0xc5: {  	s2 =	sand.u32 $0x1FFFFFF0, s22  }
0xc6: {  	[tilespmem:s23], [sflag:$0x1] =	stream.linear.gather [hbm4b:s0+s1], $0x40, $0x38;
	[tilespmem:$0x8600] =	vst v63  }
0xc7: {  	s25 =	simm.s32 $0x780;
	s24 =	spop (v2sf);
	s2 =	sadd.s32 s3, s2  }
0xc8: {  	[tilespmem:s25], [sflag:$0x1] =	stream.strided.gather [hbm4b:s2+s10], $0x0, s11, s10, $0x38;
	[tilespmem:$0x8600] =	vst v63  }
0xc9: {  	s0 =	sand.u32 $0x1FFFFFF0, s24  }
0xca: {  	[tilespmem:s25], [sflag:$0x1] =	stream.linear.gather [hbm4b:s2+s1], $0x40, $0x38;
	[tilespmem:$0x8600] =	vst v63  }
0xcb: {  	s28 =	simm.s32 $0x4780;
	s26 =	spop (v2sf);
	s0 =	sadd.s32 s4, s0  }
0xcc: {  	[tilespmem:s28], [sflag:$0x1] =	stream.strided.gather [hbm4b:s0+s10], $0x0, s11, s10, $0x38;
	[tilespmem:$0x8600] =	vst v63  }
0xcd: {  	s2 =	sand.u32 $0x1FFFFFF0, s26  }
0xce: {  	[tilespmem:s28], [sflag:$0x1] =	stream.linear.gather [hbm4b:s0+s1], $0x40, $0x38;
	[tilespmem:$0x8600] =	vst v63  }
0xcf: {  	s30 =	simm.s32 $0x7C0;
	s29 =	spop (v2sf);
	s2 =	sadd.s32 s3, s2  }
0xd0: {  	[tilespmem:s30], [sflag:$0x1] =	stream.strided.gather [hbm4b:s2+s10], $0x0, s11, s10, $0x38;
	[tilespmem:$0x8600] =	vst v63  }
0xd1: {  	s17 =	simm.s32 $0x1000;
	s31 =	sand.u32 $0x1FFFFFF0, s29  }
0xd2: {  	[tilespmem:s30], [sflag:$0x1] =	stream.linear.gather [hbm4b:s2+s1], $0x40, $0x38;
	[tilespmem:$0x8600] =	vst v63  }
0xd3: {  	s18 =	simm.s32 $0x0;
	s0 =	simm.s32 $0x47C0;
	s2 =	sadd.s32 s4, s31  }
0xd4: {  	[tilespmem:s0], [sflag:$0x1] =	stream.strided.gather [hbm4b:s2+s10], $0x0, s11, s10, $0x38;
	[tilespmem:$0x8600] =	vst v63  }
.LBB2_2:
0xd5: {  	p0 =	sne.s32 s17, $0xF000;
	s18 =	sadd.s32 $0x10, s18;
	s16 =	sadd.s32 $0x10, s16  }
0xd6: {  	[tilespmem:s0], [sflag:$0x1] =	stream.linear.gather [hbm4b:s2+s1], $0x40, $0x38;
	[tilespmem:$0x8600] =	vst v63  }
0xd7: {  	s0 =	smov.u32 s17;
	s17 =	sadd.s32 $0x1000, s17;
	v1 =	vld [tilespmem:s18+$0x0];
	_ =	sdelay $0x3  }
0xd8: {  	v2 =	vld [tilespmem:s16+$0x0]  }
0xd9: {  	v1 =	vshll.u32 v1, $0x4  }
0xda: {  	(v2sf) =	vpush v1, $0x0  }
0xdb: {  	(v2sf) =	vpush v1, $0x1  }
0xdc: {  	(v2sf) =	vpush v1, $0x2  }
0xdd: {  	v2 =	vshll.u32 v2, $0x4  }
0xde: {  	(v2sf) =	vpush v2, $0x0;
	_ =	sdelay $0x1  }
0xdf: {  	(v2sf) =	vpush v2, $0x1  }
0xe0: {  	(v2sf) =	vpush v2, $0x2;
	_ =	sdelay $0x3  }
0xe1: {  	(v2sf) =	vpush v1, $0x3;
	_ =	sdelay $0x3  }
0xe2: {  	s2 =	spop (v2sf);
	(v2sf) =	vpush v2, $0x3  }
0xe3: {  	s19 =	sshra.s32 s0, $0x2;
	s0 =	sand.u32 $0x1FFFFFF0, s2;
	s2 =	spop (v2sf)  }
0xe4: {  	s5 =	sadd.s32 $0x400, s19;
	s0 =	sadd.s32 s3, s0;
	s14 =	spop (v2sf)  }
0xe5: {  	[tilespmem:s5], [sflag:$0x1] =	stream.strided.gather [hbm4b:s0+s10], $0x0, s11, s10, $0x38;
	[tilespmem:$0x8600] =	vst v63  }
0xe6: {  	s2 =	sand.u32 $0x1FFFFFF0, s2;
	s14 =	sand.u32 $0x1FFFFFF0, s14;
	s20 =	spop (v2sf);
	(v2sf) =	vpush v1, $0x4  }
0xe7: {  	[tilespmem:s5], [sflag:$0x1] =	stream.linear.gather [hbm4b:s0+s1], $0x40, $0x38;
	[tilespmem:$0x8600] =	vst v63  }
0xe8: {  	s0 =	sadd.s32 $0x4400, s19;
	s5 =	sand.u32 $0x1FFFFFF0, s20;
	s20 =	spop (v2sf);
	(v2sf) =	vpush v2, $0x4  }
0xe9: {  	s5 =	sadd.s32 s4, s5;
	s20 =	sand.u32 $0x1FFFFFF0, s20;
	s21 =	spop (v2sf)  }
0xea: {  	[tilespmem:s0], [sflag:$0x1] =	stream.strided.gather [hbm4b:s5+s10], $0x0, s11, s10, $0x38;
	(v2sf) =	vpush v1, $0x5;
	[tilespmem:$0x8600] =	vst v63  }
0xeb: {  	s22 =	sadd.s32 $0x440, s19;
	s2 =	sadd.s32 s3, s2;
	s21 =	sand.u32 $0x1FFFFFF0, s21  }
0xec: {  	[tilespmem:s0], [sflag:$0x1] =	stream.linear.gather [hbm4b:s5+s1], $0x40, $0x38;
	(v2sf) =	vpush v2, $0x5;
	[tilespmem:$0x8600] =	vst v63  }
0xed: {  	s0 =	spop (v2sf)  }
0xee: {  	[tilespmem:s22], [sflag:$0x1] =	stream.strided.gather [hbm4b:s2+s10], $0x0, s11, s10, $0x38;
	(v2sf) =	vpush v1, $0x6;
	[tilespmem:$0x8600] =	vst v63  }
0xef: {  	s20 =	sadd.s32 s4, s20;
	s5 =	sadd.s32 $0x4440, s19;
	s0 =	sand.u32 $0x1FFFFFF0, s0  }
0xf0: {  	[tilespmem:s22], [sflag:$0x1] =	stream.linear.gather [hbm4b:s2+s1], $0x40, $0x38;
	(v2sf) =	vpush v2, $0x6;
	[tilespmem:$0x8600] =	vst v63  }
0xf1: {  	s2 =	spop (v2sf)  }
0xf2: {  	[tilespmem:s5], [sflag:$0x1] =	stream.strided.gather [hbm4b:s20+s10], $0x0, s11, s10, $0x38;
	(v2sf) =	vpush v1, $0x7;
	[tilespmem:$0x8600] =	vst v63  }
0xf3: {  	s14 =	sadd.s32 s3, s14;
	s22 =	sadd.s32 $0x480, s19;
	s23 =	sand.u32 $0x1FFFFFF0, s2  }
0xf4: {  	[tilespmem:s5], [sflag:$0x1] =	stream.linear.gather [hbm4b:s20+s1], $0x40, $0x38;
	(v2sf) =	vpush v2, $0x7;
	[tilespmem:$0x8600] =	vst v63  }
0xf5: {  	s2 =	spop (v2sf)  }
0xf6: {  	[tilespmem:s22], [sflag:$0x1] =	stream.strided.gather [hbm4b:s14+s10], $0x0, s11, s10, $0x38;
	(v2sf) =	vpush v1, $0x8;
	[tilespmem:$0x8600] =	vst v63  }
0xf7: {  	s5 =	sadd.s32 $0x4480, s19;
	s20 =	sadd.s32 s4, s21;
	s21 =	spop (v2sf)  }
0xf8: {  	[tilespmem:s22], [sflag:$0x1] =	stream.linear.gather [hbm4b:s14+s1], $0x40, $0x38;
	(v2sf) =	vpush v2, $0x8;
	[tilespmem:$0x8600] =	vst v63  }
0xf9: {  	s14 =	sand.u32 $0x1FFFFFF0, s2;
	s21 =	sand.u32 $0x1FFFFFF0, s21;
	s2 =	spop (v2sf)  }
0xfa: {  	[tilespmem:s5], [sflag:$0x1] =	stream.strided.gather [hbm4b:s20+s10], $0x0, s11, s10, $0x38;
	(v2sf) =	vpush v1, $0x9;
	[tilespmem:$0x8600] =	vst v63  }
0xfb: {  	s0 =	sadd.s32 s3, s0;
	s22 =	sadd.s32 $0x4C0, s19;
	s24 =	spop (v2sf)  }
0xfc: {  	[tilespmem:s5], [sflag:$0x1] =	stream.linear.gather [hbm4b:s20+s1], $0x40, $0x38;
	(v2sf) =	vpush v2, $0x9;
	[tilespmem:$0x8600] =	vst v63  }
0xfd: {  	s5 =	sand.u32 $0x1FFFFFF0, s2;
	s2 =	sand.u32 $0x1FFFFFF0, s24;
	s20 =	spop (v2sf)  }
0xfe: {  	[tilespmem:s22], [sflag:$0x1] =	stream.strided.gather [hbm4b:s0+s10], $0x0, s11, s10, $0x38;
	(v2sf) =	vpush v1, $0xA;
	[tilespmem:$0x8600] =	vst v63  }
0xff: {  	s25 =	sadd.s32 $0x44C0, s19;
	s23 =	sadd.s32 s4, s23;
	s26 =	spop (v2sf)  }
0x100: {  	[tilespmem:s22], [sflag:$0x1] =	stream.linear.gather [hbm4b:s0+s1], $0x40, $0x38;
	(v2sf) =	vpush v2, $0xA;
	[tilespmem:$0x8600] =	vst v63  }
0x101: {  	s24 =	sand.u32 $0x1FFFFFF0, s20;
	s22 =	sand.u32 $0x1FFFFFF0, s26;
	s0 =	spop (v2sf)  }
0x102: {  	[tilespmem:s25], [sflag:$0x1] =	stream.strided.gather [hbm4b:s23+s10], $0x0, s11, s10, $0x38;
	(v2sf) =	vpush v1, $0xB;
	[tilespmem:$0x8600] =	vst v63  }
0x103: {  	s14 =	sadd.s32 s3, s14;
	s26 =	sadd.s32 $0x500, s19;
	s20 =	spop (v2sf)  }
0x104: {  	[tilespmem:s25], [sflag:$0x1] =	stream.linear.gather [hbm4b:s23+s1], $0x40, $0x38;
	(v2sf) =	vpush v2, $0xB;
	[tilespmem:$0x8600] =	vst v63  }
0x105: {  	s23 =	sand.u32 $0x1FFFFFF0, s0;
	s20 =	sand.u32 $0x1FFFFFF0, s20;
	s0 =	spop (v2sf)  }
0x106: {  	[tilespmem:s26], [sflag:$0x1] =	stream.strided.gather [hbm4b:s14+s10], $0x0, s11, s10, $0x38;
	(v2sf) =	vpush v1, $0xC;
	[tilespmem:$0x8600] =	vst v63  }
0x107: {  	s28 =	sadd.s32 s4, s21;
	s25 =	sadd.s32 $0x4500, s19;
	s29 =	spop (v2sf)  }
0x108: {  	[tilespmem:s26], [sflag:$0x1] =	stream.linear.gather [hbm4b:s14+s1], $0x40, $0x38;
	(v2sf) =	vpush v2, $0xC;
	[tilespmem:$0x8600] =	vst v63  }
0x109: {  	s21 =	sand.u32 $0x1FFFFFF0, s0;
	s0 =	sand.u32 $0x1FFFFFF0, s29;
	s14 =	spop (v2sf)  }
0x10a: {  	[tilespmem:s25], [sflag:$0x1] =	stream.strided.gather [hbm4b:s28+s10], $0x0, s11, s10, $0x38;
	(v2sf) =	vpush v1, $0xD;
	[tilespmem:$0x8600] =	vst v63  }
0x10b: {  	s26 =	sadd.s32 $0x540, s19;
	s29 =	sadd.s32 s3, s5;
	s30 =	spop (v2sf)  }
0x10c: {  	[tilespmem:s25], [sflag:$0x1] =	stream.linear.gather [hbm4b:s28+s1], $0x40, $0x38;
	(v2sf) =	vpush v2, $0xD;
	[tilespmem:$0x8600] =	vst v63  }
0x10d: {  	s5 =	sand.u32 $0x1FFFFFF0, s14;
	s31 =	sand.u32 $0x1FFFFFF0, s30;
	s14 =	spop (v2sf)  }
0x10e: {  	[tilespmem:s26], [sflag:$0x1] =	stream.strided.gather [hbm4b:s29+s10], $0x0, s11, s10, $0x38;
	(v2sf) =	vpush v1, $0xE;
	[tilespmem:$0x8600] =	vst v63  }
0x10f: {  	s2 =	sadd.s32 s4, s2;
	s25 =	sadd.s32 $0x4540, s19;
	s28 =	spop (v2sf)  }
0x110: {  	[tilespmem:s26], [sflag:$0x1] =	stream.linear.gather [hbm4b:s29+s1], $0x40, $0x38;
	[tilespmem:$0x8600] =	vst v63  }
0x111: {  	s14 =	sand.u32 $0x1FFFFFF0, s14;
	s29 =	sand.u32 $0x1FFFFFF0, s28;
	s26 =	spop (v2sf)  }
0x112: {  	[tilespmem:s25], [sflag:$0x1] =	stream.strided.gather [hbm4b:s2+s10], $0x0, s11, s10, $0x38;
	(v2sf) =	vpush v2, $0xE;
	[tilespmem:$0x8600] =	vst v63  }
0x113: {  	s24 =	sadd.s32 s3, s24;
	s28 =	sadd.s32 $0x580, s19;
	s30 =	spop (v2sf)  }
0x114: {  	[tilespmem:s25], [sflag:$0x1] =	stream.linear.gather [hbm4b:s2+s1], $0x40, $0x38;
	(v2sf) =	vpush v1, $0xF;
	[tilespmem:$0x8600] =	vst v63  }
0x115: {  	s2 =	sand.u32 $0x1FFFFFF0, s26;
	s26 =	sand.u32 $0x1FFFFFF0, s30;
	s25 =	spop (v2sf)  }
0x116: {  	[tilespmem:s28], [sflag:$0x1] =	stream.strided.gather [hbm4b:s24+s10], $0x0, s11, s10, $0x38;
	(v2sf) =	vpush v2, $0xF;
	[tilespmem:$0x8600] =	vst v63  }
0x117: {  	s6 =	sadd.s32 $0x4580, s19;
	s22 =	sadd.s32 s4, s22;
	s7 =	spop (v2sf)  }
0x118: {  	[tilespmem:s28], [sflag:$0x1] =	stream.linear.gather [hbm4b:s24+s1], $0x40, $0x38;
	[tilespmem:$0x8600] =	vst v63  }
0x119: {  	s30 =	sand.u32 $0x1FFFFFF0, s25;
	s25 =	sand.u32 $0x1FFFFFF0, s7;
	s7 =	spop (v2sf)  }
0x11a: {  	[tilespmem:s6], [sflag:$0x1] =	stream.strided.gather [hbm4b:s22+s10], $0x0, s11, s10, $0x38;
	[tilespmem:$0x8600] =	vst v63  }
0x11b: {  	s8 =	sadd.s32 $0x5C0, s19;
	s23 =	sadd.s32 s3, s23;
	s24 =	spop (v2sf)  }
0x11c: {  	[tilespmem:s6], [sflag:$0x1] =	stream.linear.gather [hbm4b:s22+s1], $0x40, $0x38;
	[tilespmem:$0x8600] =	vst v63  }
0x11d: {  	s28 =	sand.u32 $0x1FFFFFF0, s7;
	s24 =	sand.u32 $0x1FFFFFF0, s24;
	s6 =	spop (v2sf)  }
0x11e: {  	[tilespmem:s8], [sflag:$0x1] =	stream.strided.gather [hbm4b:s23+s10], $0x0, s11, s10, $0x38;
	[tilespmem:$0x8600] =	vst v63  }
0x11f: {  	s20 =	sadd.s32 s4, s20;
	s7 =	sadd.s32 $0x45C0, s19;
	s22 =	sand.u32 $0x1FFFFFF0, s6  }
0x120: {  	[tilespmem:s8], [sflag:$0x1] =	stream.linear.gather [hbm4b:s23+s1], $0x40, $0x38;
	[tilespmem:$0x8600] =	vst v63  }
0x121: {  	s23 =	spop (v2sf)  }
0x122: {  	[tilespmem:s7], [sflag:$0x1] =	stream.strided.gather [hbm4b:s20+s10], $0x0, s11, s10, $0x38;
	[tilespmem:$0x8600] =	vst v63  }
0x123: {  	s6 =	sadd.s32 $0x600, s19;
	s8 =	sadd.s32 s3, s21;
	s21 =	spop (v2sf)  }
0x124: {  	[tilespmem:s7], [sflag:$0x1] =	stream.linear.gather [hbm4b:s20+s1], $0x40, $0x38;
	[tilespmem:$0x8600] =	vst v63  }
0x125: {  	s21 =	sand.u32 $0x1FFFFFF0, s21;
	s20 =	spop (v2sf)  }
0x126: {  	[tilespmem:s6], [sflag:$0x1] =	stream.strided.gather [hbm4b:s8+s10], $0x0, s11, s10, $0x38;
	[tilespmem:$0x8600] =	vst v63  }
0x127: {  	s0 =	sadd.s32 s4, s0;
	s7 =	sadd.s32 $0x4600, s19  }
0x128: {  	[tilespmem:s6], [sflag:$0x1] =	stream.linear.gather [hbm4b:s8+s1], $0x40, $0x38;
	[tilespmem:$0x8600] =	vst v63  }
0x129: {  	_ = 	snop  }
0x12a: {  	[tilespmem:s7], [sflag:$0x1] =	stream.strided.gather [hbm4b:s0+s10], $0x0, s11, s10, $0x38;
	[tilespmem:$0x8600] =	vst v63  }
0x12b: {  	s5 =	sadd.s32 s3, s5;
	s6 =	sadd.s32 $0x640, s19  }
0x12c: {  	[tilespmem:s7], [sflag:$0x1] =	stream.linear.gather [hbm4b:s0+s1], $0x40, $0x38;
	[tilespmem:$0x8600] =	vst v63  }
0x12d: {  	_ = 	snop  }
0x12e: {  	[tilespmem:s6], [sflag:$0x1] =	stream.strided.gather [hbm4b:s5+s10], $0x0, s11, s10, $0x38;
	[tilespmem:$0x8600] =	vst v63  }
0x12f: {  	s0 =	sadd.s32 $0x4640, s19;
	s7 =	sadd.s32 s4, s31  }
0x130: {  	[tilespmem:s6], [sflag:$0x1] =	stream.linear.gather [hbm4b:s5+s1], $0x40, $0x38;
	[tilespmem:$0x8600] =	vst v63  }
0x131: {  	_ = 	snop  }
0x132: {  	[tilespmem:s0], [sflag:$0x1] =	stream.strided.gather [hbm4b:s7+s10], $0x0, s11, s10, $0x38;
	[tilespmem:$0x8600] =	vst v63  }
0x133: {  	s5 =	sadd.s32 $0x680, s19;
	s6 =	sadd.s32 s3, s14  }
0x134: {  	[tilespmem:s0], [sflag:$0x1] =	stream.linear.gather [hbm4b:s7+s1], $0x40, $0x38;
	[tilespmem:$0x8600] =	vst v63  }
0x135: {  	_ = 	snop  }
0x136: {  	[tilespmem:s5], [sflag:$0x1] =	stream.strided.gather [hbm4b:s6+s10], $0x0, s11, s10, $0x38;
	[tilespmem:$0x8600] =	vst v63  }
0x137: {  	s0 =	sadd.s32 $0x4680, s19;
	s7 =	sadd.s32 s4, s29  }
0x138: {  	[tilespmem:s5], [sflag:$0x1] =	stream.linear.gather [hbm4b:s6+s1], $0x40, $0x38;
	[tilespmem:$0x8600] =	vst v63  }
0x139: {  	_ = 	snop  }
0x13a: {  	[tilespmem:s0], [sflag:$0x1] =	stream.strided.gather [hbm4b:s7+s10], $0x0, s11, s10, $0x38;
	[tilespmem:$0x8600] =	vst v63  }
0x13b: {  	s2 =	sadd.s32 s3, s2;
	s5 =	sadd.s32 $0x6C0, s19  }
0x13c: {  	[tilespmem:s0], [sflag:$0x1] =	stream.linear.gather [hbm4b:s7+s1], $0x40, $0x38;
	[tilespmem:$0x8600] =	vst v63  }
0x13d: {  	_ = 	snop  }
0x13e: {  	[tilespmem:s5], [sflag:$0x1] =	stream.strided.gather [hbm4b:s2+s10], $0x0, s11, s10, $0x38;
	[tilespmem:$0x8600] =	vst v63  }
0x13f: {  	s6 =	sadd.s32 s4, s26;
	s0 =	sadd.s32 $0x46C0, s19  }
0x140: {  	[tilespmem:s5], [sflag:$0x1] =	stream.linear.gather [hbm4b:s2+s1], $0x40, $0x38;
	[tilespmem:$0x8600] =	vst v63  }
0x141: {  	_ = 	snop  }
0x142: {  	[tilespmem:s0], [sflag:$0x1] =	stream.strided.gather [hbm4b:s6+s10], $0x0, s11, s10, $0x38;
	[tilespmem:$0x8600] =	vst v63  }
0x143: {  	s2 =	sadd.s32 $0x700, s19;
	s5 =	sadd.s32 s3, s30  }
0x144: {  	[tilespmem:s0], [sflag:$0x1] =	stream.linear.gather [hbm4b:s6+s1], $0x40, $0x38;
	[tilespmem:$0x8600] =	vst v63  }
0x145: {  	_ = 	snop  }
0x146: {  	[tilespmem:s2], [sflag:$0x1] =	stream.strided.gather [hbm4b:s5+s10], $0x0, s11, s10, $0x38;
	[tilespmem:$0x8600] =	vst v63  }
0x147: {  	s0 =	sadd.s32 $0x4700, s19;
	s6 =	sadd.s32 s4, s25  }
0x148: {  	[tilespmem:s2], [sflag:$0x1] =	stream.linear.gather [hbm4b:s5+s1], $0x40, $0x38;
	[tilespmem:$0x8600] =	vst v63  }
0x149: {  	_ = 	snop  }
0x14a: {  	[tilespmem:s0], [sflag:$0x1] =	stream.strided.gather [hbm4b:s6+s10], $0x0, s11, s10, $0x38;
	[tilespmem:$0x8600] =	vst v63  }
0x14b: {  	s2 =	sadd.s32 $0x740, s19;
	s5 =	sadd.s32 s3, s28  }
0x14c: {  	[tilespmem:s0], [sflag:$0x1] =	stream.linear.gather [hbm4b:s6+s1], $0x40, $0x38;
	[tilespmem:$0x8600] =	vst v63  }
0x14d: {  	_ = 	snop  }
0x14e: {  	[tilespmem:s2], [sflag:$0x1] =	stream.strided.gather [hbm4b:s5+s10], $0x0, s11, s10, $0x38;
	[tilespmem:$0x8600] =	vst v63  }
0x14f: {  	s0 =	sadd.s32 $0x4740, s19;
	s6 =	sadd.s32 s4, s24  }
0x150: {  	[tilespmem:s2], [sflag:$0x1] =	stream.linear.gather [hbm4b:s5+s1], $0x40, $0x38;
	[tilespmem:$0x8600] =	vst v63  }
0x151: {  	_ = 	snop  }
0x152: {  	[tilespmem:s0], [sflag:$0x1] =	stream.strided.gather [hbm4b:s6+s10], $0x0, s11, s10, $0x38;
	[tilespmem:$0x8600] =	vst v63  }
0x153: {  	s2 =	sadd.s32 $0x780, s19;
	s5 =	sadd.s32 s3, s22  }
0x154: {  	[tilespmem:s0], [sflag:$0x1] =	stream.linear.gather [hbm4b:s6+s1], $0x40, $0x38;
	[tilespmem:$0x8600] =	vst v63  }
0x155: {  	s0 =	sand.u32 $0x1FFFFFF0, s23  }
0x156: {  	[tilespmem:s2], [sflag:$0x1] =	stream.strided.gather [hbm4b:s5+s10], $0x0, s11, s10, $0x38;
	[tilespmem:$0x8600] =	vst v63  }
0x157: {  	s6 =	sadd.s32 $0x4780, s19;
	s0 =	sadd.s32 s4, s0  }
0x158: {  	[tilespmem:s2], [sflag:$0x1] =	stream.linear.gather [hbm4b:s5+s1], $0x40, $0x38;
	[tilespmem:$0x8600] =	vst v63  }
0x159: {  	_ = 	snop  }
0x15a: {  	[tilespmem:s6], [sflag:$0x1] =	stream.strided.gather [hbm4b:s0+s10], $0x0, s11, s10, $0x38;
	[tilespmem:$0x8600] =	vst v63  }
0x15b: {  	s7 =	sadd.s32 s3, s21;
	s5 =	sadd.s32 $0x7C0, s19  }
0x15c: {  	[tilespmem:s6], [sflag:$0x1] =	stream.linear.gather [hbm4b:s0+s1], $0x40, $0x38;
	[tilespmem:$0x8600] =	vst v63  }
0x15d: {  	s2 =	sand.u32 $0x1FFFFFF0, s20  }
0x15e: {  	[tilespmem:s5], [sflag:$0x1] =	stream.strided.gather [hbm4b:s7+s10], $0x0, s11, s10, $0x38;
	[tilespmem:$0x8600] =	vst v63  }
.Ltmp0:
0x15f: {  	_ = 	snop;
	(pc) =	sbr.rel @p0 .LBB2_2-.Ltmp0, $4  }
0x160: {  	s2 =	sadd.s32 s4, s2;
	s0 =	sadd.s32 $0x47C0, s19  }
0x161: {  	[tilespmem:s5], [sflag:$0x1] =	stream.linear.gather [hbm4b:s7+s1], $0x40, $0x38;
	[tilespmem:$0x8600] =	vst v63  }
0x162: {  	_ = 	snop  }
0x163: {  	[tilespmem:s0], [sflag:$0x1] =	stream.strided.gather [hbm4b:s2+s10], $0x0, s11, s10, $0x38;
	[tilespmem:$0x8600] =	vst v63  }
0x164: {  	[tilespmem:s0], [sflag:$0x1] =	stream.linear.gather [hbm4b:s2+s1], $0x40, $0x38;
	[tilespmem:$0x8600] =	vst v63  }
0x165: {  	_ =	swait.ge [sflag:s12], $0x4000  }
0x166: {  	[sflag:s12] =	ssyncset.done $0x0  }
0x167: {  	[sflag:s12] =	ssyncadd.s32 $0xFFFFC000  }
0x168: {  	_ =	swait.ge [sflag:s12], $0x4000  }
0x169: {  	s5 =	simm.s32 $0x0;
	v21 =	vld [tilespmem:$0x1FC40]  }
0x16a: {  	v1 =	vmov s5;
	v22 =	vld [tilespmem:$0x1FD20]  }
0x16b: {  	v1 =	vshll.u32 v1, $0x7;
	v23 =	vld [tilespmem:$0x1FD30]  }
0x16c: {  	v2 =	vor.u32 v0, v1;
	v24 =	vld [tilespmem:$0x1FD40]  }
0x16d: {  	v1 =	vor.u32 v13, v2;
	v25 =	vld [tilespmem:$0x1FD50]  }
0x16e: {  	v27 =	vld [tilespmem:$0x1FD60]  }
0x16f: {  	v14 =	vmov v3;
	v3 =	vor.u32 v3, v2;
	v28 =	vld [tilespmem:$0x1FD70]  }
0x170: {  	[sflag:s12] =	ssyncset.done $0x0;
	v29 =	vld [tilespmem:$0x1FD80]  }
0x171: {  	v61 =	vor.u32 v4, v2;
	v60 =	vld [tilespmem:$0x1FEE0];
	[sflag:s12] =	ssyncadd.s32 $0xFFFFC000  }
0x172: {  	v31 =	vmov v14;
	v14 =	vld.idx.msk [tilespmem:v1+s13+$0x0], $0xffff  }
0x173: {  	v63 =	vor.u32 v7, v2;
	v62 =	vld.idx.msk [tilespmem:v1+s11+$0x0], $0xffff  }
0x174: {  	v15 =	vld.idx.msk [tilespmem:v3+s11+$0x0], $0xffff  }
0x175: {  	v19 =	vld.idx.msk [tilespmem:v3+s13+$0x0], $0xffff;
	v1 =	vor.u32 v8, v2  }
0x176: {  	v16 =	vld.idx.msk [tilespmem:v61+s11+$0x0], $0xffff  }
0x177: {  	v20 =	vld.idx.msk [tilespmem:v61+s13+$0x0], $0xffff;
	v3 =	vor.u32 v9, v2  }
0x178: {  	v17 =	vld.idx.msk [tilespmem:v63+s11+$0x0], $0xffff  }
0x179: {  	v32 =	vor.u32 v10, v2;
	v18 =	vld.idx.msk [tilespmem:v63+s13+$0x0], $0xffff  }
0x17a: {  	v62 =	vmul.f32 v14, v62;
	v14 =	vld.idx.msk [tilespmem:v1+s11+$0x0], $0xffff  }
0x17b: {  	v50 =	vor.u32 v29, v2;
	v34 =	vmul.f32 v19, v15;
	v19 =	vld.idx.msk [tilespmem:v1+s13+$0x0], $0xffff  }
0x17c: {  	v15 =	vld.idx.msk [tilespmem:v3+s11+$0x0], $0xffff  }
0x17d: {  	v35 =	vmul.f32 v20, v16;
	v20 =	vld.idx.msk [tilespmem:v3+s13+$0x0], $0xffff  }
0x17e: {  	v1 =	vor.u32 v11, v2;
	v16 =	vld.idx.msk [tilespmem:v32+s11+$0x0], $0xffff  }
0x17f: {  	v36 =	vmul.f32 v18, v17;
	v18 =	vld.idx.msk [tilespmem:v32+s13+$0x0], $0xffff  }
0x180: {  	v3 =	vor.u32 v12, v2;
	v55 =	vld.idx.msk [tilespmem:v50+s11+$0x0], $0xffff;
	v33 =	vadd.f32 $0.0e+00, v62  }
0x181: {  	v57 =	vld.idx.msk [tilespmem:v50+s13+$0x0], $0xffff  }
0x182: {  	v37 =	vor.u32 v5, v2;
	v62 =	vadd.f32 v34, v33;
	v34 =	vmov v8;
	v8 =	vld [tilespmem:$0x1FDF0]  }
0x183: {  	v17 =	vld.idx.msk [tilespmem:v1+s11+$0x0], $0xffff  }
0x184: {  	v38 =	vmul.f32 v19, v14;
	v19 =	vld.idx.msk [tilespmem:v1+s13+$0x0], $0xffff  }
0x185: {  	v14 =	vld.idx.msk [tilespmem:v3+s11+$0x0], $0xffff  }
0x186: {  	v39 =	vmul.f32 v20, v15;
	v20 =	vld.idx.msk [tilespmem:v3+s13+$0x0], $0xffff  }
0x187: {  	v15 =	vld.idx.msk [tilespmem:v37+s11+$0x0], $0xffff  }
0x188: {  	v40 =	vmul.f32 v18, v16;
	v18 =	vld.idx.msk [tilespmem:v37+s13+$0x0], $0xffff  }
0x189: {  	v32 =	vmov v6;
	v1 =	vor.u32 v6, v2;
	v6 =	vld [tilespmem:$0x1FDD0]  }
0x18a: {  	v37 =	vmov v11;
	v11 =	vld [tilespmem:$0x1FE20]  }
0x18b: {  	v3 =	vor.u32 v21, v2;
	v62 =	vadd.f32 v35, v62;
	v33 =	vmov v7;
	v7 =	vld [tilespmem:$0x1FDE0]  }
0x18c: {  	v35 =	vmov v9;
	v9 =	vld [tilespmem:$0x1FE00]  }
0x18d: {  	v41 =	vor.u32 v22, v2;
	v62 =	vadd.f32 v36, v62;
	v36 =	vmov v10;
	v10 =	vld [tilespmem:$0x1FE10]  }
0x18e: {  	v16 =	vld.idx.msk [tilespmem:v1+s11+$0x0], $0xffff  }
0x18f: {  	v42 =	vmul.f32 v19, v17;
	v19 =	vld.idx.msk [tilespmem:v1+s13+$0x0], $0xffff  }
0x190: {  	v17 =	vld.idx.msk [tilespmem:v3+s11+$0x0], $0xffff  }
0x191: {  	v43 =	vmul.f32 v20, v14;
	v20 =	vld.idx.msk [tilespmem:v3+s13+$0x0], $0xffff  }
0x192: {  	v62 =	vadd.f32 v38, v62;
	v1 =	vor.u32 v23, v2;
	v14 =	vld.idx.msk [tilespmem:v41+s11+$0x0], $0xffff  }
0x193: {  	v44 =	vmul.f32 v18, v15;
	v18 =	vld.idx.msk [tilespmem:v41+s13+$0x0], $0xffff  }
0x194: {  	v3 =	vor.u32 v24, v2;
	v41 =	vmov v4;
	v4 =	vld [tilespmem:$0x1FDB0];
	v62 =	vadd.f32 v39, v62  }
0x195: {  	v39 =	vld [tilespmem:$0x1FD90]  }
0x196: {  	v45 =	vor.u32 v25, v2;
	v62 =	vadd.f32 v40, v62;
	v40 =	vmov v5;
	v5 =	vld [tilespmem:$0x1FDC0]  }
0x197: {  	v46 =	vld.idx.msk [tilespmem:v1+s11+$0x0], $0xffff  }
0x198: {  	v47 =	vmul.f32 v19, v16;
	v19 =	vld.idx.msk [tilespmem:v1+s13+$0x0], $0xffff;
	v1 =	vor.u32 v27, v2  }
0x199: {  	v15 =	vld.idx.msk [tilespmem:v3+s11+$0x0], $0xffff  }
0x19a: {  	v48 =	vmul.f32 v20, v17;
	v17 =	vld.idx.msk [tilespmem:v3+s13+$0x0], $0xffff  }
0x19b: {  	v3 =	vor.u32 v28, v2;
	v16 =	vld.idx.msk [tilespmem:v45+s11+$0x0], $0xffff  }
0x19c: {  	v62 =	vadd.f32 v42, v62;
	v42 =	vmov v0;
	v0 =	vld [tilespmem:$0x1FDA0]  }
0x19d: {  	v49 =	vmul.f32 v18, v14;
	v14 =	vld.idx.msk [tilespmem:v1+s11+$0x0], $0xffff  }
0x19e: {  	v51 =	vmul.f32 v19, v46;
	v19 =	vld.idx.msk [tilespmem:v1+s13+$0x0], $0xffff;
	v1 =	vor.u32 v39, v2  }
0x19f: {  	v18 =	vld.idx.msk [tilespmem:v45+s13+$0x0], $0xffff  }
0x1a0: {  	v58 =	vor.u32 v4, v2;
	v62 =	vadd.f32 v43, v62;
	v52 =	vld.idx.msk [tilespmem:v3+s11+$0x0], $0xffff  }
0x1a1: {  	v54 =	vld.idx.msk [tilespmem:v3+s13+$0x0], $0xffff;
	v3 =	vor.u32 v0, v2  }
0x1a2: {  	v20 =	vld [tilespmem:$0x1FE50];
	v62 =	vadd.f32 v44, v62  }
0x1a3: {  	v59 =	vld.idx.msk [tilespmem:v1+s11+$0x0], $0xffff  }
0x1a4: {  	v38 =	vmov v12;
	v62 =	vadd.f32 v47, v62;
	v12 =	vld.idx.msk [tilespmem:v1+s13+$0x0], $0xffff;
	v1 =	vor.u32 v5, v2  }
0x1a5: {  	v46 =	vld.idx.msk [tilespmem:v58+s11+$0x0], $0xffff  }
0x1a6: {  	v62 =	vadd.f32 v48, v62;
	v48 =	vor.u32 v7, v2;
	v44 =	vld.idx.msk [tilespmem:v3+s11+$0x0], $0xffff  }
0x1a7: {  	v43 =	vmul.f32 v19, v14;
	v14 =	vld.idx.msk [tilespmem:v3+s13+$0x0], $0xffff;
	v3 =	vor.u32 v6, v2  }
0x1a8: {  	v53 =	vmul.f32 v17, v15;
	v15 =	vld.idx.msk [tilespmem:v58+s13+$0x0], $0xffff;
	v62 =	vadd.f32 v49, v62  }
0x1a9: {  	v49 =	vld.idx.msk [tilespmem:v1+s11+$0x0], $0xffff  }
0x1aa: {  	v56 =	vmul.f32 v18, v16;
	v62 =	vadd.f32 v51, v62;
	v16 =	vld.idx.msk [tilespmem:v1+s13+$0x0], $0xffff;
	v1 =	vor.u32 v8, v2  }
0x1ab: {  	v18 =	vld.idx.msk [tilespmem:v48+s13+$0x0], $0xffff  }
0x1ac: {  	v62 =	vadd.f32 v53, v62;
	v50 =	vmul.f32 v12, v59;
	v53 =	vor.u32 v10, v2;
	v12 =	vld.idx.msk [tilespmem:v3+s11+$0x0], $0xffff  }
0x1ad: {  	v17 =	vld.idx.msk [tilespmem:v3+s13+$0x0], $0xffff  }
0x1ae: {  	v51 =	vmul.f32 v14, v44;
	v14 =	vld.idx.msk [tilespmem:v48+s11+$0x0], $0xffff;
	v62 =	vadd.f32 v56, v62  }
0x1af: {  	v45 =	vmul.f32 v54, v52;
	v52 =	vmul.f32 v15, v46;
	v15 =	vld.idx.msk [tilespmem:v1+s11+$0x0], $0xffff  }
0x1b0: {  	v62 =	vadd.f32 v43, v62;
	v19 =	vld.idx.msk [tilespmem:v1+s13+$0x0], $0xffff;
	v1 =	vor.u32 v11, v2  }
0x1b1: {  	v47 =	vmul.f32 v57, v55;
	v30 =	vld.idx.msk [tilespmem:v53+s13+$0x0], $0xffff  }
0x1b2: {  	v3 =	vor.u32 v9, v2;
	v62 =	vadd.f32 v45, v62;
	v55 =	vmul.f32 v17, v12;
	v12 =	vld [tilespmem:$0x1FE30]  }
0x1b3: {  	v17 =	vld.idx.msk [tilespmem:v53+s11+$0x0], $0xffff  }
0x1b4: {  	v56 =	vmul.f32 v18, v14;
	v14 =	vld [tilespmem:$0x1FE40];
	v62 =	vadd.f32 v47, v62  }
0x1b5: {  	v18 =	vld.idx.msk [tilespmem:v1+s11+$0x0], $0xffff  }
0x1b6: {  	v62 =	vadd.f32 v50, v62;
	v58 =	vmul.f32 v19, v15;
	v19 =	vld.idx.msk [tilespmem:v1+s13+$0x0], $0xffff;
	v1 =	vor.u32 v20, v2  }
0x1b7: {  	v54 =	vmul.f32 v16, v49;
	v16 =	vld.idx.msk [tilespmem:v3+s11+$0x0], $0xffff  }
0x1b8: {  	v26 =	vld.idx.msk [tilespmem:v3+s13+$0x0], $0xffff;
	v3 =	vor.u32 v12, v2;
	v62 =	vadd.f32 v51, v62  }
0x1b9: {  	v53 =	vld [tilespmem:$0x1FE70]  }
0x1ba: {  	v57 =	vor.u32 v14, v2;
	v62 =	vadd.f32 v52, v62;
	v52 =	vld [tilespmem:$0x1FE60]  }
0x1bb: {  	v43 =	vmul.f32 v30, v17;
	v17 =	vld.idx.msk [tilespmem:v1+s11+$0x0], $0xffff  }
0x1bc: {  	v45 =	vmul.f32 v19, v18;
	v19 =	vld.idx.msk [tilespmem:v1+s13+$0x0], $0xffff  }
0x1bd: {  	v15 =	vld.idx.msk [tilespmem:v3+s11+$0x0], $0xffff  }
0x1be: {  	v59 =	vmul.f32 v26, v16;
	v26 =	vld.idx.msk [tilespmem:v3+s13+$0x0], $0xffff  }
0x1bf: {  	v16 =	vld.idx.msk [tilespmem:v57+s11+$0x0], $0xffff  }
0x1c0: {  	v44 =	vor.u32 v53, v2;
	v62 =	vadd.f32 v54, v62;
	v30 =	vld.idx.msk [tilespmem:v57+s13+$0x0], $0xffff  }
0x1c1: {  	v54 =	vld [tilespmem:$0x1FE80]  }
0x1c2: {  	v57 =	vld [tilespmem:$0x1FEB0];
	v62 =	vadd.f32 v55, v62;
	v3 =	vor.u32 v52, v2  }
0x1c3: {  	v55 =	vld [tilespmem:$0x1FE90]  }
0x1c4: {  	v62 =	vadd.f32 v56, v62;
	v56 =	vld [tilespmem:$0x1FEA0]  }
0x1c5: {  	v46 =	vmul.f32 v26, v15;
	v15 =	vld.idx.msk [tilespmem:v44+s11+$0x0], $0xffff  }
0x1c6: {  	v1 =	vor.u32 v54, v2;
	v47 =	vmul.f32 v30, v16;
	v30 =	vld.idx.msk [tilespmem:v44+s13+$0x0], $0xffff  }
0x1c7: {  	v18 =	vld.idx.msk [tilespmem:v3+s11+$0x0], $0xffff  }
0x1c8: {  	v62 =	vadd.f32 v58, v62;
	v26 =	vld.idx.msk [tilespmem:v3+s13+$0x0], $0xffff;
	v3 =	vor.u32 v55, v2  }
0x1c9: {  	v58 =	vld [tilespmem:$0x1FEC0]  }
0x1ca: {  	v62 =	vadd.f32 v59, v62;
	v59 =	vld [tilespmem:$0x1FED0];
	v48 =	vor.u32 v56, v2  }
0x1cb: {  	v16 =	vld.idx.msk [tilespmem:v1+s11+$0x0], $0xffff  }
0x1cc: {  	v62 =	vadd.f32 v43, v62;
	v43 =	vld.idx.msk [tilespmem:v1+s13+$0x0], $0xffff;
	v1 =	vor.u32 v57, v2  }
0x1cd: {  	v49 =	vmul.f32 v19, v17;
	v17 =	vld.idx.msk [tilespmem:v3+s11+$0x0], $0xffff  }
0x1ce: {  	v50 =	vmul.f32 v26, v18;
	v26 =	vld.idx.msk [tilespmem:v3+s13+$0x0], $0xffff;
	v3 =	vor.u32 v58, v2  }
0x1cf: {  	v18 =	vld.idx.msk [tilespmem:v48+s11+$0x0], $0xffff  }
0x1d0: {  	v51 =	vmul.f32 v30, v15;
	v15 =	vld.idx.msk [tilespmem:v48+s13+$0x0], $0xffff  }
0x1d1: {  	v44 =	vor.u32 v59, v2;
	v19 =	vld.idx.msk [tilespmem:v1+s11+$0x0], $0xffff  }
0x1d2: {  	v62 =	vadd.f32 v45, v62;
	v30 =	vld.idx.msk [tilespmem:v1+s13+$0x0], $0xffff  }
0x1d3: {  	v45 =	vmul.f32 v43, v16;
	v16 =	vld.idx.msk [tilespmem:v3+s11+$0x0], $0xffff  }
0x1d4: {  	v62 =	vadd.f32 v46, v62;
	v1 =	vor.u32 v60, v2;
	v46 =	vmul.f32 v26, v17;
	v26 =	vld.idx.msk [tilespmem:v3+s13+$0x0], $0xffff  }
0x1d5: {  	v3 =	vld [tilespmem:$0x1FEF0]  }
0x1d6: {  	v17 =	vld.idx.msk [tilespmem:v44+s11+$0x0], $0xffff  }
0x1d7: {  	v48 =	vld.idx.msk [tilespmem:v44+s13+$0x0], $0xffff  }
0x1d8: {  	v62 =	vadd.f32 v47, v62;
	v47 =	vmul.f32 v15, v18;
	v15 =	vld [tilespmem:$0x1FF00]  }
0x1d9: {  	v18 =	vld.idx.msk [tilespmem:v1+s11+$0x0], $0xffff  }
0x1da: {  	v44 =	vld.idx.msk [tilespmem:v1+s13+$0x0], $0xffff  }
0x1db: {  	v62 =	vadd.f32 v49, v62;
	v1 =	vld [tilespmem:$0x1FF10];
	_ =	sdelay $0x1  }
0x1dc: {  	v62 =	vadd.f32 v50, v62;
	v3 =	vor.u32 v3, v2  }
0x1dd: {  	v49 =	vor.u32 v15, v2  }
0x1de: {  	v62 =	vadd.f32 v51, v62  }
0x1df: {  	v51 =	vmul.f32 v26, v16;
	v26 =	vld [tilespmem:$0x1FF20];
	v1 =	vor.u32 v1, v2  }
0x1e0: {  	v62 =	vadd.f32 v45, v62;
	v15 =	vld [tilespmem:$0x1FF30]  }
0x1e1: {  	v50 =	vmul.f32 v30, v19;
	v19 =	vld.idx.msk [tilespmem:v3+s11+$0x0], $0xffff  }
0x1e2: {  	v62 =	vadd.f32 v46, v62;
	v30 =	vld.idx.msk [tilespmem:v49+s11+$0x0], $0xffff  }
0x1e3: {  	v43 =	vld.idx.msk [tilespmem:v49+s13+$0x0], $0xffff  }
0x1e4: {  	v62 =	vadd.f32 v47, v62;
	v47 =	vmul.f32 v48, v17;
	v17 =	vld.idx.msk [tilespmem:v1+s11+$0x0], $0xffff  }
0x1e5: {  	v49 =	vld.idx.msk [tilespmem:v1+s13+$0x0], $0xffff  }
0x1e6: {  	v1 =	vld [tilespmem:$0x1FF40]  }
0x1e7: {  	v45 =	vld.idx.msk [tilespmem:v3+s13+$0x0], $0xffff;
	v3 =	vor.u32 v26, v2;
	_ =	sdelay $0x2  }
0x1e8: {  	v15 =	vor.u32 v15, v2  }
0x1e9: {  	v62 =	vadd.f32 v50, v62;
	v16 =	vor.u32 v1, v2;
	v1 =	vld [tilespmem:$0x1FF50]  }
0x1ea: {  	v48 =	vmul.f32 v44, v18;
	v18 =	vld.idx.msk [tilespmem:v3+s11+$0x0], $0xffff  }
0x1eb: {  	v62 =	vadd.f32 v51, v62;
	v51 =	vld.idx.msk [tilespmem:v3+s13+$0x0], $0xffff  }
0x1ec: {  	v50 =	vmul.f32 v45, v19;
	v19 =	vld [tilespmem:$0x1FC50]  }
0x1ed: {  	v46 =	vld.idx.msk [tilespmem:v15+s13+$0x0], $0xffff  }
0x1ee: {  	v3 =	vor.u32 v1, v2;
	v1 =	vld.idx.msk [tilespmem:v15+s11+$0x0], $0xffff  }
0x1ef: {  	v62 =	vadd.f32 v47, v62;
	_ =	sdelay $0x1  }
0x1f0: {  	v49 =	vmul.f32 v49, v17;
	v17 =	vld [tilespmem:$0x1FC60];
	v62 =	vadd.f32 v48, v62;
	v15 =	vor.u32 v19, v2  }
0x1f1: {  	v63 =	vmul.f32 v51, v18;
	v18 =	vld [tilespmem:$0x1FF60]  }
0x1f2: {  	v62 =	vadd.f32 v50, v62;
	v50 =	vmul.f32 v46, v1;
	v1 =	vld [tilespmem:$0x1FF70]  }
0x1f3: {  	v48 =	vmul.f32 v43, v30;
	v30 =	vld.idx.msk [tilespmem:v16+s11+$0x0], $0xffff  }
0x1f4: {  	v47 =	vld.idx.msk [tilespmem:v16+s13+$0x0], $0xffff  }
0x1f5: {  	v16 =	vor.u32 v17, v2;
	v44 =	vld.idx.msk [tilespmem:v15+s11+$0x0], $0xffff  }
0x1f6: {  	v46 =	vld.idx.msk [tilespmem:v15+s13+$0x0], $0xffff  }
0x1f7: {  	v15 =	vor.u32 v1, v2;
	v1 =	vld [tilespmem:$0x1FF80]  }
0x1f8: {  	v43 =	vld.idx.msk [tilespmem:v3+s11+$0x0], $0xffff  }
0x1f9: {  	v62 =	vadd.f32 v48, v62;
	v48 =	vld.idx.msk [tilespmem:v3+s13+$0x0], $0xffff  }
0x1fa: {  	v3 =	vor.u32 v18, v2;
	v45 =	vld.idx.msk [tilespmem:v16+s11+$0x0], $0xffff  }
0x1fb: {  	v51 =	vmul.f32 v47, v30;
	v47 =	vld.idx.msk [tilespmem:v16+s13+$0x0], $0xffff  }
0x1fc: {  	v16 =	vor.u32 v1, v2;
	v1 =	vld [tilespmem:$0x1FF90];
	_ =	sdelay $0x1  }
0x1fd: {  	v62 =	vadd.f32 v49, v62  }
0x1fe: {  	v30 =	vld.idx.msk [tilespmem:v3+s11+$0x0], $0xffff  }
0x1ff: {  	v62 =	vadd.f32 v63, v62;
	v63 =	vmul.f32 v48, v43;
	v48 =	vld.idx.msk [tilespmem:v3+s13+$0x0], $0xffff  }
0x200: {  	v3 =	vor.u32 v1, v2;
	v1 =	vld [tilespmem:$0x1FFA0];
	_ =	sdelay $0x2  }
0x201: {  	v43 =	vld.idx.msk [tilespmem:v15+s11+$0x0], $0xffff  }
0x202: {  	v62 =	vadd.f32 v50, v62;
	v49 =	vld.idx.msk [tilespmem:v15+s13+$0x0], $0xffff  }
0x203: {  	v15 =	vor.u32 v1, v2;
	v1 =	vld [tilespmem:$0x1FFB0]  }
0x204: {  	v62 =	vadd.f32 v51, v62;
	_ =	sdelay $0x1  }
0x205: {  	v62 =	vadd.f32 v63, v62;
	v63 =	vmul.f32 v46, v44;
	v44 =	vld.idx.msk [tilespmem:v16+s11+$0x0], $0xffff  }
0x206: {  	v50 =	vld.idx.msk [tilespmem:v16+s13+$0x0], $0xffff  }
0x207: {  	v16 =	vor.u32 v1, v2;
	v1 =	vld [tilespmem:$0x1FFC0];
	_ =	sdelay $0x2  }
0x208: {  	v46 =	vld.idx.msk [tilespmem:v3+s11+$0x0], $0xffff  }
0x209: {  	v62 =	vadd.f32 v63, v62;
	v63 =	vmul.f32 v47, v45;
	v47 =	vmul.f32 v48, v30;
	v48 =	vld.idx.msk [tilespmem:v3+s13+$0x0], $0xffff  }
0x20a: {  	v3 =	vor.u32 v1, v2;
	v1 =	vld [tilespmem:$0x1FFD0];
	_ =	sdelay $0x2  }
0x20b: {  	v62 =	vadd.f32 v63, v62;
	_ =	sdelay $0x1  }
0x20c: {  	v51 =	vadd.f32 v47, v62;
	v62 =	vor.u32 v1, v2;
	v1 =	vld [tilespmem:$0x1FFE0]  }
0x20d: {  	v30 =	vld.idx.msk [tilespmem:v15+s11+$0x0], $0xffff  }
0x20e: {  	v49 =	vmul.f32 v49, v43;
	v47 =	vld.idx.msk [tilespmem:v15+s13+$0x0], $0xffff  }
0x20f: {  	v45 =	vld.idx.msk [tilespmem:v16+s11+$0x0], $0xffff  }
0x210: {  	v15 =	vadd.f32 v49, v51;
	v49 =	vld.idx.msk [tilespmem:v16+s13+$0x0], $0xffff  }
0x211: {  	v16 =	vor.u32 v1, v2;
	v1 =	vld [tilespmem:$0x1FFF0];
	_ =	sdelay $0x1  }
0x212: {  	v63 =	vmul.f32 v50, v44;
	_ =	sdelay $0x1  }
0x213: {  	v51 =	vmul.f32 v48, v46;
	v15 =	vadd.f32 v63, v15;
	v44 =	vld.idx.msk [tilespmem:v3+s11+$0x0], $0xffff  }
0x214: {  	v3 =	vld.idx.msk [tilespmem:v3+s13+$0x0], $0xffff;
	v46 =	vor.u32 v1, v2  }
0x215: {  	v15 =	vadd.f32 v51, v15;
	v63 =	vmul.f32 v47, v30;
	v43 =	vld.idx.msk [tilespmem:v62+s11+$0x0], $0xffff;
	v1 =	vor.u32 $0x3C, v13  }
0x216: {  	v61 =	vld.idx.msk [tilespmem:v62+s13+$0x0], $0xffff;
	v48 =	vor.u32 v1, v2  }
0x217: {  	v30 =	vmovc v18;
	v18 =	vor.u32 $0x3D, v13;
	v15 =	vadd.f32 v63, v15;
	v62 =	vmul.f32 v49, v45;
	v49 =	vld.idx.msk [tilespmem:v16+s13+$0x0], $0xffff  }
0x218: {  	v50 =	vor.u32 v18, v2;
	[tilespmem:$0x1FC30] =	vst v1;
	v1 =	vld.idx.msk [tilespmem:v16+s11+$0x0], $0xffff  }
0x219: {  	v51 =	vadd.f32 v62, v15;
	v15 =	vmul.f32 v3, v44;
	v16 =	vor.u32 $0x3E, v13;
	v45 =	vld.idx.msk [tilespmem:v46+s11+$0x0], $0xffff  }
0x21a: {  	v3 =	vor.u32 v16, v2;
	v46 =	vld.idx.msk [tilespmem:v46+s13+$0x0], $0xffff  }
0x21b: {  	v51 =	vadd.f32 v15, v51;
	v15 =	vor.u32 $0x3F, v13;
	v61 =	vmul.f32 v61, v43;
	v44 =	vld.idx.msk [tilespmem:v48+s11+$0x0], $0xffff  }
0x21c: {  	v2 =	vor.u32 v15, v2;
	v47 =	vld.idx.msk [tilespmem:v48+s13+$0x0], $0xffff  }
0x21d: {  	v43 =	vld.idx.msk [tilespmem:v50+s11+$0x0], $0xffff;
	v51 =	vadd.f32 v61, v51;
	v49 =	vmul.f32 v49, v1  }
0x21e: {  	v48 =	vld.idx.msk [tilespmem:v50+s13+$0x0], $0xffff  }
0x21f: {  	v1 =	vld.idx.msk [tilespmem:v3+s11+$0x0], $0xffff;
	v49 =	vadd.f32 v49, v51;
	v63 =	vmul.f32 v46, v45  }
0x220: {  	v61 =	vld.idx.msk [tilespmem:v3+s13+$0x0], $0xffff  }
0x221: {  	v62 =	vld.idx.msk [tilespmem:v2+s11+$0x0], $0xffff;
	v3 =	vmul.f32 v47, v44;
	v49 =	vadd.f32 v63, v49  }
0x222: {  	v63 =	vld.idx.msk [tilespmem:v2+s13+$0x0], $0xffff  }
0x223: {  	v2 =	vmul.f32 v48, v43;
	v3 =	vadd.f32 v3, v49;
	_ =	sdelay $0x1  }
0x224: {  	v2 =	vadd.f32 v2, v3;
	v3 =	vmul.f32 v61, v1;
	_ =	sdelay $0x1  }
0x225: {  	v2 =	vadd.f32 v3, v2;
	v3 =	vmul.f32 v63, v62;
	_ =	sdelay $0x1  }
0x226: {  	v2 =	vadd.f32 v3, v2;
	_ =	sdelay $0x1  }
0x227: {  	v2 =	vsub.f32 $0.0e+00, v2;
	_ =	sdelay $0x1  }
0x228: {  	v2 =	vmul.f32 $1.442695020e+00, v2;
	_ =	sdelay $0x1  }
0x229: {  	(erf) = vpow2.f32 v2;
	_ =	sdelay $0x8  }
0x22a: {  	v2 =	vpop (erf)  }
0x22b: {  	v2 =	vadd.f32 $1.000000000e+00, v2;
	_ =	sdelay $0x1  }
0x22c: {  	(erf) = vrcp.f32 v2;
	_ =	sdelay $0x1  }
0x22d: {  	s30 =	simm.s32 $0x8  }
0x22e: {  	v2 =	vmov s30  }
0x22f: {  	v2 =	vshll.u32 v2, $0x7  }
0x230: {  	v2 =	vor.u32 v42, v2  }
0x231: {  	v3 =	vor.u32 v13, v2;
	_ =	sdelay $0x1  }
0x232: {  	v31 =	vor.u32 v31, v2  }
0x233: {  	s16 =	simm.s32 $0x8400;
	v1 =	vpop (erf)  }
0x234: {  	v41 =	vor.u32 v41, v2;
	[tilespmem:s16+$0x0] =	vst v1  }
0x235: {  	v1 =	vld.idx.msk [tilespmem:v3+s13+$0x0], $0xffff  }
0x236: {  	v49 =	vld.idx.msk [tilespmem:v3+s11+$0x0], $0xffff;
	v3 =	vor.u32 v33, v2  }
0x237: {  	v50 =	vld.idx.msk [tilespmem:v31+s11+$0x0], $0xffff  }
0x238: {  	v61 =	vor.u32 v34, v2;
	v51 =	vld.idx.msk [tilespmem:v31+s13+$0x0], $0xffff  }
0x239: {  	v62 =	vld.idx.msk [tilespmem:v41+s11+$0x0], $0xffff  }
0x23a: {  	v42 =	vor.u32 v35, v2;
	v41 =	vld.idx.msk [tilespmem:v41+s13+$0x0], $0xffff  }
0x23b: {  	v31 =	vld.idx.msk [tilespmem:v3+s11+$0x0], $0xffff;
	v45 =	vmul.f32 v1, v49  }
0x23c: {  	v63 =	vld.idx.msk [tilespmem:v3+s13+$0x0], $0xffff;
	v3 =	vor.u32 v36, v2  }
0x23d: {  	v48 =	vld.idx.msk [tilespmem:v61+s13+$0x0], $0xffff;
	v33 =	vmul.f32 v51, v50;
	v45 =	vadd.f32 $0.0e+00, v45  }
0x23e: {  	v37 =	vor.u32 v37, v2;
	v1 =	vld.idx.msk [tilespmem:v61+s11+$0x0], $0xffff  }
0x23f: {  	v49 =	vld.idx.msk [tilespmem:v42+s11+$0x0], $0xffff;
	v34 =	vmul.f32 v41, v62;
	v43 =	vadd.f32 v33, v45  }
0x240: {  	v38 =	vor.u32 v38, v2;
	v50 =	vld.idx.msk [tilespmem:v42+s13+$0x0], $0xffff  }
0x241: {  	v61 =	vld.idx.msk [tilespmem:v3+s11+$0x0], $0xffff;
	v35 =	vmul.f32 v63, v31;
	v51 =	vadd.f32 v34, v43  }
0x242: {  	v31 =	vld.idx.msk [tilespmem:v3+s13+$0x0], $0xffff;
	v3 =	vor.u32 v40, v2  }
0x243: {  	v44 =	vld.idx.msk [tilespmem:v37+s13+$0x0], $0xffff;
	v1 =	vmul.f32 v48, v1;
	v62 =	vadd.f32 v35, v51  }
0x244: {  	v32 =	vor.u32 v32, v2;
	v63 =	vld.idx.msk [tilespmem:v37+s11+$0x0], $0xffff  }
0x245: {  	v45 =	vld.idx.msk [tilespmem:v38+s13+$0x0], $0xffff;
	v41 =	vmul.f32 v50, v49;
	v40 =	vadd.f32 v1, v62  }
0x246: {  	v46 =	vor.u32 v21, v2;
	v1 =	vld.idx.msk [tilespmem:v38+s11+$0x0], $0xffff  }
0x247: {  	v21 =	vld.idx.msk [tilespmem:v3+s11+$0x0], $0xffff;
	v48 =	vmul.f32 v31, v61;
	v47 =	vadd.f32 v41, v40  }
0x248: {  	v49 =	vld.idx.msk [tilespmem:v3+s13+$0x0], $0xffff;
	v3 =	vor.u32 v22, v2  }
0x249: {  	v51 =	vld.idx.msk [tilespmem:v32+s13+$0x0], $0xffff;
	v50 =	vmul.f32 v44, v63;
	v38 =	vadd.f32 v48, v47  }
0x24a: {  	v31 =	vmov v22;
	v22 =	vld.idx.msk [tilespmem:v32+s11+$0x0], $0xffff;
	v61 =	vor.u32 v23, v2  }
0x24b: {  	v37 =	vld.idx.msk [tilespmem:v46+s13+$0x0], $0xffff;
	v1 =	vmul.f32 v45, v1;
	v38 =	vadd.f32 v50, v38  }
0x24c: {  	v33 =	vmov v24;
	v24 =	vor.u32 v24, v2;
	v32 =	vmov v23;
	v23 =	vld.idx.msk [tilespmem:v46+s11+$0x0], $0xffff  }
0x24d: {  	v21 =	vmul.f32 v49, v21;
	v62 =	vld.idx.msk [tilespmem:v3+s13+$0x0], $0xffff;
	v40 =	vadd.f32 v1, v38  }
0x24e: {  	v1 =	vld.idx.msk [tilespmem:v3+s11+$0x0], $0xffff;
	v3 =	vor.u32 v25, v2  }
0x24f: {  	v34 =	vmov v25;
	v22 =	vmul.f32 v51, v22;
	v25 =	vld.idx.msk [tilespmem:v61+s13+$0x0], $0xffff;
	v40 =	vadd.f32 v21, v40  }
0x250: {  	v35 =	vmov v27;
	v27 =	vor.u32 v27, v2;
	v21 =	vld.idx.msk [tilespmem:v61+s11+$0x0], $0xffff  }
0x251: {  	v23 =	vmul.f32 v37, v23;
	v40 =	vadd.f32 v22, v40;
	v22 =	vld.idx.msk [tilespmem:v24+s11+$0x0], $0xffff  }
0x252: {  	v36 =	vmov v28;
	v28 =	vor.u32 v28, v2;
	v24 =	vld.idx.msk [tilespmem:v24+s13+$0x0], $0xffff  }
0x253: {  	v1 =	vmul.f32 v62, v1;
	v44 =	vld.idx.msk [tilespmem:v3+s13+$0x0], $0xffff;
	v63 =	vadd.f32 v23, v40  }
0x254: {  	v23 =	vld.idx.msk [tilespmem:v3+s11+$0x0], $0xffff;
	v3 =	vor.u32 v29, v2  }
0x255: {  	v37 =	vmov v29;
	v21 =	vmul.f32 v25, v21;
	v25 =	vld.idx.msk [tilespmem:v27+s13+$0x0], $0xffff;
	v29 =	vadd.f32 v1, v63  }
0x256: {  	v1 =	vld.idx.msk [tilespmem:v27+s11+$0x0], $0xffff;
	v27 =	vor.u32 v39, v2  }
0x257: {  	v45 =	vmul.f32 v24, v22;
	v22 =	vld.idx.msk [tilespmem:v28+s13+$0x0], $0xffff;
	v29 =	vadd.f32 v21, v29  }
0x258: {  	v24 =	vor.u32 v0, v2;
	v21 =	vld.idx.msk [tilespmem:v28+s11+$0x0], $0xffff  }
0x259: {  	v38 =	vmovc v39;
	v39 =	vmov v0;
	v0 =	vld.idx.msk [tilespmem:v3+s11+$0x0], $0xffff;
	v28 =	vadd.f32 v45, v29;
	v29 =	vmul.f32 v44, v23  }
0x25a: {  	v23 =	vld.idx.msk [tilespmem:v3+s13+$0x0], $0xffff;
	v3 =	vor.u32 v4, v2  }
0x25b: {  	v46 =	vld.idx.msk [tilespmem:v27+s11+$0x0], $0xffff;
	v1 =	vmul.f32 v25, v1;
	v28 =	vadd.f32 v29, v28  }
0x25c: {  	v25 =	vld.idx.msk [tilespmem:v27+s13+$0x0], $0xffff;
	v27 =	vor.u32 v5, v2  }
0x25d: {  	v22 =	vmul.f32 v22, v21;
	v21 =	vld.idx.msk [tilespmem:v24+s13+$0x0], $0xffff;
	v47 =	vadd.f32 v1, v28  }
0x25e: {  	v42 =	vmov v6;
	v6 =	vor.u32 v6, v2;
	v1 =	vld.idx.msk [tilespmem:v24+s11+$0x0], $0xffff  }
0x25f: {  	v48 =	vld.idx.msk [tilespmem:v3+s11+$0x0], $0xffff;
	v0 =	vmul.f32 v23, v0;
	v24 =	vadd.f32 v22, v47  }
0x260: {  	v22 =	vld.idx.msk [tilespmem:v3+s13+$0x0], $0xffff;
	v3 =	vor.u32 v7, v2  }
0x261: {  	v40 =	vmov v4;
	v4 =	vmul.f32 v25, v46;
	v49 =	vld.idx.msk [tilespmem:v27+s13+$0x0], $0xffff;
	v23 =	vadd.f32 v0, v24  }
0x262: {  	v44 =	vmov v8;
	v8 =	vor.u32 v8, v2;
	v0 =	vld.idx.msk [tilespmem:v27+s11+$0x0], $0xffff  }
0x263: {  	v50 =	vld.idx.msk [tilespmem:v6+s11+$0x0], $0xffff;
	v1 =	vmul.f32 v21, v1;
	v23 =	vadd.f32 v4, v23  }
0x264: {  	v6 =	vld.idx.msk [tilespmem:v6+s13+$0x0], $0xffff;
	v45 =	vmov v9;
	v9 =	vor.u32 v9, v2  }
0x265: {  	v41 =	vmov v5;
	v5 =	vmul.f32 v22, v48;
	v21 =	vld.idx.msk [tilespmem:v3+s13+$0x0], $0xffff;
	v23 =	vadd.f32 v1, v23  }
0x266: {  	v1 =	vld.idx.msk [tilespmem:v3+s11+$0x0], $0xffff;
	v3 =	vor.u32 v10, v2  }
0x267: {  	v61 =	vld.idx.msk [tilespmem:v8+s13+$0x0], $0xffff;
	v0 =	vmul.f32 v49, v0;
	v51 =	vadd.f32 v5, v23  }
0x268: {  	v62 =	vor.u32 v11, v2;
	v5 =	vld.idx.msk [tilespmem:v8+s11+$0x0], $0xffff  }
0x269: {  	v46 =	vmov v10;
	v4 =	vmul.f32 v6, v50;
	v6 =	vld.idx.msk [tilespmem:v9+s13+$0x0], $0xffff;
	v10 =	vadd.f32 v0, v51  }
0x26a: {  	v0 =	vld.idx.msk [tilespmem:v9+s11+$0x0], $0xffff;
	v9 =	vor.u32 v12, v2  }
0x26b: {  	v1 =	vmul.f32 v21, v1;
	v63 =	vadd.f32 v4, v10;
	v4 =	vld.idx.msk [tilespmem:v3+s11+$0x0], $0xffff  }
0x26c: {  	v10 =	vld.idx.msk [tilespmem:v3+s13+$0x0], $0xffff;
	v3 =	vor.u32 v14, v2  }
0x26d: {  	v47 =	vmov v11;
	v5 =	vmul.f32 v61, v5;
	v61 =	vld.idx.msk [tilespmem:v62+s13+$0x0], $0xffff;
	v11 =	vadd.f32 v1, v63  }
0x26e: {  	v1 =	vld.idx.msk [tilespmem:v62+s11+$0x0], $0xffff;
	v62 =	vor.u32 v20, v2  }
0x26f: {  	v0 =	vmul.f32 v6, v0;
	v6 =	vld.idx.msk [tilespmem:v9+s13+$0x0], $0xffff;
	v11 =	vadd.f32 v5, v11  }
0x270: {  	v63 =	vor.u32 v52, v2;
	v5 =	vld.idx.msk [tilespmem:v9+s11+$0x0], $0xffff  }
0x271: {  	v4 =	vmul.f32 v10, v4;
	v10 =	vld.idx.msk [tilespmem:v3+s13+$0x0], $0xffff;
	v11 =	vadd.f32 v0, v11  }
0x272: {  	v0 =	vld.idx.msk [tilespmem:v3+s11+$0x0], $0xffff;
	v3 =	vor.u32 v53, v2  }
0x273: {  	v1 =	vmul.f32 v61, v1;
	v61 =	vld.idx.msk [tilespmem:v62+s13+$0x0], $0xffff;
	v11 =	vadd.f32 v4, v11  }
0x274: {  	v4 =	vld.idx.msk [tilespmem:v62+s11+$0x0], $0xffff;
	v62 =	vor.u32 v54, v2  }
0x275: {  	v5 =	vmul.f32 v6, v5;
	v6 =	vld.idx.msk [tilespmem:v63+s13+$0x0], $0xffff;
	v11 =	vadd.f32 v1, v11  }
0x276: {  	v1 =	vld.idx.msk [tilespmem:v63+s11+$0x0], $0xffff  }
0x277: {  	v0 =	vmul.f32 v10, v0;
	v10 =	vld.idx.msk [tilespmem:v3+s13+$0x0], $0xffff;
	v11 =	vadd.f32 v5, v11  }
0x278: {  	v5 =	vld.idx.msk [tilespmem:v3+s11+$0x0], $0xffff  }
0x279: {  	v43 =	vmov v7;
	v4 =	vmul.f32 v61, v4;
	v7 =	vld.idx.msk [tilespmem:v62+s13+$0x0], $0xffff;
	v11 =	vadd.f32 v0, v11  }
0x27a: {  	v63 =	vor.u32 v55, v2;
	v0 =	vld.idx.msk [tilespmem:v62+s11+$0x0], $0xffff  }
0x27b: {  	v48 =	vmov v12;
	v1 =	vmul.f32 v6, v1;
	v12 =	vadd.f32 v4, v11;
	_ =	sdelay $0x1  }
0x27c: {  	v3 =	vor.u32 v56, v2;
	v5 =	vmul.f32 v10, v5;
	v6 =	vadd.f32 v1, v12;
	_ =	sdelay $0x1  }
0x27d: {  	v61 =	vor.u32 v57, v2;
	v62 =	vld.idx.msk [tilespmem:v63+s11+$0x0], $0xffff;
	v0 =	vmul.f32 v7, v0;
	v6 =	vadd.f32 v5, v6  }
0x27e: {  	v9 =	vld.idx.msk [tilespmem:v63+s13+$0x0], $0xffff  }
0x27f: {  	v7 =	vadd.f32 v0, v6;
	v0 =	vld [tilespmem:$0x1FEF0]  }
0x280: {  	v63 =	vor.u32 v58, v2;
	v10 =	vld.idx.msk [tilespmem:v3+s13+$0x0], $0xffff  }
0x281: {  	v1 =	vld.idx.msk [tilespmem:v3+s11+$0x0], $0xffff  }
0x282: {  	v51 =	vmov v52;
	v52 =	vmov v53;
	v3 =	vor.u32 v59, v2;
	v8 =	vld.idx.msk [tilespmem:v61+s13+$0x0], $0xffff  }
0x283: {  	v53 =	vmovc v54;
	v54 =	vmovc v55;
	v55 =	vmov v56;
	v56 =	vmov v57;
	v57 =	vmov v58;
	v5 =	vld.idx.msk [tilespmem:v61+s11+$0x0], $0xffff  }
0x284: {  	v58 =	vmovc v59;
	v59 =	vmovc v60;
	v12 =	vor.u32 v60, v2;
	v60 =	vmov v0;
	v11 =	vor.u32 v0, v2;
	v0 =	vld [tilespmem:$0x1FF00]  }
0x285: {  	v4 =	vmul.f32 v9, v62;
	v9 =	vld.idx.msk [tilespmem:v63+s13+$0x0], $0xffff  }
0x286: {  	v6 =	vld.idx.msk [tilespmem:v63+s11+$0x0], $0xffff  }
0x287: {  	v1 =	vmul.f32 v10, v1;
	v10 =	vld.idx.msk [tilespmem:v3+s13+$0x0], $0xffff  }
0x288: {  	v7 =	vadd.f32 v4, v7;
	v4 =	vld.idx.msk [tilespmem:v3+s11+$0x0], $0xffff  }
0x289: {  	v61 =	vmov v0;
	v3 =	vor.u32 v0, v2;
	v0 =	vld [tilespmem:$0x1FF10];
	_ =	sdelay $0x2  }
0x28a: {  	v49 =	vmov v14;
	v5 =	vmul.f32 v8, v5;
	v8 =	vld.idx.msk [tilespmem:v12+s13+$0x0], $0xffff;
	v14 =	vadd.f32 v1, v7  }
0x28b: {  	v7 =	vld.idx.msk [tilespmem:v12+s11+$0x0], $0xffff  }
0x28c: {  	v6 =	vmul.f32 v9, v6;
	v1 =	vmovc v0;
	v12 =	vor.u32 v0, v2;
	v0 =	vadd.f32 v5, v14;
	_ =	sdelay $0x1  }
0x28d: {  	v14 =	vadd.f32 v6, v0;
	v0 =	vld [tilespmem:$0x1FF30];
	_ =	sdelay $0x2  }
0x28e: {  	v4 =	vmul.f32 v10, v4;
	v10 =	vld.idx.msk [tilespmem:v3+s13+$0x0], $0xffff  }
0x28f: {  	v6 =	vld.idx.msk [tilespmem:v3+s11+$0x0], $0xffff  }
0x290: {  	v63 =	vmov v0;
	v3 =	vor.u32 v0, v2;
	v0 =	vld [tilespmem:$0x1FF40]  }
0x291: {  	v9 =	vld.idx.msk [tilespmem:v11+s13+$0x0], $0xffff  }
0x292: {  	v5 =	vld.idx.msk [tilespmem:v11+s11+$0x0], $0xffff;
	v11 =	vor.u32 v26, v2  }
0x293: {  	v14 =	vadd.f32 v4, v14;
	v4 =	vld.idx.msk [tilespmem:v12+s11+$0x0], $0xffff  }
0x294: {  	v7 =	vmul.f32 v8, v7;
	v8 =	vld.idx.msk [tilespmem:v12+s13+$0x0], $0xffff  }
0x295: {  	v12 =	vor.u32 v0, v2;
	v0 =	vld [tilespmem:$0x1FF50];
	_ =	sdelay $0x1  }
0x296: {  	v5 =	vmul.f32 v9, v5;
	v9 =	vld.idx.msk [tilespmem:v11+s13+$0x0], $0xffff  }
0x297: {  	v14 =	vadd.f32 v7, v14;
	v7 =	vld.idx.msk [tilespmem:v11+s11+$0x0], $0xffff  }
0x298: {  	v6 =	vmul.f32 v10, v6;
	v10 =	vld.idx.msk [tilespmem:v3+s13+$0x0], $0xffff  }
0x299: {  	v11 =	vor.u32 v0, v2;
	v0 =	vld.idx.msk [tilespmem:v3+s11+$0x0], $0xffff;
	_ =	sdelay $0x1  }
0x29a: {  	v5 =	vadd.f32 v5, v14  }
0x29b: {  	v3 =	vor.u32 v19, v2  }
0x29c: {  	v6 =	vadd.f32 v6, v5;
	v4 =	vmul.f32 v8, v4  }
0x29d: {  	v14 =	vmul.f32 v10, v0;
	v0 =	vld [tilespmem:$0x1FF70]  }
0x29e: {  	v7 =	vmul.f32 v9, v7;
	v6 =	vadd.f32 v4, v6;
	v5 =	vld.idx.msk [tilespmem:v12+s11+$0x0], $0xffff  }
0x29f: {  	v8 =	vld.idx.msk [tilespmem:v12+s13+$0x0], $0xffff  }
0x2a0: {  	v7 =	vadd.f32 v7, v6;
	v12 =	vor.u32 v17, v2;
	v6 =	vld.idx.msk [tilespmem:v3+s11+$0x0], $0xffff  }
0x2a1: {  	v10 =	vld.idx.msk [tilespmem:v3+s13+$0x0], $0xffff  }
0x2a2: {  	v3 =	vor.u32 v0, v2;
	v0 =	vld [tilespmem:$0x1FF80]  }
0x2a3: {  	v4 =	vld.idx.msk [tilespmem:v11+s11+$0x0], $0xffff  }
0x2a4: {  	v9 =	vld.idx.msk [tilespmem:v11+s13+$0x0], $0xffff  }
0x2a5: {  	v11 =	vor.u32 v30, v2;
	v5 =	vmul.f32 v8, v5;
	v8 =	vld.idx.msk [tilespmem:v12+s13+$0x0], $0xffff  }
0x2a6: {  	v14 =	vadd.f32 v14, v7;
	v7 =	vld.idx.msk [tilespmem:v12+s11+$0x0], $0xffff  }
0x2a7: {  	v12 =	vor.u32 v0, v2;
	v0 =	vld [tilespmem:$0x1FF90];
	_ =	sdelay $0x2  }
0x2a8: {  	v14 =	vadd.f32 v5, v14;
	v5 =	vld.idx.msk [tilespmem:v11+s11+$0x0], $0xffff  }
0x2a9: {  	v4 =	vmul.f32 v9, v4;
	v9 =	vld.idx.msk [tilespmem:v11+s13+$0x0], $0xffff  }
0x2aa: {  	v11 =	vor.u32 v0, v2;
	v0 =	vld [tilespmem:$0x1FFA0];
	_ =	sdelay $0x2  }
0x2ab: {  	v14 =	vadd.f32 v4, v14;
	v4 =	vld.idx.msk [tilespmem:v3+s11+$0x0], $0xffff  }
0x2ac: {  	v6 =	vmul.f32 v10, v6;
	v10 =	vld.idx.msk [tilespmem:v3+s13+$0x0], $0xffff  }
0x2ad: {  	v3 =	vor.u32 v0, v2;
	v0 =	vld [tilespmem:$0x1FFB0];
	_ =	sdelay $0x2  }
0x2ae: {  	v14 =	vadd.f32 v6, v14;
	v6 =	vld.idx.msk [tilespmem:v12+s11+$0x0], $0xffff  }
0x2af: {  	v7 =	vmul.f32 v8, v7;
	v8 =	vld.idx.msk [tilespmem:v12+s13+$0x0], $0xffff  }
0x2b0: {  	v12 =	vor.u32 v0, v2;
	v0 =	vld [tilespmem:$0x1FFC0];
	_ =	sdelay $0x2  }
0x2b1: {  	v14 =	vadd.f32 v7, v14;
	v7 =	vld.idx.msk [tilespmem:v11+s11+$0x0], $0xffff  }
0x2b2: {  	v5 =	vmul.f32 v9, v5;
	v9 =	vld.idx.msk [tilespmem:v11+s13+$0x0], $0xffff  }
0x2b3: {  	v11 =	vor.u32 v0, v2;
	v0 =	vld [tilespmem:$0x1FFD0];
	_ =	sdelay $0x2  }
0x2b4: {  	v14 =	vadd.f32 v5, v14;
	v5 =	vld.idx.msk [tilespmem:v3+s11+$0x0], $0xffff  }
0x2b5: {  	v4 =	vmul.f32 v10, v4;
	v10 =	vld.idx.msk [tilespmem:v3+s13+$0x0], $0xffff  }
0x2b6: {  	v3 =	vor.u32 v0, v2;
	v0 =	vld [tilespmem:$0x1FFE0];
	_ =	sdelay $0x2  }
0x2b7: {  	v14 =	vadd.f32 v4, v14;
	v4 =	vld.idx.msk [tilespmem:v12+s11+$0x0], $0xffff  }
0x2b8: {  	v6 =	vmul.f32 v8, v6;
	v8 =	vld.idx.msk [tilespmem:v12+s13+$0x0], $0xffff  }
0x2b9: {  	v12 =	vor.u32 v0, v2;
	v0 =	vld [tilespmem:$0x1FFF0];
	_ =	sdelay $0x2  }
0x2ba: {  	v14 =	vadd.f32 v6, v14;
	v6 =	vld.idx.msk [tilespmem:v11+s11+$0x0], $0xffff  }
0x2bb: {  	v7 =	vmul.f32 v9, v7;
	v9 =	vld.idx.msk [tilespmem:v11+s13+$0x0], $0xffff  }
0x2bc: {  	v11 =	vor.u32 v0, v2;
	v0 =	vld [tilespmem:$0x1FC30];
	_ =	sdelay $0x3  }
0x2bd: {  	v14 =	vadd.f32 v7, v14;
	v17 =	vmul.f32 v10, v5;
	v7 =	vld.idx.msk [tilespmem:v3+s11+$0x0], $0xffff  }
0x2be: {  	v10 =	vld.idx.msk [tilespmem:v3+s13+$0x0], $0xffff;
	v5 =	vor.u32 v0, v2  }
0x2bf: {  	v8 =	vmul.f32 v8, v4;
	v3 =	vadd.f32 v17, v14;
	v28 =	vmov v0;
	v0 =	vld.idx.msk [tilespmem:v12+s11+$0x0], $0xffff  }
0x2c0: {  	v4 =	vor.u32 v18, v2;
	v12 =	vld.idx.msk [tilespmem:v12+s13+$0x0], $0xffff  }
0x2c1: {  	v9 =	vmul.f32 v9, v6;
	v14 =	vadd.f32 v8, v3;
	v8 =	vld.idx.msk [tilespmem:v11+s11+$0x0], $0xffff  }
0x2c2: {  	v3 =	vor.u32 v16, v2;
	v6 =	vld.idx.msk [tilespmem:v11+s13+$0x0], $0xffff  }
0x2c3: {  	v9 =	vadd.f32 v9, v14;
	v10 =	vmul.f32 v10, v7;
	v7 =	vld.idx.msk [tilespmem:v5+s11+$0x0], $0xffff  }
0x2c4: {  	v2 =	vor.u32 v15, v2;
	v5 =	vld.idx.msk [tilespmem:v5+s13+$0x0], $0xffff  }
0x2c5: {  	v9 =	vadd.f32 v10, v9;
	v10 =	vmul.f32 v12, v0;
	v0 =	vld.idx.msk [tilespmem:v4+s11+$0x0], $0xffff  }
0x2c6: {  	v4 =	vld.idx.msk [tilespmem:v4+s13+$0x0], $0xffff  }
0x2c7: {  	v9 =	vadd.f32 v10, v9;
	v10 =	vmul.f32 v6, v8;
	v6 =	vld.idx.msk [tilespmem:v3+s11+$0x0], $0xffff  }
0x2c8: {  	v8 =	vld.idx.msk [tilespmem:v3+s13+$0x0], $0xffff  }
0x2c9: {  	v11 =	vld.idx.msk [tilespmem:v2+s13+$0x0], $0xffff;
	v9 =	vadd.f32 v10, v9;
	v3 =	vmul.f32 v5, v7  }
0x2ca: {  	v10 =	vld.idx.msk [tilespmem:v2+s11+$0x0], $0xffff  }
0x2cb: {  	v2 =	vmul.f32 v4, v0;
	v3 =	vadd.f32 v3, v9;
	_ =	sdelay $0x1  }
0x2cc: {  	v2 =	vadd.f32 v2, v3;
	v3 =	vmul.f32 v8, v6;
	_ =	sdelay $0x1  }
0x2cd: {  	v2 =	vadd.f32 v3, v2;
	v3 =	vmul.f32 v11, v10;
	_ =	sdelay $0x1  }
0x2ce: {  	v2 =	vadd.f32 v3, v2;
	_ =	sdelay $0x1  }
0x2cf: {  	v2 =	vsub.f32 $0.0e+00, v2;
	_ =	sdelay $0x1  }
0x2d0: {  	v2 =	vmul.f32 $1.442695020e+00, v2;
	_ =	sdelay $0x1  }
0x2d1: {  	(erf) = vpow2.f32 v2;
	_ =	sdelay $0x2  }
0x2d2: {  	v25 =	vld [tilespmem:$0x1FD10]  }
0x2d3: {  	v24 =	vld [tilespmem:$0x1FD00]  }
0x2d4: {  	v22 =	vld [tilespmem:$0x1FCE0]  }
0x2d5: {  	v23 =	vld [tilespmem:$0x1FCF0]  }
0x2d6: {  	v21 =	vld [tilespmem:$0x1FCD0]  }
0x2d7: {  	v50 =	vmov v20;
	v20 =	vld [tilespmem:$0x1FCC0]  }
0x2d8: {  	v27 =	vmov v19;
	v19 =	vld [tilespmem:$0x1FCB0];
	v2 =	vpop (erf)  }
0x2d9: {  	v29 =	vmov v18;
	v18 =	vld [tilespmem:$0x1FCA0];
	v2 =	vadd.f32 $1.000000000e+00, v2  }
0x2da: {  	s31 =	simm.s32 $0x10;
	v17 =	vld [tilespmem:$0x1FC90]  }
0x2db: {  	v30 =	vmov v15;
	v15 =	vld [tilespmem:$0x1FC70];
	v3 =	vmov s31;
	(erf) = vrcp.f32 v2  }
0x2dc: {  	s17 =	simm.s32 $0x18;
	v62 =	vmov v26;
	v26 =	vmov v16;
	v16 =	vld [tilespmem:$0x1FC80];
	v2 =	vshll.u32 v3, $0x7  }
.LBB2_4:
0x2dd: {  	_ =	sdelay $0x2  }
0x2de: {  	v2 =	vor.u32 v15, v2  }
0x2df: {  	v3 =	vor.u32 v13, v2;
	_ =	sdelay $0x1  }
0x2e0: {  	v4 =	vor.u32 v16, v2  }
0x2e1: {  	s16 =	sadd.s32 $0x10, s16;
	v5 =	vpop (erf)  }
0x2e2: {  	v6 =	vor.u32 v17, v2;
	[tilespmem:s16+$0x0] =	vst v5  }
0x2e3: {  	v5 =	vld.idx.msk [tilespmem:v3+s13+$0x0], $0xffff  }
0x2e4: {  	v7 =	vor.u32 v18, v2;
	v3 =	vld.idx.msk [tilespmem:v3+s11+$0x0], $0xffff  }
0x2e5: {  	v8 =	vld.idx.msk [tilespmem:v4+s11+$0x0], $0xffff  }
0x2e6: {  	v9 =	vor.u32 v19, v2;
	v4 =	vld.idx.msk [tilespmem:v4+s13+$0x0], $0xffff  }
0x2e7: {  	v10 =	vld.idx.msk [tilespmem:v6+s11+$0x0], $0xffff  }
0x2e8: {  	v6 =	vld.idx.msk [tilespmem:v6+s13+$0x0], $0xffff  }
0x2e9: {  	v11 =	vld.idx.msk [tilespmem:v7+s11+$0x0], $0xffff;
	v3 =	vmul.f32 v5, v3  }
0x2ea: {  	v0 =	vor.u32 v20, v2;
	v5 =	vld.idx.msk [tilespmem:v7+s13+$0x0], $0xffff  }
0x2eb: {  	v12 =	vld.idx.msk [tilespmem:v9+s11+$0x0], $0xffff;
	v4 =	vmul.f32 v4, v8;
	v3 =	vadd.f32 $0.0e+00, v3  }
0x2ec: {  	v7 =	vor.u32 v21, v2;
	v8 =	vld.idx.msk [tilespmem:v9+s13+$0x0], $0xffff  }
0x2ed: {  	v3 =	vadd.f32 v4, v3;
	v4 =	vmul.f32 v6, v10;
	v6 =	vor.u32 v23, v2;
	_ =	sdelay $0x1  }
0x2ee: {  	v14 =	vmov v13;
	v13 =	vld.idx.msk [tilespmem:v0+s11+$0x0], $0xffff;
	v3 =	vadd.f32 v4, v3;
	v4 =	vmul.f32 v5, v11  }
0x2ef: {  	v0 =	vld.idx.msk [tilespmem:v0+s13+$0x0], $0xffff  }
0x2f0: {  	v9 =	vor.u32 v22, v2;
	v10 =	vld.idx.msk [tilespmem:v7+s11+$0x0], $0xffff;
	v3 =	vadd.f32 v4, v3;
	v4 =	vmul.f32 v8, v12  }
0x2f1: {  	v12 =	vld.idx.msk [tilespmem:v6+s11+$0x0], $0xffff  }
0x2f2: {  	v3 =	vadd.f32 v4, v3;
	v4 =	vld.idx.msk [tilespmem:v6+s13+$0x0], $0xffff  }
0x2f3: {  	v6 =	vld [tilespmem:$0x1FC40]  }
0x2f4: {  	v5 =	vld.idx.msk [tilespmem:v7+s13+$0x0], $0xffff;
	v7 =	vor.u32 v24, v2  }
0x2f5: {  	v11 =	vld.idx.msk [tilespmem:v9+s11+$0x0], $0xffff  }
0x2f6: {  	v8 =	vld.idx.msk [tilespmem:v9+s13+$0x0], $0xffff;
	v9 =	vor.u32 v25, v2;
	_ =	sdelay $0x1  }
0x2f7: {  	v0 =	vmul.f32 v0, v13;
	v6 =	vor.u32 v6, v2  }
0x2f8: {  	v13 =	vld.idx.msk [tilespmem:v7+s11+$0x0], $0xffff  }
0x2f9: {  	v0 =	vadd.f32 v0, v3;
	v3 =	vmul.f32 v5, v10;
	v5 =	vld.idx.msk [tilespmem:v7+s13+$0x0], $0xffff;
	v7 =	vor.u32 v31, v2  }
0x2fa: {  	v10 =	vld.idx.msk [tilespmem:v9+s11+$0x0], $0xffff  }
0x2fb: {  	v0 =	vadd.f32 v3, v0;
	v3 =	vmul.f32 v8, v11;
	v8 =	vld.idx.msk [tilespmem:v9+s13+$0x0], $0xffff;
	v9 =	vor.u32 v32, v2  }
0x2fc: {  	v11 =	vld.idx.msk [tilespmem:v6+s11+$0x0], $0xffff  }
0x2fd: {  	v0 =	vadd.f32 v3, v0;
	v3 =	vmul.f32 v4, v12;
	v4 =	vld.idx.msk [tilespmem:v6+s13+$0x0], $0xffff;
	v6 =	vor.u32 v33, v2  }
0x2fe: {  	v12 =	vld.idx.msk [tilespmem:v7+s11+$0x0], $0xffff  }
0x2ff: {  	v0 =	vadd.f32 v3, v0;
	v3 =	vmul.f32 v5, v13;
	v5 =	vld.idx.msk [tilespmem:v7+s13+$0x0], $0xffff;
	v7 =	vor.u32 v34, v2  }
0x300: {  	v13 =	vld.idx.msk [tilespmem:v9+s11+$0x0], $0xffff  }
0x301: {  	v0 =	vadd.f32 v3, v0;
	v3 =	vmul.f32 v8, v10;
	v8 =	vld.idx.msk [tilespmem:v9+s13+$0x0], $0xffff;
	v9 =	vor.u32 v35, v2  }
0x302: {  	v10 =	vld.idx.msk [tilespmem:v6+s11+$0x0], $0xffff  }
0x303: {  	v0 =	vadd.f32 v3, v0;
	v3 =	vmul.f32 v4, v11;
	v4 =	vld.idx.msk [tilespmem:v6+s13+$0x0], $0xffff;
	v6 =	vor.u32 v36, v2  }
0x304: {  	v11 =	vld.idx.msk [tilespmem:v7+s11+$0x0], $0xffff  }
0x305: {  	v0 =	vadd.f32 v3, v0;
	v3 =	vmul.f32 v5, v12;
	v5 =	vld.idx.msk [tilespmem:v7+s13+$0x0], $0xffff;
	v7 =	vor.u32 v37, v2  }
0x306: {  	v12 =	vld.idx.msk [tilespmem:v9+s11+$0x0], $0xffff  }
0x307: {  	v0 =	vadd.f32 v3, v0;
	v3 =	vmul.f32 v8, v13;
	v8 =	vld.idx.msk [tilespmem:v9+s13+$0x0], $0xffff;
	v9 =	vor.u32 v38, v2  }
0x308: {  	v13 =	vld.idx.msk [tilespmem:v6+s11+$0x0], $0xffff  }
0x309: {  	v0 =	vadd.f32 v3, v0;
	v3 =	vmul.f32 v4, v10;
	v4 =	vld.idx.msk [tilespmem:v6+s13+$0x0], $0xffff;
	v6 =	vor.u32 v39, v2  }
0x30a: {  	v10 =	vld.idx.msk [tilespmem:v7+s11+$0x0], $0xffff  }
0x30b: {  	v0 =	vadd.f32 v3, v0;
	v3 =	vmul.f32 v5, v11;
	v5 =	vld.idx.msk [tilespmem:v7+s13+$0x0], $0xffff;
	v7 =	vor.u32 v40, v2  }
0x30c: {  	v11 =	vld.idx.msk [tilespmem:v9+s11+$0x0], $0xffff  }
0x30d: {  	v0 =	vadd.f32 v3, v0;
	v3 =	vmul.f32 v8, v12;
	v8 =	vld.idx.msk [tilespmem:v9+s13+$0x0], $0xffff;
	v9 =	vor.u32 v41, v2  }
0x30e: {  	v12 =	vld.idx.msk [tilespmem:v6+s11+$0x0], $0xffff  }
0x30f: {  	v0 =	vadd.f32 v3, v0;
	v3 =	vmul.f32 v4, v13;
	v4 =	vld.idx.msk [tilespmem:v6+s13+$0x0], $0xffff;
	v6 =	vor.u32 v42, v2  }
0x310: {  	v13 =	vld.idx.msk [tilespmem:v7+s11+$0x0], $0xffff  }
0x311: {  	v0 =	vadd.f32 v3, v0;
	v3 =	vmul.f32 v5, v10;
	v5 =	vld.idx.msk [tilespmem:v7+s13+$0x0], $0xffff;
	v7 =	vor.u32 v43, v2  }
0x312: {  	v10 =	vld.idx.msk [tilespmem:v9+s11+$0x0], $0xffff  }
0x313: {  	v0 =	vadd.f32 v3, v0;
	v3 =	vmul.f32 v8, v11;
	v8 =	vld.idx.msk [tilespmem:v9+s13+$0x0], $0xffff;
	v9 =	vor.u32 v44, v2  }
0x314: {  	v11 =	vld.idx.msk [tilespmem:v6+s11+$0x0], $0xffff  }
0x315: {  	v0 =	vadd.f32 v3, v0;
	v3 =	vmul.f32 v4, v12;
	v4 =	vld.idx.msk [tilespmem:v6+s13+$0x0], $0xffff;
	v6 =	vor.u32 v45, v2  }
0x316: {  	v12 =	vld.idx.msk [tilespmem:v7+s11+$0x0], $0xffff  }
0x317: {  	v0 =	vadd.f32 v3, v0;
	v3 =	vmul.f32 v5, v13;
	v5 =	vld.idx.msk [tilespmem:v7+s13+$0x0], $0xffff;
	v7 =	vor.u32 v46, v2  }
0x318: {  	v13 =	vld.idx.msk [tilespmem:v9+s11+$0x0], $0xffff  }
0x319: {  	v0 =	vadd.f32 v3, v0;
	v3 =	vmul.f32 v8, v10;
	v8 =	vld.idx.msk [tilespmem:v9+s13+$0x0], $0xffff;
	v9 =	vor.u32 v47, v2  }
0x31a: {  	v10 =	vld.idx.msk [tilespmem:v6+s11+$0x0], $0xffff  }
0x31b: {  	v0 =	vadd.f32 v3, v0;
	v3 =	vmul.f32 v4, v11;
	v4 =	vld.idx.msk [tilespmem:v6+s13+$0x0], $0xffff;
	v6 =	vor.u32 v48, v2  }
0x31c: {  	v11 =	vld.idx.msk [tilespmem:v7+s11+$0x0], $0xffff  }
0x31d: {  	v0 =	vadd.f32 v3, v0;
	v3 =	vmul.f32 v5, v12;
	v5 =	vld.idx.msk [tilespmem:v7+s13+$0x0], $0xffff;
	v7 =	vor.u32 v49, v2  }
0x31e: {  	v12 =	vld.idx.msk [tilespmem:v9+s11+$0x0], $0xffff  }
0x31f: {  	v0 =	vadd.f32 v3, v0;
	v3 =	vmul.f32 v8, v13;
	v8 =	vld.idx.msk [tilespmem:v9+s13+$0x0], $0xffff;
	v9 =	vor.u32 v50, v2  }
0x320: {  	v13 =	vld.idx.msk [tilespmem:v6+s11+$0x0], $0xffff  }
0x321: {  	v0 =	vadd.f32 v3, v0;
	v3 =	vmul.f32 v4, v10;
	v4 =	vld.idx.msk [tilespmem:v6+s13+$0x0], $0xffff;
	v6 =	vor.u32 v51, v2  }
0x322: {  	v10 =	vld.idx.msk [tilespmem:v7+s11+$0x0], $0xffff  }
0x323: {  	v0 =	vadd.f32 v3, v0;
	v3 =	vmul.f32 v5, v11;
	v5 =	vld.idx.msk [tilespmem:v7+s13+$0x0], $0xffff;
	v7 =	vor.u32 v52, v2  }
0x324: {  	v11 =	vld.idx.msk [tilespmem:v9+s11+$0x0], $0xffff  }
0x325: {  	v0 =	vadd.f32 v3, v0;
	v3 =	vmul.f32 v8, v12;
	v8 =	vld.idx.msk [tilespmem:v9+s13+$0x0], $0xffff;
	v9 =	vor.u32 v53, v2  }
0x326: {  	v12 =	vld.idx.msk [tilespmem:v6+s11+$0x0], $0xffff  }
0x327: {  	v0 =	vadd.f32 v3, v0;
	v3 =	vmul.f32 v4, v13;
	v4 =	vld.idx.msk [tilespmem:v6+s13+$0x0], $0xffff;
	v6 =	vor.u32 v54, v2  }
0x328: {  	v13 =	vld.idx.msk [tilespmem:v7+s11+$0x0], $0xffff  }
0x329: {  	v0 =	vadd.f32 v3, v0;
	v3 =	vmul.f32 v5, v10;
	v5 =	vld.idx.msk [tilespmem:v7+s13+$0x0], $0xffff;
	v7 =	vor.u32 v55, v2  }
0x32a: {  	v10 =	vld.idx.msk [tilespmem:v9+s11+$0x0], $0xffff  }
0x32b: {  	v0 =	vadd.f32 v3, v0;
	v3 =	vmul.f32 v8, v11;
	v8 =	vld.idx.msk [tilespmem:v9+s13+$0x0], $0xffff;
	v9 =	vor.u32 v56, v2  }
0x32c: {  	v11 =	vld.idx.msk [tilespmem:v6+s11+$0x0], $0xffff  }
0x32d: {  	v0 =	vadd.f32 v3, v0;
	v3 =	vmul.f32 v4, v12;
	v4 =	vld.idx.msk [tilespmem:v6+s13+$0x0], $0xffff;
	v6 =	vor.u32 v57, v2  }
0x32e: {  	v12 =	vld.idx.msk [tilespmem:v7+s11+$0x0], $0xffff  }
0x32f: {  	v0 =	vadd.f32 v3, v0;
	v3 =	vmul.f32 v5, v13;
	v5 =	vld.idx.msk [tilespmem:v7+s13+$0x0], $0xffff;
	v7 =	vor.u32 v58, v2  }
0x330: {  	v13 =	vld.idx.msk [tilespmem:v9+s11+$0x0], $0xffff  }
0x331: {  	v0 =	vadd.f32 v3, v0;
	v3 =	vmul.f32 v8, v10;
	v8 =	vld.idx.msk [tilespmem:v9+s13+$0x0], $0xffff;
	v9 =	vor.u32 v59, v2  }
0x332: {  	v10 =	vld.idx.msk [tilespmem:v6+s11+$0x0], $0xffff  }
0x333: {  	v0 =	vadd.f32 v3, v0;
	v3 =	vmul.f32 v4, v11;
	v4 =	vld.idx.msk [tilespmem:v6+s13+$0x0], $0xffff  }
0x334: {  	v11 =	vld.idx.msk [tilespmem:v7+s11+$0x0], $0xffff  }
0x335: {  	v6 =	vor.u32 v60, v2;
	v0 =	vadd.f32 v3, v0;
	v3 =	vmul.f32 v5, v12;
	v5 =	vld.idx.msk [tilespmem:v7+s13+$0x0], $0xffff  }
0x336: {  	v12 =	vld.idx.msk [tilespmem:v9+s11+$0x0], $0xffff  }
0x337: {  	v0 =	vadd.f32 v3, v0;
	v3 =	vmul.f32 v8, v13;
	v8 =	vld.idx.msk [tilespmem:v9+s13+$0x0], $0xffff;
	v9 =	vor.u32 v1, v2;
	_ =	sdelay $0x1  }
0x338: {  	v0 =	vadd.f32 v3, v0;
	v3 =	vmul.f32 v4, v10  }
0x339: {  	v7 =	vor.u32 v61, v2;
	v13 =	vld.idx.msk [tilespmem:v6+s11+$0x0], $0xffff  }
0x33a: {  	v4 =	vld.idx.msk [tilespmem:v6+s13+$0x0], $0xffff;
	v0 =	vadd.f32 v3, v0;
	v3 =	vmul.f32 v5, v11  }
0x33b: {  	v6 =	vor.u32 v62, v2;
	v11 =	vld.idx.msk [tilespmem:v9+s11+$0x0], $0xffff  }
0x33c: {  	v0 =	vadd.f32 v3, v0;
	v3 =	vmul.f32 v8, v12;
	v8 =	vld.idx.msk [tilespmem:v9+s13+$0x0], $0xffff  }
0x33d: {  	v9 =	vld [tilespmem:$0x1FF40]  }
0x33e: {  	v10 =	vld.idx.msk [tilespmem:v7+s11+$0x0], $0xffff  }
0x33f: {  	v5 =	vld.idx.msk [tilespmem:v7+s13+$0x0], $0xffff  }
0x340: {  	v12 =	vld.idx.msk [tilespmem:v6+s11+$0x0], $0xffff  }
0x341: {  	v7 =	vor.u32 v63, v2;
	v0 =	vadd.f32 v3, v0;
	v3 =	vmul.f32 v4, v13;
	v4 =	vld.idx.msk [tilespmem:v6+s13+$0x0], $0xffff  }
0x342: {  	v6 =	vld [tilespmem:$0x1FF50];
	v9 =	vor.u32 v9, v2;
	_ =	sdelay $0x3  }
0x343: {  	v13 =	vld.idx.msk [tilespmem:v7+s11+$0x0], $0xffff;
	v0 =	vadd.f32 v3, v0;
	v3 =	vmul.f32 v5, v10  }
0x344: {  	v6 =	vor.u32 v6, v2;
	v10 =	vld.idx.msk [tilespmem:v9+s11+$0x0], $0xffff  }
0x345: {  	v0 =	vadd.f32 v3, v0;
	v3 =	vmul.f32 v8, v11;
	v8 =	vld.idx.msk [tilespmem:v9+s13+$0x0], $0xffff  }
0x346: {  	v9 =	vld [tilespmem:$0x1FC60]  }
0x347: {  	v5 =	vld.idx.msk [tilespmem:v7+s13+$0x0], $0xffff;
	v7 =	vor.u32 v27, v2;
	_ =	sdelay $0x1  }
0x348: {  	v11 =	vld.idx.msk [tilespmem:v6+s11+$0x0], $0xffff  }
0x349: {  	v0 =	vadd.f32 v3, v0;
	v3 =	vmul.f32 v4, v12;
	v4 =	vld.idx.msk [tilespmem:v6+s13+$0x0], $0xffff  }
0x34a: {  	v6 =	vld [tilespmem:$0x1FF60];
	v9 =	vor.u32 v9, v2  }
0x34b: {  	v12 =	vld.idx.msk [tilespmem:v7+s11+$0x0], $0xffff  }
0x34c: {  	v0 =	vadd.f32 v3, v0;
	v3 =	vmul.f32 v5, v13;
	v5 =	vld.idx.msk [tilespmem:v7+s13+$0x0], $0xffff  }
0x34d: {  	v7 =	vld [tilespmem:$0x1FF70];
	_ =	sdelay $0x1  }
0x34e: {  	v6 =	vor.u32 v6, v2;
	v13 =	vld.idx.msk [tilespmem:v9+s11+$0x0], $0xffff  }
0x34f: {  	v0 =	vadd.f32 v3, v0;
	v3 =	vmul.f32 v8, v10;
	v8 =	vld.idx.msk [tilespmem:v9+s13+$0x0], $0xffff  }
0x350: {  	v9 =	vld [tilespmem:$0x1FF80]  }
0x351: {  	v7 =	vor.u32 v7, v2  }
0x352: {  	v0 =	vadd.f32 v3, v0;
	v3 =	vmul.f32 v4, v11;
	v11 =	vld [tilespmem:$0x1FF90]  }
0x353: {  	v10 =	vld.idx.msk [tilespmem:v6+s11+$0x0], $0xffff  }
0x354: {  	v4 =	vld.idx.msk [tilespmem:v6+s13+$0x0], $0xffff  }
0x355: {  	v0 =	vadd.f32 v3, v0;
	v3 =	vmul.f32 v5, v12;
	v9 =	vor.u32 v9, v2  }
0x356: {  	v5 =	vld.idx.msk [tilespmem:v7+s13+$0x0], $0xffff  }
0x357: {  	v0 =	vadd.f32 v3, v0;
	v6 =	vor.u32 v11, v2;
	v11 =	vld.idx.msk [tilespmem:v7+s11+$0x0], $0xffff;
	v3 =	vmul.f32 v8, v13  }
0x358: {  	v7 =	vld [tilespmem:$0x1FFA0]  }
0x359: {  	v0 =	vadd.f32 v3, v0;
	v3 =	vmul.f32 v4, v10;
	v10 =	vld [tilespmem:$0x1FFC0]  }
0x35a: {  	v12 =	vld.idx.msk [tilespmem:v9+s11+$0x0], $0xffff  }
0x35b: {  	v8 =	vld.idx.msk [tilespmem:v9+s13+$0x0], $0xffff  }
0x35c: {  	v9 =	vld [tilespmem:$0x1FFB0];
	_ =	sdelay $0x1  }
0x35d: {  	v7 =	vor.u32 v7, v2  }
0x35e: {  	v13 =	vld.idx.msk [tilespmem:v6+s11+$0x0], $0xffff  }
0x35f: {  	v4 =	vld.idx.msk [tilespmem:v6+s13+$0x0], $0xffff;
	v6 =	vor.u32 v10, v2  }
0x360: {  	v0 =	vadd.f32 v3, v0;
	v3 =	vmul.f32 v5, v11;
	v11 =	vld [tilespmem:$0x1FFD0];
	v9 =	vor.u32 v9, v2;
	_ =	sdelay $0x1  }
0x361: {  	v10 =	vld.idx.msk [tilespmem:v7+s11+$0x0], $0xffff  }
0x362: {  	v5 =	vld.idx.msk [tilespmem:v7+s13+$0x0], $0xffff  }
0x363: {  	v0 =	vadd.f32 v3, v0;
	v3 =	vmul.f32 v8, v12;
	v12 =	vld.idx.msk [tilespmem:v6+s11+$0x0], $0xffff  }
0x364: {  	v7 =	vor.u32 v11, v2;
	v11 =	vld.idx.msk [tilespmem:v9+s11+$0x0], $0xffff  }
0x365: {  	v8 =	vld.idx.msk [tilespmem:v9+s13+$0x0], $0xffff  }
0x366: {  	v9 =	vld [tilespmem:$0x1FFE0]  }
0x367: {  	v0 =	vadd.f32 v3, v0;
	v3 =	vmul.f32 v4, v13;
	v4 =	vld.idx.msk [tilespmem:v6+s13+$0x0], $0xffff  }
0x368: {  	v6 =	vld [tilespmem:$0x1FFF0];
	_ =	sdelay $0x2  }
0x369: {  	v9 =	vor.u32 v9, v2;
	_ =	sdelay $0x1  }
0x36a: {  	v6 =	vor.u32 v6, v2  }
0x36b: {  	v13 =	vld.idx.msk [tilespmem:v7+s11+$0x0], $0xffff;
	v0 =	vadd.f32 v3, v0;
	v3 =	vmul.f32 v5, v10  }
0x36c: {  	v5 =	vld.idx.msk [tilespmem:v7+s13+$0x0], $0xffff;
	v7 =	vor.u32 v28, v2  }
0x36d: {  	v0 =	vadd.f32 v3, v0;
	v3 =	vmul.f32 v8, v11;
	v10 =	vld.idx.msk [tilespmem:v9+s11+$0x0], $0xffff  }
0x36e: {  	v8 =	vld.idx.msk [tilespmem:v9+s13+$0x0], $0xffff;
	v9 =	vor.u32 v29, v2  }
0x36f: {  	v11 =	vld.idx.msk [tilespmem:v6+s11+$0x0], $0xffff;
	v0 =	vadd.f32 v3, v0;
	v3 =	vmul.f32 v4, v12  }
0x370: {  	v4 =	vld.idx.msk [tilespmem:v6+s13+$0x0], $0xffff;
	v6 =	vor.u32 v26, v2  }
0x371: {  	v12 =	vld.idx.msk [tilespmem:v7+s11+$0x0], $0xffff;
	v0 =	vadd.f32 v3, v0;
	v3 =	vmul.f32 v5, v13  }
0x372: {  	v5 =	vld.idx.msk [tilespmem:v7+s13+$0x0], $0xffff;
	v2 =	vor.u32 v30, v2  }
0x373: {  	v0 =	vadd.f32 v3, v0;
	v7 =	vld.idx.msk [tilespmem:v9+s11+$0x0], $0xffff;
	v3 =	vmul.f32 v8, v10  }
0x374: {  	v8 =	vld.idx.msk [tilespmem:v9+s13+$0x0], $0xffff  }
0x375: {  	v9 =	vld.idx.msk [tilespmem:v6+s11+$0x0], $0xffff;
	v0 =	vadd.f32 v3, v0;
	v3 =	vmul.f32 v4, v11  }
0x376: {  	v10 =	vld.idx.msk [tilespmem:v6+s13+$0x0], $0xffff  }
0x377: {  	v11 =	vld.idx.msk [tilespmem:v2+s11+$0x0], $0xffff;
	v0 =	vadd.f32 v3, v0;
	v3 =	vmul.f32 v5, v12  }
0x378: {  	v2 =	vld.idx.msk [tilespmem:v2+s13+$0x0], $0xffff  }
0x379: {  	v0 =	vadd.f32 v3, v0;
	v3 =	vmul.f32 v8, v7;
	_ =	sdelay $0x1  }
0x37a: {  	v0 =	vadd.f32 v3, v0;
	v3 =	vmul.f32 v10, v9;
	_ =	sdelay $0x1  }
0x37b: {  	v2 =	vmul.f32 v2, v11;
	v0 =	vadd.f32 v3, v0;
	_ =	sdelay $0x1  }
0x37c: {  	v0 =	vadd.f32 v2, v0;
	_ =	sdelay $0x1  }
0x37d: {  	v0 =	vsub.f32 $0.0e+00, v0;
	_ =	sdelay $0x1  }
0x37e: {  	v0 =	vmul.f32 $1.442695020e+00, v0;
	_ =	sdelay $0x1  }
0x37f: {  	(erf) = vpow2.f32 v0;
	_ =	sdelay $0x7  }
0x380: {  	p0 =	sne.s32 s17, $0x78  }
.Ltmp1:
0x381: {  	v0 =	vpop (erf);
	(pc) =	sbr.rel @p0 .LBB2_4-.Ltmp1, $3  }
0x382: {  	v0 =	vadd.f32 $1.000000000e+00, v0;
	_ =	sdelay $0x1  }
0x383: {  	(erf) = vrcp.f32 v0;
	v0 =	vmov s17  }
0x384: {  	v13 =	vmov v14;
	s17 =	sadd.s32 $0x8, s17;
	v2 =	vshll.u32 v0, $0x7  }
0x385: {  	_ =	sdelay $0x2  }
0x386: {  	v2 =	vor.u32 v15, v2  }
0x387: {  	v0 =	vor.u32 v13, v2;
	_ =	sdelay $0x1  }
0x388: {  	v3 =	vor.u32 v16, v2  }
0x389: {  	s16 =	sadd.s32 $0x10, s16;
	v4 =	vpop (erf)  }
0x38a: {  	v5 =	vor.u32 v17, v2;
	[tilespmem:s16+$0x0] =	vst v4  }
0x38b: {  	v4 =	vld.idx.msk [tilespmem:v0+s13+$0x0], $0xffff  }
0x38c: {  	v6 =	vor.u32 v18, v2;
	v0 =	vld.idx.msk [tilespmem:v0+s11+$0x0], $0xffff  }
0x38d: {  	v8 =	vor.u32 v19, v2;
	v7 =	vld.idx.msk [tilespmem:v3+s11+$0x0], $0xffff  }
0x38e: {  	v3 =	vld.idx.msk [tilespmem:v3+s13+$0x0], $0xffff  }
0x38f: {  	v10 =	vor.u32 v20, v2;
	v9 =	vld.idx.msk [tilespmem:v5+s11+$0x0], $0xffff  }
0x390: {  	v5 =	vld.idx.msk [tilespmem:v5+s13+$0x0], $0xffff  }
0x391: {  	v16 =	vor.u32 v21, v2;
	v11 =	vld.idx.msk [tilespmem:v6+s11+$0x0], $0xffff  }
0x392: {  	v18 =	vor.u32 v22, v2;
	v12 =	vld.idx.msk [tilespmem:v8+s11+$0x0], $0xffff  }
0x393: {  	v17 =	vld.idx.msk [tilespmem:v8+s13+$0x0], $0xffff  }
0x394: {  	v19 =	vld.idx.msk [tilespmem:v10+s11+$0x0], $0xffff  }
0x395: {  	v20 =	vld.idx.msk [tilespmem:v10+s13+$0x0], $0xffff  }
0x396: {  	v21 =	vor.u32 v23, v2;
	v22 =	vld.idx.msk [tilespmem:v16+s11+$0x0], $0xffff  }
0x397: {  	v8 =	vld.idx.msk [tilespmem:v18+s13+$0x0], $0xffff  }
0x398: {  	v0 =	vmul.f32 v4, v0;
	v4 =	vld.idx.msk [tilespmem:v6+s13+$0x0], $0xffff  }
0x399: {  	v23 =	vor.u32 v24, v2;
	v6 =	vld.idx.msk [tilespmem:v16+s13+$0x0], $0xffff  }
0x39a: {  	v3 =	vmul.f32 v3, v7;
	v16 =	vld.idx.msk [tilespmem:v18+s11+$0x0], $0xffff  }
0x39b: {  	v7 =	vmul.f32 v17, v12;
	v12 =	vor.u32 v25, v2;
	v17 =	vld.idx.msk [tilespmem:v21+s11+$0x0], $0xffff;
	v0 =	vadd.f32 $0.0e+00, v0  }
0x39c: {  	v18 =	vld.idx.msk [tilespmem:v21+s13+$0x0], $0xffff  }
0x39d: {  	v5 =	vmul.f32 v5, v9;
	v0 =	vadd.f32 v3, v0;
	v3 =	vmul.f32 v20, v19;
	v19 =	vld [tilespmem:$0x1FC40]  }
0x39e: {  	v21 =	vld.idx.msk [tilespmem:v23+s13+$0x0], $0xffff;
	v4 =	vmul.f32 v4, v11  }
0x39f: {  	v20 =	vld.idx.msk [tilespmem:v23+s11+$0x0], $0xffff;
	v0 =	vadd.f32 v5, v0;
	v5 =	vmul.f32 v6, v22;
	v22 =	vor.u32 v31, v2  }
0x3a0: {  	v23 =	vld.idx.msk [tilespmem:v12+s11+$0x0], $0xffff  }
0x3a1: {  	v31 =	vld.idx.msk [tilespmem:v12+s13+$0x0], $0xffff;
	v12 =	vor.u32 v32, v2;
	v0 =	vadd.f32 v4, v0  }
0x3a2: {  	v10 =	vor.u32 v19, v2  }
0x3a3: {  	v0 =	vadd.f32 v7, v0  }
0x3a4: {  	v7 =	vmul.f32 v18, v17;
	v19 =	vld.idx.msk [tilespmem:v22+s11+$0x0], $0xffff  }
0x3a5: {  	v18 =	vor.u32 v33, v2;
	v0 =	vadd.f32 v3, v0;
	v3 =	vmul.f32 v21, v20;
	v20 =	vld.idx.msk [tilespmem:v22+s13+$0x0], $0xffff  }
0x3a6: {  	v22 =	vld.idx.msk [tilespmem:v12+s11+$0x0], $0xffff  }
0x3a7: {  	v4 =	vmul.f32 v8, v16;
	v33 =	vor.u32 v36, v2;
	v16 =	vld.idx.msk [tilespmem:v10+s11+$0x0], $0xffff  }
0x3a8: {  	v21 =	vor.u32 v34, v2;
	v17 =	vld.idx.msk [tilespmem:v10+s13+$0x0], $0xffff  }
0x3a9: {  	v0 =	vadd.f32 v5, v0;
	v5 =	vmul.f32 v31, v23;
	v23 =	vld.idx.msk [tilespmem:v12+s13+$0x0], $0xffff;
	v12 =	vor.u32 v35, v2  }
0x3aa: {  	v31 =	vld.idx.msk [tilespmem:v18+s11+$0x0], $0xffff  }
0x3ab: {  	v32 =	vld.idx.msk [tilespmem:v18+s13+$0x0], $0xffff  }
0x3ac: {  	v36 =	vor.u32 v37, v2;
	v18 =	vld.idx.msk [tilespmem:v33+s13+$0x0], $0xffff  }
0x3ad: {  	v34 =	vld.idx.msk [tilespmem:v21+s11+$0x0], $0xffff  }
0x3ae: {  	v37 =	vld.idx.msk [tilespmem:v12+s11+$0x0], $0xffff  }
0x3af: {  	v0 =	vadd.f32 v4, v0;
	v4 =	vmul.f32 v17, v16;
	v16 =	vld.idx.msk [tilespmem:v12+s13+$0x0], $0xffff;
	v12 =	vor.u32 v38, v2  }
0x3b0: {  	v35 =	vld.idx.msk [tilespmem:v21+s13+$0x0], $0xffff  }
0x3b1: {  	v6 =	vmul.f32 v20, v19;
	v19 =	vor.u32 v39, v2;
	v20 =	vld.idx.msk [tilespmem:v36+s11+$0x0], $0xffff;
	v0 =	vadd.f32 v7, v0  }
0x3b2: {  	v21 =	vld.idx.msk [tilespmem:v36+s13+$0x0], $0xffff  }
0x3b3: {  	v17 =	vld.idx.msk [tilespmem:v33+s11+$0x0], $0xffff;
	v0 =	vadd.f32 v3, v0;
	v3 =	vmul.f32 v23, v22;
	v22 =	vor.u32 v40, v2  }
0x3b4: {  	v23 =	vld.idx.msk [tilespmem:v12+s11+$0x0], $0xffff  }
0x3b5: {  	v0 =	vadd.f32 v5, v0;
	v5 =	vmul.f32 v32, v31;
	v31 =	vld.idx.msk [tilespmem:v12+s13+$0x0], $0xffff;
	v12 =	vor.u32 v41, v2  }
0x3b6: {  	v32 =	vld.idx.msk [tilespmem:v19+s11+$0x0], $0xffff  }
0x3b7: {  	v33 =	vld.idx.msk [tilespmem:v19+s13+$0x0], $0xffff;
	v0 =	vadd.f32 v4, v0;
	v4 =	vmul.f32 v35, v34;
	v34 =	vor.u32 v42, v2  }
0x3b8: {  	v35 =	vld.idx.msk [tilespmem:v22+s11+$0x0], $0xffff  }
0x3b9: {  	v42 =	vor.u32 v45, v2;
	v36 =	vld.idx.msk [tilespmem:v22+s13+$0x0], $0xffff  }
0x3ba: {  	v38 =	vld.idx.msk [tilespmem:v12+s11+$0x0], $0xffff  }
0x3bb: {  	v45 =	vor.u32 v46, v2;
	v0 =	vadd.f32 v6, v0;
	v39 =	vld.idx.msk [tilespmem:v12+s13+$0x0], $0xffff  }
0x3bc: {  	v40 =	vld.idx.msk [tilespmem:v34+s11+$0x0], $0xffff  }
0x3bd: {  	v6 =	vmul.f32 v16, v37;
	v37 =	vor.u32 v43, v2;
	v0 =	vadd.f32 v3, v0;
	v41 =	vld.idx.msk [tilespmem:v34+s13+$0x0], $0xffff  }
0x3be: {  	v3 =	vmul.f32 v18, v17;
	v17 =	vld.idx.msk [tilespmem:v42+s11+$0x0], $0xffff  }
0x3bf: {  	v12 =	vor.u32 v44, v2;
	v18 =	vld.idx.msk [tilespmem:v42+s13+$0x0], $0xffff;
	v0 =	vadd.f32 v5, v0  }
0x3c0: {  	v5 =	vmul.f32 v21, v20;
	v20 =	vld.idx.msk [tilespmem:v45+s11+$0x0], $0xffff  }
0x3c1: {  	v19 =	vor.u32 v48, v2;
	v21 =	vld.idx.msk [tilespmem:v45+s13+$0x0], $0xffff;
	v0 =	vadd.f32 v4, v0  }
0x3c2: {  	v43 =	vld.idx.msk [tilespmem:v37+s11+$0x0], $0xffff  }
0x3c3: {  	v42 =	vor.u32 v54, v2;
	v44 =	vld.idx.msk [tilespmem:v37+s13+$0x0], $0xffff;
	v0 =	vadd.f32 v6, v0  }
0x3c4: {  	v46 =	vld.idx.msk [tilespmem:v12+s11+$0x0], $0xffff  }
0x3c5: {  	v45 =	vor.u32 v55, v2;
	v16 =	vld.idx.msk [tilespmem:v12+s13+$0x0], $0xffff;
	v0 =	vadd.f32 v3, v0  }
0x3c6: {  	v6 =	vmul.f32 v33, v32;
	v32 =	vld.idx.msk [tilespmem:v19+s11+$0x0], $0xffff  }
0x3c7: {  	v22 =	vor.u32 v49, v2;
	v4 =	vmul.f32 v31, v23;
	v33 =	vld.idx.msk [tilespmem:v19+s13+$0x0], $0xffff;
	v0 =	vadd.f32 v5, v0  }
0x3c8: {  	v48 =	vld.idx.msk [tilespmem:v42+s11+$0x0], $0xffff  }
0x3c9: {  	v12 =	vor.u32 v47, v2;
	v49 =	vld.idx.msk [tilespmem:v42+s13+$0x0], $0xffff;
	v0 =	vadd.f32 v4, v0  }
0x3ca: {  	v34 =	vor.u32 v51, v2;
	v51 =	vld.idx.msk [tilespmem:v45+s11+$0x0], $0xffff  }
0x3cb: {  	v37 =	vor.u32 v52, v2;
	v52 =	vld.idx.msk [tilespmem:v45+s13+$0x0], $0xffff;
	v3 =	vmul.f32 v36, v35;
	v0 =	vadd.f32 v6, v0  }
0x3cc: {  	v35 =	vld.idx.msk [tilespmem:v22+s11+$0x0], $0xffff  }
0x3cd: {  	v36 =	vld.idx.msk [tilespmem:v22+s13+$0x0], $0xffff;
	v5 =	vmul.f32 v39, v38;
	v0 =	vadd.f32 v3, v0  }
0x3ce: {  	v23 =	vld.idx.msk [tilespmem:v12+s11+$0x0], $0xffff  }
0x3cf: {  	v31 =	vld.idx.msk [tilespmem:v12+s13+$0x0], $0xffff;
	v12 =	vor.u32 v50, v2;
	v4 =	vmul.f32 v41, v40;
	v0 =	vadd.f32 v5, v0  }
0x3d0: {  	v40 =	vld.idx.msk [tilespmem:v34+s11+$0x0], $0xffff  }
0x3d1: {  	v41 =	vld.idx.msk [tilespmem:v34+s13+$0x0], $0xffff;
	v6 =	vmul.f32 v44, v43;
	v0 =	vadd.f32 v4, v0  }
0x3d2: {  	v34 =	vld [tilespmem:$0x1FF40]  }
0x3d3: {  	v50 =	vor.u32 v57, v2;
	v43 =	vld.idx.msk [tilespmem:v37+s11+$0x0], $0xffff;
	v3 =	vmul.f32 v16, v46;
	v0 =	vadd.f32 v6, v0  }
0x3d4: {  	v38 =	vld.idx.msk [tilespmem:v12+s11+$0x0], $0xffff  }
0x3d5: {  	v39 =	vld.idx.msk [tilespmem:v12+s13+$0x0], $0xffff;
	v12 =	vor.u32 v53, v2;
	v5 =	vmul.f32 v18, v17;
	v0 =	vadd.f32 v3, v0  }
0x3d6: {  	v44 =	vld.idx.msk [tilespmem:v37+s13+$0x0], $0xffff  }
0x3d7: {  	v37 =	vld [tilespmem:$0x1FF50];
	v4 =	vmul.f32 v21, v20;
	v0 =	vadd.f32 v5, v0  }
0x3d8: {  	v53 =	vor.u32 v58, v2;
	v57 =	vld.idx.msk [tilespmem:v50+s13+$0x0], $0xffff;
	v58 =	vor.u32 v60, v2  }
0x3d9: {  	v21 =	vor.u32 v62, v2;
	v62 =	vld [tilespmem:$0x1FFA0];
	v6 =	vmul.f32 v31, v23;
	v0 =	vadd.f32 v4, v0  }
0x3da: {  	v46 =	vld.idx.msk [tilespmem:v12+s11+$0x0], $0xffff  }
0x3db: {  	v16 =	vor.u32 v61, v2;
	v47 =	vld.idx.msk [tilespmem:v12+s13+$0x0], $0xffff;
	v3 =	vmul.f32 v33, v32;
	v0 =	vadd.f32 v6, v0  }
0x3dc: {  	v12 =	vor.u32 v56, v2;
	v56 =	vld.idx.msk [tilespmem:v50+s11+$0x0], $0xffff  }
0x3dd: {  	v60 =	vld.idx.msk [tilespmem:v53+s13+$0x0], $0xffff;
	v5 =	vmul.f32 v36, v35;
	v0 =	vadd.f32 v3, v0  }
0x3de: {  	v19 =	vld.idx.msk [tilespmem:v58+s11+$0x0], $0xffff  }
0x3df: {  	v20 =	vld.idx.msk [tilespmem:v58+s13+$0x0], $0xffff;
	v4 =	vmul.f32 v39, v38;
	v0 =	vadd.f32 v5, v0  }
0x3e0: {  	v22 =	vld.idx.msk [tilespmem:v16+s11+$0x0], $0xffff  }
0x3e1: {  	v58 =	vld [tilespmem:$0x1FF90];
	v6 =	vmul.f32 v41, v40;
	v0 =	vadd.f32 v4, v0  }
0x3e2: {  	v23 =	vld.idx.msk [tilespmem:v16+s13+$0x0], $0xffff  }
0x3e3: {  	v54 =	vld.idx.msk [tilespmem:v12+s11+$0x0], $0xffff;
	v3 =	vmul.f32 v44, v43;
	v0 =	vadd.f32 v6, v0  }
0x3e4: {  	v31 =	vor.u32 v63, v2;
	v55 =	vld.idx.msk [tilespmem:v12+s13+$0x0], $0xffff  }
0x3e5: {  	v12 =	vor.u32 v59, v2;
	v59 =	vld.idx.msk [tilespmem:v53+s11+$0x0], $0xffff;
	v5 =	vmul.f32 v47, v46;
	v0 =	vadd.f32 v3, v0  }
0x3e6: {  	v35 =	vld.idx.msk [tilespmem:v21+s11+$0x0], $0xffff  }
0x3e7: {  	v36 =	vld.idx.msk [tilespmem:v21+s13+$0x0], $0xffff;
	v4 =	vmul.f32 v49, v48;
	v0 =	vadd.f32 v5, v0  }
0x3e8: {  	v63 =	vor.u32 v62, v2;
	v21 =	vld [tilespmem:$0x1FFC0]  }
0x3e9: {  	v39 =	vld.idx.msk [tilespmem:v31+s11+$0x0], $0xffff;
	v6 =	vmul.f32 v52, v51;
	v0 =	vadd.f32 v4, v0  }
0x3ea: {  	v17 =	vld.idx.msk [tilespmem:v12+s11+$0x0], $0xffff  }
0x3eb: {  	v18 =	vld.idx.msk [tilespmem:v12+s13+$0x0], $0xffff;
	v12 =	vor.u32 v1, v2;
	v3 =	vmul.f32 v55, v54;
	v0 =	vadd.f32 v6, v0  }
0x3ec: {  	v40 =	vld.idx.msk [tilespmem:v31+s13+$0x0], $0xffff  }
0x3ed: {  	v38 =	vor.u32 v37, v2;
	v31 =	vld.idx.msk [tilespmem:v63+s13+$0x0], $0xffff;
	v5 =	vmul.f32 v57, v56;
	v0 =	vadd.f32 v3, v0  }
0x3ee: {  	v44 =	vld [tilespmem:$0x1FC60]  }
0x3ef: {  	v41 =	vor.u32 v27, v2;
	v47 =	vld [tilespmem:$0x1FF60];
	v4 =	vmul.f32 v60, v59;
	v0 =	vadd.f32 v5, v0  }
0x3f0: {  	v32 =	vld.idx.msk [tilespmem:v12+s11+$0x0], $0xffff  }
0x3f1: {  	v33 =	vld.idx.msk [tilespmem:v12+s13+$0x0], $0xffff;
	v12 =	vor.u32 v34, v2;
	v6 =	vmul.f32 v18, v17;
	v0 =	vadd.f32 v4, v0  }
0x3f2: {  	v45 =	vld.idx.msk [tilespmem:v38+s11+$0x0], $0xffff  }
0x3f3: {  	v46 =	vld.idx.msk [tilespmem:v38+s13+$0x0], $0xffff;
	v3 =	vmul.f32 v20, v19;
	v0 =	vadd.f32 v6, v0  }
0x3f4: {  	v50 =	vld.idx.msk [tilespmem:v41+s13+$0x0], $0xffff  }
0x3f5: {  	v51 =	vld [tilespmem:$0x1FF70];
	v48 =	vor.u32 v47, v2;
	v5 =	vmul.f32 v23, v22;
	v0 =	vadd.f32 v3, v0  }
0x3f6: {  	v42 =	vld.idx.msk [tilespmem:v12+s11+$0x0], $0xffff  }
0x3f7: {  	v43 =	vld.idx.msk [tilespmem:v12+s13+$0x0], $0xffff;
	v12 =	vor.u32 v44, v2;
	v4 =	vmul.f32 v33, v32;
	v0 =	vadd.f32 v5, v0  }
0x3f8: {  	v55 =	vld [tilespmem:$0x1FF80]  }
0x3f9: {  	v49 =	vld.idx.msk [tilespmem:v41+s11+$0x0], $0xffff;
	v6 =	vmul.f32 v36, v35;
	v0 =	vadd.f32 v4, v0  }
0x3fa: {  	v52 =	vor.u32 v51, v2;
	v56 =	vld.idx.msk [tilespmem:v48+s11+$0x0], $0xffff  }
0x3fb: {  	v57 =	vld.idx.msk [tilespmem:v48+s13+$0x0], $0xffff;
	v3 =	vmul.f32 v40, v39;
	v0 =	vadd.f32 v6, v0  }
0x3fc: {  	v59 =	vor.u32 v58, v2;
	v53 =	vld.idx.msk [tilespmem:v12+s11+$0x0], $0xffff  }
0x3fd: {  	v54 =	vld.idx.msk [tilespmem:v12+s13+$0x0], $0xffff;
	v12 =	vor.u32 v55, v2;
	v5 =	vmul.f32 v43, v42;
	v0 =	vadd.f32 v3, v0  }
0x3fe: {  	v18 =	vld [tilespmem:$0x1FFB0]  }
0x3ff: {  	v60 =	vld.idx.msk [tilespmem:v52+s11+$0x0], $0xffff;
	v4 =	vmul.f32 v46, v45;
	v0 =	vadd.f32 v5, v0  }
0x400: {  	v61 =	vld.idx.msk [tilespmem:v52+s13+$0x0], $0xffff  }
0x401: {  	v19 =	vld.idx.msk [tilespmem:v59+s11+$0x0], $0xffff;
	v6 =	vmul.f32 v50, v49;
	v0 =	vadd.f32 v4, v0  }
0x402: {  	v16 =	vld.idx.msk [tilespmem:v12+s11+$0x0], $0xffff  }
0x403: {  	v32 =	vld [tilespmem:$0x1FFD0];
	v3 =	vmul.f32 v54, v53;
	v0 =	vadd.f32 v6, v0  }
0x404: {  	v17 =	vld.idx.msk [tilespmem:v12+s13+$0x0], $0xffff;
	v12 =	vor.u32 v18, v2  }
0x405: {  	v36 =	vld [tilespmem:$0x1FFE0];
	v5 =	vmul.f32 v57, v56;
	v0 =	vadd.f32 v3, v0  }
0x406: {  	v20 =	vld.idx.msk [tilespmem:v59+s13+$0x0], $0xffff;
	v22 =	vor.u32 v21, v2  }
0x407: {  	v39 =	vld [tilespmem:$0x1FFF0];
	v4 =	vmul.f32 v61, v60;
	v0 =	vadd.f32 v5, v0  }
0x408: {  	v23 =	vld.idx.msk [tilespmem:v63+s11+$0x0], $0xffff;
	v33 =	vor.u32 v32, v2  }
0x409: {  	v34 =	vld.idx.msk [tilespmem:v12+s11+$0x0], $0xffff;
	v6 =	vmul.f32 v17, v16;
	v0 =	vadd.f32 v4, v0  }
0x40a: {  	v35 =	vld.idx.msk [tilespmem:v12+s13+$0x0], $0xffff;
	v12 =	vor.u32 v36, v2  }
0x40b: {  	v37 =	vld.idx.msk [tilespmem:v22+s11+$0x0], $0xffff;
	v3 =	vmul.f32 v20, v19;
	v0 =	vadd.f32 v6, v0  }
0x40c: {  	v38 =	vld.idx.msk [tilespmem:v22+s13+$0x0], $0xffff;
	v40 =	vor.u32 v39, v2  }
0x40d: {  	v41 =	vld.idx.msk [tilespmem:v33+s11+$0x0], $0xffff;
	v5 =	vmul.f32 v31, v23;
	v0 =	vadd.f32 v3, v0  }
0x40e: {  	v43 =	vor.u32 v28, v2;
	v42 =	vld.idx.msk [tilespmem:v33+s13+$0x0], $0xffff  }
0x40f: {  	v44 =	vld.idx.msk [tilespmem:v12+s11+$0x0], $0xffff;
	v4 =	vmul.f32 v35, v34;
	v0 =	vadd.f32 v5, v0  }
0x410: {  	v45 =	vld.idx.msk [tilespmem:v12+s13+$0x0], $0xffff;
	v12 =	vor.u32 v29, v2  }
0x411: {  	v46 =	vld.idx.msk [tilespmem:v40+s11+$0x0], $0xffff;
	v6 =	vmul.f32 v38, v37;
	v0 =	vadd.f32 v4, v0  }
0x412: {  	v48 =	vor.u32 v26, v2;
	v47 =	vld.idx.msk [tilespmem:v40+s13+$0x0], $0xffff  }
0x413: {  	v49 =	vld.idx.msk [tilespmem:v43+s11+$0x0], $0xffff;
	v3 =	vmul.f32 v42, v41;
	v0 =	vadd.f32 v6, v0  }
0x414: {  	v50 =	vld.idx.msk [tilespmem:v43+s13+$0x0], $0xffff;
	v2 =	vor.u32 v30, v2  }
0x415: {  	v51 =	vmul.f32 v45, v44;
	v52 =	vld.idx.msk [tilespmem:v12+s11+$0x0], $0xffff;
	v0 =	vadd.f32 v3, v0  }
0x416: {  	v53 =	vld.idx.msk [tilespmem:v12+s13+$0x0], $0xffff  }
0x417: {  	v55 =	vld.idx.msk [tilespmem:v48+s11+$0x0], $0xffff;
	v54 =	vmul.f32 v47, v46;
	v0 =	vadd.f32 v51, v0  }
0x418: {  	v56 =	vld.idx.msk [tilespmem:v48+s13+$0x0], $0xffff  }
0x419: {  	v57 =	vmul.f32 v50, v49;
	v58 =	vld.idx.msk [tilespmem:v2+s11+$0x0], $0xffff;
	v0 =	vadd.f32 v54, v0  }
0x41a: {  	v2 =	vld.idx.msk [tilespmem:v2+s13+$0x0], $0xffff  }
0x41b: {  	v59 =	vmul.f32 v53, v52;
	v0 =	vadd.f32 v57, v0;
	_ =	sdelay $0x1  }
0x41c: {  	v60 =	vmul.f32 v56, v55;
	v0 =	vadd.f32 v59, v0;
	_ =	sdelay $0x1  }
0x41d: {  	v2 =	vmul.f32 v2, v58;
	v0 =	vadd.f32 v60, v0;
	_ =	sdelay $0x1  }
0x41e: {  	v0 =	vadd.f32 v2, v0;
	_ =	sdelay $0x1  }
0x41f: {  	v0 =	vsub.f32 $0.0e+00, v0;
	_ =	sdelay $0x1  }
0x420: {  	v0 =	vmul.f32 $1.442695020e+00, v0;
	_ =	sdelay $0x1  }
0x421: {  	(erf) = vpow2.f32 v0;
	_ =	sdelay $0x8  }
0x422: {  	v0 =	vpop (erf)  }
0x423: {  	v0 =	vadd.f32 $1.000000000e+00, v0;
	_ =	sdelay $0x1  }
0x424: {  	(erf) = vrcp.f32 v0;
	_ =	sdelay $0x8  }
0x425: {  	s0 =	sadd.s32 $0x10, s16;
	v0 =	vpop (erf)  }
0x426: {  	s16 =	simm.s32 $0x100;
	[tilespmem:s0+$0x0] =	vst v0  }
0x427: {  	v0 =	vld [tilespmem:s16+$0x0];
	_ =	sdelay $0x2  }
0x428: {  	s17 =	simm.s32 $0x300  }
0x429: {  	v62 =	vld [tilespmem:s17+$0x0]  }
0x42a: {  	v61 =	vshll.u32 v0, $0x4  }
0x42b: {  	(v2sf) =	vpush v61, $0x0  }
0x42c: {  	(v2sf) =	vpush v61, $0x1  }
0x42d: {  	(v2sf) =	vpush v61, $0x2  }
0x42e: {  	v63 =	vshll.u32 v62, $0x4  }
0x42f: {  	(v2sf) =	vpush v63, $0x0;
	_ =	sdelay $0xa  }
0x430: {  	s21 =	spop (v2sf);
	(v2sf) =	vpush v63, $0x1  }
0x431: {  	s0 =	sand.u32 $0x1FFFFFF0, s21;
	s2 =	spop (v2sf)  }
0x432: {  	s5 =	simm.s32 $0x400;
	s0 =	sadd.s32 s3, s0;
	s6 =	spop (v2sf)  }
0x433: {  	[tilespmem:s5], [sflag:$0x1] =	stream.strided.gather [hbm4b:s0+s10], $0x0, s11, s10, $0x38;
	[tilespmem:$0x8600] =	vst v63  }
0x434: {  	s22 =	spop (v2sf)  }
0x435: {  	[tilespmem:s5], [sflag:$0x1] =	stream.linear.gather [hbm4b:s0+s1], $0x40, $0x38;
	[tilespmem:$0x8600] =	vst v63  }
0x436: {  	(v2sf) =	vpush v63, $0x2;
	s0 =	sand.u32 $0x1FFFFFF0, s22  }
0x437: {  	s23 =	simm.s32 $0x4400;
	s0 =	sadd.s32 s4, s0  }
0x438: {  	[tilespmem:s23], [sflag:$0x1] =	stream.strided.gather [hbm4b:s0+s10], $0x0, s11, s10, $0x38;
	[tilespmem:$0x8600] =	vst v63  }
0x439: {  	s24 =	sand.u32 $0x1FFFFFF0, s2  }
0x43a: {  	(v2sf) =	vpush v61, $0x3;
	[tilespmem:s23], [sflag:$0x1] =	stream.linear.gather [hbm4b:s0+s1], $0x40, $0x38;
	[tilespmem:$0x8600] =	vst v63  }
0x43b: {  	s25 =	simm.s32 $0x440;
	s0 =	sadd.s32 s3, s24  }
0x43c: {  	[tilespmem:s25], [sflag:$0x1] =	stream.strided.gather [hbm4b:s0+s10], $0x0, s11, s10, $0x38;
	[tilespmem:$0x8600] =	vst v63  }
0x43d: {  	_ = 	snop  }
0x43e: {  	(v2sf) =	vpush v63, $0x3;
	[tilespmem:s25], [sflag:$0x1] =	stream.linear.gather [hbm4b:s0+s1], $0x40, $0x38;
	[tilespmem:$0x8600] =	vst v63  }
0x43f: {  	s26 =	spop (v2sf)  }
0x440: {  	s0 =	sand.u32 $0x1FFFFFF0, s26  }
0x441: {  	s28 =	simm.s32 $0x4440;
	s0 =	sadd.s32 s4, s0  }
0x442: {  	(v2sf) =	vpush v61, $0x4;
	[tilespmem:s28], [sflag:$0x1] =	stream.strided.gather [hbm4b:s0+s10], $0x0, s11, s10, $0x38;
	[tilespmem:$0x8600] =	vst v63  }
0x443: {  	s29 =	sand.u32 $0x1FFFFFF0, s6  }
0x444: {  	[tilespmem:s28], [sflag:$0x1] =	stream.linear.gather [hbm4b:s0+s1], $0x40, $0x38;
	[tilespmem:$0x8600] =	vst v63  }
0x445: {  	s31 =	simm.s32 $0x480;
	s5 =	sadd.s32 s3, s29;
	s30 =	spop (v2sf)  }
0x446: {  	(v2sf) =	vpush v63, $0x4;
	[tilespmem:s31], [sflag:$0x1] =	stream.strided.gather [hbm4b:s5+s10], $0x0, s11, s10, $0x38;
	[tilespmem:$0x8600] =	vst v63  }
0x447: {  	s0 =	sand.u32 $0x1FFFFFF0, s30  }
0x448: {  	[tilespmem:s31], [sflag:$0x1] =	stream.linear.gather [hbm4b:s5+s1], $0x40, $0x38;
	[tilespmem:$0x8600] =	vst v63  }
0x449: {  	s6 =	simm.s32 $0x4480;
	s0 =	sadd.s32 s4, s0;
	s5 =	spop (v2sf)  }
0x44a: {  	(v2sf) =	vpush v61, $0x5;
	[tilespmem:s6], [sflag:$0x1] =	stream.strided.gather [hbm4b:s0+s10], $0x0, s11, s10, $0x38;
	[tilespmem:$0x8600] =	vst v63  }
0x44b: {  	s2 =	sand.u32 $0x1FFFFFF0, s5  }
0x44c: {  	[tilespmem:s6], [sflag:$0x1] =	stream.linear.gather [hbm4b:s0+s1], $0x40, $0x38;
	[tilespmem:$0x8600] =	vst v63  }
0x44d: {  	s8 =	simm.s32 $0x4C0;
	s7 =	spop (v2sf);
	s2 =	sadd.s32 s3, s2  }
0x44e: {  	(v2sf) =	vpush v63, $0x5;
	[tilespmem:s8], [sflag:$0x1] =	stream.strided.gather [hbm4b:s2+s10], $0x0, s11, s10, $0x38;
	[tilespmem:$0x8600] =	vst v63  }
0x44f: {  	s0 =	sand.u32 $0x1FFFFFF0, s7  }
0x450: {  	[tilespmem:s8], [sflag:$0x1] =	stream.linear.gather [hbm4b:s2+s1], $0x40, $0x38;
	[tilespmem:$0x8600] =	vst v63  }
0x451: {  	s18 =	simm.s32 $0x44C0;
	s0 =	sadd.s32 s4, s0;
	s14 =	spop (v2sf)  }
0x452: {  	(v2sf) =	vpush v61, $0x6;
	[tilespmem:s18], [sflag:$0x1] =	stream.strided.gather [hbm4b:s0+s10], $0x0, s11, s10, $0x38;
	[tilespmem:$0x8600] =	vst v63  }
0x453: {  	s2 =	sand.u32 $0x1FFFFFF0, s14  }
0x454: {  	[tilespmem:s18], [sflag:$0x1] =	stream.linear.gather [hbm4b:s0+s1], $0x40, $0x38;
	[tilespmem:$0x8600] =	vst v63  }
0x455: {  	s20 =	simm.s32 $0x500;
	s19 =	spop (v2sf);
	s2 =	sadd.s32 s3, s2  }
0x456: {  	(v2sf) =	vpush v63, $0x6;
	[tilespmem:s20], [sflag:$0x1] =	stream.strided.gather [hbm4b:s2+s10], $0x0, s11, s10, $0x38;
	[tilespmem:$0x8600] =	vst v63  }
0x457: {  	s0 =	sand.u32 $0x1FFFFFF0, s19  }
0x458: {  	[tilespmem:s20], [sflag:$0x1] =	stream.linear.gather [hbm4b:s2+s1], $0x40, $0x38;
	[tilespmem:$0x8600] =	vst v63  }
0x459: {  	s22 =	simm.s32 $0x4500;
	s0 =	sadd.s32 s4, s0;
	s21 =	spop (v2sf)  }
0x45a: {  	(v2sf) =	vpush v61, $0x7;
	[tilespmem:s22], [sflag:$0x1] =	stream.strided.gather [hbm4b:s0+s10], $0x0, s11, s10, $0x38;
	[tilespmem:$0x8600] =	vst v63  }
0x45b: {  	s2 =	sand.u32 $0x1FFFFFF0, s21  }
0x45c: {  	[tilespmem:s22], [sflag:$0x1] =	stream.linear.gather [hbm4b:s0+s1], $0x40, $0x38;
	[tilespmem:$0x8600] =	vst v63  }
0x45d: {  	s24 =	simm.s32 $0x540;
	s23 =	spop (v2sf);
	s2 =	sadd.s32 s3, s2  }
0x45e: {  	(v2sf) =	vpush v63, $0x7;
	[tilespmem:s24], [sflag:$0x1] =	stream.strided.gather [hbm4b:s2+s10], $0x0, s11, s10, $0x38;
	[tilespmem:$0x8600] =	vst v63  }
0x45f: {  	s0 =	sand.u32 $0x1FFFFFF0, s23  }
0x460: {  	[tilespmem:s24], [sflag:$0x1] =	stream.linear.gather [hbm4b:s2+s1], $0x40, $0x38;
	[tilespmem:$0x8600] =	vst v63  }
0x461: {  	s26 =	simm.s32 $0x4540;
	s25 =	spop (v2sf);
	s0 =	sadd.s32 s4, s0  }
0x462: {  	(v2sf) =	vpush v61, $0x8;
	[tilespmem:s26], [sflag:$0x1] =	stream.strided.gather [hbm4b:s0+s10], $0x0, s11, s10, $0x38;
	[tilespmem:$0x8600] =	vst v63  }
0x463: {  	s2 =	sand.u32 $0x1FFFFFF0, s25  }
0x464: {  	[tilespmem:s26], [sflag:$0x1] =	stream.linear.gather [hbm4b:s0+s1], $0x40, $0x38;
	[tilespmem:$0x8600] =	vst v63  }
0x465: {  	s29 =	simm.s32 $0x580;
	s28 =	spop (v2sf);
	s2 =	sadd.s32 s3, s2  }
0x466: {  	(v2sf) =	vpush v63, $0x8;
	[tilespmem:s29], [sflag:$0x1] =	stream.strided.gather [hbm4b:s2+s10], $0x0, s11, s10, $0x38;
	[tilespmem:$0x8600] =	vst v63  }
0x467: {  	s0 =	sand.u32 $0x1FFFFFF0, s28  }
0x468: {  	[tilespmem:s29], [sflag:$0x1] =	stream.linear.gather [hbm4b:s2+s1], $0x40, $0x38;
	[tilespmem:$0x8600] =	vst v63  }
0x469: {  	s31 =	simm.s32 $0x4580;
	s0 =	sadd.s32 s4, s0;
	s30 =	spop (v2sf)  }
0x46a: {  	(v2sf) =	vpush v61, $0x9;
	[tilespmem:s31], [sflag:$0x1] =	stream.strided.gather [hbm4b:s0+s10], $0x0, s11, s10, $0x38;
	[tilespmem:$0x8600] =	vst v63  }
0x46b: {  	s2 =	sand.u32 $0x1FFFFFF0, s30  }
0x46c: {  	[tilespmem:s31], [sflag:$0x1] =	stream.linear.gather [hbm4b:s0+s1], $0x40, $0x38;
	[tilespmem:$0x8600] =	vst v63  }
0x46d: {  	s6 =	simm.s32 $0x5C0;
	s5 =	spop (v2sf);
	s2 =	sadd.s32 s3, s2  }
0x46e: {  	(v2sf) =	vpush v63, $0x9;
	[tilespmem:s6], [sflag:$0x1] =	stream.strided.gather [hbm4b:s2+s10], $0x0, s11, s10, $0x38;
	[tilespmem:$0x8600] =	vst v63  }
0x46f: {  	s0 =	sand.u32 $0x1FFFFFF0, s5  }
0x470: {  	[tilespmem:s6], [sflag:$0x1] =	stream.linear.gather [hbm4b:s2+s1], $0x40, $0x38;
	[tilespmem:$0x8600] =	vst v63  }
0x471: {  	s8 =	simm.s32 $0x45C0;
	s7 =	spop (v2sf);
	s0 =	sadd.s32 s4, s0  }
0x472: {  	(v2sf) =	vpush v61, $0xA;
	[tilespmem:s8], [sflag:$0x1] =	stream.strided.gather [hbm4b:s0+s10], $0x0, s11, s10, $0x38;
	[tilespmem:$0x8600] =	vst v63  }
0x473: {  	s2 =	sand.u32 $0x1FFFFFF0, s7  }
0x474: {  	[tilespmem:s8], [sflag:$0x1] =	stream.linear.gather [hbm4b:s0+s1], $0x40, $0x38;
	[tilespmem:$0x8600] =	vst v63  }
0x475: {  	s18 =	simm.s32 $0x600;
	s14 =	spop (v2sf);
	s2 =	sadd.s32 s3, s2  }
0x476: {  	(v2sf) =	vpush v63, $0xA;
	[tilespmem:s18], [sflag:$0x1] =	stream.strided.gather [hbm4b:s2+s10], $0x0, s11, s10, $0x38;
	[tilespmem:$0x8600] =	vst v63  }
0x477: {  	s0 =	sand.u32 $0x1FFFFFF0, s14  }
0x478: {  	[tilespmem:s18], [sflag:$0x1] =	stream.linear.gather [hbm4b:s2+s1], $0x40, $0x38;
	[tilespmem:$0x8600] =	vst v63  }
0x479: {  	s20 =	simm.s32 $0x4600;
	s19 =	spop (v2sf);
	s0 =	sadd.s32 s4, s0  }
0x47a: {  	(v2sf) =	vpush v61, $0xB;
	[tilespmem:s20], [sflag:$0x1] =	stream.strided.gather [hbm4b:s0+s10], $0x0, s11, s10, $0x38;
	[tilespmem:$0x8600] =	vst v63  }
0x47b: {  	s2 =	sand.u32 $0x1FFFFFF0, s19  }
0x47c: {  	[tilespmem:s20], [sflag:$0x1] =	stream.linear.gather [hbm4b:s0+s1], $0x40, $0x38;
	[tilespmem:$0x8600] =	vst v63  }
0x47d: {  	s22 =	simm.s32 $0x640;
	s21 =	spop (v2sf);
	s2 =	sadd.s32 s3, s2  }
0x47e: {  	(v2sf) =	vpush v63, $0xB;
	[tilespmem:s22], [sflag:$0x1] =	stream.strided.gather [hbm4b:s2+s10], $0x0, s11, s10, $0x38;
	[tilespmem:$0x8600] =	vst v63  }
0x47f: {  	s0 =	sand.u32 $0x1FFFFFF0, s21  }
0x480: {  	[tilespmem:s22], [sflag:$0x1] =	stream.linear.gather [hbm4b:s2+s1], $0x40, $0x38;
	[tilespmem:$0x8600] =	vst v63  }
0x481: {  	s24 =	simm.s32 $0x4640;
	s23 =	spop (v2sf);
	s0 =	sadd.s32 s4, s0  }
0x482: {  	(v2sf) =	vpush v61, $0xC;
	[tilespmem:s24], [sflag:$0x1] =	stream.strided.gather [hbm4b:s0+s10], $0x0, s11, s10, $0x38;
	[tilespmem:$0x8600] =	vst v63  }
0x483: {  	s2 =	sand.u32 $0x1FFFFFF0, s23  }
0x484: {  	[tilespmem:s24], [sflag:$0x1] =	stream.linear.gather [hbm4b:s0+s1], $0x40, $0x38;
	[tilespmem:$0x8600] =	vst v63  }
0x485: {  	s26 =	simm.s32 $0x680;
	s25 =	spop (v2sf);
	s2 =	sadd.s32 s3, s2  }
0x486: {  	(v2sf) =	vpush v63, $0xC;
	[tilespmem:s26], [sflag:$0x1] =	stream.strided.gather [hbm4b:s2+s10], $0x0, s11, s10, $0x38;
	[tilespmem:$0x8600] =	vst v63  }
0x487: {  	s0 =	sand.u32 $0x1FFFFFF0, s25  }
0x488: {  	[tilespmem:s26], [sflag:$0x1] =	stream.linear.gather [hbm4b:s2+s1], $0x40, $0x38;
	[tilespmem:$0x8600] =	vst v63  }
0x489: {  	s29 =	simm.s32 $0x4680;
	s28 =	spop (v2sf);
	s0 =	sadd.s32 s4, s0  }
0x48a: {  	(v2sf) =	vpush v61, $0xD;
	[tilespmem:s29], [sflag:$0x1] =	stream.strided.gather [hbm4b:s0+s10], $0x0, s11, s10, $0x38;
	[tilespmem:$0x8600] =	vst v63  }
0x48b: {  	s2 =	sand.u32 $0x1FFFFFF0, s28  }
0x48c: {  	[tilespmem:s29], [sflag:$0x1] =	stream.linear.gather [hbm4b:s0+s1], $0x40, $0x38;
	[tilespmem:$0x8600] =	vst v63  }
0x48d: {  	s31 =	simm.s32 $0x6C0;
	s30 =	spop (v2sf);
	s2 =	sadd.s32 s3, s2  }
0x48e: {  	(v2sf) =	vpush v63, $0xD;
	[tilespmem:s31], [sflag:$0x1] =	stream.strided.gather [hbm4b:s2+s10], $0x0, s11, s10, $0x38;
	[tilespmem:$0x8600] =	vst v63  }
0x48f: {  	s0 =	sand.u32 $0x1FFFFFF0, s30  }
0x490: {  	[tilespmem:s31], [sflag:$0x1] =	stream.linear.gather [hbm4b:s2+s1], $0x40, $0x38;
	[tilespmem:$0x8600] =	vst v63  }
0x491: {  	s7 =	simm.s32 $0x46C0;
	s6 =	spop (v2sf);
	s0 =	sadd.s32 s4, s0  }
0x492: {  	(v2sf) =	vpush v61, $0xE;
	[tilespmem:s7], [sflag:$0x1] =	stream.strided.gather [hbm4b:s0+s10], $0x0, s11, s10, $0x38;
	[tilespmem:$0x8600] =	vst v63  }
0x493: {  	s2 =	sand.u32 $0x1FFFFFF0, s6  }
0x494: {  	[tilespmem:s7], [sflag:$0x1] =	stream.linear.gather [hbm4b:s0+s1], $0x40, $0x38;
	[tilespmem:$0x8600] =	vst v63  }
0x495: {  	s14 =	simm.s32 $0x700;
	s8 =	spop (v2sf);
	s2 =	sadd.s32 s3, s2  }
0x496: {  	(v2sf) =	vpush v63, $0xE;
	[tilespmem:s14], [sflag:$0x1] =	stream.strided.gather [hbm4b:s2+s10], $0x0, s11, s10, $0x38;
	[tilespmem:$0x8600] =	vst v63  }
0x497: {  	s0 =	sand.u32 $0x1FFFFFF0, s8  }
0x498: {  	[tilespmem:s14], [sflag:$0x1] =	stream.linear.gather [hbm4b:s2+s1], $0x40, $0x38;
	[tilespmem:$0x8600] =	vst v63  }
0x499: {  	s19 =	simm.s32 $0x4700;
	s18 =	spop (v2sf);
	s0 =	sadd.s32 s4, s0  }
0x49a: {  	(v2sf) =	vpush v61, $0xF;
	[tilespmem:s19], [sflag:$0x1] =	stream.strided.gather [hbm4b:s0+s10], $0x0, s11, s10, $0x38;
	[tilespmem:$0x8600] =	vst v63  }
0x49b: {  	s2 =	sand.u32 $0x1FFFFFF0, s18  }
0x49c: {  	[tilespmem:s19], [sflag:$0x1] =	stream.linear.gather [hbm4b:s0+s1], $0x40, $0x38;
	[tilespmem:$0x8600] =	vst v63  }
0x49d: {  	s21 =	simm.s32 $0x740;
	s20 =	spop (v2sf);
	s2 =	sadd.s32 s3, s2  }
0x49e: {  	(v2sf) =	vpush v63, $0xF;
	[tilespmem:s21], [sflag:$0x1] =	stream.strided.gather [hbm4b:s2+s10], $0x0, s11, s10, $0x38;
	[tilespmem:$0x8600] =	vst v63  }
0x49f: {  	s0 =	sand.u32 $0x1FFFFFF0, s20  }
0x4a0: {  	[tilespmem:s21], [sflag:$0x1] =	stream.linear.gather [hbm4b:s2+s1], $0x40, $0x38;
	[tilespmem:$0x8600] =	vst v63  }
0x4a1: {  	s23 =	simm.s32 $0x4740;
	s22 =	spop (v2sf);
	s0 =	sadd.s32 s4, s0  }
0x4a2: {  	[tilespmem:s23], [sflag:$0x1] =	stream.strided.gather [hbm4b:s0+s10], $0x0, s11, s10, $0x38;
	[tilespmem:$0x8600] =	vst v63  }
0x4a3: {  	s2 =	sand.u32 $0x1FFFFFF0, s22  }
0x4a4: {  	[tilespmem:s23], [sflag:$0x1] =	stream.linear.gather [hbm4b:s0+s1], $0x40, $0x38;
	[tilespmem:$0x8600] =	vst v63  }
0x4a5: {  	s25 =	simm.s32 $0x780;
	s24 =	spop (v2sf);
	s2 =	sadd.s32 s3, s2  }
0x4a6: {  	[tilespmem:s25], [sflag:$0x1] =	stream.strided.gather [hbm4b:s2+s10], $0x0, s11, s10, $0x38;
	[tilespmem:$0x8600] =	vst v63  }
0x4a7: {  	s0 =	sand.u32 $0x1FFFFFF0, s24  }
0x4a8: {  	[tilespmem:s25], [sflag:$0x1] =	stream.linear.gather [hbm4b:s2+s1], $0x40, $0x38;
	[tilespmem:$0x8600] =	vst v63  }
0x4a9: {  	s28 =	simm.s32 $0x4780;
	s26 =	spop (v2sf);
	s0 =	sadd.s32 s4, s0  }
0x4aa: {  	[tilespmem:s28], [sflag:$0x1] =	stream.strided.gather [hbm4b:s0+s10], $0x0, s11, s10, $0x38;
	[tilespmem:$0x8600] =	vst v63  }
0x4ab: {  	s2 =	sand.u32 $0x1FFFFFF0, s26  }
0x4ac: {  	[tilespmem:s28], [sflag:$0x1] =	stream.linear.gather [hbm4b:s0+s1], $0x40, $0x38;
	[tilespmem:$0x8600] =	vst v63  }
0x4ad: {  	[tilespmem:$0x1FC00] =	vst v29;
	s30 =	simm.s32 $0x7C0;
	s29 =	spop (v2sf);
	s2 =	sadd.s32 s3, s2  }
0x4ae: {  	[tilespmem:s30], [sflag:$0x1] =	stream.strided.gather [hbm4b:s2+s10], $0x0, s11, s10, $0x38;
	[tilespmem:$0x8600] =	vst v63  }
0x4af: {  	[tilespmem:$0x1FC10] =	vst v26;
	s31 =	sand.u32 $0x1FFFFFF0, s29  }
0x4b0: {  	[tilespmem:s30], [sflag:$0x1] =	stream.linear.gather [hbm4b:s2+s1], $0x40, $0x38;
	[tilespmem:$0x8600] =	vst v63  }
0x4b1: {  	[tilespmem:$0x1FC20] =	vst v30;
	s18 =	simm.s32 $0x1000;
	s0 =	simm.s32 $0x47C0;
	s2 =	sadd.s32 s4, s31  }
0x4b2: {  	[tilespmem:s0], [sflag:$0x1] =	stream.strided.gather [hbm4b:s2+s10], $0x0, s11, s10, $0x38;
	[tilespmem:$0x8600] =	vst v63  }
.LBB2_6:
0x4b3: {  	p0 =	sne.s32 s18, $0xF000;
	s16 =	sadd.s32 $0x10, s16;
	s17 =	sadd.s32 $0x10, s17  }
0x4b4: {  	[tilespmem:s0], [sflag:$0x1] =	stream.linear.gather [hbm4b:s2+s1], $0x40, $0x38;
	[tilespmem:$0x8600] =	vst v63  }
0x4b5: {  	s0 =	smov.u32 s18;
	s18 =	sadd.s32 $0x1000, s18;
	v0 =	vld [tilespmem:s16+$0x0];
	_ =	sdelay $0x3  }
0x4b6: {  	v3 =	vld [tilespmem:s17+$0x0]  }
0x4b7: {  	v2 =	vshll.u32 v0, $0x4  }
0x4b8: {  	(v2sf) =	vpush v2, $0x0  }
0x4b9: {  	(v2sf) =	vpush v2, $0x1  }
0x4ba: {  	(v2sf) =	vpush v2, $0x2  }
0x4bb: {  	v3 =	vshll.u32 v3, $0x4  }
0x4bc: {  	(v2sf) =	vpush v3, $0x0;
	_ =	sdelay $0x1  }
0x4bd: {  	(v2sf) =	vpush v3, $0x1  }
0x4be: {  	(v2sf) =	vpush v3, $0x2;
	_ =	sdelay $0x3  }
0x4bf: {  	(v2sf) =	vpush v2, $0x3;
	_ =	sdelay $0x3  }
0x4c0: {  	s2 =	spop (v2sf);
	(v2sf) =	vpush v3, $0x3  }
0x4c1: {  	s19 =	sshra.s32 s0, $0x2;
	s0 =	sand.u32 $0x1FFFFFF0, s2;
	s2 =	spop (v2sf)  }
0x4c2: {  	s5 =	sadd.s32 $0x400, s19;
	s0 =	sadd.s32 s3, s0;
	s6 =	spop (v2sf)  }
0x4c3: {  	[tilespmem:s5], [sflag:$0x1] =	stream.strided.gather [hbm4b:s0+s10], $0x0, s11, s10, $0x38;
	[tilespmem:$0x8600] =	vst v63  }
0x4c4: {  	s2 =	sand.u32 $0x1FFFFFF0, s2;
	s6 =	sand.u32 $0x1FFFFFF0, s6;
	s7 =	spop (v2sf);
	(v2sf) =	vpush v2, $0x4  }
0x4c5: {  	[tilespmem:s5], [sflag:$0x1] =	stream.linear.gather [hbm4b:s0+s1], $0x40, $0x38;
	[tilespmem:$0x8600] =	vst v63  }
0x4c6: {  	s0 =	sadd.s32 $0x4400, s19;
	s5 =	sand.u32 $0x1FFFFFF0, s7;
	s7 =	spop (v2sf);
	(v2sf) =	vpush v3, $0x4  }
0x4c7: {  	s5 =	sadd.s32 s4, s5;
	s7 =	sand.u32 $0x1FFFFFF0, s7;
	s8 =	spop (v2sf)  }
0x4c8: {  	[tilespmem:s0], [sflag:$0x1] =	stream.strided.gather [hbm4b:s5+s10], $0x0, s11, s10, $0x38;
	(v2sf) =	vpush v2, $0x5;
	[tilespmem:$0x8600] =	vst v63  }
0x4c9: {  	s14 =	sadd.s32 $0x440, s19;
	s2 =	sadd.s32 s3, s2;
	s8 =	sand.u32 $0x1FFFFFF0, s8  }
0x4ca: {  	[tilespmem:s0], [sflag:$0x1] =	stream.linear.gather [hbm4b:s5+s1], $0x40, $0x38;
	(v2sf) =	vpush v3, $0x5;
	[tilespmem:$0x8600] =	vst v63  }
0x4cb: {  	s0 =	spop (v2sf)  }
0x4cc: {  	[tilespmem:s14], [sflag:$0x1] =	stream.strided.gather [hbm4b:s2+s10], $0x0, s11, s10, $0x38;
	(v2sf) =	vpush v2, $0x6;
	[tilespmem:$0x8600] =	vst v63  }
0x4cd: {  	s7 =	sadd.s32 s4, s7;
	s5 =	sadd.s32 $0x4440, s19;
	s0 =	sand.u32 $0x1FFFFFF0, s0  }
0x4ce: {  	[tilespmem:s14], [sflag:$0x1] =	stream.linear.gather [hbm4b:s2+s1], $0x40, $0x38;
	(v2sf) =	vpush v3, $0x6;
	[tilespmem:$0x8600] =	vst v63  }
0x4cf: {  	s2 =	spop (v2sf)  }
0x4d0: {  	[tilespmem:s5], [sflag:$0x1] =	stream.strided.gather [hbm4b:s7+s10], $0x0, s11, s10, $0x38;
	(v2sf) =	vpush v2, $0x7;
	[tilespmem:$0x8600] =	vst v63  }
0x4d1: {  	s6 =	sadd.s32 s3, s6;
	s14 =	sadd.s32 $0x480, s19;
	s20 =	sand.u32 $0x1FFFFFF0, s2  }
0x4d2: {  	[tilespmem:s5], [sflag:$0x1] =	stream.linear.gather [hbm4b:s7+s1], $0x40, $0x38;
	(v2sf) =	vpush v3, $0x7;
	[tilespmem:$0x8600] =	vst v63  }
0x4d3: {  	s2 =	spop (v2sf)  }
0x4d4: {  	[tilespmem:s14], [sflag:$0x1] =	stream.strided.gather [hbm4b:s6+s10], $0x0, s11, s10, $0x38;
	(v2sf) =	vpush v2, $0x8;
	[tilespmem:$0x8600] =	vst v63  }
0x4d5: {  	s5 =	sadd.s32 $0x4480, s19;
	s7 =	sadd.s32 s4, s8;
	s8 =	spop (v2sf)  }
0x4d6: {  	[tilespmem:s14], [sflag:$0x1] =	stream.linear.gather [hbm4b:s6+s1], $0x40, $0x38;
	(v2sf) =	vpush v3, $0x8;
	[tilespmem:$0x8600] =	vst v63  }
0x4d7: {  	s6 =	sand.u32 $0x1FFFFFF0, s2;
	s8 =	sand.u32 $0x1FFFFFF0, s8;
	s2 =	spop (v2sf)  }
0x4d8: {  	[tilespmem:s5], [sflag:$0x1] =	stream.strided.gather [hbm4b:s7+s10], $0x0, s11, s10, $0x38;
	(v2sf) =	vpush v2, $0x9;
	[tilespmem:$0x8600] =	vst v63  }
0x4d9: {  	s0 =	sadd.s32 s3, s0;
	s14 =	sadd.s32 $0x4C0, s19;
	s21 =	spop (v2sf)  }
0x4da: {  	[tilespmem:s5], [sflag:$0x1] =	stream.linear.gather [hbm4b:s7+s1], $0x40, $0x38;
	(v2sf) =	vpush v3, $0x9;
	[tilespmem:$0x8600] =	vst v63  }
0x4db: {  	s5 =	sand.u32 $0x1FFFFFF0, s2;
	s2 =	sand.u32 $0x1FFFFFF0, s21;
	s7 =	spop (v2sf)  }
0x4dc: {  	[tilespmem:s14], [sflag:$0x1] =	stream.strided.gather [hbm4b:s0+s10], $0x0, s11, s10, $0x38;
	(v2sf) =	vpush v2, $0xA;
	[tilespmem:$0x8600] =	vst v63  }
0x4dd: {  	s20 =	sadd.s32 s4, s20;
	s21 =	sadd.s32 $0x44C0, s19;
	s22 =	spop (v2sf)  }
0x4de: {  	[tilespmem:s14], [sflag:$0x1] =	stream.linear.gather [hbm4b:s0+s1], $0x40, $0x38;
	(v2sf) =	vpush v3, $0xA;
	[tilespmem:$0x8600] =	vst v63  }
0x4df: {  	s24 =	sand.u32 $0x1FFFFFF0, s7;
	s22 =	sand.u32 $0x1FFFFFF0, s22;
	s0 =	spop (v2sf)  }
0x4e0: {  	[tilespmem:s21], [sflag:$0x1] =	stream.strided.gather [hbm4b:s20+s10], $0x0, s11, s10, $0x38;
	(v2sf) =	vpush v2, $0xB;
	[tilespmem:$0x8600] =	vst v63  }
0x4e1: {  	s6 =	sadd.s32 s3, s6;
	s7 =	sadd.s32 $0x500, s19;
	s14 =	spop (v2sf)  }
0x4e2: {  	[tilespmem:s21], [sflag:$0x1] =	stream.linear.gather [hbm4b:s20+s1], $0x40, $0x38;
	(v2sf) =	vpush v3, $0xB;
	[tilespmem:$0x8600] =	vst v63  }
0x4e3: {  	s23 =	sand.u32 $0x1FFFFFF0, s0;
	s20 =	sand.u32 $0x1FFFFFF0, s14;
	s0 =	spop (v2sf)  }
0x4e4: {  	[tilespmem:s7], [sflag:$0x1] =	stream.strided.gather [hbm4b:s6+s10], $0x0, s11, s10, $0x38;
	(v2sf) =	vpush v2, $0xC;
	[tilespmem:$0x8600] =	vst v63  }
0x4e5: {  	s8 =	sadd.s32 s4, s8;
	s14 =	sadd.s32 $0x4500, s19;
	s25 =	spop (v2sf)  }
0x4e6: {  	[tilespmem:s7], [sflag:$0x1] =	stream.linear.gather [hbm4b:s6+s1], $0x40, $0x38;
	(v2sf) =	vpush v3, $0xC;
	[tilespmem:$0x8600] =	vst v63  }
0x4e7: {  	s21 =	sand.u32 $0x1FFFFFF0, s0;
	s0 =	sand.u32 $0x1FFFFFF0, s25;
	s6 =	spop (v2sf)  }
0x4e8: {  	[tilespmem:s14], [sflag:$0x1] =	stream.strided.gather [hbm4b:s8+s10], $0x0, s11, s10, $0x38;
	(v2sf) =	vpush v2, $0xD;
	[tilespmem:$0x8600] =	vst v63  }
0x4e9: {  	s7 =	sadd.s32 $0x540, s19;
	s25 =	sadd.s32 s3, s5;
	s26 =	spop (v2sf)  }
0x4ea: {  	[tilespmem:s14], [sflag:$0x1] =	stream.linear.gather [hbm4b:s8+s1], $0x40, $0x38;
	(v2sf) =	vpush v3, $0xD;
	[tilespmem:$0x8600] =	vst v63  }
0x4eb: {  	s5 =	sand.u32 $0x1FFFFFF0, s6;
	s31 =	sand.u32 $0x1FFFFFF0, s26;
	s6 =	spop (v2sf)  }
0x4ec: {  	[tilespmem:s7], [sflag:$0x1] =	stream.strided.gather [hbm4b:s25+s10], $0x0, s11, s10, $0x38;
	(v2sf) =	vpush v2, $0xE;
	[tilespmem:$0x8600] =	vst v63  }
0x4ed: {  	s2 =	sadd.s32 s4, s2;
	s8 =	sadd.s32 $0x4540, s19;
	s26 =	spop (v2sf)  }
0x4ee: {  	[tilespmem:s7], [sflag:$0x1] =	stream.linear.gather [hbm4b:s25+s1], $0x40, $0x38;
	[tilespmem:$0x8600] =	vst v63  }
0x4ef: {  	s14 =	sand.u32 $0x1FFFFFF0, s6;
	s29 =	sand.u32 $0x1FFFFFF0, s26;
	s6 =	spop (v2sf)  }
0x4f0: {  	[tilespmem:s8], [sflag:$0x1] =	stream.strided.gather [hbm4b:s2+s10], $0x0, s11, s10, $0x38;
	(v2sf) =	vpush v3, $0xE;
	[tilespmem:$0x8600] =	vst v63  }
0x4f1: {  	s24 =	sadd.s32 s3, s24;
	s7 =	sadd.s32 $0x580, s19;
	s25 =	spop (v2sf)  }
0x4f2: {  	[tilespmem:s8], [sflag:$0x1] =	stream.linear.gather [hbm4b:s2+s1], $0x40, $0x38;
	(v2sf) =	vpush v2, $0xF;
	[tilespmem:$0x8600] =	vst v63  }
0x4f3: {  	s2 =	sand.u32 $0x1FFFFFF0, s6;
	s26 =	sand.u32 $0x1FFFFFF0, s25;
	s6 =	spop (v2sf)  }
0x4f4: {  	[tilespmem:s7], [sflag:$0x1] =	stream.strided.gather [hbm4b:s24+s10], $0x0, s11, s10, $0x38;
	(v2sf) =	vpush v3, $0xF;
	[tilespmem:$0x8600] =	vst v63  }
0x4f5: {  	s22 =	sadd.s32 s4, s22;
	s8 =	sadd.s32 $0x4580, s19;
	s25 =	spop (v2sf)  }
0x4f6: {  	[tilespmem:s7], [sflag:$0x1] =	stream.linear.gather [hbm4b:s24+s1], $0x40, $0x38;
	[tilespmem:$0x8600] =	vst v63  }
0x4f7: {  	s30 =	sand.u32 $0x1FFFFFF0, s6;
	s25 =	sand.u32 $0x1FFFFFF0, s25;
	s6 =	spop (v2sf)  }
0x4f8: {  	[tilespmem:s8], [sflag:$0x1] =	stream.strided.gather [hbm4b:s22+s10], $0x0, s11, s10, $0x38;
	[tilespmem:$0x8600] =	vst v63  }
0x4f9: {  	s23 =	sadd.s32 s3, s23;
	s7 =	sadd.s32 $0x5C0, s19;
	s24 =	spop (v2sf)  }
0x4fa: {  	[tilespmem:s8], [sflag:$0x1] =	stream.linear.gather [hbm4b:s22+s1], $0x40, $0x38;
	[tilespmem:$0x8600] =	vst v63  }
0x4fb: {  	s28 =	sand.u32 $0x1FFFFFF0, s6;
	s24 =	sand.u32 $0x1FFFFFF0, s24;
	s6 =	spop (v2sf)  }
0x4fc: {  	[tilespmem:s7], [sflag:$0x1] =	stream.strided.gather [hbm4b:s23+s10], $0x0, s11, s10, $0x38;
	[tilespmem:$0x8600] =	vst v63  }
0x4fd: {  	s20 =	sadd.s32 s4, s20;
	s8 =	sadd.s32 $0x45C0, s19;
	s22 =	sand.u32 $0x1FFFFFF0, s6  }
0x4fe: {  	[tilespmem:s7], [sflag:$0x1] =	stream.linear.gather [hbm4b:s23+s1], $0x40, $0x38;
	[tilespmem:$0x8600] =	vst v63  }
0x4ff: {  	s23 =	spop (v2sf)  }
0x500: {  	[tilespmem:s8], [sflag:$0x1] =	stream.strided.gather [hbm4b:s20+s10], $0x0, s11, s10, $0x38;
	[tilespmem:$0x8600] =	vst v63  }
0x501: {  	s6 =	sadd.s32 $0x600, s19;
	s7 =	sadd.s32 s3, s21;
	s21 =	spop (v2sf)  }
0x502: {  	[tilespmem:s8], [sflag:$0x1] =	stream.linear.gather [hbm4b:s20+s1], $0x40, $0x38;
	[tilespmem:$0x8600] =	vst v63  }
0x503: {  	s21 =	sand.u32 $0x1FFFFFF0, s21;
	s20 =	spop (v2sf)  }
0x504: {  	[tilespmem:s6], [sflag:$0x1] =	stream.strided.gather [hbm4b:s7+s10], $0x0, s11, s10, $0x38;
	[tilespmem:$0x8600] =	vst v63  }
0x505: {  	s0 =	sadd.s32 s4, s0;
	s8 =	sadd.s32 $0x4600, s19  }
0x506: {  	[tilespmem:s6], [sflag:$0x1] =	stream.linear.gather [hbm4b:s7+s1], $0x40, $0x38;
	[tilespmem:$0x8600] =	vst v63  }
0x507: {  	_ = 	snop  }
0x508: {  	[tilespmem:s8], [sflag:$0x1] =	stream.strided.gather [hbm4b:s0+s10], $0x0, s11, s10, $0x38;
	[tilespmem:$0x8600] =	vst v63  }
0x509: {  	s5 =	sadd.s32 s3, s5;
	s6 =	sadd.s32 $0x640, s19  }
0x50a: {  	[tilespmem:s8], [sflag:$0x1] =	stream.linear.gather [hbm4b:s0+s1], $0x40, $0x38;
	[tilespmem:$0x8600] =	vst v63  }
0x50b: {  	_ = 	snop  }
0x50c: {  	[tilespmem:s6], [sflag:$0x1] =	stream.strided.gather [hbm4b:s5+s10], $0x0, s11, s10, $0x38;
	[tilespmem:$0x8600] =	vst v63  }
0x50d: {  	s7 =	sadd.s32 s4, s31;
	s0 =	sadd.s32 $0x4640, s19  }
0x50e: {  	[tilespmem:s6], [sflag:$0x1] =	stream.linear.gather [hbm4b:s5+s1], $0x40, $0x38;
	[tilespmem:$0x8600] =	vst v63  }
0x50f: {  	_ = 	snop  }
0x510: {  	[tilespmem:s0], [sflag:$0x1] =	stream.strided.gather [hbm4b:s7+s10], $0x0, s11, s10, $0x38;
	[tilespmem:$0x8600] =	vst v63  }
0x511: {  	s5 =	sadd.s32 $0x680, s19;
	s6 =	sadd.s32 s3, s14  }
0x512: {  	[tilespmem:s0], [sflag:$0x1] =	stream.linear.gather [hbm4b:s7+s1], $0x40, $0x38;
	[tilespmem:$0x8600] =	vst v63  }
0x513: {  	_ = 	snop  }
0x514: {  	[tilespmem:s5], [sflag:$0x1] =	stream.strided.gather [hbm4b:s6+s10], $0x0, s11, s10, $0x38;
	[tilespmem:$0x8600] =	vst v63  }
0x515: {  	s0 =	sadd.s32 $0x4680, s19;
	s7 =	sadd.s32 s4, s29  }
0x516: {  	[tilespmem:s5], [sflag:$0x1] =	stream.linear.gather [hbm4b:s6+s1], $0x40, $0x38;
	[tilespmem:$0x8600] =	vst v63  }
0x517: {  	_ = 	snop  }
0x518: {  	[tilespmem:s0], [sflag:$0x1] =	stream.strided.gather [hbm4b:s7+s10], $0x0, s11, s10, $0x38;
	[tilespmem:$0x8600] =	vst v63  }
0x519: {  	s2 =	sadd.s32 s3, s2;
	s5 =	sadd.s32 $0x6C0, s19  }
0x51a: {  	[tilespmem:s0], [sflag:$0x1] =	stream.linear.gather [hbm4b:s7+s1], $0x40, $0x38;
	[tilespmem:$0x8600] =	vst v63  }
0x51b: {  	_ = 	snop  }
0x51c: {  	[tilespmem:s5], [sflag:$0x1] =	stream.strided.gather [hbm4b:s2+s10], $0x0, s11, s10, $0x38;
	[tilespmem:$0x8600] =	vst v63  }
0x51d: {  	s6 =	sadd.s32 s4, s26;
	s0 =	sadd.s32 $0x46C0, s19  }
0x51e: {  	[tilespmem:s5], [sflag:$0x1] =	stream.linear.gather [hbm4b:s2+s1], $0x40, $0x38;
	[tilespmem:$0x8600] =	vst v63  }
0x51f: {  	_ = 	snop  }
0x520: {  	[tilespmem:s0], [sflag:$0x1] =	stream.strided.gather [hbm4b:s6+s10], $0x0, s11, s10, $0x38;
	[tilespmem:$0x8600] =	vst v63  }
0x521: {  	s2 =	sadd.s32 $0x700, s19;
	s5 =	sadd.s32 s3, s30  }
0x522: {  	[tilespmem:s0], [sflag:$0x1] =	stream.linear.gather [hbm4b:s6+s1], $0x40, $0x38;
	[tilespmem:$0x8600] =	vst v63  }
0x523: {  	_ = 	snop  }
0x524: {  	[tilespmem:s2], [sflag:$0x1] =	stream.strided.gather [hbm4b:s5+s10], $0x0, s11, s10, $0x38;
	[tilespmem:$0x8600] =	vst v63  }
0x525: {  	s0 =	sadd.s32 $0x4700, s19;
	s6 =	sadd.s32 s4, s25  }
0x526: {  	[tilespmem:s2], [sflag:$0x1] =	stream.linear.gather [hbm4b:s5+s1], $0x40, $0x38;
	[tilespmem:$0x8600] =	vst v63  }
0x527: {  	_ = 	snop  }
0x528: {  	[tilespmem:s0], [sflag:$0x1] =	stream.strided.gather [hbm4b:s6+s10], $0x0, s11, s10, $0x38;
	[tilespmem:$0x8600] =	vst v63  }
0x529: {  	s2 =	sadd.s32 $0x740, s19;
	s5 =	sadd.s32 s3, s28  }
0x52a: {  	[tilespmem:s0], [sflag:$0x1] =	stream.linear.gather [hbm4b:s6+s1], $0x40, $0x38;
	[tilespmem:$0x8600] =	vst v63  }
0x52b: {  	_ = 	snop  }
0x52c: {  	[tilespmem:s2], [sflag:$0x1] =	stream.strided.gather [hbm4b:s5+s10], $0x0, s11, s10, $0x38;
	[tilespmem:$0x8600] =	vst v63  }
0x52d: {  	s0 =	sadd.s32 $0x4740, s19;
	s6 =	sadd.s32 s4, s24  }
0x52e: {  	[tilespmem:s2], [sflag:$0x1] =	stream.linear.gather [hbm4b:s5+s1], $0x40, $0x38;
	[tilespmem:$0x8600] =	vst v63  }
0x52f: {  	_ = 	snop  }
0x530: {  	[tilespmem:s0], [sflag:$0x1] =	stream.strided.gather [hbm4b:s6+s10], $0x0, s11, s10, $0x38;
	[tilespmem:$0x8600] =	vst v63  }
0x531: {  	s2 =	sadd.s32 $0x780, s19;
	s5 =	sadd.s32 s3, s22  }
0x532: {  	[tilespmem:s0], [sflag:$0x1] =	stream.linear.gather [hbm4b:s6+s1], $0x40, $0x38;
	[tilespmem:$0x8600] =	vst v63  }
0x533: {  	s0 =	sand.u32 $0x1FFFFFF0, s23  }
0x534: {  	[tilespmem:s2], [sflag:$0x1] =	stream.strided.gather [hbm4b:s5+s10], $0x0, s11, s10, $0x38;
	[tilespmem:$0x8600] =	vst v63  }
0x535: {  	s6 =	sadd.s32 $0x4780, s19;
	s0 =	sadd.s32 s4, s0  }
0x536: {  	[tilespmem:s2], [sflag:$0x1] =	stream.linear.gather [hbm4b:s5+s1], $0x40, $0x38;
	[tilespmem:$0x8600] =	vst v63  }
0x537: {  	_ = 	snop  }
0x538: {  	[tilespmem:s6], [sflag:$0x1] =	stream.strided.gather [hbm4b:s0+s10], $0x0, s11, s10, $0x38;
	[tilespmem:$0x8600] =	vst v63  }
0x539: {  	s7 =	sadd.s32 s3, s21;
	s5 =	sadd.s32 $0x7C0, s19  }
0x53a: {  	[tilespmem:s6], [sflag:$0x1] =	stream.linear.gather [hbm4b:s0+s1], $0x40, $0x38;
	[tilespmem:$0x8600] =	vst v63  }
0x53b: {  	s2 =	sand.u32 $0x1FFFFFF0, s20  }
0x53c: {  	[tilespmem:s5], [sflag:$0x1] =	stream.strided.gather [hbm4b:s7+s10], $0x0, s11, s10, $0x38;
	[tilespmem:$0x8600] =	vst v63  }
.Ltmp2:
0x53d: {  	_ = 	snop;
	(pc) =	sbr.rel @p0 .LBB2_6-.Ltmp2, $4  }
0x53e: {  	s2 =	sadd.s32 s4, s2;
	s0 =	sadd.s32 $0x47C0, s19  }
0x53f: {  	[tilespmem:s5], [sflag:$0x1] =	stream.linear.gather [hbm4b:s7+s1], $0x40, $0x38;
	[tilespmem:$0x8600] =	vst v63  }
0x540: {  	_ = 	snop  }
0x541: {  	[tilespmem:s0], [sflag:$0x1] =	stream.strided.gather [hbm4b:s2+s10], $0x0, s11, s10, $0x38;
	[tilespmem:$0x8600] =	vst v63  }
0x542: {  	[tilespmem:s0], [sflag:$0x1] =	stream.linear.gather [hbm4b:s2+s1], $0x40, $0x38;
	[tilespmem:$0x8600] =	vst v63  }
0x543: {  	_ =	swait.ge [sflag:s12], $0x4000  }
0x544: {  	v1 =	vld [tilespmem:$0x1FC70];
	_ =	sdelay $0x1  }
0x545: {  	s16 =	simm.s32 $0x0;
	[sflag:s12] =	ssyncset.done $0x0  }
0x546: {  	v0 =	vmov s16;
	[sflag:s12] =	ssyncadd.s32 $0xFFFFC000  }
0x547: {  	v0 =	vshll.u32 v0, $0x7;
	_ =	swait.ge [sflag:s12], $0x4000  }
0x548: {  	v2 =	vor.u32 v1, v0;
	v1 =	vld [tilespmem:$0x1FC80];
	_ =	sdelay $0x4  }
0x549: {  	v30 =	vmov v1;
	v3 =	vor.u32 v1, v2;
	v1 =	vld [tilespmem:$0x1FC90];
	_ =	sdelay $0x4  }
0x54a: {  	v31 =	vmov v1;
	v4 =	vor.u32 v1, v2;
	v1 =	vld [tilespmem:$0x1FCA0];
	_ =	sdelay $0x4  }
0x54b: {  	v32 =	vmov v1;
	v6 =	vor.u32 v1, v2;
	v1 =	vld [tilespmem:$0x1FCB0];
	_ =	sdelay $0x4  }
0x54c: {  	v33 =	vmov v1;
	v8 =	vor.u32 v1, v2;
	v1 =	vld [tilespmem:$0x1FCC0];
	_ =	sdelay $0x4  }
0x54d: {  	v34 =	vmov v1;
	v10 =	vor.u32 v1, v2;
	v1 =	vld [tilespmem:$0x1FCD0];
	_ =	sdelay $0x4  }
0x54e: {  	v35 =	vmov v1;
	v47 =	vor.u32 v1, v2;
	v1 =	vld [tilespmem:$0x1FCE0];
	_ =	sdelay $0x2  }
0x54f: {  	v0 =	vor.u32 v13, v2;
	_ =	sdelay $0x1  }
0x550: {  	v36 =	vmov v1;
	v49 =	vor.u32 v1, v2;
	v1 =	vld [tilespmem:$0x1FCF0]  }
0x551: {  	[sflag:s12] =	ssyncset.done $0x0  }
0x552: {  	[sflag:s12] =	ssyncadd.s32 $0xFFFFC000  }
0x553: {  	v5 =	vld.idx.msk [tilespmem:v0+s13+$0x0], $0xffff  }
0x554: {  	v0 =	vld.idx.msk [tilespmem:v0+s11+$0x0], $0xffff  }
0x555: {  	v37 =	vmov v1;
	v51 =	vor.u32 v1, v2;
	v1 =	vld [tilespmem:$0x1FD00]  }
0x556: {  	v7 =	vld.idx.msk [tilespmem:v3+s11+$0x0], $0xffff  }
0x557: {  	v3 =	vld.idx.msk [tilespmem:v3+s13+$0x0], $0xffff  }
0x558: {  	v12 =	vld.idx.msk [tilespmem:v8+s11+$0x0], $0xffff  }
0x559: {  	v48 =	vld.idx.msk [tilespmem:v8+s13+$0x0], $0xffff  }
0x55a: {  	v38 =	vmov v1;
	v53 =	vor.u32 v1, v2;
	v1 =	vld [tilespmem:$0x1FD10];
	_ =	sdelay $0x1  }
0x55b: {  	v0 =	vmul.f32 v5, v0;
	v9 =	vld.idx.msk [tilespmem:v4+s11+$0x0], $0xffff  }
0x55c: {  	v4 =	vld.idx.msk [tilespmem:v4+s13+$0x0], $0xffff  }
0x55d: {  	v0 =	vadd.f32 $0.0e+00, v0;
	v11 =	vld.idx.msk [tilespmem:v6+s11+$0x0], $0xffff  }
0x55e: {  	v3 =	vmul.f32 v3, v7;
	v7 =	vmul.f32 v48, v12;
	v39 =	vmovc v1;
	v12 =	vor.u32 v1, v2;
	v1 =	vld [tilespmem:$0x1FD20]  }
0x55f: {  	v46 =	vld.idx.msk [tilespmem:v6+s13+$0x0], $0xffff  }
0x560: {  	v0 =	vadd.f32 v3, v0;
	v3 =	vld.idx.msk [tilespmem:v10+s11+$0x0], $0xffff  }
0x561: {  	v50 =	vld.idx.msk [tilespmem:v10+s13+$0x0], $0xffff  }
0x562: {  	v52 =	vld.idx.msk [tilespmem:v47+s11+$0x0], $0xffff  }
0x563: {  	v41 =	vmov v1;
	v59 =	vor.u32 v1, v2;
	v1 =	vld [tilespmem:$0x1FD30]  }
0x564: {  	v4 =	vmul.f32 v4, v9;
	v6 =	vld.idx.msk [tilespmem:v47+s13+$0x0], $0xffff  }
0x565: {  	v54 =	vld.idx.msk [tilespmem:v49+s11+$0x0], $0xffff  }
0x566: {  	v0 =	vadd.f32 v4, v0;
	v5 =	vmul.f32 v46, v11;
	v60 =	vld.idx.msk [tilespmem:v12+s11+$0x0], $0xffff  }
0x567: {  	v61 =	vld.idx.msk [tilespmem:v12+s13+$0x0], $0xffff  }
0x568: {  	v0 =	vadd.f32 v5, v0;
	v40 =	vmov v1;
	v12 =	vor.u32 v1, v2;
	v1 =	vld [tilespmem:$0x1FD40]  }
0x569: {  	v8 =	vld.idx.msk [tilespmem:v49+s13+$0x0], $0xffff  }
0x56a: {  	v0 =	vadd.f32 v7, v0;
	v3 =	vmul.f32 v50, v3;
	v55 =	vld.idx.msk [tilespmem:v51+s11+$0x0], $0xffff  }
0x56b: {  	v56 =	vld.idx.msk [tilespmem:v51+s13+$0x0], $0xffff  }
0x56c: {  	v0 =	vadd.f32 v3, v0;
	v3 =	vld.idx.msk [tilespmem:v53+s11+$0x0], $0xffff  }
0x56d: {  	v4 =	vmul.f32 v6, v52;
	v43 =	vmov v1;
	v48 =	vor.u32 v1, v2;
	v1 =	vld [tilespmem:$0x1FD50]  }
0x56e: {  	v58 =	vld.idx.msk [tilespmem:v53+s13+$0x0], $0xffff  }
0x56f: {  	v0 =	vadd.f32 v4, v0;
	v5 =	vmul.f32 v8, v54;
	_ =	sdelay $0x1  }
0x570: {  	v0 =	vadd.f32 v5, v0;
	v7 =	vmul.f32 v56, v55  }
0x571: {  	v42 =	vmov v1;
	v51 =	vor.u32 v1, v2;
	v1 =	vld [tilespmem:$0x1FD60]  }
0x572: {  	v0 =	vadd.f32 v7, v0;
	v3 =	vmul.f32 v58, v3  }
0x573: {  	v26 =	vld [tilespmem:$0x1FC40]  }
0x574: {  	v0 =	vadd.f32 v3, v0;
	v3 =	vld.idx.msk [tilespmem:v12+s11+$0x0], $0xffff  }
0x575: {  	v52 =	vld.idx.msk [tilespmem:v12+s13+$0x0], $0xffff  }
0x576: {  	v45 =	vmov v1;
	v12 =	vor.u32 v1, v2;
	v1 =	vld [tilespmem:$0x1FD70];
	_ =	sdelay $0x2  }
0x577: {  	v57 =	vor.u32 v26, v2;
	_ =	sdelay $0x1  }
0x578: {  	v44 =	vmov v1;
	v55 =	vor.u32 v1, v2;
	v1 =	vld [tilespmem:$0x1FD80];
	_ =	sdelay $0x2  }
0x579: {  	v62 =	vld.idx.msk [tilespmem:v57+s11+$0x0], $0xffff  }
0x57a: {  	v63 =	vld.idx.msk [tilespmem:v57+s13+$0x0], $0xffff  }
0x57b: {  	v47 =	vmov v1;
	v58 =	vor.u32 v1, v2;
	v1 =	vld [tilespmem:$0x1FD90]  }
0x57c: {  	v49 =	vld.idx.msk [tilespmem:v59+s11+$0x0], $0xffff  }
0x57d: {  	v50 =	vld.idx.msk [tilespmem:v59+s13+$0x0], $0xffff  }
0x57e: {  	v59 =	vld.idx.msk [tilespmem:v12+s11+$0x0], $0xffff  }
0x57f: {  	v4 =	vmul.f32 v61, v60;
	v60 =	vld.idx.msk [tilespmem:v12+s13+$0x0], $0xffff  }
0x580: {  	v46 =	vmov v1;
	v12 =	vor.u32 v1, v2;
	v1 =	vld [tilespmem:$0x1FDA0];
	_ =	sdelay $0x1  }
0x581: {  	v5 =	vmul.f32 v63, v62;
	v0 =	vadd.f32 v4, v0  }
0x582: {  	v53 =	vld.idx.msk [tilespmem:v48+s11+$0x0], $0xffff  }
0x583: {  	v0 =	vadd.f32 v5, v0;
	v6 =	vmul.f32 v50, v49;
	v54 =	vld.idx.msk [tilespmem:v48+s13+$0x0], $0xffff  }
0x584: {  	v49 =	vmov v1;
	v62 =	vor.u32 v1, v2;
	v1 =	vld [tilespmem:$0x1FDB0]  }
0x585: {  	v0 =	vadd.f32 v6, v0;
	v3 =	vmul.f32 v52, v3;
	v56 =	vld.idx.msk [tilespmem:v51+s11+$0x0], $0xffff  }
0x586: {  	v57 =	vld.idx.msk [tilespmem:v51+s13+$0x0], $0xffff  }
0x587: {  	v0 =	vadd.f32 v3, v0;
	v3 =	vld.idx.msk [tilespmem:v55+s11+$0x0], $0xffff  }
0x588: {  	v61 =	vld.idx.msk [tilespmem:v55+s13+$0x0], $0xffff  }
0x589: {  	v48 =	vmov v1;
	v55 =	vor.u32 v1, v2;
	v1 =	vld [tilespmem:$0x1FDC0];
	_ =	sdelay $0x2  }
0x58a: {  	v5 =	vmul.f32 v57, v56;
	v56 =	vld.idx.msk [tilespmem:v12+s11+$0x0], $0xffff  }
0x58b: {  	v6 =	vmul.f32 v60, v59;
	v59 =	vld.idx.msk [tilespmem:v12+s13+$0x0], $0xffff  }
0x58c: {  	v51 =	vmov v1;
	v12 =	vor.u32 v1, v2;
	v1 =	vld [tilespmem:$0x1FDD0];
	_ =	sdelay $0x2  }
0x58d: {  	v60 =	vld.idx.msk [tilespmem:v62+s11+$0x0], $0xffff  }
0x58e: {  	v3 =	vmul.f32 v61, v3;
	v61 =	vld.idx.msk [tilespmem:v62+s13+$0x0], $0xffff  }
0x58f: {  	v50 =	vmov v1;
	v62 =	vor.u32 v1, v2;
	v1 =	vld [tilespmem:$0x1FDE0];
	_ =	sdelay $0x4  }
0x590: {  	v4 =	vmul.f32 v54, v53;
	v53 =	vmov v1;
	v57 =	vor.u32 v1, v2;
	v1 =	vld [tilespmem:$0x1FDF0]  }
0x591: {  	v63 =	vld.idx.msk [tilespmem:v58+s11+$0x0], $0xffff  }
0x592: {  	v0 =	vadd.f32 v4, v0;
	v54 =	vld.idx.msk [tilespmem:v58+s13+$0x0], $0xffff  }
0x593: {  	v58 =	vld.idx.msk [tilespmem:v12+s11+$0x0], $0xffff  }
0x594: {  	v0 =	vadd.f32 v5, v0;
	v5 =	vmul.f32 v59, v56;
	v59 =	vld.idx.msk [tilespmem:v12+s13+$0x0], $0xffff  }
0x595: {  	v52 =	vmov v1;
	v12 =	vor.u32 v1, v2;
	v1 =	vld [tilespmem:$0x1FE00]  }
0x596: {  	v0 =	vadd.f32 v6, v0;
	_ =	sdelay $0x1  }
0x597: {  	v0 =	vadd.f32 v3, v0;
	v3 =	vld.idx.msk [tilespmem:v55+s11+$0x0], $0xffff  }
0x598: {  	v4 =	vmul.f32 v54, v63;
	v63 =	vld.idx.msk [tilespmem:v55+s13+$0x0], $0xffff  }
0x599: {  	v6 =	vmul.f32 v61, v60;
	v55 =	vmov v1;
	v61 =	vor.u32 v1, v2;
	v1 =	vld [tilespmem:$0x1FE10]  }
0x59a: {  	v0 =	vadd.f32 v4, v0;
	_ =	sdelay $0x1  }
0x59b: {  	v0 =	vadd.f32 v5, v0;
	v5 =	vld.idx.msk [tilespmem:v62+s11+$0x0], $0xffff  }
0x59c: {  	v60 =	vld.idx.msk [tilespmem:v62+s13+$0x0], $0xffff  }
0x59d: {  	v54 =	vmov v1;
	v11 =	vor.u32 v1, v2;
	v1 =	vld [tilespmem:$0x1FE20]  }
0x59e: {  	v0 =	vadd.f32 v6, v0;
	v3 =	vmul.f32 v63, v3;
	v6 =	vld.idx.msk [tilespmem:v57+s11+$0x0], $0xffff  }
0x59f: {  	v7 =	vld.idx.msk [tilespmem:v57+s13+$0x0], $0xffff  }
0x5a0: {  	v0 =	vadd.f32 v3, v0;
	v3 =	vld.idx.msk [tilespmem:v12+s11+$0x0], $0xffff  }
0x5a1: {  	v62 =	vld.idx.msk [tilespmem:v12+s13+$0x0], $0xffff  }
0x5a2: {  	v57 =	vmov v1;
	v12 =	vor.u32 v1, v2;
	v1 =	vld [tilespmem:$0x1FE30];
	_ =	sdelay $0x2  }
0x5a3: {  	v63 =	vld.idx.msk [tilespmem:v61+s11+$0x0], $0xffff  }
0x5a4: {  	v4 =	vmul.f32 v59, v58;
	v5 =	vmul.f32 v60, v5;
	v60 =	vld.idx.msk [tilespmem:v61+s13+$0x0], $0xffff  }
0x5a5: {  	v56 =	vmov v1;
	v61 =	vor.u32 v1, v2;
	v1 =	vld [tilespmem:$0x1FE40]  }
0x5a6: {  	v0 =	vadd.f32 v4, v0;
	_ =	sdelay $0x1  }
0x5a7: {  	v0 =	vadd.f32 v5, v0;
	v5 =	vld.idx.msk [tilespmem:v11+s11+$0x0], $0xffff  }
0x5a8: {  	v6 =	vmul.f32 v7, v6;
	v7 =	vld.idx.msk [tilespmem:v11+s13+$0x0], $0xffff  }
0x5a9: {  	v59 =	vmov v1;
	v11 =	vor.u32 v1, v2;
	v1 =	vld [tilespmem:$0x1FE50];
	_ =	sdelay $0x2  }
0x5aa: {  	v0 =	vadd.f32 v6, v0;
	v6 =	vld.idx.msk [tilespmem:v12+s11+$0x0], $0xffff  }
0x5ab: {  	v8 =	vld.idx.msk [tilespmem:v12+s13+$0x0], $0xffff  }
0x5ac: {  	v58 =	vmov v1;
	v12 =	vor.u32 v1, v2;
	v1 =	vld [tilespmem:$0x1FE60]  }
0x5ad: {  	v3 =	vmul.f32 v62, v3;
	_ =	sdelay $0x1  }
0x5ae: {  	v0 =	vadd.f32 v3, v0;
	v3 =	vld.idx.msk [tilespmem:v61+s11+$0x0], $0xffff  }
0x5af: {  	v9 =	vld.idx.msk [tilespmem:v61+s13+$0x0], $0xffff  }
0x5b0: {  	v61 =	vmov v1;
	v10 =	vor.u32 v1, v2;
	v1 =	vld [tilespmem:$0x1FE70]  }
0x5b1: {  	v4 =	vmul.f32 v60, v63;
	_ =	sdelay $0x1  }
0x5b2: {  	v0 =	vadd.f32 v4, v0;
	v4 =	vld.idx.msk [tilespmem:v11+s11+$0x0], $0xffff  }
0x5b3: {  	v5 =	vmul.f32 v7, v5;
	v7 =	vld.idx.msk [tilespmem:v11+s13+$0x0], $0xffff  }
0x5b4: {  	v60 =	vmov v1;
	v11 =	vor.u32 v1, v2;
	v1 =	vld [tilespmem:$0x1FE80];
	_ =	sdelay $0x2  }
0x5b5: {  	v0 =	vadd.f32 v5, v0;
	v5 =	vld.idx.msk [tilespmem:v12+s11+$0x0], $0xffff  }
0x5b6: {  	v6 =	vmul.f32 v8, v6;
	v8 =	vld.idx.msk [tilespmem:v12+s13+$0x0], $0xffff  }
0x5b7: {  	v15 =	vmov v1;
	v12 =	vor.u32 v1, v2;
	v1 =	vld [tilespmem:$0x1FE90];
	_ =	sdelay $0x4  }
0x5b8: {  	v16 =	vmov v1;
	v63 =	vor.u32 v1, v2;
	v1 =	vld [tilespmem:$0x1FEA0]  }
0x5b9: {  	v0 =	vadd.f32 v6, v0;
	v3 =	vmul.f32 v9, v3;
	_ =	sdelay $0x1  }
0x5ba: {  	v0 =	vadd.f32 v3, v0;
	v3 =	vld.idx.msk [tilespmem:v11+s11+$0x0], $0xffff  }
0x5bb: {  	v4 =	vmul.f32 v7, v4;
	v7 =	vld.idx.msk [tilespmem:v11+s13+$0x0], $0xffff  }
0x5bc: {  	v17 =	vmov v1;
	v11 =	vor.u32 v1, v2;
	v1 =	vld [tilespmem:$0x1FEB0]  }
0x5bd: {  	v6 =	vld.idx.msk [tilespmem:v10+s11+$0x0], $0xffff  }
0x5be: {  	v62 =	vld.idx.msk [tilespmem:v10+s13+$0x0], $0xffff  }
0x5bf: {  	v0 =	vadd.f32 v4, v0;
	v4 =	vld.idx.msk [tilespmem:v12+s11+$0x0], $0xffff  }
0x5c0: {  	v5 =	vmul.f32 v8, v5;
	v8 =	vld.idx.msk [tilespmem:v12+s13+$0x0], $0xffff  }
0x5c1: {  	v18 =	vmov v1;
	v12 =	vor.u32 v1, v2;
	v1 =	vld [tilespmem:$0x1FEC0];
	_ =	sdelay $0x2  }
0x5c2: {  	v0 =	vadd.f32 v5, v0;
	v5 =	vld.idx.msk [tilespmem:v63+s11+$0x0], $0xffff  }
0x5c3: {  	v6 =	vmul.f32 v62, v6;
	v62 =	vld.idx.msk [tilespmem:v63+s13+$0x0], $0xffff  }
0x5c4: {  	v19 =	vmov v1;
	v63 =	vor.u32 v1, v2;
	v1 =	vld [tilespmem:$0x1FED0];
	_ =	sdelay $0x2  }
0x5c5: {  	v0 =	vadd.f32 v6, v0;
	v6 =	vld.idx.msk [tilespmem:v11+s11+$0x0], $0xffff  }
0x5c6: {  	v3 =	vmul.f32 v7, v3;
	v7 =	vld.idx.msk [tilespmem:v11+s13+$0x0], $0xffff  }
0x5c7: {  	v20 =	vmov v1;
	v11 =	vor.u32 v1, v2;
	v1 =	vld [tilespmem:$0x1FEE0];
	_ =	sdelay $0x2  }
0x5c8: {  	v0 =	vadd.f32 v3, v0;
	v3 =	vld.idx.msk [tilespmem:v12+s11+$0x0], $0xffff  }
0x5c9: {  	v4 =	vmul.f32 v8, v4;
	v8 =	vld.idx.msk [tilespmem:v12+s13+$0x0], $0xffff  }
0x5ca: {  	v21 =	vmov v1;
	v12 =	vor.u32 v1, v2;
	v1 =	vld [tilespmem:$0x1FEF0];
	_ =	sdelay $0x2  }
0x5cb: {  	v0 =	vadd.f32 v4, v0;
	v4 =	vld.idx.msk [tilespmem:v63+s11+$0x0], $0xffff  }
0x5cc: {  	v5 =	vmul.f32 v62, v5;
	v62 =	vld.idx.msk [tilespmem:v63+s13+$0x0], $0xffff  }
0x5cd: {  	v22 =	vmov v1;
	v63 =	vor.u32 v1, v2;
	v1 =	vld [tilespmem:$0x1FF00];
	_ =	sdelay $0x2  }
0x5ce: {  	v0 =	vadd.f32 v5, v0;
	v5 =	vld.idx.msk [tilespmem:v11+s11+$0x0], $0xffff  }
0x5cf: {  	v6 =	vmul.f32 v7, v6;
	v7 =	vld.idx.msk [tilespmem:v11+s13+$0x0], $0xffff  }
0x5d0: {  	v23 =	vmov v1;
	v11 =	vor.u32 v1, v2;
	v1 =	vld [tilespmem:$0x1FF10];
	_ =	sdelay $0x2  }
0x5d1: {  	v0 =	vadd.f32 v6, v0;
	v6 =	vld.idx.msk [tilespmem:v12+s11+$0x0], $0xffff  }
0x5d2: {  	v3 =	vmul.f32 v8, v3;
	v8 =	vld.idx.msk [tilespmem:v12+s13+$0x0], $0xffff  }
0x5d3: {  	v24 =	vmov v1;
	v12 =	vor.u32 v1, v2;
	v1 =	vld [tilespmem:$0x1FF20];
	_ =	sdelay $0x2  }
0x5d4: {  	v0 =	vadd.f32 v3, v0;
	v3 =	vld.idx.msk [tilespmem:v63+s11+$0x0], $0xffff  }
0x5d5: {  	v9 =	vld.idx.msk [tilespmem:v63+s13+$0x0], $0xffff  }
0x5d6: {  	v63 =	vmov v1;
	v10 =	vor.u32 v1, v2;
	v1 =	vld [tilespmem:$0x1FF30]  }
0x5d7: {  	v4 =	vmul.f32 v62, v4;
	_ =	sdelay $0x1  }
0x5d8: {  	v0 =	vadd.f32 v4, v0;
	v4 =	vld.idx.msk [tilespmem:v11+s11+$0x0], $0xffff  }
0x5d9: {  	v5 =	vmul.f32 v7, v5;
	v7 =	vld.idx.msk [tilespmem:v11+s13+$0x0], $0xffff  }
0x5da: {  	v11 =	vor.u32 v1, v2;
	v1 =	vld [tilespmem:$0x1FF40];
	_ =	sdelay $0x2  }
0x5db: {  	v0 =	vadd.f32 v5, v0;
	v5 =	vld.idx.msk [tilespmem:v12+s11+$0x0], $0xffff  }
0x5dc: {  	v62 =	vld.idx.msk [tilespmem:v12+s13+$0x0], $0xffff  }
0x5dd: {  	v12 =	vor.u32 v1, v2;
	v1 =	vld [tilespmem:$0x1FF50];
	_ =	sdelay $0x1  }
0x5de: {  	v6 =	vmul.f32 v8, v6;
	_ =	sdelay $0x1  }
0x5df: {  	v0 =	vadd.f32 v6, v0;
	v3 =	vmul.f32 v9, v3;
	v6 =	vld.idx.msk [tilespmem:v10+s11+$0x0], $0xffff  }
0x5e0: {  	v9 =	vld.idx.msk [tilespmem:v10+s13+$0x0], $0xffff;
	v10 =	vor.u32 v1, v2  }
0x5e1: {  	v0 =	vadd.f32 v3, v0;
	v4 =	vmul.f32 v7, v4;
	v5 =	vmul.f32 v62, v5;
	v62 =	vld [tilespmem:$0x1FC60]  }
0x5e2: {  	v1 =	vld [tilespmem:$0x1FF60]  }
0x5e3: {  	v0 =	vadd.f32 v4, v0;
	v3 =	vld.idx.msk [tilespmem:v11+s11+$0x0], $0xffff  }
0x5e4: {  	v7 =	vld.idx.msk [tilespmem:v11+s13+$0x0], $0xffff  }
0x5e5: {  	v0 =	vadd.f32 v5, v0;
	v11 =	vor.u32 v27, v2;
	v5 =	vld.idx.msk [tilespmem:v10+s11+$0x0], $0xffff  }
0x5e6: {  	v6 =	vmul.f32 v9, v6;
	v9 =	vld.idx.msk [tilespmem:v10+s13+$0x0], $0xffff  }
0x5e7: {  	v10 =	vor.u32 v1, v2;
	v1 =	vld [tilespmem:$0x1FF70]  }
0x5e8: {  	v4 =	vld.idx.msk [tilespmem:v12+s11+$0x0], $0xffff  }
0x5e9: {  	v8 =	vld.idx.msk [tilespmem:v12+s13+$0x0], $0xffff  }
0x5ea: {  	v0 =	vadd.f32 v6, v0;
	v12 =	vor.u32 v62, v2;
	v6 =	vld.idx.msk [tilespmem:v11+s11+$0x0], $0xffff  }
0x5eb: {  	v3 =	vmul.f32 v7, v3;
	v7 =	vld.idx.msk [tilespmem:v11+s13+$0x0], $0xffff  }
0x5ec: {  	v11 =	vor.u32 v1, v2;
	v1 =	vld [tilespmem:$0x1FF80];
	_ =	sdelay $0x2  }
0x5ed: {  	v0 =	vadd.f32 v3, v0;
	v3 =	vld.idx.msk [tilespmem:v12+s11+$0x0], $0xffff  }
0x5ee: {  	v4 =	vmul.f32 v8, v4;
	v8 =	vld.idx.msk [tilespmem:v12+s13+$0x0], $0xffff  }
0x5ef: {  	v12 =	vor.u32 v1, v2;
	v1 =	vld [tilespmem:$0x1FF90];
	_ =	sdelay $0x2  }
0x5f0: {  	v0 =	vadd.f32 v4, v0;
	v4 =	vld.idx.msk [tilespmem:v10+s11+$0x0], $0xffff  }
0x5f1: {  	v5 =	vmul.f32 v9, v5;
	v9 =	vld.idx.msk [tilespmem:v10+s13+$0x0], $0xffff  }
0x5f2: {  	v10 =	vor.u32 v1, v2;
	v1 =	vld [tilespmem:$0x1FFA0];
	_ =	sdelay $0x2  }
0x5f3: {  	v0 =	vadd.f32 v5, v0;
	v5 =	vld.idx.msk [tilespmem:v11+s11+$0x0], $0xffff  }
0x5f4: {  	v6 =	vmul.f32 v7, v6;
	v7 =	vld.idx.msk [tilespmem:v11+s13+$0x0], $0xffff  }
0x5f5: {  	v11 =	vor.u32 v1, v2;
	v1 =	vld [tilespmem:$0x1FFB0];
	_ =	sdelay $0x2  }
0x5f6: {  	v0 =	vadd.f32 v6, v0;
	v6 =	vld.idx.msk [tilespmem:v12+s11+$0x0], $0xffff  }
0x5f7: {  	v3 =	vmul.f32 v8, v3;
	v8 =	vld.idx.msk [tilespmem:v12+s13+$0x0], $0xffff  }
0x5f8: {  	v12 =	vor.u32 v1, v2;
	v1 =	vld [tilespmem:$0x1FFC0];
	_ =	sdelay $0x2  }
0x5f9: {  	v0 =	vadd.f32 v3, v0;
	v3 =	vld.idx.msk [tilespmem:v10+s11+$0x0], $0xffff  }
0x5fa: {  	v4 =	vmul.f32 v9, v4;
	v9 =	vld.idx.msk [tilespmem:v10+s13+$0x0], $0xffff  }
0x5fb: {  	v10 =	vor.u32 v1, v2;
	v1 =	vld [tilespmem:$0x1FFD0];
	_ =	sdelay $0x2  }
0x5fc: {  	v0 =	vadd.f32 v4, v0;
	v4 =	vld.idx.msk [tilespmem:v11+s11+$0x0], $0xffff  }
0x5fd: {  	v5 =	vmul.f32 v7, v5;
	v7 =	vld.idx.msk [tilespmem:v11+s13+$0x0], $0xffff  }
0x5fe: {  	v11 =	vor.u32 v1, v2;
	v1 =	vld [tilespmem:$0x1FFE0];
	_ =	sdelay $0x2  }
0x5ff: {  	v0 =	vadd.f32 v5, v0;
	v5 =	vld.idx.msk [tilespmem:v12+s11+$0x0], $0xffff  }
0x600: {  	v6 =	vmul.f32 v8, v6;
	v8 =	vld.idx.msk [tilespmem:v12+s13+$0x0], $0xffff  }
0x601: {  	v12 =	vor.u32 v1, v2;
	v1 =	vld [tilespmem:$0x1FFF0];
	_ =	sdelay $0x2  }
0x602: {  	v0 =	vadd.f32 v6, v0;
	v6 =	vld.idx.msk [tilespmem:v10+s11+$0x0], $0xffff  }
0x603: {  	v3 =	vmul.f32 v9, v3;
	v9 =	vld.idx.msk [tilespmem:v10+s13+$0x0], $0xffff  }
0x604: {  	v10 =	vor.u32 v1, v2;
	v1 =	vld [tilespmem:$0x1FC30]  }
0x605: {  	v25 =	vld [tilespmem:$0x1FC00]  }
0x606: {  	v29 =	vld [tilespmem:$0x1FC10]  }
0x607: {  	v28 =	vld [tilespmem:$0x1FC20]  }
0x608: {  	v0 =	vadd.f32 v3, v0;
	v4 =	vmul.f32 v7, v4;
	v3 =	vld.idx.msk [tilespmem:v11+s11+$0x0], $0xffff  }
0x609: {  	v7 =	vld.idx.msk [tilespmem:v11+s13+$0x0], $0xffff;
	v11 =	vor.u32 v1, v2  }
0x60a: {  	v0 =	vadd.f32 v4, v0;
	v5 =	vmul.f32 v8, v5;
	v4 =	vld.idx.msk [tilespmem:v12+s11+$0x0], $0xffff  }
0x60b: {  	v8 =	vld.idx.msk [tilespmem:v12+s13+$0x0], $0xffff;
	v12 =	vor.u32 v25, v2  }
0x60c: {  	v0 =	vadd.f32 v5, v0;
	v6 =	vmul.f32 v9, v6;
	v5 =	vld.idx.msk [tilespmem:v10+s11+$0x0], $0xffff  }
0x60d: {  	v9 =	vld.idx.msk [tilespmem:v10+s13+$0x0], $0xffff;
	v10 =	vor.u32 v29, v2  }
0x60e: {  	v0 =	vadd.f32 v6, v0;
	v3 =	vmul.f32 v7, v3;
	v6 =	vld.idx.msk [tilespmem:v11+s11+$0x0], $0xffff  }
0x60f: {  	v2 =	vor.u32 v28, v2;
	v7 =	vld.idx.msk [tilespmem:v11+s13+$0x0], $0xffff  }
0x610: {  	v0 =	vadd.f32 v3, v0;
	v3 =	vmul.f32 v8, v4;
	v4 =	vld.idx.msk [tilespmem:v12+s11+$0x0], $0xffff  }
0x611: {  	v8 =	vld.idx.msk [tilespmem:v12+s13+$0x0], $0xffff  }
0x612: {  	v0 =	vadd.f32 v3, v0;
	v3 =	vmul.f32 v9, v5;
	v5 =	vld.idx.msk [tilespmem:v10+s11+$0x0], $0xffff  }
0x613: {  	v9 =	vld.idx.msk [tilespmem:v10+s13+$0x0], $0xffff  }
0x614: {  	v11 =	vld.idx.msk [tilespmem:v2+s11+$0x0], $0xffff;
	v0 =	vadd.f32 v3, v0;
	v3 =	vmul.f32 v7, v6  }
0x615: {  	v2 =	vld.idx.msk [tilespmem:v2+s13+$0x0], $0xffff  }
0x616: {  	v0 =	vadd.f32 v3, v0;
	v3 =	vmul.f32 v8, v4;
	_ =	sdelay $0x1  }
0x617: {  	v0 =	vadd.f32 v3, v0;
	v3 =	vmul.f32 v9, v5;
	_ =	sdelay $0x1  }
0x618: {  	v2 =	vmul.f32 v2, v11;
	v0 =	vadd.f32 v3, v0;
	_ =	sdelay $0x1  }
0x619: {  	v0 =	vadd.f32 v2, v0;
	_ =	sdelay $0x1  }
0x61a: {  	v0 =	vsub.f32 $0.0e+00, v0;
	_ =	sdelay $0x1  }
0x61b: {  	v0 =	vmul.f32 $1.442695020e+00, v0;
	_ =	sdelay $0x1  }
0x61c: {  	(erf) = vpow2.f32 v0;
	_ =	sdelay $0x8  }
0x61d: {  	v0 =	vpop (erf)  }
0x61e: {  	s18 =	simm.s32 $0x8;
	v0 =	vadd.f32 $1.000000000e+00, v0  }
0x61f: {  	v2 =	vmov s18  }
0x620: {  	s17 =	simm.s32 $0x10;
	s19 =	simm.s32 $0x20;
	v2 =	vshll.u32 v2, $0x7;
	(erf) = vrcp.f32 v0  }
.LBB2_8:
0x621: {  	v0 =	vld [tilespmem:$0x1FC70];
	_ =	sdelay $0x4  }
0x622: {  	v2 =	vor.u32 v0, v2  }
0x623: {  	v0 =	vor.u32 v13, v2;
	_ =	sdelay $0x1  }
0x624: {  	v3 =	vor.u32 v30, v2  }
0x625: {  	s0 =	sand.u32 $0xF0, s16;
	v4 =	vpop (erf)  }
0x626: {  	v5 =	vor.u32 v31, v2;
	[tilespmem:s0+$0x8500] =	vst v4  }
0x627: {  	v4 =	vld.idx.msk [tilespmem:v0+s13+$0x0], $0xffff  }
0x628: {  	v6 =	vor.u32 v32, v2;
	v0 =	vld.idx.msk [tilespmem:v0+s11+$0x0], $0xffff  }
0x629: {  	v7 =	vld.idx.msk [tilespmem:v3+s11+$0x0], $0xffff  }
0x62a: {  	v8 =	vor.u32 v33, v2;
	v3 =	vld.idx.msk [tilespmem:v3+s13+$0x0], $0xffff  }
0x62b: {  	v9 =	vld.idx.msk [tilespmem:v5+s11+$0x0], $0xffff  }
0x62c: {  	v10 =	vor.u32 v34, v2;
	v5 =	vld.idx.msk [tilespmem:v5+s13+$0x0], $0xffff  }
0x62d: {  	v11 =	vld.idx.msk [tilespmem:v6+s11+$0x0], $0xffff  }
0x62e: {  	v0 =	vmul.f32 v4, v0;
	v4 =	vld.idx.msk [tilespmem:v6+s13+$0x0], $0xffff;
	v6 =	vor.u32 v35, v2  }
0x62f: {  	v12 =	vld.idx.msk [tilespmem:v8+s11+$0x0], $0xffff  }
0x630: {  	v3 =	vmul.f32 v3, v7;
	v7 =	vld.idx.msk [tilespmem:v8+s13+$0x0], $0xffff;
	v8 =	vor.u32 v36, v2;
	v0 =	vadd.f32 $0.0e+00, v0  }
0x631: {  	v13 =	vld.idx.msk [tilespmem:v10+s11+$0x0], $0xffff  }
0x632: {  	v0 =	vadd.f32 v3, v0;
	v3 =	vmul.f32 v5, v9;
	v5 =	vld.idx.msk [tilespmem:v10+s13+$0x0], $0xffff;
	v9 =	vor.u32 v37, v2  }
0x633: {  	v10 =	vld.idx.msk [tilespmem:v6+s11+$0x0], $0xffff  }
0x634: {  	v0 =	vadd.f32 v3, v0;
	v3 =	vmul.f32 v4, v11;
	v4 =	vld.idx.msk [tilespmem:v6+s13+$0x0], $0xffff;
	v6 =	vor.u32 v38, v2  }
0x635: {  	v11 =	vld.idx.msk [tilespmem:v8+s11+$0x0], $0xffff  }
0x636: {  	v0 =	vadd.f32 v3, v0;
	v3 =	vmul.f32 v7, v12;
	v7 =	vld.idx.msk [tilespmem:v8+s13+$0x0], $0xffff;
	v8 =	vor.u32 v39, v2  }
0x637: {  	v12 =	vld.idx.msk [tilespmem:v9+s11+$0x0], $0xffff  }
0x638: {  	v0 =	vadd.f32 v3, v0;
	v3 =	vmul.f32 v5, v13;
	v5 =	vld.idx.msk [tilespmem:v9+s13+$0x0], $0xffff;
	v9 =	vor.u32 v26, v2  }
0x639: {  	v13 =	vld.idx.msk [tilespmem:v6+s11+$0x0], $0xffff  }
0x63a: {  	v0 =	vadd.f32 v3, v0;
	v3 =	vmul.f32 v4, v10;
	v4 =	vld.idx.msk [tilespmem:v6+s13+$0x0], $0xffff;
	v6 =	vor.u32 v41, v2  }
0x63b: {  	v10 =	vld.idx.msk [tilespmem:v8+s11+$0x0], $0xffff  }
0x63c: {  	v0 =	vadd.f32 v3, v0;
	v3 =	vmul.f32 v7, v11;
	v7 =	vld.idx.msk [tilespmem:v8+s13+$0x0], $0xffff;
	v8 =	vor.u32 v40, v2  }
0x63d: {  	v11 =	vld.idx.msk [tilespmem:v9+s11+$0x0], $0xffff  }
0x63e: {  	v0 =	vadd.f32 v3, v0;
	v3 =	vmul.f32 v5, v12;
	v5 =	vld.idx.msk [tilespmem:v9+s13+$0x0], $0xffff;
	v9 =	vor.u32 v43, v2  }
0x63f: {  	v12 =	vld.idx.msk [tilespmem:v6+s11+$0x0], $0xffff  }
0x640: {  	v0 =	vadd.f32 v3, v0;
	v3 =	vmul.f32 v4, v13;
	v4 =	vld.idx.msk [tilespmem:v6+s13+$0x0], $0xffff;
	v6 =	vor.u32 v42, v2  }
0x641: {  	v13 =	vld.idx.msk [tilespmem:v8+s11+$0x0], $0xffff  }
0x642: {  	v0 =	vadd.f32 v3, v0;
	v3 =	vmul.f32 v7, v10;
	v7 =	vld.idx.msk [tilespmem:v8+s13+$0x0], $0xffff;
	v8 =	vor.u32 v45, v2  }
0x643: {  	v10 =	vld.idx.msk [tilespmem:v9+s11+$0x0], $0xffff  }
0x644: {  	v0 =	vadd.f32 v3, v0;
	v3 =	vmul.f32 v5, v11;
	v5 =	vld.idx.msk [tilespmem:v9+s13+$0x0], $0xffff;
	v9 =	vor.u32 v44, v2  }
0x645: {  	v11 =	vld.idx.msk [tilespmem:v6+s11+$0x0], $0xffff  }
0x646: {  	v0 =	vadd.f32 v3, v0;
	v3 =	vmul.f32 v4, v12;
	v4 =	vld.idx.msk [tilespmem:v6+s13+$0x0], $0xffff;
	v6 =	vor.u32 v47, v2  }
0x647: {  	v12 =	vld.idx.msk [tilespmem:v8+s11+$0x0], $0xffff  }
0x648: {  	v0 =	vadd.f32 v3, v0;
	v3 =	vmul.f32 v7, v13;
	v7 =	vld.idx.msk [tilespmem:v8+s13+$0x0], $0xffff;
	v8 =	vor.u32 v46, v2  }
0x649: {  	v13 =	vld.idx.msk [tilespmem:v9+s11+$0x0], $0xffff  }
0x64a: {  	v0 =	vadd.f32 v3, v0;
	v3 =	vmul.f32 v5, v10;
	v5 =	vld.idx.msk [tilespmem:v9+s13+$0x0], $0xffff;
	v9 =	vor.u32 v49, v2  }
0x64b: {  	v10 =	vld.idx.msk [tilespmem:v6+s11+$0x0], $0xffff  }
0x64c: {  	v0 =	vadd.f32 v3, v0;
	v3 =	vmul.f32 v4, v11;
	v4 =	vld.idx.msk [tilespmem:v6+s13+$0x0], $0xffff;
	v6 =	vor.u32 v48, v2  }
0x64d: {  	v11 =	vld.idx.msk [tilespmem:v8+s11+$0x0], $0xffff  }
0x64e: {  	v0 =	vadd.f32 v3, v0;
	v3 =	vmul.f32 v7, v12;
	v7 =	vld.idx.msk [tilespmem:v8+s13+$0x0], $0xffff;
	v8 =	vor.u32 v51, v2  }
0x64f: {  	v12 =	vld.idx.msk [tilespmem:v9+s11+$0x0], $0xffff  }
0x650: {  	v0 =	vadd.f32 v3, v0;
	v3 =	vmul.f32 v5, v13;
	v5 =	vld.idx.msk [tilespmem:v9+s13+$0x0], $0xffff;
	v9 =	vor.u32 v50, v2  }
0x651: {  	v13 =	vld.idx.msk [tilespmem:v6+s11+$0x0], $0xffff  }
0x652: {  	v0 =	vadd.f32 v3, v0;
	v3 =	vmul.f32 v4, v10;
	v4 =	vld.idx.msk [tilespmem:v6+s13+$0x0], $0xffff;
	v6 =	vor.u32 v53, v2  }
0x653: {  	v10 =	vld.idx.msk [tilespmem:v8+s11+$0x0], $0xffff  }
0x654: {  	v0 =	vadd.f32 v3, v0;
	v3 =	vmul.f32 v7, v11;
	v7 =	vld.idx.msk [tilespmem:v8+s13+$0x0], $0xffff;
	v8 =	vor.u32 v52, v2  }
0x655: {  	v11 =	vld.idx.msk [tilespmem:v9+s11+$0x0], $0xffff  }
0x656: {  	v0 =	vadd.f32 v3, v0;
	v3 =	vmul.f32 v5, v12;
	v5 =	vld.idx.msk [tilespmem:v9+s13+$0x0], $0xffff;
	v9 =	vor.u32 v55, v2  }
0x657: {  	v12 =	vld.idx.msk [tilespmem:v6+s11+$0x0], $0xffff  }
0x658: {  	v0 =	vadd.f32 v3, v0;
	v3 =	vmul.f32 v4, v13;
	v4 =	vld.idx.msk [tilespmem:v6+s13+$0x0], $0xffff;
	v6 =	vor.u32 v54, v2  }
0x659: {  	v13 =	vld.idx.msk [tilespmem:v8+s11+$0x0], $0xffff  }
0x65a: {  	v0 =	vadd.f32 v3, v0;
	v3 =	vmul.f32 v7, v10;
	v7 =	vld.idx.msk [tilespmem:v8+s13+$0x0], $0xffff;
	v8 =	vor.u32 v57, v2  }
0x65b: {  	v10 =	vld.idx.msk [tilespmem:v9+s11+$0x0], $0xffff  }
0x65c: {  	v0 =	vadd.f32 v3, v0;
	v3 =	vmul.f32 v5, v11;
	v5 =	vld.idx.msk [tilespmem:v9+s13+$0x0], $0xffff;
	v9 =	vor.u32 v56, v2  }
0x65d: {  	v11 =	vld.idx.msk [tilespmem:v6+s11+$0x0], $0xffff  }
0x65e: {  	v0 =	vadd.f32 v3, v0;
	v3 =	vmul.f32 v4, v12;
	v4 =	vld.idx.msk [tilespmem:v6+s13+$0x0], $0xffff;
	v6 =	vor.u32 v59, v2  }
0x65f: {  	v12 =	vld.idx.msk [tilespmem:v8+s11+$0x0], $0xffff  }
0x660: {  	v0 =	vadd.f32 v3, v0;
	v3 =	vmul.f32 v7, v13;
	v7 =	vld.idx.msk [tilespmem:v8+s13+$0x0], $0xffff;
	v8 =	vor.u32 v58, v2  }
0x661: {  	v13 =	vld.idx.msk [tilespmem:v9+s11+$0x0], $0xffff  }
0x662: {  	v0 =	vadd.f32 v3, v0;
	v3 =	vmul.f32 v5, v10;
	v5 =	vld.idx.msk [tilespmem:v9+s13+$0x0], $0xffff;
	v9 =	vor.u32 v61, v2  }
0x663: {  	v10 =	vld.idx.msk [tilespmem:v6+s11+$0x0], $0xffff  }
0x664: {  	v0 =	vadd.f32 v3, v0;
	v3 =	vmul.f32 v4, v11;
	v4 =	vld.idx.msk [tilespmem:v6+s13+$0x0], $0xffff;
	v6 =	vor.u32 v60, v2  }
0x665: {  	v11 =	vld.idx.msk [tilespmem:v8+s11+$0x0], $0xffff  }
0x666: {  	v0 =	vadd.f32 v3, v0;
	v3 =	vmul.f32 v7, v12;
	v7 =	vld.idx.msk [tilespmem:v8+s13+$0x0], $0xffff;
	v8 =	vor.u32 v15, v2  }
0x667: {  	v12 =	vld.idx.msk [tilespmem:v9+s11+$0x0], $0xffff  }
0x668: {  	v0 =	vadd.f32 v3, v0;
	v3 =	vmul.f32 v5, v13;
	v5 =	vld.idx.msk [tilespmem:v9+s13+$0x0], $0xffff;
	v9 =	vor.u32 v16, v2  }
0x669: {  	v13 =	vld.idx.msk [tilespmem:v6+s11+$0x0], $0xffff  }
0x66a: {  	v0 =	vadd.f32 v3, v0;
	v3 =	vmul.f32 v4, v10;
	v4 =	vld.idx.msk [tilespmem:v6+s13+$0x0], $0xffff;
	v6 =	vor.u32 v17, v2  }
0x66b: {  	v10 =	vld.idx.msk [tilespmem:v8+s11+$0x0], $0xffff  }
0x66c: {  	v0 =	vadd.f32 v3, v0;
	v3 =	vmul.f32 v7, v11;
	v7 =	vld.idx.msk [tilespmem:v8+s13+$0x0], $0xffff;
	v8 =	vor.u32 v18, v2  }
0x66d: {  	v11 =	vld.idx.msk [tilespmem:v9+s11+$0x0], $0xffff  }
0x66e: {  	v0 =	vadd.f32 v3, v0;
	v3 =	vmul.f32 v5, v12;
	v5 =	vld.idx.msk [tilespmem:v9+s13+$0x0], $0xffff;
	v9 =	vor.u32 v19, v2  }
0x66f: {  	v12 =	vld.idx.msk [tilespmem:v6+s11+$0x0], $0xffff  }
0x670: {  	v0 =	vadd.f32 v3, v0;
	v3 =	vmul.f32 v4, v13;
	v4 =	vld.idx.msk [tilespmem:v6+s13+$0x0], $0xffff;
	v6 =	vor.u32 v20, v2  }
0x671: {  	v13 =	vld.idx.msk [tilespmem:v8+s11+$0x0], $0xffff  }
0x672: {  	v0 =	vadd.f32 v3, v0;
	v3 =	vmul.f32 v7, v10;
	v7 =	vld.idx.msk [tilespmem:v8+s13+$0x0], $0xffff;
	v8 =	vor.u32 v21, v2  }
0x673: {  	v10 =	vld.idx.msk [tilespmem:v9+s11+$0x0], $0xffff  }
0x674: {  	v0 =	vadd.f32 v3, v0;
	v3 =	vmul.f32 v5, v11;
	v5 =	vld.idx.msk [tilespmem:v9+s13+$0x0], $0xffff;
	v9 =	vor.u32 v22, v2  }
0x675: {  	v11 =	vld.idx.msk [tilespmem:v6+s11+$0x0], $0xffff  }
0x676: {  	v0 =	vadd.f32 v3, v0;
	v3 =	vmul.f32 v4, v12;
	v4 =	vld.idx.msk [tilespmem:v6+s13+$0x0], $0xffff  }
0x677: {  	v6 =	vor.u32 v23, v2;
	v12 =	vld.idx.msk [tilespmem:v8+s11+$0x0], $0xffff  }
0x678: {  	v0 =	vadd.f32 v3, v0;
	v3 =	vmul.f32 v7, v13;
	v7 =	vld.idx.msk [tilespmem:v8+s13+$0x0], $0xffff  }
0x679: {  	v13 =	vld.idx.msk [tilespmem:v9+s11+$0x0], $0xffff  }
0x67a: {  	v0 =	vadd.f32 v3, v0;
	v3 =	vmul.f32 v5, v10;
	v5 =	vld.idx.msk [tilespmem:v9+s13+$0x0], $0xffff;
	v9 =	vor.u32 v63, v2;
	_ =	sdelay $0x1  }
0x67b: {  	v10 =	vld.idx.msk [tilespmem:v6+s11+$0x0], $0xffff;
	v0 =	vadd.f32 v3, v0;
	v3 =	vmul.f32 v4, v11  }
0x67c: {  	v8 =	vor.u32 v24, v2;
	v4 =	vld.idx.msk [tilespmem:v6+s13+$0x0], $0xffff  }
0x67d: {  	v11 =	vld [tilespmem:$0x1FF30];
	v0 =	vadd.f32 v3, v0;
	v3 =	vmul.f32 v7, v12  }
0x67e: {  	v12 =	vld.idx.msk [tilespmem:v9+s11+$0x0], $0xffff  }
0x67f: {  	v0 =	vadd.f32 v3, v0;
	v3 =	vmul.f32 v5, v13;
	v5 =	vld.idx.msk [tilespmem:v9+s13+$0x0], $0xffff  }
0x680: {  	v9 =	vld [tilespmem:$0x1FF50]  }
0x681: {  	v7 =	vld.idx.msk [tilespmem:v8+s13+$0x0], $0xffff  }
0x682: {  	v6 =	vor.u32 v11, v2;
	v11 =	vld.idx.msk [tilespmem:v8+s11+$0x0], $0xffff  }
0x683: {  	v8 =	vld [tilespmem:$0x1FF40];
	_ =	sdelay $0x1  }
0x684: {  	v9 =	vor.u32 v9, v2;
	_ =	sdelay $0x1  }
0x685: {  	v0 =	vadd.f32 v3, v0;
	v3 =	vmul.f32 v4, v10  }
0x686: {  	v8 =	vor.u32 v8, v2;
	v13 =	vld.idx.msk [tilespmem:v6+s11+$0x0], $0xffff  }
0x687: {  	v0 =	vadd.f32 v3, v0;
	v4 =	vld.idx.msk [tilespmem:v6+s13+$0x0], $0xffff;
	v3 =	vmul.f32 v7, v11  }
0x688: {  	v11 =	vld.idx.msk [tilespmem:v9+s11+$0x0], $0xffff  }
0x689: {  	v6 =	vor.u32 v27, v2;
	v0 =	vadd.f32 v3, v0;
	v3 =	vmul.f32 v5, v12;
	v5 =	vld.idx.msk [tilespmem:v9+s13+$0x0], $0xffff  }
0x68a: {  	v9 =	vld [tilespmem:$0x1FF60]  }
0x68b: {  	v10 =	vld.idx.msk [tilespmem:v8+s11+$0x0], $0xffff  }
0x68c: {  	v7 =	vld.idx.msk [tilespmem:v8+s13+$0x0], $0xffff;
	v8 =	vor.u32 v62, v2;
	_ =	sdelay $0x1  }
0x68d: {  	v12 =	vld.idx.msk [tilespmem:v6+s11+$0x0], $0xffff  }
0x68e: {  	v0 =	vadd.f32 v3, v0;
	v3 =	vmul.f32 v4, v13;
	v4 =	vld.idx.msk [tilespmem:v6+s13+$0x0], $0xffff;
	v9 =	vor.u32 v9, v2  }
0x68f: {  	v6 =	vld [tilespmem:$0x1FF70]  }
0x690: {  	v13 =	vld.idx.msk [tilespmem:v8+s11+$0x0], $0xffff  }
0x691: {  	v0 =	vadd.f32 v3, v0;
	v3 =	vmul.f32 v7, v10;
	v7 =	vld.idx.msk [tilespmem:v8+s13+$0x0], $0xffff  }
0x692: {  	v8 =	vld [tilespmem:$0x1FF80]  }
0x693: {  	v10 =	vld.idx.msk [tilespmem:v9+s11+$0x0], $0xffff  }
0x694: {  	v6 =	vor.u32 v6, v2;
	v0 =	vadd.f32 v3, v0;
	v3 =	vmul.f32 v5, v11;
	v5 =	vld.idx.msk [tilespmem:v9+s13+$0x0], $0xffff  }
0x695: {  	v9 =	vld [tilespmem:$0x1FF90];
	_ =	sdelay $0x1  }
0x696: {  	v8 =	vor.u32 v8, v2;
	_ =	sdelay $0x1  }
0x697: {  	v11 =	vld.idx.msk [tilespmem:v6+s11+$0x0], $0xffff  }
0x698: {  	v0 =	vadd.f32 v3, v0;
	v3 =	vmul.f32 v4, v12;
	v4 =	vld.idx.msk [tilespmem:v6+s13+$0x0], $0xffff;
	v9 =	vor.u32 v9, v2  }
0x699: {  	v6 =	vld [tilespmem:$0x1FFA0]  }
0x69a: {  	v12 =	vld.idx.msk [tilespmem:v8+s11+$0x0], $0xffff  }
0x69b: {  	v0 =	vadd.f32 v3, v0;
	v3 =	vmul.f32 v7, v13;
	v7 =	vld.idx.msk [tilespmem:v8+s13+$0x0], $0xffff  }
0x69c: {  	v8 =	vld [tilespmem:$0x1FFB0]  }
0x69d: {  	v13 =	vld.idx.msk [tilespmem:v9+s11+$0x0], $0xffff  }
0x69e: {  	v0 =	vadd.f32 v3, v0;
	v3 =	vmul.f32 v5, v10;
	v5 =	vld.idx.msk [tilespmem:v9+s13+$0x0], $0xffff  }
0x69f: {  	v6 =	vor.u32 v6, v2;
	v9 =	vld [tilespmem:$0x1FFC0];
	_ =	sdelay $0x1  }
0x6a0: {  	v0 =	vadd.f32 v3, v0;
	v3 =	vmul.f32 v4, v11;
	v11 =	vld [tilespmem:$0x1FFD0];
	v8 =	vor.u32 v8, v2;
	_ =	sdelay $0x2  }
0x6a1: {  	v10 =	vld.idx.msk [tilespmem:v6+s11+$0x0], $0xffff;
	v9 =	vor.u32 v9, v2  }
0x6a2: {  	v4 =	vld.idx.msk [tilespmem:v6+s13+$0x0], $0xffff  }
0x6a3: {  	v6 =	vor.u32 v11, v2;
	v11 =	vld.idx.msk [tilespmem:v8+s11+$0x0], $0xffff  }
0x6a4: {  	v0 =	vadd.f32 v3, v0;
	v3 =	vmul.f32 v7, v12;
	v7 =	vld.idx.msk [tilespmem:v8+s13+$0x0], $0xffff  }
0x6a5: {  	v8 =	vld [tilespmem:$0x1FFE0]  }
0x6a6: {  	v12 =	vld.idx.msk [tilespmem:v9+s11+$0x0], $0xffff  }
0x6a7: {  	v0 =	vadd.f32 v3, v0;
	v3 =	vmul.f32 v5, v13;
	v5 =	vld.idx.msk [tilespmem:v9+s13+$0x0], $0xffff  }
0x6a8: {  	v9 =	vld [tilespmem:$0x1FFF0];
	_ =	sdelay $0x2  }
0x6a9: {  	v8 =	vor.u32 v8, v2;
	_ =	sdelay $0x1  }
0x6aa: {  	v9 =	vor.u32 v9, v2  }
0x6ab: {  	v13 =	vld.idx.msk [tilespmem:v6+s11+$0x0], $0xffff;
	v0 =	vadd.f32 v3, v0;
	v3 =	vmul.f32 v4, v10  }
0x6ac: {  	v4 =	vld.idx.msk [tilespmem:v6+s13+$0x0], $0xffff;
	v6 =	vor.u32 v1, v2  }
0x6ad: {  	v0 =	vadd.f32 v3, v0;
	v3 =	vmul.f32 v7, v11;
	v10 =	vld.idx.msk [tilespmem:v8+s11+$0x0], $0xffff  }
0x6ae: {  	v7 =	vld.idx.msk [tilespmem:v8+s13+$0x0], $0xffff;
	v8 =	vor.u32 v25, v2  }
0x6af: {  	v0 =	vadd.f32 v3, v0;
	v3 =	vmul.f32 v5, v12;
	v11 =	vld.idx.msk [tilespmem:v9+s11+$0x0], $0xffff  }
0x6b0: {  	v5 =	vld.idx.msk [tilespmem:v9+s13+$0x0], $0xffff;
	v9 =	vor.u32 v29, v2  }
0x6b1: {  	v12 =	vld.idx.msk [tilespmem:v6+s11+$0x0], $0xffff;
	v0 =	vadd.f32 v3, v0;
	v3 =	vmul.f32 v4, v13  }
0x6b2: {  	v4 =	vld.idx.msk [tilespmem:v6+s13+$0x0], $0xffff;
	v2 =	vor.u32 v28, v2  }
0x6b3: {  	v0 =	vadd.f32 v3, v0;
	v6 =	vld.idx.msk [tilespmem:v8+s11+$0x0], $0xffff;
	v3 =	vmul.f32 v7, v10  }
0x6b4: {  	v7 =	vld.idx.msk [tilespmem:v8+s13+$0x0], $0xffff  }
0x6b5: {  	v0 =	vadd.f32 v3, v0;
	v8 =	vld.idx.msk [tilespmem:v9+s11+$0x0], $0xffff;
	v3 =	vmul.f32 v5, v11  }
0x6b6: {  	v5 =	vld.idx.msk [tilespmem:v9+s13+$0x0], $0xffff  }
0x6b7: {  	v9 =	vld.idx.msk [tilespmem:v2+s11+$0x0], $0xffff;
	v0 =	vadd.f32 v3, v0;
	v3 =	vmul.f32 v4, v12  }
0x6b8: {  	v2 =	vld.idx.msk [tilespmem:v2+s13+$0x0], $0xffff  }
0x6b9: {  	v0 =	vadd.f32 v3, v0;
	v3 =	vmul.f32 v7, v6;
	_ =	sdelay $0x1  }
0x6ba: {  	v0 =	vadd.f32 v3, v0;
	v3 =	vmul.f32 v5, v8;
	_ =	sdelay $0x1  }
0x6bb: {  	v2 =	vmul.f32 v2, v9;
	v0 =	vadd.f32 v3, v0;
	_ =	sdelay $0x1  }
0x6bc: {  	v0 =	vadd.f32 v2, v0;
	_ =	sdelay $0x1  }
0x6bd: {  	v0 =	vsub.f32 $0.0e+00, v0;
	_ =	sdelay $0x1  }
0x6be: {  	v0 =	vmul.f32 $1.442695020e+00, v0;
	_ =	sdelay $0x1  }
0x6bf: {  	(erf) = vpow2.f32 v0;
	_ =	sdelay $0x7  }
0x6c0: {  	p0 =	sne.s32 s19, $0xF0  }
.Ltmp3:
0x6c1: {  	v0 =	vpop (erf);
	(pc) =	sbr.rel @p0 .LBB2_8-.Ltmp3, $4  }
0x6c2: {  	v0 =	vadd.f32 $1.000000000e+00, v0  }
0x6c3: {  	s18 =	sadd.s32 $0x8, s18  }
0x6c4: {  	(erf) = vrcp.f32 v0;
	v0 =	vmov s18  }
0x6c5: {  	s16 =	smov.u32 s17;
	s17 =	smov.u32 s19;
	s19 =	sadd.s32 $0x10, s19;
	v13 =	vmov v14;
	v2 =	vshll.u32 v0, $0x7  }
0x6c6: {  	v0 =	vld [tilespmem:$0x1FC70];
	_ =	sdelay $0x4  }
0x6c7: {  	v2 =	vor.u32 v0, v2  }
0x6c8: {  	v0 =	vor.u32 v13, v2;
	_ =	sdelay $0x1  }
0x6c9: {  	v3 =	vor.u32 v30, v2  }
0x6ca: {  	s0 =	sand.u32 $0xF0, s16;
	v4 =	vpop (erf)  }
0x6cb: {  	v5 =	vor.u32 v31, v2;
	[tilespmem:s0+$0x8500] =	vst v4  }
0x6cc: {  	v4 =	vld.idx.msk [tilespmem:v0+s13+$0x0], $0xffff  }
0x6cd: {  	v6 =	vor.u32 v32, v2;
	v0 =	vld.idx.msk [tilespmem:v0+s11+$0x0], $0xffff  }
0x6ce: {  	v7 =	vld.idx.msk [tilespmem:v3+s11+$0x0], $0xffff  }
0x6cf: {  	v8 =	vor.u32 v33, v2;
	v3 =	vld.idx.msk [tilespmem:v3+s13+$0x0], $0xffff  }
0x6d0: {  	v9 =	vld.idx.msk [tilespmem:v5+s11+$0x0], $0xffff  }
0x6d1: {  	v10 =	vor.u32 v34, v2;
	v5 =	vld.idx.msk [tilespmem:v5+s13+$0x0], $0xffff  }
0x6d2: {  	v11 =	vld.idx.msk [tilespmem:v6+s11+$0x0], $0xffff;
	v0 =	vmul.f32 v4, v0  }
0x6d3: {  	v4 =	vld.idx.msk [tilespmem:v6+s13+$0x0], $0xffff;
	v6 =	vor.u32 v35, v2  }
0x6d4: {  	v12 =	vld.idx.msk [tilespmem:v8+s11+$0x0], $0xffff;
	v3 =	vmul.f32 v3, v7;
	v0 =	vadd.f32 $0.0e+00, v0  }
0x6d5: {  	v7 =	vld.idx.msk [tilespmem:v8+s13+$0x0], $0xffff;
	v8 =	vor.u32 v36, v2  }
0x6d6: {  	v5 =	vmul.f32 v5, v9;
	v9 =	vld.idx.msk [tilespmem:v10+s13+$0x0], $0xffff;
	v0 =	vadd.f32 v3, v0  }
0x6d7: {  	v3 =	vld.idx.msk [tilespmem:v10+s11+$0x0], $0xffff;
	v10 =	vor.u32 v37, v2  }
0x6d8: {  	v4 =	vmul.f32 v4, v11;
	v0 =	vadd.f32 v5, v0;
	v5 =	vld.idx.msk [tilespmem:v6+s11+$0x0], $0xffff  }
0x6d9: {  	v11 =	vor.u32 v38, v2;
	v6 =	vld.idx.msk [tilespmem:v6+s13+$0x0], $0xffff  }
0x6da: {  	v0 =	vadd.f32 v4, v0;
	v4 =	vld.idx.msk [tilespmem:v8+s11+$0x0], $0xffff  }
0x6db: {  	v7 =	vmul.f32 v7, v12;
	v12 =	vor.u32 v39, v2;
	v8 =	vld.idx.msk [tilespmem:v8+s13+$0x0], $0xffff  }
0x6dc: {  	v3 =	vmul.f32 v9, v3;
	v9 =	vld.idx.msk [tilespmem:v10+s13+$0x0], $0xffff  }
0x6dd: {  	v0 =	vadd.f32 v7, v0;
	v7 =	vld.idx.msk [tilespmem:v10+s11+$0x0], $0xffff;
	v10 =	vor.u32 v26, v2  }
0x6de: {  	v5 =	vmul.f32 v6, v5;
	v6 =	vld.idx.msk [tilespmem:v11+s13+$0x0], $0xffff  }
0x6df: {  	v0 =	vadd.f32 v3, v0;
	v3 =	vld.idx.msk [tilespmem:v11+s11+$0x0], $0xffff;
	v11 =	vor.u32 v41, v2  }
0x6e0: {  	v4 =	vmul.f32 v8, v4;
	v8 =	vld.idx.msk [tilespmem:v12+s13+$0x0], $0xffff  }
0x6e1: {  	v0 =	vadd.f32 v5, v0;
	v5 =	vld.idx.msk [tilespmem:v12+s11+$0x0], $0xffff;
	v12 =	vor.u32 v40, v2  }
0x6e2: {  	v7 =	vmul.f32 v9, v7;
	v9 =	vld.idx.msk [tilespmem:v10+s13+$0x0], $0xffff  }
0x6e3: {  	v0 =	vadd.f32 v4, v0;
	v4 =	vld.idx.msk [tilespmem:v10+s11+$0x0], $0xffff;
	v10 =	vor.u32 v43, v2  }
0x6e4: {  	v3 =	vmul.f32 v6, v3;
	v6 =	vld.idx.msk [tilespmem:v11+s13+$0x0], $0xffff  }
0x6e5: {  	v0 =	vadd.f32 v7, v0;
	v7 =	vld.idx.msk [tilespmem:v11+s11+$0x0], $0xffff;
	v11 =	vor.u32 v42, v2  }
0x6e6: {  	v5 =	vmul.f32 v8, v5;
	v8 =	vld.idx.msk [tilespmem:v12+s13+$0x0], $0xffff  }
0x6e7: {  	v0 =	vadd.f32 v3, v0;
	v3 =	vld.idx.msk [tilespmem:v12+s11+$0x0], $0xffff;
	v12 =	vor.u32 v45, v2  }
0x6e8: {  	v4 =	vmul.f32 v9, v4;
	v9 =	vld.idx.msk [tilespmem:v10+s13+$0x0], $0xffff  }
0x6e9: {  	v0 =	vadd.f32 v5, v0;
	v5 =	vld.idx.msk [tilespmem:v10+s11+$0x0], $0xffff;
	v10 =	vor.u32 v44, v2  }
0x6ea: {  	v6 =	vmul.f32 v6, v7;
	v7 =	vld.idx.msk [tilespmem:v11+s13+$0x0], $0xffff  }
0x6eb: {  	v0 =	vadd.f32 v4, v0;
	v4 =	vld.idx.msk [tilespmem:v11+s11+$0x0], $0xffff;
	v11 =	vor.u32 v47, v2  }
0x6ec: {  	v3 =	vmul.f32 v8, v3;
	v8 =	vld.idx.msk [tilespmem:v12+s13+$0x0], $0xffff  }
0x6ed: {  	v0 =	vadd.f32 v6, v0;
	v6 =	vld.idx.msk [tilespmem:v12+s11+$0x0], $0xffff;
	v12 =	vor.u32 v46, v2  }
0x6ee: {  	v5 =	vmul.f32 v9, v5;
	v9 =	vld.idx.msk [tilespmem:v10+s13+$0x0], $0xffff  }
0x6ef: {  	v0 =	vadd.f32 v3, v0;
	v3 =	vld.idx.msk [tilespmem:v10+s11+$0x0], $0xffff  }
0x6f0: {  	v10 =	vor.u32 v49, v2;
	v4 =	vmul.f32 v7, v4;
	v7 =	vld.idx.msk [tilespmem:v11+s13+$0x0], $0xffff  }
0x6f1: {  	v0 =	vadd.f32 v5, v0;
	v5 =	vld.idx.msk [tilespmem:v11+s11+$0x0], $0xffff  }
0x6f2: {  	v11 =	vor.u32 v48, v2;
	v6 =	vmul.f32 v8, v6;
	v8 =	vld.idx.msk [tilespmem:v12+s13+$0x0], $0xffff  }
0x6f3: {  	v0 =	vadd.f32 v4, v0;
	v4 =	vld.idx.msk [tilespmem:v12+s11+$0x0], $0xffff  }
0x6f4: {  	v12 =	vor.u32 v51, v2;
	v51 =	vld [tilespmem:$0x1FF30]  }
0x6f5: {  	v3 =	vmul.f32 v9, v3;
	v9 =	vld.idx.msk [tilespmem:v10+s13+$0x0], $0xffff  }
0x6f6: {  	v0 =	vadd.f32 v6, v0;
	v6 =	vld.idx.msk [tilespmem:v10+s11+$0x0], $0xffff  }
0x6f7: {  	v5 =	vmul.f32 v7, v5;
	v7 =	vld.idx.msk [tilespmem:v11+s13+$0x0], $0xffff  }
0x6f8: {  	v10 =	vor.u32 v50, v2;
	v0 =	vadd.f32 v3, v0;
	v3 =	vld.idx.msk [tilespmem:v11+s11+$0x0], $0xffff  }
0x6f9: {  	v11 =	vor.u32 v53, v2;
	v53 =	vld [tilespmem:$0x1FF50]  }
0x6fa: {  	v4 =	vmul.f32 v8, v4;
	v8 =	vld.idx.msk [tilespmem:v12+s13+$0x0], $0xffff  }
0x6fb: {  	v0 =	vadd.f32 v5, v0;
	v5 =	vld.idx.msk [tilespmem:v12+s11+$0x0], $0xffff  }
0x6fc: {  	v12 =	vor.u32 v52, v2;
	v52 =	vld [tilespmem:$0x1FF40]  }
0x6fd: {  	v6 =	vmul.f32 v9, v6;
	v9 =	vld.idx.msk [tilespmem:v10+s13+$0x0], $0xffff  }
0x6fe: {  	v0 =	vadd.f32 v4, v0;
	v4 =	vld.idx.msk [tilespmem:v10+s11+$0x0], $0xffff  }
0x6ff: {  	v10 =	vor.u32 v55, v2;
	v55 =	vld [tilespmem:$0x1FF70]  }
0x700: {  	v3 =	vmul.f32 v7, v3;
	v7 =	vld.idx.msk [tilespmem:v11+s13+$0x0], $0xffff  }
0x701: {  	v0 =	vadd.f32 v6, v0;
	v6 =	vld.idx.msk [tilespmem:v11+s11+$0x0], $0xffff  }
0x702: {  	v11 =	vor.u32 v54, v2;
	v54 =	vld [tilespmem:$0x1FF60]  }
0x703: {  	v5 =	vmul.f32 v8, v5;
	v8 =	vld.idx.msk [tilespmem:v12+s13+$0x0], $0xffff  }
0x704: {  	v0 =	vadd.f32 v3, v0;
	v3 =	vld.idx.msk [tilespmem:v12+s11+$0x0], $0xffff  }
0x705: {  	v12 =	vor.u32 v57, v2;
	v57 =	vld [tilespmem:$0x1FF90]  }
0x706: {  	v4 =	vmul.f32 v9, v4;
	v9 =	vld.idx.msk [tilespmem:v10+s13+$0x0], $0xffff  }
0x707: {  	v0 =	vadd.f32 v5, v0;
	v5 =	vld.idx.msk [tilespmem:v10+s11+$0x0], $0xffff  }
0x708: {  	v10 =	vor.u32 v56, v2;
	v56 =	vld [tilespmem:$0x1FF80]  }
0x709: {  	v6 =	vmul.f32 v7, v6;
	v7 =	vld.idx.msk [tilespmem:v11+s13+$0x0], $0xffff  }
0x70a: {  	v0 =	vadd.f32 v4, v0;
	v4 =	vld.idx.msk [tilespmem:v11+s11+$0x0], $0xffff  }
0x70b: {  	v11 =	vor.u32 v59, v2;
	v59 =	vld [tilespmem:$0x1FFB0]  }
0x70c: {  	v3 =	vmul.f32 v8, v3;
	v8 =	vld.idx.msk [tilespmem:v12+s13+$0x0], $0xffff  }
0x70d: {  	v0 =	vadd.f32 v6, v0;
	v6 =	vld.idx.msk [tilespmem:v12+s11+$0x0], $0xffff  }
0x70e: {  	v12 =	vor.u32 v58, v2;
	v58 =	vld [tilespmem:$0x1FFA0]  }
0x70f: {  	v5 =	vmul.f32 v9, v5;
	v9 =	vld.idx.msk [tilespmem:v10+s13+$0x0], $0xffff  }
0x710: {  	v0 =	vadd.f32 v3, v0;
	v3 =	vld.idx.msk [tilespmem:v10+s11+$0x0], $0xffff  }
0x711: {  	v10 =	vor.u32 v61, v2;
	v61 =	vld [tilespmem:$0x1FFD0]  }
0x712: {  	v4 =	vmul.f32 v7, v4;
	v7 =	vld.idx.msk [tilespmem:v11+s13+$0x0], $0xffff  }
0x713: {  	v0 =	vadd.f32 v5, v0;
	v5 =	vld.idx.msk [tilespmem:v11+s11+$0x0], $0xffff  }
0x714: {  	v11 =	vor.u32 v60, v2;
	v60 =	vld [tilespmem:$0x1FFC0]  }
0x715: {  	v6 =	vmul.f32 v8, v6;
	v8 =	vld.idx.msk [tilespmem:v12+s13+$0x0], $0xffff  }
0x716: {  	v0 =	vadd.f32 v4, v0;
	v4 =	vld.idx.msk [tilespmem:v12+s11+$0x0], $0xffff;
	v12 =	vor.u32 v15, v2  }
0x717: {  	v3 =	vmul.f32 v9, v3;
	v9 =	vld.idx.msk [tilespmem:v10+s13+$0x0], $0xffff  }
0x718: {  	v0 =	vadd.f32 v6, v0;
	v6 =	vld.idx.msk [tilespmem:v10+s11+$0x0], $0xffff;
	v10 =	vor.u32 v16, v2  }
0x719: {  	v5 =	vmul.f32 v7, v5;
	v7 =	vld.idx.msk [tilespmem:v11+s13+$0x0], $0xffff  }
0x71a: {  	v0 =	vadd.f32 v3, v0;
	v3 =	vld.idx.msk [tilespmem:v11+s11+$0x0], $0xffff;
	v11 =	vor.u32 v17, v2  }
0x71b: {  	v4 =	vmul.f32 v8, v4;
	v8 =	vld.idx.msk [tilespmem:v12+s13+$0x0], $0xffff  }
0x71c: {  	v0 =	vadd.f32 v5, v0;
	v5 =	vld.idx.msk [tilespmem:v12+s11+$0x0], $0xffff;
	v12 =	vor.u32 v18, v2  }
0x71d: {  	v6 =	vmul.f32 v9, v6;
	v9 =	vld.idx.msk [tilespmem:v10+s13+$0x0], $0xffff  }
0x71e: {  	v0 =	vadd.f32 v4, v0;
	v4 =	vld.idx.msk [tilespmem:v10+s11+$0x0], $0xffff;
	v10 =	vor.u32 v19, v2  }
0x71f: {  	v3 =	vmul.f32 v7, v3;
	v7 =	vld.idx.msk [tilespmem:v11+s13+$0x0], $0xffff  }
0x720: {  	v0 =	vadd.f32 v6, v0;
	v6 =	vld.idx.msk [tilespmem:v11+s11+$0x0], $0xffff;
	v11 =	vor.u32 v20, v2  }
0x721: {  	v5 =	vmul.f32 v8, v5;
	v8 =	vld.idx.msk [tilespmem:v12+s13+$0x0], $0xffff  }
0x722: {  	v0 =	vadd.f32 v3, v0;
	v3 =	vld.idx.msk [tilespmem:v12+s11+$0x0], $0xffff;
	v12 =	vor.u32 v21, v2  }
0x723: {  	v4 =	vmul.f32 v9, v4;
	v9 =	vld.idx.msk [tilespmem:v10+s13+$0x0], $0xffff  }
0x724: {  	v0 =	vadd.f32 v5, v0;
	v5 =	vld.idx.msk [tilespmem:v10+s11+$0x0], $0xffff;
	v10 =	vor.u32 v22, v2  }
0x725: {  	v6 =	vmul.f32 v7, v6;
	v7 =	vld.idx.msk [tilespmem:v11+s13+$0x0], $0xffff  }
0x726: {  	v0 =	vadd.f32 v4, v0;
	v4 =	vld.idx.msk [tilespmem:v11+s11+$0x0], $0xffff  }
0x727: {  	v11 =	vor.u32 v23, v2;
	v3 =	vmul.f32 v8, v3;
	v8 =	vld.idx.msk [tilespmem:v12+s13+$0x0], $0xffff  }
0x728: {  	v0 =	vadd.f32 v6, v0;
	v6 =	vld.idx.msk [tilespmem:v12+s11+$0x0], $0xffff  }
0x729: {  	v12 =	vor.u32 v24, v2;
	v5 =	vmul.f32 v9, v5;
	v9 =	vld.idx.msk [tilespmem:v10+s13+$0x0], $0xffff  }
0x72a: {  	v0 =	vadd.f32 v3, v0;
	v3 =	vld.idx.msk [tilespmem:v10+s11+$0x0], $0xffff  }
0x72b: {  	v10 =	vor.u32 v63, v2;
	v63 =	vld [tilespmem:$0x1FFF0]  }
0x72c: {  	v4 =	vmul.f32 v7, v4;
	v7 =	vld.idx.msk [tilespmem:v11+s13+$0x0], $0xffff  }
0x72d: {  	v0 =	vadd.f32 v5, v0;
	v5 =	vld.idx.msk [tilespmem:v11+s11+$0x0], $0xffff;
	v11 =	vor.u32 v51, v2  }
0x72e: {  	v6 =	vmul.f32 v8, v6;
	v8 =	vld.idx.msk [tilespmem:v12+s13+$0x0], $0xffff  }
0x72f: {  	v0 =	vadd.f32 v4, v0;
	v4 =	vld.idx.msk [tilespmem:v12+s11+$0x0], $0xffff;
	v12 =	vor.u32 v52, v2  }
0x730: {  	v3 =	vmul.f32 v9, v3;
	v9 =	vld.idx.msk [tilespmem:v10+s13+$0x0], $0xffff  }
0x731: {  	v0 =	vadd.f32 v6, v0;
	v6 =	vld.idx.msk [tilespmem:v10+s11+$0x0], $0xffff  }
0x732: {  	v10 =	vor.u32 v53, v2;
	v5 =	vmul.f32 v7, v5;
	v7 =	vld.idx.msk [tilespmem:v11+s13+$0x0], $0xffff  }
0x733: {  	v0 =	vadd.f32 v3, v0;
	v3 =	vld.idx.msk [tilespmem:v11+s11+$0x0], $0xffff  }
0x734: {  	v11 =	vor.u32 v27, v2;
	v4 =	vmul.f32 v8, v4;
	v8 =	vld.idx.msk [tilespmem:v12+s13+$0x0], $0xffff  }
0x735: {  	v0 =	vadd.f32 v5, v0;
	v5 =	vld.idx.msk [tilespmem:v12+s11+$0x0], $0xffff  }
0x736: {  	v12 =	vor.u32 v62, v2;
	v62 =	vld [tilespmem:$0x1FFE0]  }
0x737: {  	v6 =	vmul.f32 v9, v6;
	v9 =	vld.idx.msk [tilespmem:v10+s13+$0x0], $0xffff;
	v0 =	vadd.f32 v4, v0  }
0x738: {  	v4 =	vld.idx.msk [tilespmem:v10+s11+$0x0], $0xffff;
	v10 =	vor.u32 v54, v2  }
0x739: {  	v3 =	vmul.f32 v7, v3;
	v7 =	vld.idx.msk [tilespmem:v11+s13+$0x0], $0xffff;
	v0 =	vadd.f32 v6, v0  }
0x73a: {  	v6 =	vld.idx.msk [tilespmem:v11+s11+$0x0], $0xffff;
	v11 =	vor.u32 v55, v2  }
0x73b: {  	v5 =	vmul.f32 v8, v5;
	v8 =	vld.idx.msk [tilespmem:v12+s13+$0x0], $0xffff;
	v0 =	vadd.f32 v3, v0  }
0x73c: {  	v3 =	vld.idx.msk [tilespmem:v12+s11+$0x0], $0xffff;
	v12 =	vor.u32 v56, v2  }
0x73d: {  	v4 =	vmul.f32 v9, v4;
	v9 =	vld.idx.msk [tilespmem:v10+s13+$0x0], $0xffff;
	v0 =	vadd.f32 v5, v0  }
0x73e: {  	v5 =	vld.idx.msk [tilespmem:v10+s11+$0x0], $0xffff;
	v10 =	vor.u32 v57, v2  }
0x73f: {  	v6 =	vmul.f32 v7, v6;
	v7 =	vld.idx.msk [tilespmem:v11+s13+$0x0], $0xffff;
	v0 =	vadd.f32 v4, v0  }
0x740: {  	v4 =	vld.idx.msk [tilespmem:v11+s11+$0x0], $0xffff;
	v11 =	vor.u32 v58, v2  }
0x741: {  	v3 =	vmul.f32 v8, v3;
	v8 =	vld.idx.msk [tilespmem:v12+s13+$0x0], $0xffff;
	v0 =	vadd.f32 v6, v0  }
0x742: {  	v6 =	vld.idx.msk [tilespmem:v12+s11+$0x0], $0xffff;
	v12 =	vor.u32 v59, v2  }
0x743: {  	v5 =	vmul.f32 v9, v5;
	v9 =	vld.idx.msk [tilespmem:v10+s13+$0x0], $0xffff;
	v0 =	vadd.f32 v3, v0  }
0x744: {  	v3 =	vld.idx.msk [tilespmem:v10+s11+$0x0], $0xffff;
	v10 =	vor.u32 v60, v2  }
0x745: {  	v4 =	vmul.f32 v7, v4;
	v7 =	vld.idx.msk [tilespmem:v11+s13+$0x0], $0xffff;
	v0 =	vadd.f32 v5, v0  }
0x746: {  	v5 =	vld.idx.msk [tilespmem:v11+s11+$0x0], $0xffff;
	v11 =	vor.u32 v61, v2  }
0x747: {  	v6 =	vmul.f32 v8, v6;
	v8 =	vld.idx.msk [tilespmem:v12+s13+$0x0], $0xffff;
	v0 =	vadd.f32 v4, v0  }
0x748: {  	v4 =	vld.idx.msk [tilespmem:v12+s11+$0x0], $0xffff;
	v12 =	vor.u32 v62, v2  }
0x749: {  	v3 =	vmul.f32 v9, v3;
	v9 =	vld.idx.msk [tilespmem:v10+s13+$0x0], $0xffff;
	v0 =	vadd.f32 v6, v0  }
0x74a: {  	v6 =	vld.idx.msk [tilespmem:v10+s11+$0x0], $0xffff;
	v10 =	vor.u32 v63, v2  }
0x74b: {  	v0 =	vadd.f32 v3, v0;
	v3 =	vmul.f32 v7, v5;
	v5 =	vld.idx.msk [tilespmem:v11+s11+$0x0], $0xffff  }
0x74c: {  	v7 =	vld.idx.msk [tilespmem:v11+s13+$0x0], $0xffff;
	v11 =	vor.u32 v1, v2  }
0x74d: {  	v0 =	vadd.f32 v3, v0;
	v3 =	vmul.f32 v8, v4;
	v4 =	vld.idx.msk [tilespmem:v12+s11+$0x0], $0xffff  }
0x74e: {  	v8 =	vld.idx.msk [tilespmem:v12+s13+$0x0], $0xffff;
	v12 =	vor.u32 v25, v2  }
0x74f: {  	v0 =	vadd.f32 v3, v0;
	v3 =	vmul.f32 v9, v6;
	v6 =	vld.idx.msk [tilespmem:v10+s11+$0x0], $0xffff  }
0x750: {  	v9 =	vld.idx.msk [tilespmem:v10+s13+$0x0], $0xffff;
	v10 =	vor.u32 v29, v2  }
0x751: {  	v1 =	vor.u32 v28, v2;
	v2 =	vld.idx.msk [tilespmem:v11+s13+$0x0], $0xffff;
	v0 =	vadd.f32 v3, v0;
	v3 =	vmul.f32 v7, v5  }
0x752: {  	v5 =	vld.idx.msk [tilespmem:v11+s11+$0x0], $0xffff  }
0x753: {  	v7 =	vld.idx.msk [tilespmem:v12+s13+$0x0], $0xffff;
	v0 =	vadd.f32 v3, v0;
	v3 =	vmul.f32 v8, v4  }
0x754: {  	v4 =	vld.idx.msk [tilespmem:v12+s11+$0x0], $0xffff  }
0x755: {  	v8 =	vld.idx.msk [tilespmem:v10+s13+$0x0], $0xffff;
	v0 =	vadd.f32 v3, v0;
	v3 =	vmul.f32 v9, v6  }
0x756: {  	v6 =	vld.idx.msk [tilespmem:v10+s11+$0x0], $0xffff  }
0x757: {  	v2 =	vmul.f32 v2, v5;
	v0 =	vadd.f32 v3, v0;
	v3 =	vld.idx.msk [tilespmem:v1+s11+$0x0], $0xffff  }
0x758: {  	v1 =	vld.idx.msk [tilespmem:v1+s13+$0x0], $0xffff  }
0x759: {  	v0 =	vadd.f32 v2, v0;
	v2 =	vmul.f32 v7, v4;
	_ =	sdelay $0x1  }
0x75a: {  	v0 =	vadd.f32 v2, v0;
	v2 =	vmul.f32 v8, v6;
	_ =	sdelay $0x1  }
0x75b: {  	v1 =	vmul.f32 v1, v3;
	v0 =	vadd.f32 v2, v0;
	_ =	sdelay $0x1  }
0x75c: {  	v0 =	vadd.f32 v1, v0;
	_ =	sdelay $0x1  }
0x75d: {  	v0 =	vsub.f32 $0.0e+00, v0;
	_ =	sdelay $0x1  }
0x75e: {  	v0 =	vmul.f32 $1.442695020e+00, v0;
	_ =	sdelay $0x1  }
0x75f: {  	(erf) = vpow2.f32 v0;
	_ =	sdelay $0x8  }
0x760: {  	v0 =	vpop (erf)  }
0x761: {  	v0 =	vadd.f32 $1.000000000e+00, v0;
	_ =	sdelay $0x1  }
0x762: {  	(erf) = vrcp.f32 v0;
	_ =	sdelay $0x8  }
0x763: {  	s29 =	sand.u32 $0xF0, s17;
	v0 =	vpop (erf)  }
0x764: {  	s30 =	rddreg [dreg:$0x7];
	s2 =	simm.s32 $0x8400;
	[tilespmem:s29+$0x8500] =	vst v0  }
0x765: {  	[hbm4b:s30+s1] =	stream.linear.scatter [tilespmem:s2], [sflag:$0x2], $0x200, $0x38;
	[tilespmem:$0x8600] =	vst v63  }
0x766: {  	_ =	swait.ge [sflag:s9], $0x200  }
0x767: {  	v0 =	vld [tilespmem:$0x1FC70]  }
0x768: {  	v3 =	vld [tilespmem:$0x1FC80]  }
0x769: {  	v4 =	vld [tilespmem:$0x1FC90]  }
0x76a: {  	v7 =	vld [tilespmem:$0x1FCA0]  }
0x76b: {  	s15 =	sadd.s32 $0x1, s15;
	s31 =	rddreg [dreg:$0x8];
	v8 =	vld [tilespmem:$0x1FCB0]  }
0x76c: {  	v9 =	vld [tilespmem:$0x1FCC0];
	p0 =	sne.s32 s15, s31  }
.Ltmp4:
0x76d: {  	v10 =	vld [tilespmem:$0x1FCD0];
	(pc) =	sbr.rel @p0 .LBB2_1-.Ltmp4, $4  }
0x76e: {  	v11 =	vld [tilespmem:$0x1FCE0]  }
0x76f: {  	v12 =	vld [tilespmem:$0x1FCF0]  }
0x770: {  	[sflag:s9] =	ssyncset.done $0x0;
	v5 =	vld [tilespmem:$0x1FD00]  }
0x771: {  	v6 =	vld [tilespmem:$0x1FD10];
	[sflag:s9] =	ssyncadd.s32 $0xFFFFFE00  }
0x772: {  	_ =	sfence.sel $0x180000  }
0x773: {  	[bflag:$0x0] =	sbarrier.arrive $0xFFFF  }
0x774: {  	_ =	strace $0x90000047  }
0x775: {  	s0 =	stileid.u32;
	[bflag:$0x2] =	sbarrier.arrive $0xFFFF  }
0x776: {  	p0 =	sne.s32 s0, $0x0;
	s0 =	rddreg [dreg:$0x4]  }
0x777: {  	s0 =	sadd.s32 @!p0 $0x100000, s0  }
0x778: {  	[sflag:s0] =	ssyncadd.tile.s32 @!p0 $0x1;
	_ =	shalt  }
.Lfunc_end2:
_tile_overlayer_lowered:
.L_overlay_start_2:
0x779: {  	(tag) =	ssettag $0x2  }
0x77a: {  	s0 =	rddreg [dreg:$0x0];
	s2 =	stileid.u32  }
0x77b: {  	s1 =	rddreg [dreg:$0x1];
	p0 =	sne.s32 s2, $0x0  }
0x77c: {  	s3 =	rddreg [dreg:$0x2];
	[bflag:$0x3] =	sbarrier.arrive $0xFFFF;
	s2 =	simm.s32 @!p0 $0x1C02  }
0x77d: {  	[timem:s3], [sflag:s2] =	dma.local @!p0 [hbm:s0], s1  }
0x77e: {  	s0 =	simm.s32 @!p0 $0x2  }
0x77f: {  	_ =	swait.ge @!p0 [sflag:s0], s1  }
0x780: {  	s1 =	ssub.s32 @!p0 $0x0, s1;
	[sflag:s0] =	ssyncset.done @!p0 $0x0  }
0x781: {  	[sflag:s0] =	ssyncadd.s32 @!p0 s1  }
0x782: {  	[bflag:$0x3] =	sbarrier.arrive $0xFFFF  }
0x783: {  	_ =	shalt  }

</sc_bundles>
